<compile_context>
chip_gen: v7x
topology: tpu7x:2x2x1
jax: 0.10.2.dev20260603
libtpu: 0.0.44.dev20260713+nightly
codegen_flags: <defaults>
</compile_context>

<pallas_src>
import functools

import jax
import jax.numpy as jnp
from jax import lax
from jax.experimental import pallas as pl
from jax.experimental.pallas import tpu as pltpu
from jax.experimental.pallas import tpu_sc as plsc

_LENGTH = 128
_NUM_TASKS = 64
_D_MODEL = 1024
_BATCH = 32
_SEQ = 2048
_TASK_SIZE = _LENGTH * _D_MODEL

_R = 16
_NGROUPS = _LENGTH // _R
_CHW = _R * _D_MODEL

_NC = 2
_NS = 16


def _body(x_hbm, table_hbm, shared_hbm, out_hbm,
          xbuf_v, rows0_v, rows1_v, rows2_v, sh0_v, sh1_v, sh2_v, gsem, wsem):
    wid = lax.axis_index("s") * _NC + lax.axis_index("c")
    rows_b = (rows0_v, rows1_v, rows2_v)
    sh_b = (sh0_v, sh1_v, sh2_v)
    pltpu.sync_copy(x_hbm.at[pl.ds(wid, 1), pl.ds(0, 128)], xbuf_v)
    task = xbuf_v.at[0][pl.ds(0, 16)][0]

    def issue(g):
        slot = g % 3
        return (
            pltpu.async_copy(
                table_hbm.at[pl.ds(task, 1), pl.ds(g * _CHW, _CHW)],
                rows_b[slot], gsem),
            pltpu.async_copy(
                shared_hbm.at[pl.ds(g * _R, _R), :], sh_b[slot], gsem),
        )

    loads = {0: issue(0), 1: issue(1)}
    wbacks = {}
    for g in range(_NGROUPS):
        slot = g % 3
        if g + 2 < _NGROUPS:
            if g - 1 >= 0:
                wbacks[g - 1].wait()
            loads[g + 2] = issue(g + 2)
        for d in loads[g]:
            d.wait()
        rows_v, sh_v = rows_b[slot], sh_b[slot]

        def add_cols(c, _):
            for r in range(_R):
                sl = pl.ds(c * 16, 16)
                plsc.addupdate(
                    sh_v.at[r].at[sl],
                    rows_v.at[0][pl.ds(r * _D_MODEL + c * 16, 16)],
                )
            return 0

        lax.fori_loop(0, _D_MODEL // 16, add_cols, 0)
        wbacks[g] = pltpu.async_copy(
            sh_v, out_hbm.at[pl.ds(wid * _LENGTH + g * _R, _R), :], wsem)
    wbacks[_NGROUPS - 3].wait()
    wbacks[_NGROUPS - 2].wait()
    wbacks[_NGROUPS - 1].wait()


@jax.jit
def _sc_prompt(x, table, shared):
    mesh = plsc.VectorSubcoreMesh(core_axis_name="c", subcore_axis_name="s")
    return pl.kernel(
        _body,
        out_type=jax.ShapeDtypeStruct((_BATCH * _LENGTH, _D_MODEL), jnp.float32),
        mesh=mesh,
        scratch_types=[
            pltpu.VMEM((1, 128), jnp.int32),
            pltpu.VMEM((1, _CHW), jnp.float32),
            pltpu.VMEM((1, _CHW), jnp.float32),
            pltpu.VMEM((1, _CHW), jnp.float32),
            pltpu.VMEM((_R, _D_MODEL), jnp.float32),
            pltpu.VMEM((_R, _D_MODEL), jnp.float32),
            pltpu.VMEM((_R, _D_MODEL), jnp.float32),
            pltpu.SemaphoreType.DMA,
            pltpu.SemaphoreType.DMA,
        ],
    )(x, table, shared)


def kernel(x, x_embed, shared_prompt, task_prompts_table):
    out = _sc_prompt(x, task_prompts_table, shared_prompt)
    return out.reshape(_BATCH, _LENGTH, _D_MODEL)

# --- scband reference (transcript-rebuilt; emitter-appended) ---
"""Pipeline reference for scband-multi-task-prompt-73435350827542 (READ-ONLY COPY).

The authoritative reference and input builder live on the scoring server;
editing this copy changes nothing except your own understanding.
"""

import jax, jax.numpy as jnp
import numpy as np

LENGTH = 128
NUM_TASKS = 64
D_MODEL = 1024
BATCH = 32
SEQ = 2048
TASK_SIZE = LENGTH * D_MODEL  # get_task_size(self, length, shared_features) = length * features


def setup_inputs(seed: int = 0) -> dict:
    key = jax.random.key(seed)
    k1, k2, k3, k4 = jax.random.split(key, 4)
    # x: token ids; first token of each batch element is the task id (to_task_idx = identity)
    x = jax.random.randint(k1, (BATCH, SEQ), 0, NUM_TASKS, dtype=jnp.int32)
    x_embed = jax.random.normal(k2, (BATCH, SEQ, D_MODEL), dtype=jnp.float32)
    # learned params (uniform init per nn.initializers.uniform(), scale=0.01)
    shared_prompt = jax.random.uniform(k3, (LENGTH, D_MODEL), dtype=jnp.float32, minval=0.0, maxval=0.01)
    task_prompts_table = jax.random.uniform(k4, (NUM_TASKS, TASK_SIZE), dtype=jnp.float32, minval=0.0, maxval=0.01)
    return {"x": x, "x_embed": x_embed, "shared_prompt": shared_prompt, "task_prompts_table": task_prompts_table}


def reference(x, x_embed, shared_prompt, task_prompts_table):
    # shared_features = get_shared_features(self, x_embed.shape[-1]) = H
    H = x_embed.shape[-1]
    shared = shared_prompt.astype(jnp.float32)
    # task index is the first token of each batch element (to_task_idx = identity)
    input_task_idx = x[:, 0]
    task_idx = input_task_idx.astype(jnp.int32)
    # embedding lookup: Embed(num_tasks, task_size)(task_idx) -> [B, task_size]
    task_prompts = jnp.take(task_prompts_table, task_idx, axis=0)
    # combine_shared_and_tasks: reshape flat task prompt to [B, P, H] and add shared prompt
    B = task_prompts.shape[0]
    task_prompts = task_prompts.reshape(B, LENGTH, H)
    prompt = shared[None, :, :] + task_prompts
    assert prompt.shape[-1] == x_embed.shape[-1]
    return prompt

if __name__ == "__main__":
    import jax
    _d = setup_inputs()
    print(jax.jit(kernel)(*tuple(_d.values())))

</pallas_src>

<mosaic_0001>
#map = affine_map<(d0, d1) -> (0, 0)>
module attributes {stable_mosaic.version = 14 : i64} {
  func.func @_body(%arg0: i32, %arg1: i32, %arg2: memref<32x2048xi32, #tpu.memory_space<hbm>>, %arg3: memref<64x131072xf32, #tpu.memory_space<hbm>>, %arg4: memref<128x1024xf32, #tpu.memory_space<hbm>>, %arg5: memref<4096x1024xf32, #tpu.memory_space<hbm>>, %arg6: memref<1x128xi32, #tpu.memory_space<vmem>>, %arg7: memref<1x16384xf32, #tpu.memory_space<vmem>>, %arg8: memref<1x16384xf32, #tpu.memory_space<vmem>>, %arg9: memref<1x16384xf32, #tpu.memory_space<vmem>>, %arg10: memref<16x1024xf32, #tpu.memory_space<vmem>>, %arg11: memref<16x1024xf32, #tpu.memory_space<vmem>>, %arg12: memref<16x1024xf32, #tpu.memory_space<vmem>>, %arg13: memref<!tpu.dma_semaphore, #tpu.memory_space<semaphore_mem>>, %arg14: memref<!tpu.dma_semaphore, #tpu.memory_space<semaphore_mem>>) attributes {dimension_semantics = [#tpu.dimension_semantics<core_parallel>, #tpu.dimension_semantics<subcore_parallel>], iteration_bounds = array<i64: 2, 16>, scalar_prefetch = 0 : i64, scratch_operands = 9 : i64, tpu.core_type = #tpu.core_type<sc_vector_subcore>, window_params = [{transform_indices = #map}, {transform_indices = #map}, {transform_indices = #map}, {transform_indices = #map}]} {
    %mul3A = arith.constant 2 : i32
    %mul3A_0 = arith.muli %arg1, %mul3A : i32
    %add3A = arith.addi %mul3A_0, %arg0 : i32
    "tpu.region"() ({
      %run_scoped3A = tpu.sem_alloc : memref<!tpu.dma_semaphore, #tpu.memory_space<semaphore_mem>>
      %dma_start3A_316 = arith.constant 0 : i32
      %dma_start3A_317 = tpu.memref_slice %arg2[%add3A, %dma_start3A_316] : memref<32x2048xi32, #tpu.memory_space<hbm>> -> memref<1x128xi32, #tpu.memory_space<hbm>>
      %dma_start3A_318 = arith.constant 0 : i32
      %dma_start3A_319 = tpu.memref_slice %arg2[%add3A, %dma_start3A_318] : memref<32x2048xi32, #tpu.memory_space<hbm>> -> memref<1x128xi32, #tpu.memory_space<hbm>>
      tpu.enqueue_dma source(%dma_start3A_319 : memref<1x128xi32, #tpu.memory_space<hbm>>) target(%arg6 : memref<1x128xi32, #tpu.memory_space<vmem>>) target_semaphore(%run_scoped3A : memref<!tpu.dma_semaphore, #tpu.memory_space<semaphore_mem>>)
      %dma_wait3A_320 = arith.constant 0 : i32
      %dma_wait3A_321 = tpu.memref_slice %arg2[%add3A, %dma_wait3A_320] : memref<32x2048xi32, #tpu.memory_space<hbm>> -> memref<1x128xi32, #tpu.memory_space<hbm>>
      %dma_wait3A_322 = arith.constant 0 : i32
      %dma_wait3A_323 = tpu.memref_slice %arg2[%add3A, %dma_wait3A_322] : memref<32x2048xi32, #tpu.memory_space<hbm>> -> memref<1x128xi32, #tpu.memory_space<hbm>>
      tpu.wait_dma2 semaphore(%run_scoped3A : memref<!tpu.dma_semaphore, #tpu.memory_space<semaphore_mem>>) src(%dma_wait3A_323 : memref<1x128xi32, #tpu.memory_space<hbm>>) dst(%arg6 : memref<1x128xi32, #tpu.memory_space<vmem>>)
      tpu.yield
    }) : () -> ()
    %get3A = arith.constant 0 : i32
    %get3A_1 = arith.constant 0 : i32
    %get3A_2 = tpu.memref_slice %arg6[%get3A, %get3A_1] : memref<1x128xi32, #tpu.memory_space<vmem>> -> memref<1x128xi32, #tpu.memory_space<vmem>>
    %get3A_3 = tpu.memref_squeeze %get3A_2 : memref<1x128xi32, #tpu.memory_space<vmem>> -> memref<128xi32, #tpu.memory_space<vmem>>
    %get3A_4 = arith.constant 0 : index
    %get3A_5 = tpu.vector_load %get3A_3[%get3A_4] {strides = array<i32>} : memref<128xi32, #tpu.memory_space<vmem>>, vector<16xi32>,
    %get3A_6 = vector.shape_cast %get3A_5 : vector<16xi32> to vector<16xi32>
    %slice3A = vector.extract_strided_slice %get3A_6 {offsets = [0], sizes = [1], strides = [1]} : vector<16xi32> to vector<1xi32>
    %squeeze3A = vector.extract %slice3A[0] : i32 from vector<1xi32>
    %dma_start3A = arith.constant 0 : i32
    %dma_start3A_7 = tpu.memref_slice %arg3[%squeeze3A, %dma_start3A] : memref<64x131072xf32, #tpu.memory_space<hbm>> -> memref<1x16384xf32, #tpu.memory_space<hbm>>
    %dma_start3A_8 = arith.constant 0 : i32
    %dma_start3A_9 = tpu.memref_slice %arg3[%squeeze3A, %dma_start3A_8] : memref<64x131072xf32, #tpu.memory_space<hbm>> -> memref<1x16384xf32, #tpu.memory_space<hbm>>
    tpu.enqueue_dma source(%dma_start3A_9 : memref<1x16384xf32, #tpu.memory_space<hbm>>) target(%arg7 : memref<1x16384xf32, #tpu.memory_space<vmem>>) target_semaphore(%arg13 : memref<!tpu.dma_semaphore, #tpu.memory_space<semaphore_mem>>)
    %dma_start3A_10 = arith.constant 0 : i32
    %dma_start3A_11 = arith.constant 0 : i32
    %dma_start3A_12 = tpu.memref_slice %arg4[%dma_start3A_10, %dma_start3A_11] : memref<128x1024xf32, #tpu.memory_space<hbm>> -> memref<16x1024xf32, #tpu.memory_space<hbm>>
    %dma_start3A_13 = arith.constant 0 : i32
    %dma_start3A_14 = arith.constant 0 : i32
    %dma_start3A_15 = tpu.memref_slice %arg4[%dma_start3A_13, %dma_start3A_14] : memref<128x1024xf32, #tpu.memory_space<hbm>> -> memref<16x1024xf32, #tpu.memory_space<hbm>>
    tpu.enqueue_dma source(%dma_start3A_15 : memref<16x1024xf32, #tpu.memory_space<hbm>>) target(%arg10 : memref<16x1024xf32, #tpu.memory_space<vmem>>) target_semaphore(%arg13 : memref<!tpu.dma_semaphore, #tpu.memory_space<semaphore_mem>>)
    %dma_start3A_16 = arith.constant 16384 : i32
    %dma_start3A_17 = tpu.memref_slice %arg3[%squeeze3A, %dma_start3A_16] : memref<64x131072xf32, #tpu.memory_space<hbm>> -> memref<1x16384xf32, #tpu.memory_space<hbm>>
    %dma_start3A_18 = arith.constant 16384 : i32
    %dma_start3A_19 = tpu.memref_slice %arg3[%squeeze3A, %dma_start3A_18] : memref<64x131072xf32, #tpu.memory_space<hbm>> -> memref<1x16384xf32, #tpu.memory_space<hbm>>
    tpu.enqueue_dma source(%dma_start3A_19 : memref<1x16384xf32, #tpu.memory_space<hbm>>) target(%arg8 : memref<1x16384xf32, #tpu.memory_space<vmem>>) target_semaphore(%arg13 : memref<!tpu.dma_semaphore, #tpu.memory_space<semaphore_mem>>)
    %dma_start3A_20 = arith.constant 16 : i32
    %dma_start3A_21 = arith.constant 0 : i32
    %dma_start3A_22 = tpu.memref_slice %arg4[%dma_start3A_20, %dma_start3A_21] : memref<128x1024xf32, #tpu.memory_space<hbm>> -> memref<16x1024xf32, #tpu.memory_space<hbm>>
    %dma_start3A_23 = arith.constant 16 : i32
    %dma_start3A_24 = arith.constant 0 : i32
    %dma_start3A_25 = tpu.memref_slice %arg4[%dma_start3A_23, %dma_start3A_24] : memref<128x1024xf32, #tpu.memory_space<hbm>> -> memref<16x1024xf32, #tpu.memory_space<hbm>>
    tpu.enqueue_dma source(%dma_start3A_25 : memref<16x1024xf32, #tpu.memory_space<hbm>>) target(%arg11 : memref<16x1024xf32, #tpu.memory_space<vmem>>) target_semaphore(%arg13 : memref<!tpu.dma_semaphore, #tpu.memory_space<semaphore_mem>>)
    %dma_start3A_26 = arith.constant 32768 : i32
    %dma_start3A_27 = tpu.memref_slice %arg3[%squeeze3A, %dma_start3A_26] : memref<64x131072xf32, #tpu.memory_space<hbm>> -> memref<1x16384xf32, #tpu.memory_space<hbm>>
    %dma_start3A_28 = arith.constant 32768 : i32
    %dma_start3A_29 = tpu.memref_slice %arg3[%squeeze3A, %dma_start3A_28] : memref<64x131072xf32, #tpu.memory_space<hbm>> -> memref<1x16384xf32, #tpu.memory_space<hbm>>
    tpu.enqueue_dma source(%dma_start3A_29 : memref<1x16384xf32, #tpu.memory_space<hbm>>) target(%arg9 : memref<1x16384xf32, #tpu.memory_space<vmem>>) target_semaphore(%arg13 : memref<!tpu.dma_semaphore, #tpu.memory_space<semaphore_mem>>)
    %dma_start3A_30 = arith.constant 32 : i32
    %dma_start3A_31 = arith.constant 0 : i32
    %dma_start3A_32 = tpu.memref_slice %arg4[%dma_start3A_30, %dma_start3A_31] : memref<128x1024xf32, #tpu.memory_space<hbm>> -> memref<16x1024xf32, #tpu.memory_space<hbm>>
    %dma_start3A_33 = arith.constant 32 : i32
    %dma_start3A_34 = arith.constant 0 : i32
    %dma_start3A_35 = tpu.memref_slice %arg4[%dma_start3A_33, %dma_start3A_34] : memref<128x1024xf32, #tpu.memory_space<hbm>> -> memref<16x1024xf32, #tpu.memory_space<hbm>>
    tpu.enqueue_dma source(%dma_start3A_35 : memref<16x1024xf32, #tpu.memory_space<hbm>>) target(%arg12 : memref<16x1024xf32, #tpu.memory_space<vmem>>) target_semaphore(%arg13 : memref<!tpu.dma_semaphore, #tpu.memory_space<semaphore_mem>>)
    %dma_wait3A = arith.constant 0 : i32
    %dma_wait3A_36 = tpu.memref_slice %arg3[%squeeze3A, %dma_wait3A] : memref<64x131072xf32, #tpu.memory_space<hbm>> -> memref<1x16384xf32, #tpu.memory_space<hbm>>
    %dma_wait3A_37 = arith.constant 0 : i32
    %dma_wait3A_38 = tpu.memref_slice %arg3[%squeeze3A, %dma_wait3A_37] : memref<64x131072xf32, #tpu.memory_space<hbm>> -> memref<1x16384xf32, #tpu.memory_space<hbm>>
    tpu.wait_dma2 semaphore(%arg13 : memref<!tpu.dma_semaphore, #tpu.memory_space<semaphore_mem>>) src(%dma_wait3A_38 : memref<1x16384xf32, #tpu.memory_space<hbm>>) dst(%arg7 : memref<1x16384xf32, #tpu.memory_space<vmem>>)
    %dma_wait3A_39 = arith.constant 0 : i32
    %dma_wait3A_40 = arith.constant 0 : i32
    %dma_wait3A_41 = tpu.memref_slice %arg4[%dma_wait3A_39, %dma_wait3A_40] : memref<128x1024xf32, #tpu.memory_space<hbm>> -> memref<16x1024xf32, #tpu.memory_space<hbm>>
    %dma_wait3A_42 = arith.constant 0 : i32
    %dma_wait3A_43 = arith.constant 0 : i32
    %dma_wait3A_44 = tpu.memref_slice %arg4[%dma_wait3A_42, %dma_wait3A_43] : memref<128x1024xf32, #tpu.memory_space<hbm>> -> memref<16x1024xf32, #tpu.memory_space<hbm>>
    tpu.wait_dma2 semaphore(%arg13 : memref<!tpu.dma_semaphore, #tpu.memory_space<semaphore_mem>>) src(%dma_wait3A_44 : memref<16x1024xf32, #tpu.memory_space<hbm>>) dst(%arg10 : memref<16x1024xf32, #tpu.memory_space<vmem>>)
    %scan3A = arith.constant 0 : i32
    %scan3A_45 = arith.constant 0 : i32
    %scan3A_46 = arith.constant 64 : i32
    %scan3A_47 = arith.addi %scan3A_45, %scan3A_46 : i32
    %scan3A_48 = arith.constant 1 : i32
    %scan3A_49 = scf.for %scan3A_316 = %scan3A_45 to %scan3A_47 step %scan3A_48 iter_args(%scan3A_317 = %scan3A) -> (i32)  : i32 {
      %mul3A_318 = arith.constant 16 : i32
      %mul3A_319 = arith.muli %scan3A_316, %mul3A_318 : i32
      %mul3A_320 = arith.constant 16 : i32
      %mul3A_321 = arith.muli %scan3A_316, %mul3A_320 : i32
      %add3A_322 = arith.constant 0 : i32
      %add3A_323 = arith.addi %add3A_322, %mul3A_321 : i32
      %get3A_324 = arith.constant 0 : i32
      %get3A_325 = arith.constant 0 : i32
      %get3A_326 = tpu.memref_slice %arg7[%get3A_324, %get3A_325] : memref<1x16384xf32, #tpu.memory_space<vmem>> -> memref<1x16384xf32, #tpu.memory_space<vmem>>
      %get3A_327 = tpu.memref_squeeze %get3A_326 : memref<1x16384xf32, #tpu.memory_space<vmem>> -> memref<16384xf32, #tpu.memory_space<vmem>>
      %get3A_328 = arith.index_cast %add3A_323 : i32 to index
      %get3A_329 = tpu.vector_load %get3A_327[%get3A_328] {strides = array<i32>} : memref<16384xf32, #tpu.memory_space<vmem>>, vector<16xf32>,
      %get3A_330 = vector.shape_cast %get3A_329 : vector<16xf32> to vector<16xf32>
      %swap3A = arith.constant 0 : i32
      %swap3A_331 = arith.constant 0 : i32
      %swap3A_332 = tpu.memref_slice %arg10[%swap3A, %swap3A_331] : memref<16x1024xf32, #tpu.memory_space<vmem>> -> memref<1x1024xf32, #tpu.memory_space<vmem>>
      %swap3A_333 = tpu.memref_squeeze %swap3A_332 : memref<1x1024xf32, #tpu.memory_space<vmem>> -> memref<1024xf32, #tpu.memory_space<vmem>>
      %swap3A_334 = arith.index_cast %mul3A_319 : i32 to index
      %swap3A_335 = tpu.vector_load %swap3A_333[%swap3A_334] {strides = array<i32>} : memref<1024xf32, #tpu.memory_space<vmem>>, vector<16xf32>,
      %swap3A_336 = vector.shape_cast %swap3A_335 : vector<16xf32> to vector<16xf32>
      %swap3A_337 = vector.shape_cast %get3A_330 : vector<16xf32> to vector<16xf32>
      tpu.vector_store %swap3A_333[%swap3A_334], %swap3A_337 {add = true, strides = array<i32>} : memref<1024xf32, #tpu.memory_space<vmem>>, vector<16xf32>,
      %mul3A_338 = arith.constant 16 : i32
      %mul3A_339 = arith.muli %scan3A_316, %mul3A_338 : i32
      %mul3A_340 = arith.constant 16 : i32
      %mul3A_341 = arith.muli %scan3A_316, %mul3A_340 : i32
      %add3A_342 = arith.constant 1024 : i32
      %add3A_343 = arith.addi %add3A_342, %mul3A_341 : i32
      %get3A_344 = arith.constant 0 : i32
      %get3A_345 = arith.constant 0 : i32
      %get3A_346 = tpu.memref_slice %arg7[%get3A_344, %get3A_345] : memref<1x16384xf32, #tpu.memory_space<vmem>> -> memref<1x16384xf32, #tpu.memory_space<vmem>>
      %get3A_347 = tpu.memref_squeeze %get3A_346 : memref<1x16384xf32, #tpu.memory_space<vmem>> -> memref<16384xf32, #tpu.memory_space<vmem>>
      %get3A_348 = arith.index_cast %add3A_343 : i32 to index
      %get3A_349 = tpu.vector_load %get3A_347[%get3A_348] {strides = array<i32>} : memref<16384xf32, #tpu.memory_space<vmem>>, vector<16xf32>,
      %get3A_350 = vector.shape_cast %get3A_349 : vector<16xf32> to vector<16xf32>
      %swap3A_351 = arith.constant 1 : i32
      %swap3A_352 = arith.constant 0 : i32
      %swap3A_353 = tpu.memref_slice %arg10[%swap3A_351, %swap3A_352] : memref<16x1024xf32, #tpu.memory_space<vmem>> -> memref<1x1024xf32, #tpu.memory_space<vmem>>
      %swap3A_354 = tpu.memref_squeeze %swap3A_353 : memref<1x1024xf32, #tpu.memory_space<vmem>> -> memref<1024xf32, #tpu.memory_space<vmem>>
      %swap3A_355 = arith.index_cast %mul3A_339 : i32 to index
      %swap3A_356 = tpu.vector_load %swap3A_354[%swap3A_355] {strides = array<i32>} : memref<1024xf32, #tpu.memory_space<vmem>>, vector<16xf32>,
      %swap3A_357 = vector.shape_cast %swap3A_356 : vector<16xf32> to vector<16xf32>
      %swap3A_358 = vector.shape_cast %get3A_350 : vector<16xf32> to vector<16xf32>
      tpu.vector_store %swap3A_354[%swap3A_355], %swap3A_358 {add = true, strides = array<i32>} : memref<1024xf32, #tpu.memory_space<vmem>>, vector<16xf32>,
      %mul3A_359 = arith.constant 16 : i32
      %mul3A_360 = arith.muli %scan3A_316, %mul3A_359 : i32
      %mul3A_361 = arith.constant 16 : i32
      %mul3A_362 = arith.muli %scan3A_316, %mul3A_361 : i32
      %add3A_363 = arith.constant 2048 : i32
      %add3A_364 = arith.addi %add3A_363, %mul3A_362 : i32
      %get3A_365 = arith.constant 0 : i32
      %get3A_366 = arith.constant 0 : i32
      %get3A_367 = tpu.memref_slice %arg7[%get3A_365, %get3A_366] : memref<1x16384xf32, #tpu.memory_space<vmem>> -> memref<1x16384xf32, #tpu.memory_space<vmem>>
      %get3A_368 = tpu.memref_squeeze %get3A_367 : memref<1x16384xf32, #tpu.memory_space<vmem>> -> memref<16384xf32, #tpu.memory_space<vmem>>
      %get3A_369 = arith.index_cast %add3A_364 : i32 to index
      %get3A_370 = tpu.vector_load %get3A_368[%get3A_369] {strides = array<i32>} : memref<16384xf32, #tpu.memory_space<vmem>>, vector<16xf32>,
      %get3A_371 = vector.shape_cast %get3A_370 : vector<16xf32> to vector<16xf32>
      %swap3A_372 = arith.constant 2 : i32
      %swap3A_373 = arith.constant 0 : i32
      %swap3A_374 = tpu.memref_slice %arg10[%swap3A_372, %swap3A_373] : memref<16x1024xf32, #tpu.memory_space<vmem>> -> memref<1x1024xf32, #tpu.memory_space<vmem>>
      %swap3A_375 = tpu.memref_squeeze %swap3A_374 : memref<1x1024xf32, #tpu.memory_space<vmem>> -> memref<1024xf32, #tpu.memory_space<vmem>>
      %swap3A_376 = arith.index_cast %mul3A_360 : i32 to index
      %swap3A_377 = tpu.vector_load %swap3A_375[%swap3A_376] {strides = array<i32>} : memref<1024xf32, #tpu.memory_space<vmem>>, vector<16xf32>,
      %swap3A_378 = vector.shape_cast %swap3A_377 : vector<16xf32> to vector<16xf32>
      %swap3A_379 = vector.shape_cast %get3A_371 : vector<16xf32> to vector<16xf32>
      tpu.vector_store %swap3A_375[%swap3A_376], %swap3A_379 {add = true, strides = array<i32>} : memref<1024xf32, #tpu.memory_space<vmem>>, vector<16xf32>,
      %mul3A_380 = arith.constant 16 : i32
      %mul3A_381 = arith.muli %scan3A_316, %mul3A_380 : i32
      %mul3A_382 = arith.constant 16 : i32
      %mul3A_383 = arith.muli %scan3A_316, %mul3A_382 : i32
      %add3A_384 = arith.constant 3072 : i32
      %add3A_385 = arith.addi %add3A_384, %mul3A_383 : i32
      %get3A_386 = arith.constant 0 : i32
      %get3A_387 = arith.constant 0 : i32
      %get3A_388 = tpu.memref_slice %arg7[%get3A_386, %get3A_387] : memref<1x16384xf32, #tpu.memory_space<vmem>> -> memref<1x16384xf32, #tpu.memory_space<vmem>>
      %get3A_389 = tpu.memref_squeeze %get3A_388 : memref<1x16384xf32, #tpu.memory_space<vmem>> -> memref<16384xf32, #tpu.memory_space<vmem>>
      %get3A_390 = arith.index_cast %add3A_385 : i32 to index
      %get3A_391 = tpu.vector_load %get3A_389[%get3A_390] {strides = array<i32>} : memref<16384xf32, #tpu.memory_space<vmem>>, vector<16xf32>,
      %get3A_392 = vector.shape_cast %get3A_391 : vector<16xf32> to vector<16xf32>
      %swap3A_393 = arith.constant 3 : i32
      %swap3A_394 = arith.constant 0 : i32
      %swap3A_395 = tpu.memref_slice %arg10[%swap3A_393, %swap3A_394] : memref<16x1024xf32, #tpu.memory_space<vmem>> -> memref<1x1024xf32, #tpu.memory_space<vmem>>
      %swap3A_396 = tpu.memref_squeeze %swap3A_395 : memref<1x1024xf32, #tpu.memory_space<vmem>> -> memref<1024xf32, #tpu.memory_space<vmem>>
      %swap3A_397 = arith.index_cast %mul3A_381 : i32 to index
      %swap3A_398 = tpu.vector_load %swap3A_396[%swap3A_397] {strides = array<i32>} : memref<1024xf32, #tpu.memory_space<vmem>>, vector<16xf32>,
      %swap3A_399 = vector.shape_cast %swap3A_398 : vector<16xf32> to vector<16xf32>
      %swap3A_400 = vector.shape_cast %get3A_392 : vector<16xf32> to vector<16xf32>
      tpu.vector_store %swap3A_396[%swap3A_397], %swap3A_400 {add = true, strides = array<i32>} : memref<1024xf32, #tpu.memory_space<vmem>>, vector<16xf32>,
      %mul3A_401 = arith.constant 16 : i32
      %mul3A_402 = arith.muli %scan3A_316, %mul3A_401 : i32
      %mul3A_403 = arith.constant 16 : i32
      %mul3A_404 = arith.muli %scan3A_316, %mul3A_403 : i32
      %add3A_405 = arith.constant 4096 : i32
      %add3A_406 = arith.addi %add3A_405, %mul3A_404 : i32
      %get3A_407 = arith.constant 0 : i32
      %get3A_408 = arith.constant 0 : i32
      %get3A_409 = tpu.memref_slice %arg7[%get3A_407, %get3A_408] : memref<1x16384xf32, #tpu.memory_space<vmem>> -> memref<1x16384xf32, #tpu.memory_space<vmem>>
      %get3A_410 = tpu.memref_squeeze %get3A_409 : memref<1x16384xf32, #tpu.memory_space<vmem>> -> memref<16384xf32, #tpu.memory_space<vmem>>
      %get3A_411 = arith.index_cast %add3A_406 : i32 to index
      %get3A_412 = tpu.vector_load %get3A_410[%get3A_411] {strides = array<i32>} : memref<16384xf32, #tpu.memory_space<vmem>>, vector<16xf32>,
      %get3A_413 = vector.shape_cast %get3A_412 : vector<16xf32> to vector<16xf32>
      %swap3A_414 = arith.constant 4 : i32
      %swap3A_415 = arith.constant 0 : i32
      %swap3A_416 = tpu.memref_slice %arg10[%swap3A_414, %swap3A_415] : memref<16x1024xf32, #tpu.memory_space<vmem>> -> memref<1x1024xf32, #tpu.memory_space<vmem>>
      %swap3A_417 = tpu.memref_squeeze %swap3A_416 : memref<1x1024xf32, #tpu.memory_space<vmem>> -> memref<1024xf32, #tpu.memory_space<vmem>>
      %swap3A_418 = arith.index_cast %mul3A_402 : i32 to index
      %swap3A_419 = tpu.vector_load %swap3A_417[%swap3A_418] {strides = array<i32>} : memref<1024xf32, #tpu.memory_space<vmem>>, vector<16xf32>,
      %swap3A_420 = vector.shape_cast %swap3A_419 : vector<16xf32> to vector<16xf32>
      %swap3A_421 = vector.shape_cast %get3A_413 : vector<16xf32> to vector<16xf32>
      tpu.vector_store %swap3A_417[%swap3A_418], %swap3A_421 {add = true, strides = array<i32>} : memref<1024xf32, #tpu.memory_space<vmem>>, vector<16xf32>,
      %mul3A_422 = arith.constant 16 : i32
      %mul3A_423 = arith.muli %scan3A_316, %mul3A_422 : i32
      %mul3A_424 = arith.constant 16 : i32
      %mul3A_425 = arith.muli %scan3A_316, %mul3A_424 : i32
      %add3A_426 = arith.constant 5120 : i32
      %add3A_427 = arith.addi %add3A_426, %mul3A_425 : i32
      %get3A_428 = arith.constant 0 : i32
      %get3A_429 = arith.constant 0 : i32
      %get3A_430 = tpu.memref_slice %arg7[%get3A_428, %get3A_429] : memref<1x16384xf32, #tpu.memory_space<vmem>> -> memref<1x16384xf32, #tpu.memory_space<vmem>>
      %get3A_431 = tpu.memref_squeeze %get3A_430 : memref<1x16384xf32, #tpu.memory_space<vmem>> -> memref<16384xf32, #tpu.memory_space<vmem>>
      %get3A_432 = arith.index_cast %add3A_427 : i32 to index
      %get3A_433 = tpu.vector_load %get3A_431[%get3A_432] {strides = array<i32>} : memref<16384xf32, #tpu.memory_space<vmem>>, vector<16xf32>,
      %get3A_434 = vector.shape_cast %get3A_433 : vector<16xf32> to vector<16xf32>
      %swap3A_435 = arith.constant 5 : i32
      %swap3A_436 = arith.constant 0 : i32
      %swap3A_437 = tpu.memref_slice %arg10[%swap3A_435, %swap3A_436] : memref<16x1024xf32, #tpu.memory_space<vmem>> -> memref<1x1024xf32, #tpu.memory_space<vmem>>
      %swap3A_438 = tpu.memref_squeeze %swap3A_437 : memref<1x1024xf32, #tpu.memory_space<vmem>> -> memref<1024xf32, #tpu.memory_space<vmem>>
      %swap3A_439 = arith.index_cast %mul3A_423 : i32 to index
      %swap3A_440 = tpu.vector_load %swap3A_438[%swap3A_439] {strides = array<i32>} : memref<1024xf32, #tpu.memory_space<vmem>>, vector<16xf32>,
      %swap3A_441 = vector.shape_cast %swap3A_440 : vector<16xf32> to vector<16xf32>
      %swap3A_442 = vector.shape_cast %get3A_434 : vector<16xf32> to vector<16xf32>
      tpu.vector_store %swap3A_438[%swap3A_439], %swap3A_442 {add = true, strides = array<i32>} : memref<1024xf32, #tpu.memory_space<vmem>>, vector<16xf32>,
      %mul3A_443 = arith.constant 16 : i32
      %mul3A_444 = arith.muli %scan3A_316, %mul3A_443 : i32
      %mul3A_445 = arith.constant 16 : i32
      %mul3A_446 = arith.muli %scan3A_316, %mul3A_445 : i32
      %add3A_447 = arith.constant 6144 : i32
      %add3A_448 = arith.addi %add3A_447, %mul3A_446 : i32
      %get3A_449 = arith.constant 0 : i32
      %get3A_450 = arith.constant 0 : i32
      %get3A_451 = tpu.memref_slice %arg7[%get3A_449, %get3A_450] : memref<1x16384xf32, #tpu.memory_space<vmem>> -> memref<1x16384xf32, #tpu.memory_space<vmem>>
      %get3A_452 = tpu.memref_squeeze %get3A_451 : memref<1x16384xf32, #tpu.memory_space<vmem>> -> memref<16384xf32, #tpu.memory_space<vmem>>
      %get3A_453 = arith.index_cast %add3A_448 : i32 to index
      %get3A_454 = tpu.vector_load %get3A_452[%get3A_453] {strides = array<i32>} : memref<16384xf32, #tpu.memory_space<vmem>>, vector<16xf32>,
      %get3A_455 = vector.shape_cast %get3A_454 : vector<16xf32> to vector<16xf32>
      %swap3A_456 = arith.constant 6 : i32
      %swap3A_457 = arith.constant 0 : i32
      %swap3A_458 = tpu.memref_slice %arg10[%swap3A_456, %swap3A_457] : memref<16x1024xf32, #tpu.memory_space<vmem>> -> memref<1x1024xf32, #tpu.memory_space<vmem>>
      %swap3A_459 = tpu.memref_squeeze %swap3A_458 : memref<1x1024xf32, #tpu.memory_space<vmem>> -> memref<1024xf32, #tpu.memory_space<vmem>>
      %swap3A_460 = arith.index_cast %mul3A_444 : i32 to index
      %swap3A_461 = tpu.vector_load %swap3A_459[%swap3A_460] {strides = array<i32>} : memref<1024xf32, #tpu.memory_space<vmem>>, vector<16xf32>,
      %swap3A_462 = vector.shape_cast %swap3A_461 : vector<16xf32> to vector<16xf32>
      %swap3A_463 = vector.shape_cast %get3A_455 : vector<16xf32> to vector<16xf32>
      tpu.vector_store %swap3A_459[%swap3A_460], %swap3A_463 {add = true, strides = array<i32>} : memref<1024xf32, #tpu.memory_space<vmem>>, vector<16xf32>,
      %mul3A_464 = arith.constant 16 : i32
      %mul3A_465 = arith.muli %scan3A_316, %mul3A_464 : i32
      %mul3A_466 = arith.constant 16 : i32
      %mul3A_467 = arith.muli %scan3A_316, %mul3A_466 : i32
      %add3A_468 = arith.constant 7168 : i32
      %add3A_469 = arith.addi %add3A_468, %mul3A_467 : i32
      %get3A_470 = arith.constant 0 : i32
      %get3A_471 = arith.constant 0 : i32
      %get3A_472 = tpu.memref_slice %arg7[%get3A_470, %get3A_471] : memref<1x16384xf32, #tpu.memory_space<vmem>> -> memref<1x16384xf32, #tpu.memory_space<vmem>>
      %get3A_473 = tpu.memref_squeeze %get3A_472 : memref<1x16384xf32, #tpu.memory_space<vmem>> -> memref<16384xf32, #tpu.memory_space<vmem>>
      %get3A_474 = arith.index_cast %add3A_469 : i32 to index
      %get3A_475 = tpu.vector_load %get3A_473[%get3A_474] {strides = array<i32>} : memref<16384xf32, #tpu.memory_space<vmem>>, vector<16xf32>,
      %get3A_476 = vector.shape_cast %get3A_475 : vector<16xf32> to vector<16xf32>
      %swap3A_477 = arith.constant 7 : i32
      %swap3A_478 = arith.constant 0 : i32
      %swap3A_479 = tpu.memref_slice %arg10[%swap3A_477, %swap3A_478] : memref<16x1024xf32, #tpu.memory_space<vmem>> -> memref<1x1024xf32, #tpu.memory_space<vmem>>
      %swap3A_480 = tpu.memref_squeeze %swap3A_479 : memref<1x1024xf32, #tpu.memory_space<vmem>> -> memref<1024xf32, #tpu.memory_space<vmem>>
      %swap3A_481 = arith.index_cast %mul3A_465 : i32 to index
      %swap3A_482 = tpu.vector_load %swap3A_480[%swap3A_481] {strides = array<i32>} : memref<1024xf32, #tpu.memory_space<vmem>>, vector<16xf32>,
      %swap3A_483 = vector.shape_cast %swap3A_482 : vector<16xf32> to vector<16xf32>
      %swap3A_484 = vector.shape_cast %get3A_476 : vector<16xf32> to vector<16xf32>
      tpu.vector_store %swap3A_480[%swap3A_481], %swap3A_484 {add = true, strides = array<i32>} : memref<1024xf32, #tpu.memory_space<vmem>>, vector<16xf32>,
      %mul3A_485 = arith.constant 16 : i32
      %mul3A_486 = arith.muli %scan3A_316, %mul3A_485 : i32
      %mul3A_487 = arith.constant 16 : i32
      %mul3A_488 = arith.muli %scan3A_316, %mul3A_487 : i32
      %add3A_489 = arith.constant 8192 : i32
      %add3A_490 = arith.addi %add3A_489, %mul3A_488 : i32
      %get3A_491 = arith.constant 0 : i32
      %get3A_492 = arith.constant 0 : i32
      %get3A_493 = tpu.memref_slice %arg7[%get3A_491, %get3A_492] : memref<1x16384xf32, #tpu.memory_space<vmem>> -> memref<1x16384xf32, #tpu.memory_space<vmem>>
      %get3A_494 = tpu.memref_squeeze %get3A_493 : memref<1x16384xf32, #tpu.memory_space<vmem>> -> memref<16384xf32, #tpu.memory_space<vmem>>
      %get3A_495 = arith.index_cast %add3A_490 : i32 to index
      %get3A_496 = tpu.vector_load %get3A_494[%get3A_495] {strides = array<i32>} : memref<16384xf32, #tpu.memory_space<vmem>>, vector<16xf32>,
      %get3A_497 = vector.shape_cast %get3A_496 : vector<16xf32> to vector<16xf32>
      %swap3A_498 = arith.constant 8 : i32
      %swap3A_499 = arith.constant 0 : i32
      %swap3A_500 = tpu.memref_slice %arg10[%swap3A_498, %swap3A_499] : memref<16x1024xf32, #tpu.memory_space<vmem>> -> memref<1x1024xf32, #tpu.memory_space<vmem>>
      %swap3A_501 = tpu.memref_squeeze %swap3A_500 : memref<1x1024xf32, #tpu.memory_space<vmem>> -> memref<1024xf32, #tpu.memory_space<vmem>>
      %swap3A_502 = arith.index_cast %mul3A_486 : i32 to index
      %swap3A_503 = tpu.vector_load %swap3A_501[%swap3A_502] {strides = array<i32>} : memref<1024xf32, #tpu.memory_space<vmem>>, vector<16xf32>,
      %swap3A_504 = vector.shape_cast %swap3A_503 : vector<16xf32> to vector<16xf32>
      %swap3A_505 = vector.shape_cast %get3A_497 : vector<16xf32> to vector<16xf32>
      tpu.vector_store %swap3A_501[%swap3A_502], %swap3A_505 {add = true, strides = array<i32>} : memref<1024xf32, #tpu.memory_space<vmem>>, vector<16xf32>,
      %mul3A_506 = arith.constant 16 : i32
      %mul3A_507 = arith.muli %scan3A_316, %mul3A_506 : i32
      %mul3A_508 = arith.constant 16 : i32
      %mul3A_509 = arith.muli %scan3A_316, %mul3A_508 : i32
      %add3A_510 = arith.constant 9216 : i32
      %add3A_511 = arith.addi %add3A_510, %mul3A_509 : i32
      %get3A_512 = arith.constant 0 : i32
      %get3A_513 = arith.constant 0 : i32
      %get3A_514 = tpu.memref_slice %arg7[%get3A_512, %get3A_513] : memref<1x16384xf32, #tpu.memory_space<vmem>> -> memref<1x16384xf32, #tpu.memory_space<vmem>>
      %get3A_515 = tpu.memref_squeeze %get3A_514 : memref<1x16384xf32, #tpu.memory_space<vmem>> -> memref<16384xf32, #tpu.memory_space<vmem>>
      %get3A_516 = arith.index_cast %add3A_511 : i32 to index
      %get3A_517 = tpu.vector_load %get3A_515[%get3A_516] {strides = array<i32>} : memref<16384xf32, #tpu.memory_space<vmem>>, vector<16xf32>,
      %get3A_518 = vector.shape_cast %get3A_517 : vector<16xf32> to vector<16xf32>
      %swap3A_519 = arith.constant 9 : i32
      %swap3A_520 = arith.constant 0 : i32
      %swap3A_521 = tpu.memref_slice %arg10[%swap3A_519, %swap3A_520] : memref<16x1024xf32, #tpu.memory_space<vmem>> -> memref<1x1024xf32, #tpu.memory_space<vmem>>
      %swap3A_522 = tpu.memref_squeeze %swap3A_521 : memref<1x1024xf32, #tpu.memory_space<vmem>> -> memref<1024xf32, #tpu.memory_space<vmem>>
      %swap3A_523 = arith.index_cast %mul3A_507 : i32 to index
      %swap3A_524 = tpu.vector_load %swap3A_522[%swap3A_523] {strides = array<i32>} : memref<1024xf32, #tpu.memory_space<vmem>>, vector<16xf32>,
      %swap3A_525 = vector.shape_cast %swap3A_524 : vector<16xf32> to vector<16xf32>
      %swap3A_526 = vector.shape_cast %get3A_518 : vector<16xf32> to vector<16xf32>
      tpu.vector_store %swap3A_522[%swap3A_523], %swap3A_526 {add = true, strides = array<i32>} : memref<1024xf32, #tpu.memory_space<vmem>>, vector<16xf32>,
      %mul3A_527 = arith.constant 16 : i32
      %mul3A_528 = arith.muli %scan3A_316, %mul3A_527 : i32
      %mul3A_529 = arith.constant 16 : i32
      %mul3A_530 = arith.muli %scan3A_316, %mul3A_529 : i32
      %add3A_531 = arith.constant 10240 : i32
      %add3A_532 = arith.addi %add3A_531, %mul3A_530 : i32
      %get3A_533 = arith.constant 0 : i32
      %get3A_534 = arith.constant 0 : i32
      %get3A_535 = tpu.memref_slice %arg7[%get3A_533, %get3A_534] : memref<1x16384xf32, #tpu.memory_space<vmem>> -> memref<1x16384xf32, #tpu.memory_space<vmem>>
      %get3A_536 = tpu.memref_squeeze %get3A_535 : memref<1x16384xf32, #tpu.memory_space<vmem>> -> memref<16384xf32, #tpu.memory_space<vmem>>
      %get3A_537 = arith.index_cast %add3A_532 : i32 to index
      %get3A_538 = tpu.vector_load %get3A_536[%get3A_537] {strides = array<i32>} : memref<16384xf32, #tpu.memory_space<vmem>>, vector<16xf32>,
      %get3A_539 = vector.shape_cast %get3A_538 : vector<16xf32> to vector<16xf32>
      %swap3A_540 = arith.constant 10 : i32
      %swap3A_541 = arith.constant 0 : i32
      %swap3A_542 = tpu.memref_slice %arg10[%swap3A_540, %swap3A_541] : memref<16x1024xf32, #tpu.memory_space<vmem>> -> memref<1x1024xf32, #tpu.memory_space<vmem>>
      %swap3A_543 = tpu.memref_squeeze %swap3A_542 : memref<1x1024xf32, #tpu.memory_space<vmem>> -> memref<1024xf32, #tpu.memory_space<vmem>>
      %swap3A_544 = arith.index_cast %mul3A_528 : i32 to index
      %swap3A_545 = tpu.vector_load %swap3A_543[%swap3A_544] {strides = array<i32>} : memref<1024xf32, #tpu.memory_space<vmem>>, vector<16xf32>,
      %swap3A_546 = vector.shape_cast %swap3A_545 : vector<16xf32> to vector<16xf32>
      %swap3A_547 = vector.shape_cast %get3A_539 : vector<16xf32> to vector<16xf32>
      tpu.vector_store %swap3A_543[%swap3A_544], %swap3A_547 {add = true, strides = array<i32>} : memref<1024xf32, #tpu.memory_space<vmem>>, vector<16xf32>,
      %mul3A_548 = arith.constant 16 : i32
      %mul3A_549 = arith.muli %scan3A_316, %mul3A_548 : i32
      %mul3A_550 = arith.constant 16 : i32
      %mul3A_551 = arith.muli %scan3A_316, %mul3A_550 : i32
      %add3A_552 = arith.constant 11264 : i32
      %add3A_553 = arith.addi %add3A_552, %mul3A_551 : i32
      %get3A_554 = arith.constant 0 : i32
      %get3A_555 = arith.constant 0 : i32
      %get3A_556 = tpu.memref_slice %arg7[%get3A_554, %get3A_555] : memref<1x16384xf32, #tpu.memory_space<vmem>> -> memref<1x16384xf32, #tpu.memory_space<vmem>>
      %get3A_557 = tpu.memref_squeeze %get3A_556 : memref<1x16384xf32, #tpu.memory_space<vmem>> -> memref<16384xf32, #tpu.memory_space<vmem>>
      %get3A_558 = arith.index_cast %add3A_553 : i32 to index
      %get3A_559 = tpu.vector_load %get3A_557[%get3A_558] {strides = array<i32>} : memref<16384xf32, #tpu.memory_space<vmem>>, vector<16xf32>,
      %get3A_560 = vector.shape_cast %get3A_559 : vector<16xf32> to vector<16xf32>
      %swap3A_561 = arith.constant 11 : i32
      %swap3A_562 = arith.constant 0 : i32
      %swap3A_563 = tpu.memref_slice %arg10[%swap3A_561, %swap3A_562] : memref<16x1024xf32, #tpu.memory_space<vmem>> -> memref<1x1024xf32, #tpu.memory_space<vmem>>
      %swap3A_564 = tpu.memref_squeeze %swap3A_563 : memref<1x1024xf32, #tpu.memory_space<vmem>> -> memref<1024xf32, #tpu.memory_space<vmem>>
      %swap3A_565 = arith.index_cast %mul3A_549 : i32 to index
      %swap3A_566 = tpu.vector_load %swap3A_564[%swap3A_565] {strides = array<i32>} : memref<1024xf32, #tpu.memory_space<vmem>>, vector<16xf32>,
      %swap3A_567 = vector.shape_cast %swap3A_566 : vector<16xf32> to vector<16xf32>
      %swap3A_568 = vector.shape_cast %get3A_560 : vector<16xf32> to vector<16xf32>
      tpu.vector_store %swap3A_564[%swap3A_565], %swap3A_568 {add = true, strides = array<i32>} : memref<1024xf32, #tpu.memory_space<vmem>>, vector<16xf32>,
      %mul3A_569 = arith.constant 16 : i32
      %mul3A_570 = arith.muli %scan3A_316, %mul3A_569 : i32
      %mul3A_571 = arith.constant 16 : i32
      %mul3A_572 = arith.muli %scan3A_316, %mul3A_571 : i32
      %add3A_573 = arith.constant 12288 : i32
      %add3A_574 = arith.addi %add3A_573, %mul3A_572 : i32
      %get3A_575 = arith.constant 0 : i32
      %get3A_576 = arith.constant 0 : i32
      %get3A_577 = tpu.memref_slice %arg7[%get3A_575, %get3A_576] : memref<1x16384xf32, #tpu.memory_space<vmem>> -> memref<1x16384xf32, #tpu.memory_space<vmem>>
      %get3A_578 = tpu.memref_squeeze %get3A_577 : memref<1x16384xf32, #tpu.memory_space<vmem>> -> memref<16384xf32, #tpu.memory_space<vmem>>
      %get3A_579 = arith.index_cast %add3A_574 : i32 to index
      %get3A_580 = tpu.vector_load %get3A_578[%get3A_579] {strides = array<i32>} : memref<16384xf32, #tpu.memory_space<vmem>>, vector<16xf32>,
      %get3A_581 = vector.shape_cast %get3A_580 : vector<16xf32> to vector<16xf32>
      %swap3A_582 = arith.constant 12 : i32
      %swap3A_583 = arith.constant 0 : i32
      %swap3A_584 = tpu.memref_slice %arg10[%swap3A_582, %swap3A_583] : memref<16x1024xf32, #tpu.memory_space<vmem>> -> memref<1x1024xf32, #tpu.memory_space<vmem>>
      %swap3A_585 = tpu.memref_squeeze %swap3A_584 : memref<1x1024xf32, #tpu.memory_space<vmem>> -> memref<1024xf32, #tpu.memory_space<vmem>>
      %swap3A_586 = arith.index_cast %mul3A_570 : i32 to index
      %swap3A_587 = tpu.vector_load %swap3A_585[%swap3A_586] {strides = array<i32>} : memref<1024xf32, #tpu.memory_space<vmem>>, vector<16xf32>,
      %swap3A_588 = vector.shape_cast %swap3A_587 : vector<16xf32> to vector<16xf32>
      %swap3A_589 = vector.shape_cast %get3A_581 : vector<16xf32> to vector<16xf32>
      tpu.vector_store %swap3A_585[%swap3A_586], %swap3A_589 {add = true, strides = array<i32>} : memref<1024xf32, #tpu.memory_space<vmem>>, vector<16xf32>,
      %mul3A_590 = arith.constant 16 : i32
      %mul3A_591 = arith.muli %scan3A_316, %mul3A_590 : i32
      %mul3A_592 = arith.constant 16 : i32
      %mul3A_593 = arith.muli %scan3A_316, %mul3A_592 : i32
      %add3A_594 = arith.constant 13312 : i32
      %add3A_595 = arith.addi %add3A_594, %mul3A_593 : i32
      %get3A_596 = arith.constant 0 : i32
      %get3A_597 = arith.constant 0 : i32
      %get3A_598 = tpu.memref_slice %arg7[%get3A_596, %get3A_597] : memref<1x16384xf32, #tpu.memory_space<vmem>> -> memref<1x16384xf32, #tpu.memory_space<vmem>>
      %get3A_599 = tpu.memref_squeeze %get3A_598 : memref<1x16384xf32, #tpu.memory_space<vmem>> -> memref<16384xf32, #tpu.memory_space<vmem>>
      %get3A_600 = arith.index_cast %add3A_595 : i32 to index
      %get3A_601 = tpu.vector_load %get3A_599[%get3A_600] {strides = array<i32>} : memref<16384xf32, #tpu.memory_space<vmem>>, vector<16xf32>,
      %get3A_602 = vector.shape_cast %get3A_601 : vector<16xf32> to vector<16xf32>
      %swap3A_603 = arith.constant 13 : i32
      %swap3A_604 = arith.constant 0 : i32
      %swap3A_605 = tpu.memref_slice %arg10[%swap3A_603, %swap3A_604] : memref<16x1024xf32, #tpu.memory_space<vmem>> -> memref<1x1024xf32, #tpu.memory_space<vmem>>
      %swap3A_606 = tpu.memref_squeeze %swap3A_605 : memref<1x1024xf32, #tpu.memory_space<vmem>> -> memref<1024xf32, #tpu.memory_space<vmem>>
      %swap3A_607 = arith.index_cast %mul3A_591 : i32 to index
      %swap3A_608 = tpu.vector_load %swap3A_606[%swap3A_607] {strides = array<i32>} : memref<1024xf32, #tpu.memory_space<vmem>>, vector<16xf32>,
      %swap3A_609 = vector.shape_cast %swap3A_608 : vector<16xf32> to vector<16xf32>
      %swap3A_610 = vector.shape_cast %get3A_602 : vector<16xf32> to vector<16xf32>
      tpu.vector_store %swap3A_606[%swap3A_607], %swap3A_610 {add = true, strides = array<i32>} : memref<1024xf32, #tpu.memory_space<vmem>>, vector<16xf32>,
      %mul3A_611 = arith.constant 16 : i32
      %mul3A_612 = arith.muli %scan3A_316, %mul3A_611 : i32
      %mul3A_613 = arith.constant 16 : i32
      %mul3A_614 = arith.muli %scan3A_316, %mul3A_613 : i32
      %add3A_615 = arith.constant 14336 : i32
      %add3A_616 = arith.addi %add3A_615, %mul3A_614 : i32
      %get3A_617 = arith.constant 0 : i32
      %get3A_618 = arith.constant 0 : i32
      %get3A_619 = tpu.memref_slice %arg7[%get3A_617, %get3A_618] : memref<1x16384xf32, #tpu.memory_space<vmem>> -> memref<1x16384xf32, #tpu.memory_space<vmem>>
      %get3A_620 = tpu.memref_squeeze %get3A_619 : memref<1x16384xf32, #tpu.memory_space<vmem>> -> memref<16384xf32, #tpu.memory_space<vmem>>
      %get3A_621 = arith.index_cast %add3A_616 : i32 to index
      %get3A_622 = tpu.vector_load %get3A_620[%get3A_621] {strides = array<i32>} : memref<16384xf32, #tpu.memory_space<vmem>>, vector<16xf32>,
      %get3A_623 = vector.shape_cast %get3A_622 : vector<16xf32> to vector<16xf32>
      %swap3A_624 = arith.constant 14 : i32
      %swap3A_625 = arith.constant 0 : i32
      %swap3A_626 = tpu.memref_slice %arg10[%swap3A_624, %swap3A_625] : memref<16x1024xf32, #tpu.memory_space<vmem>> -> memref<1x1024xf32, #tpu.memory_space<vmem>>
      %swap3A_627 = tpu.memref_squeeze %swap3A_626 : memref<1x1024xf32, #tpu.memory_space<vmem>> -> memref<1024xf32, #tpu.memory_space<vmem>>
      %swap3A_628 = arith.index_cast %mul3A_612 : i32 to index
      %swap3A_629 = tpu.vector_load %swap3A_627[%swap3A_628] {strides = array<i32>} : memref<1024xf32, #tpu.memory_space<vmem>>, vector<16xf32>,
      %swap3A_630 = vector.shape_cast %swap3A_629 : vector<16xf32> to vector<16xf32>
      %swap3A_631 = vector.shape_cast %get3A_623 : vector<16xf32> to vector<16xf32>
      tpu.vector_store %swap3A_627[%swap3A_628], %swap3A_631 {add = true, strides = array<i32>} : memref<1024xf32, #tpu.memory_space<vmem>>, vector<16xf32>,
      %mul3A_632 = arith.constant 16 : i32
      %mul3A_633 = arith.muli %scan3A_316, %mul3A_632 : i32
      %mul3A_634 = arith.constant 16 : i32
      %mul3A_635 = arith.muli %scan3A_316, %mul3A_634 : i32
      %add3A_636 = arith.constant 15360 : i32
      %add3A_637 = arith.addi %add3A_636, %mul3A_635 : i32
      %get3A_638 = arith.constant 0 : i32
      %get3A_639 = arith.constant 0 : i32
      %get3A_640 = tpu.memref_slice %arg7[%get3A_638, %get3A_639] : memref<1x16384xf32, #tpu.memory_space<vmem>> -> memref<1x16384xf32, #tpu.memory_space<vmem>>
      %get3A_641 = tpu.memref_squeeze %get3A_640 : memref<1x16384xf32, #tpu.memory_space<vmem>> -> memref<16384xf32, #tpu.memory_space<vmem>>
      %get3A_642 = arith.index_cast %add3A_637 : i32 to index
      %get3A_643 = tpu.vector_load %get3A_641[%get3A_642] {strides = array<i32>} : memref<16384xf32, #tpu.memory_space<vmem>>, vector<16xf32>,
      %get3A_644 = vector.shape_cast %get3A_643 : vector<16xf32> to vector<16xf32>
      %swap3A_645 = arith.constant 15 : i32
      %swap3A_646 = arith.constant 0 : i32
      %swap3A_647 = tpu.memref_slice %arg10[%swap3A_645, %swap3A_646] : memref<16x1024xf32, #tpu.memory_space<vmem>> -> memref<1x1024xf32, #tpu.memory_space<vmem>>
      %swap3A_648 = tpu.memref_squeeze %swap3A_647 : memref<1x1024xf32, #tpu.memory_space<vmem>> -> memref<1024xf32, #tpu.memory_space<vmem>>
      %swap3A_649 = arith.index_cast %mul3A_633 : i32 to index
      %swap3A_650 = tpu.vector_load %swap3A_648[%swap3A_649] {strides = array<i32>} : memref<1024xf32, #tpu.memory_space<vmem>>, vector<16xf32>,
      %swap3A_651 = vector.shape_cast %swap3A_650 : vector<16xf32> to vector<16xf32>
      %swap3A_652 = vector.shape_cast %get3A_644 : vector<16xf32> to vector<16xf32>
      tpu.vector_store %swap3A_648[%swap3A_649], %swap3A_652 {add = true, strides = array<i32>} : memref<1024xf32, #tpu.memory_space<vmem>>, vector<16xf32>,
      %scan3A_653 = arith.constant 0 : i32
      scf.yield %scan3A_653 : i32
    }
    %scan3A_50 = arith.constant 64 : i32
    %mul3A_51 = arith.constant 128 : i32
    %mul3A_52 = arith.muli %add3A, %mul3A_51 : i32
    %add3A_53 = arith.constant 0 : i32
    %add3A_54 = arith.addi %mul3A_52, %add3A_53 : i32
    %dma_start3A_55 = arith.constant 0 : i32
    %dma_start3A_56 = tpu.memref_slice %arg5[%add3A_54, %dma_start3A_55] : memref<4096x1024xf32, #tpu.memory_space<hbm>> -> memref<16x1024xf32, #tpu.memory_space<hbm>>
    %dma_start3A_57 = arith.constant 0 : i32
    %dma_start3A_58 = tpu.memref_slice %arg5[%add3A_54, %dma_start3A_57] : memref<4096x1024xf32, #tpu.memory_space<hbm>> -> memref<16x1024xf32, #tpu.memory_space<hbm>>
    tpu.enqueue_dma source(%arg10 : memref<16x1024xf32, #tpu.memory_space<vmem>>) target(%dma_start3A_58 : memref<16x1024xf32, #tpu.memory_space<hbm>>) target_semaphore(%arg14 : memref<!tpu.dma_semaphore, #tpu.memory_space<semaphore_mem>>)
    %dma_wait3A_59 = arith.constant 0 : i32
    %dma_wait3A_60 = tpu.memref_slice %arg5[%add3A_54, %dma_wait3A_59] : memref<4096x1024xf32, #tpu.memory_space<hbm>> -> memref<16x1024xf32, #tpu.memory_space<hbm>>
    %dma_wait3A_61 = arith.constant 0 : i32
    %dma_wait3A_62 = tpu.memref_slice %arg5[%add3A_54, %dma_wait3A_61] : memref<4096x1024xf32, #tpu.memory_space<hbm>> -> memref<16x1024xf32, #tpu.memory_space<hbm>>
    tpu.wait_dma2 semaphore(%arg14 : memref<!tpu.dma_semaphore, #tpu.memory_space<semaphore_mem>>) src(%arg10 : memref<16x1024xf32, #tpu.memory_space<vmem>>) dst(%dma_wait3A_62 : memref<16x1024xf32, #tpu.memory_space<hbm>>)
    %dma_start3A_63 = arith.constant 49152 : i32
    %dma_start3A_64 = tpu.memref_slice %arg3[%squeeze3A, %dma_start3A_63] : memref<64x131072xf32, #tpu.memory_space<hbm>> -> memref<1x16384xf32, #tpu.memory_space<hbm>>
    %dma_start3A_65 = arith.constant 49152 : i32
    %dma_start3A_66 = tpu.memref_slice %arg3[%squeeze3A, %dma_start3A_65] : memref<64x131072xf32, #tpu.memory_space<hbm>> -> memref<1x16384xf32, #tpu.memory_space<hbm>>
    tpu.enqueue_dma source(%dma_start3A_66 : memref<1x16384xf32, #tpu.memory_space<hbm>>) target(%arg7 : memref<1x16384xf32, #tpu.memory_space<vmem>>) target_semaphore(%arg13 : memref<!tpu.dma_semaphore, #tpu.memory_space<semaphore_mem>>)
    %dma_start3A_67 = arith.constant 48 : i32
    %dma_start3A_68 = arith.constant 0 : i32
    %dma_start3A_69 = tpu.memref_slice %arg4[%dma_start3A_67, %dma_start3A_68] : memref<128x1024xf32, #tpu.memory_space<hbm>> -> memref<16x1024xf32, #tpu.memory_space<hbm>>
    %dma_start3A_70 = arith.constant 48 : i32
    %dma_start3A_71 = arith.constant 0 : i32
    %dma_start3A_72 = tpu.memref_slice %arg4[%dma_start3A_70, %dma_start3A_71] : memref<128x1024xf32, #tpu.memory_space<hbm>> -> memref<16x1024xf32, #tpu.memory_space<hbm>>
    tpu.enqueue_dma source(%dma_start3A_72 : memref<16x1024xf32, #tpu.memory_space<hbm>>) target(%arg10 : memref<16x1024xf32, #tpu.memory_space<vmem>>) target_semaphore(%arg13 : memref<!tpu.dma_semaphore, #tpu.memory_space<semaphore_mem>>)
    %dma_wait3A_73 = arith.constant 16384 : i32
    %dma_wait3A_74 = tpu.memref_slice %arg3[%squeeze3A, %dma_wait3A_73] : memref<64x131072xf32, #tpu.memory_space<hbm>> -> memref<1x16384xf32, #tpu.memory_space<hbm>>
    %dma_wait3A_75 = arith.constant 16384 : i32
    %dma_wait3A_76 = tpu.memref_slice %arg3[%squeeze3A, %dma_wait3A_75] : memref<64x131072xf32, #tpu.memory_space<hbm>> -> memref<1x16384xf32, #tpu.memory_space<hbm>>
    tpu.wait_dma2 semaphore(%arg13 : memref<!tpu.dma_semaphore, #tpu.memory_space<semaphore_mem>>) src(%dma_wait3A_76 : memref<1x16384xf32, #tpu.memory_space<hbm>>) dst(%arg8 : memref<1x16384xf32, #tpu.memory_space<vmem>>)
    %dma_wait3A_77 = arith.constant 16 : i32
    %dma_wait3A_78 = arith.constant 0 : i32
    %dma_wait3A_79 = tpu.memref_slice %arg4[%dma_wait3A_77, %dma_wait3A_78] : memref<128x1024xf32, #tpu.memory_space<hbm>> -> memref<16x1024xf32, #tpu.memory_space<hbm>>
    %dma_wait3A_80 = arith.constant 16 : i32
    %dma_wait3A_81 = arith.constant 0 : i32
    %dma_wait3A_82 = tpu.memref_slice %arg4[%dma_wait3A_80, %dma_wait3A_81] : memref<128x1024xf32, #tpu.memory_space<hbm>> -> memref<16x1024xf32, #tpu.memory_space<hbm>>
    tpu.wait_dma2 semaphore(%arg13 : memref<!tpu.dma_semaphore, #tpu.memory_space<semaphore_mem>>) src(%dma_wait3A_82 : memref<16x1024xf32, #tpu.memory_space<hbm>>) dst(%arg11 : memref<16x1024xf32, #tpu.memory_space<vmem>>)
    %scan3A_83 = arith.constant 0 : i32
    %scan3A_84 = arith.constant 0 : i32
    %scan3A_85 = arith.constant 64 : i32
    %scan3A_86 = arith.addi %scan3A_84, %scan3A_85 : i32
    %scan3A_87 = arith.constant 1 : i32
    %scan3A_88 = scf.for %scan3A_316 = %scan3A_84 to %scan3A_86 step %scan3A_87 iter_args(%scan3A_317 = %scan3A_83) -> (i32)  : i32 {
      %mul3A_318 = arith.constant 16 : i32
      %mul3A_319 = arith.muli %scan3A_316, %mul3A_318 : i32
      %mul3A_320 = arith.constant 16 : i32
      %mul3A_321 = arith.muli %scan3A_316, %mul3A_320 : i32
      %add3A_322 = arith.constant 0 : i32
      %add3A_323 = arith.addi %add3A_322, %mul3A_321 : i32
      %get3A_324 = arith.constant 0 : i32
      %get3A_325 = arith.constant 0 : i32
      %get3A_326 = tpu.memref_slice %arg8[%get3A_324, %get3A_325] : memref<1x16384xf32, #tpu.memory_space<vmem>> -> memref<1x16384xf32, #tpu.memory_space<vmem>>
      %get3A_327 = tpu.memref_squeeze %get3A_326 : memref<1x16384xf32, #tpu.memory_space<vmem>> -> memref<16384xf32, #tpu.memory_space<vmem>>
      %get3A_328 = arith.index_cast %add3A_323 : i32 to index
      %get3A_329 = tpu.vector_load %get3A_327[%get3A_328] {strides = array<i32>} : memref<16384xf32, #tpu.memory_space<vmem>>, vector<16xf32>,
      %get3A_330 = vector.shape_cast %get3A_329 : vector<16xf32> to vector<16xf32>
      %swap3A = arith.constant 0 : i32
      %swap3A_331 = arith.constant 0 : i32
      %swap3A_332 = tpu.memref_slice %arg11[%swap3A, %swap3A_331] : memref<16x1024xf32, #tpu.memory_space<vmem>> -> memref<1x1024xf32, #tpu.memory_space<vmem>>
      %swap3A_333 = tpu.memref_squeeze %swap3A_332 : memref<1x1024xf32, #tpu.memory_space<vmem>> -> memref<1024xf32, #tpu.memory_space<vmem>>
      %swap3A_334 = arith.index_cast %mul3A_319 : i32 to index
      %swap3A_335 = tpu.vector_load %swap3A_333[%swap3A_334] {strides = array<i32>} : memref<1024xf32, #tpu.memory_space<vmem>>, vector<16xf32>,
      %swap3A_336 = vector.shape_cast %swap3A_335 : vector<16xf32> to vector<16xf32>
      %swap3A_337 = vector.shape_cast %get3A_330 : vector<16xf32> to vector<16xf32>
      tpu.vector_store %swap3A_333[%swap3A_334], %swap3A_337 {add = true, strides = array<i32>} : memref<1024xf32, #tpu.memory_space<vmem>>, vector<16xf32>,
      %mul3A_338 = arith.constant 16 : i32
      %mul3A_339 = arith.muli %scan3A_316, %mul3A_338 : i32
      %mul3A_340 = arith.constant 16 : i32
      %mul3A_341 = arith.muli %scan3A_316, %mul3A_340 : i32
      %add3A_342 = arith.constant 1024 : i32
      %add3A_343 = arith.addi %add3A_342, %mul3A_341 : i32
      %get3A_344 = arith.constant 0 : i32
      %get3A_345 = arith.constant 0 : i32
      %get3A_346 = tpu.memref_slice %arg8[%get3A_344, %get3A_345] : memref<1x16384xf32, #tpu.memory_space<vmem>> -> memref<1x16384xf32, #tpu.memory_space<vmem>>
      %get3A_347 = tpu.memref_squeeze %get3A_346 : memref<1x16384xf32, #tpu.memory_space<vmem>> -> memref<16384xf32, #tpu.memory_space<vmem>>
      %get3A_348 = arith.index_cast %add3A_343 : i32 to index
      %get3A_349 = tpu.vector_load %get3A_347[%get3A_348] {strides = array<i32>} : memref<16384xf32, #tpu.memory_space<vmem>>, vector<16xf32>,
      %get3A_350 = vector.shape_cast %get3A_349 : vector<16xf32> to vector<16xf32>
      %swap3A_351 = arith.constant 1 : i32
      %swap3A_352 = arith.constant 0 : i32
      %swap3A_353 = tpu.memref_slice %arg11[%swap3A_351, %swap3A_352] : memref<16x1024xf32, #tpu.memory_space<vmem>> -> memref<1x1024xf32, #tpu.memory_space<vmem>>
      %swap3A_354 = tpu.memref_squeeze %swap3A_353 : memref<1x1024xf32, #tpu.memory_space<vmem>> -> memref<1024xf32, #tpu.memory_space<vmem>>
      %swap3A_355 = arith.index_cast %mul3A_339 : i32 to index
      %swap3A_356 = tpu.vector_load %swap3A_354[%swap3A_355] {strides = array<i32>} : memref<1024xf32, #tpu.memory_space<vmem>>, vector<16xf32>,
      %swap3A_357 = vector.shape_cast %swap3A_356 : vector<16xf32> to vector<16xf32>
      %swap3A_358 = vector.shape_cast %get3A_350 : vector<16xf32> to vector<16xf32>
      tpu.vector_store %swap3A_354[%swap3A_355], %swap3A_358 {add = true, strides = array<i32>} : memref<1024xf32, #tpu.memory_space<vmem>>, vector<16xf32>,
      %mul3A_359 = arith.constant 16 : i32
      %mul3A_360 = arith.muli %scan3A_316, %mul3A_359 : i32
      %mul3A_361 = arith.constant 16 : i32
      %mul3A_362 = arith.muli %scan3A_316, %mul3A_361 : i32
      %add3A_363 = arith.constant 2048 : i32
      %add3A_364 = arith.addi %add3A_363, %mul3A_362 : i32
      %get3A_365 = arith.constant 0 : i32
      %get3A_366 = arith.constant 0 : i32
      %get3A_367 = tpu.memref_slice %arg8[%get3A_365, %get3A_366] : memref<1x16384xf32, #tpu.memory_space<vmem>> -> memref<1x16384xf32, #tpu.memory_space<vmem>>
      %get3A_368 = tpu.memref_squeeze %get3A_367 : memref<1x16384xf32, #tpu.memory_space<vmem>> -> memref<16384xf32, #tpu.memory_space<vmem>>
      %get3A_369 = arith.index_cast %add3A_364 : i32 to index
      %get3A_370 = tpu.vector_load %get3A_368[%get3A_369] {strides = array<i32>} : memref<16384xf32, #tpu.memory_space<vmem>>, vector<16xf32>,
      %get3A_371 = vector.shape_cast %get3A_370 : vector<16xf32> to vector<16xf32>
      %swap3A_372 = arith.constant 2 : i32
      %swap3A_373 = arith.constant 0 : i32
      %swap3A_374 = tpu.memref_slice %arg11[%swap3A_372, %swap3A_373] : memref<16x1024xf32, #tpu.memory_space<vmem>> -> memref<1x1024xf32, #tpu.memory_space<vmem>>
      %swap3A_375 = tpu.memref_squeeze %swap3A_374 : memref<1x1024xf32, #tpu.memory_space<vmem>> -> memref<1024xf32, #tpu.memory_space<vmem>>
      %swap3A_376 = arith.index_cast %mul3A_360 : i32 to index
      %swap3A_377 = tpu.vector_load %swap3A_375[%swap3A_376] {strides = array<i32>} : memref<1024xf32, #tpu.memory_space<vmem>>, vector<16xf32>,
      %swap3A_378 = vector.shape_cast %swap3A_377 : vector<16xf32> to vector<16xf32>
      %swap3A_379 = vector.shape_cast %get3A_371 : vector<16xf32> to vector<16xf32>
      tpu.vector_store %swap3A_375[%swap3A_376], %swap3A_379 {add = true, strides = array<i32>} : memref<1024xf32, #tpu.memory_space<vmem>>, vector<16xf32>,
      %mul3A_380 = arith.constant 16 : i32
      %mul3A_381 = arith.muli %scan3A_316, %mul3A_380 : i32
      %mul3A_382 = arith.constant 16 : i32
      %mul3A_383 = arith.muli %scan3A_316, %mul3A_382 : i32
      %add3A_384 = arith.constant 3072 : i32
      %add3A_385 = arith.addi %add3A_384, %mul3A_383 : i32
      %get3A_386 = arith.constant 0 : i32
      %get3A_387 = arith.constant 0 : i32
      %get3A_388 = tpu.memref_slice %arg8[%get3A_386, %get3A_387] : memref<1x16384xf32, #tpu.memory_space<vmem>> -> memref<1x16384xf32, #tpu.memory_space<vmem>>
      %get3A_389 = tpu.memref_squeeze %get3A_388 : memref<1x16384xf32, #tpu.memory_space<vmem>> -> memref<16384xf32, #tpu.memory_space<vmem>>
      %get3A_390 = arith.index_cast %add3A_385 : i32 to index
      %get3A_391 = tpu.vector_load %get3A_389[%get3A_390] {strides = array<i32>} : memref<16384xf32, #tpu.memory_space<vmem>>, vector<16xf32>,
      %get3A_392 = vector.shape_cast %get3A_391 : vector<16xf32> to vector<16xf32>
      %swap3A_393 = arith.constant 3 : i32
      %swap3A_394 = arith.constant 0 : i32
      %swap3A_395 = tpu.memref_slice %arg11[%swap3A_393, %swap3A_394] : memref<16x1024xf32, #tpu.memory_space<vmem>> -> memref<1x1024xf32, #tpu.memory_space<vmem>>
      %swap3A_396 = tpu.memref_squeeze %swap3A_395 : memref<1x1024xf32, #tpu.memory_space<vmem>> -> memref<1024xf32, #tpu.memory_space<vmem>>
      %swap3A_397 = arith.index_cast %mul3A_381 : i32 to index
      %swap3A_398 = tpu.vector_load %swap3A_396[%swap3A_397] {strides = array<i32>} : memref<1024xf32, #tpu.memory_space<vmem>>, vector<16xf32>,
      %swap3A_399 = vector.shape_cast %swap3A_398 : vector<16xf32> to vector<16xf32>
      %swap3A_400 = vector.shape_cast %get3A_392 : vector<16xf32> to vector<16xf32>
      tpu.vector_store %swap3A_396[%swap3A_397], %swap3A_400 {add = true, strides = array<i32>} : memref<1024xf32, #tpu.memory_space<vmem>>, vector<16xf32>,
      %mul3A_401 = arith.constant 16 : i32
      %mul3A_402 = arith.muli %scan3A_316, %mul3A_401 : i32
      %mul3A_403 = arith.constant 16 : i32
      %mul3A_404 = arith.muli %scan3A_316, %mul3A_403 : i32
      %add3A_405 = arith.constant 4096 : i32
      %add3A_406 = arith.addi %add3A_405, %mul3A_404 : i32
      %get3A_407 = arith.constant 0 : i32
      %get3A_408 = arith.constant 0 : i32
      %get3A_409 = tpu.memref_slice %arg8[%get3A_407, %get3A_408] : memref<1x16384xf32, #tpu.memory_space<vmem>> -> memref<1x16384xf32, #tpu.memory_space<vmem>>
      %get3A_410 = tpu.memref_squeeze %get3A_409 : memref<1x16384xf32, #tpu.memory_space<vmem>> -> memref<16384xf32, #tpu.memory_space<vmem>>
      %get3A_411 = arith.index_cast %add3A_406 : i32 to index
      %get3A_412 = tpu.vector_load %get3A_410[%get3A_411] {strides = array<i32>} : memref<16384xf32, #tpu.memory_space<vmem>>, vector<16xf32>,
      %get3A_413 = vector.shape_cast %get3A_412 : vector<16xf32> to vector<16xf32>
      %swap3A_414 = arith.constant 4 : i32
      %swap3A_415 = arith.constant 0 : i32
      %swap3A_416 = tpu.memref_slice %arg11[%swap3A_414, %swap3A_415] : memref<16x1024xf32, #tpu.memory_space<vmem>> -> memref<1x1024xf32, #tpu.memory_space<vmem>>
      %swap3A_417 = tpu.memref_squeeze %swap3A_416 : memref<1x1024xf32, #tpu.memory_space<vmem>> -> memref<1024xf32, #tpu.memory_space<vmem>>
      %swap3A_418 = arith.index_cast %mul3A_402 : i32 to index
      %swap3A_419 = tpu.vector_load %swap3A_417[%swap3A_418] {strides = array<i32>} : memref<1024xf32, #tpu.memory_space<vmem>>, vector<16xf32>,
      %swap3A_420 = vector.shape_cast %swap3A_419 : vector<16xf32> to vector<16xf32>
      %swap3A_421 = vector.shape_cast %get3A_413 : vector<16xf32> to vector<16xf32>
      tpu.vector_store %swap3A_417[%swap3A_418], %swap3A_421 {add = true, strides = array<i32>} : memref<1024xf32, #tpu.memory_space<vmem>>, vector<16xf32>,
      %mul3A_422 = arith.constant 16 : i32
      %mul3A_423 = arith.muli %scan3A_316, %mul3A_422 : i32
      %mul3A_424 = arith.constant 16 : i32
      %mul3A_425 = arith.muli %scan3A_316, %mul3A_424 : i32
      %add3A_426 = arith.constant 5120 : i32
      %add3A_427 = arith.addi %add3A_426, %mul3A_425 : i32
      %get3A_428 = arith.constant 0 : i32
      %get3A_429 = arith.constant 0 : i32
      %get3A_430 = tpu.memref_slice %arg8[%get3A_428, %get3A_429] : memref<1x16384xf32, #tpu.memory_space<vmem>> -> memref<1x16384xf32, #tpu.memory_space<vmem>>
      %get3A_431 = tpu.memref_squeeze %get3A_430 : memref<1x16384xf32, #tpu.memory_space<vmem>> -> memref<16384xf32, #tpu.memory_space<vmem>>
      %get3A_432 = arith.index_cast %add3A_427 : i32 to index
      %get3A_433 = tpu.vector_load %get3A_431[%get3A_432] {strides = array<i32>} : memref<16384xf32, #tpu.memory_space<vmem>>, vector<16xf32>,
      %get3A_434 = vector.shape_cast %get3A_433 : vector<16xf32> to vector<16xf32>
      %swap3A_435 = arith.constant 5 : i32
      %swap3A_436 = arith.constant 0 : i32
      %swap3A_437 = tpu.memref_slice %arg11[%swap3A_435, %swap3A_436] : memref<16x1024xf32, #tpu.memory_space<vmem>> -> memref<1x1024xf32, #tpu.memory_space<vmem>>
      %swap3A_438 = tpu.memref_squeeze %swap3A_437 : memref<1x1024xf32, #tpu.memory_space<vmem>> -> memref<1024xf32, #tpu.memory_space<vmem>>
      %swap3A_439 = arith.index_cast %mul3A_423 : i32 to index
      %swap3A_440 = tpu.vector_load %swap3A_438[%swap3A_439] {strides = array<i32>} : memref<1024xf32, #tpu.memory_space<vmem>>, vector<16xf32>,
      %swap3A_441 = vector.shape_cast %swap3A_440 : vector<16xf32> to vector<16xf32>
      %swap3A_442 = vector.shape_cast %get3A_434 : vector<16xf32> to vector<16xf32>
      tpu.vector_store %swap3A_438[%swap3A_439], %swap3A_442 {add = true, strides = array<i32>} : memref<1024xf32, #tpu.memory_space<vmem>>, vector<16xf32>,
      %mul3A_443 = arith.constant 16 : i32
      %mul3A_444 = arith.muli %scan3A_316, %mul3A_443 : i32
      %mul3A_445 = arith.constant 16 : i32
      %mul3A_446 = arith.muli %scan3A_316, %mul3A_445 : i32
      %add3A_447 = arith.constant 6144 : i32
      %add3A_448 = arith.addi %add3A_447, %mul3A_446 : i32
      %get3A_449 = arith.constant 0 : i32
      %get3A_450 = arith.constant 0 : i32
      %get3A_451 = tpu.memref_slice %arg8[%get3A_449, %get3A_450] : memref<1x16384xf32, #tpu.memory_space<vmem>> -> memref<1x16384xf32, #tpu.memory_space<vmem>>
      %get3A_452 = tpu.memref_squeeze %get3A_451 : memref<1x16384xf32, #tpu.memory_space<vmem>> -> memref<16384xf32, #tpu.memory_space<vmem>>
      %get3A_453 = arith.index_cast %add3A_448 : i32 to index
      %get3A_454 = tpu.vector_load %get3A_452[%get3A_453] {strides = array<i32>} : memref<16384xf32, #tpu.memory_space<vmem>>, vector<16xf32>,
      %get3A_455 = vector.shape_cast %get3A_454 : vector<16xf32> to vector<16xf32>
      %swap3A_456 = arith.constant 6 : i32
      %swap3A_457 = arith.constant 0 : i32
      %swap3A_458 = tpu.memref_slice %arg11[%swap3A_456, %swap3A_457] : memref<16x1024xf32, #tpu.memory_space<vmem>> -> memref<1x1024xf32, #tpu.memory_space<vmem>>
      %swap3A_459 = tpu.memref_squeeze %swap3A_458 : memref<1x1024xf32, #tpu.memory_space<vmem>> -> memref<1024xf32, #tpu.memory_space<vmem>>
      %swap3A_460 = arith.index_cast %mul3A_444 : i32 to index
      %swap3A_461 = tpu.vector_load %swap3A_459[%swap3A_460] {strides = array<i32>} : memref<1024xf32, #tpu.memory_space<vmem>>, vector<16xf32>,
      %swap3A_462 = vector.shape_cast %swap3A_461 : vector<16xf32> to vector<16xf32>
      %swap3A_463 = vector.shape_cast %get3A_455 : vector<16xf32> to vector<16xf32>
      tpu.vector_store %swap3A_459[%swap3A_460], %swap3A_463 {add = true, strides = array<i32>} : memref<1024xf32, #tpu.memory_space<vmem>>, vector<16xf32>,
      %mul3A_464 = arith.constant 16 : i32
      %mul3A_465 = arith.muli %scan3A_316, %mul3A_464 : i32
      %mul3A_466 = arith.constant 16 : i32
      %mul3A_467 = arith.muli %scan3A_316, %mul3A_466 : i32
      %add3A_468 = arith.constant 7168 : i32
      %add3A_469 = arith.addi %add3A_468, %mul3A_467 : i32
      %get3A_470 = arith.constant 0 : i32
      %get3A_471 = arith.constant 0 : i32
      %get3A_472 = tpu.memref_slice %arg8[%get3A_470, %get3A_471] : memref<1x16384xf32, #tpu.memory_space<vmem>> -> memref<1x16384xf32, #tpu.memory_space<vmem>>
      %get3A_473 = tpu.memref_squeeze %get3A_472 : memref<1x16384xf32, #tpu.memory_space<vmem>> -> memref<16384xf32, #tpu.memory_space<vmem>>
      %get3A_474 = arith.index_cast %add3A_469 : i32 to index
      %get3A_475 = tpu.vector_load %get3A_473[%get3A_474] {strides = array<i32>} : memref<16384xf32, #tpu.memory_space<vmem>>, vector<16xf32>,
      %get3A_476 = vector.shape_cast %get3A_475 : vector<16xf32> to vector<16xf32>
      %swap3A_477 = arith.constant 7 : i32
      %swap3A_478 = arith.constant 0 : i32
      %swap3A_479 = tpu.memref_slice %arg11[%swap3A_477, %swap3A_478] : memref<16x1024xf32, #tpu.memory_space<vmem>> -> memref<1x1024xf32, #tpu.memory_space<vmem>>
      %swap3A_480 = tpu.memref_squeeze %swap3A_479 : memref<1x1024xf32, #tpu.memory_space<vmem>> -> memref<1024xf32, #tpu.memory_space<vmem>>
      %swap3A_481 = arith.index_cast %mul3A_465 : i32 to index
      %swap3A_482 = tpu.vector_load %swap3A_480[%swap3A_481] {strides = array<i32>} : memref<1024xf32, #tpu.memory_space<vmem>>, vector<16xf32>,
      %swap3A_483 = vector.shape_cast %swap3A_482 : vector<16xf32> to vector<16xf32>
      %swap3A_484 = vector.shape_cast %get3A_476 : vector<16xf32> to vector<16xf32>
      tpu.vector_store %swap3A_480[%swap3A_481], %swap3A_484 {add = true, strides = array<i32>} : memref<1024xf32, #tpu.memory_space<vmem>>, vector<16xf32>,
      %mul3A_485 = arith.constant 16 : i32
      %mul3A_486 = arith.muli %scan3A_316, %mul3A_485 : i32
      %mul3A_487 = arith.constant 16 : i32
      %mul3A_488 = arith.muli %scan3A_316, %mul3A_487 : i32
      %add3A_489 = arith.constant 8192 : i32
      %add3A_490 = arith.addi %add3A_489, %mul3A_488 : i32
      %get3A_491 = arith.constant 0 : i32
      %get3A_492 = arith.constant 0 : i32
      %get3A_493 = tpu.memref_slice %arg8[%get3A_491, %get3A_492] : memref<1x16384xf32, #tpu.memory_space<vmem>> -> memref<1x16384xf32, #tpu.memory_space<vmem>>
      %get3A_494 = tpu.memref_squeeze %get3A_493 : memref<1x16384xf32, #tpu.memory_space<vmem>> -> memref<16384xf32, #tpu.memory_space<vmem>>
      %get3A_495 = arith.index_cast %add3A_490 : i32 to index
      %get3A_496 = tpu.vector_load %get3A_494[%get3A_495] {strides = array<i32>} : memref<16384xf32, #tpu.memory_space<vmem>>, vector<16xf32>,
      %get3A_497 = vector.shape_cast %get3A_496 : vector<16xf32> to vector<16xf32>
      %swap3A_498 = arith.constant 8 : i32
      %swap3A_499 = arith.constant 0 : i32
      %swap3A_500 = tpu.memref_slice %arg11[%swap3A_498, %swap3A_499] : memref<16x1024xf32, #tpu.memory_space<vmem>> -> memref<1x1024xf32, #tpu.memory_space<vmem>>
      %swap3A_501 = tpu.memref_squeeze %swap3A_500 : memref<1x1024xf32, #tpu.memory_space<vmem>> -> memref<1024xf32, #tpu.memory_space<vmem>>
      %swap3A_502 = arith.index_cast %mul3A_486 : i32 to index
      %swap3A_503 = tpu.vector_load %swap3A_501[%swap3A_502] {strides = array<i32>} : memref<1024xf32, #tpu.memory_space<vmem>>, vector<16xf32>,
      %swap3A_504 = vector.shape_cast %swap3A_503 : vector<16xf32> to vector<16xf32>
      %swap3A_505 = vector.shape_cast %get3A_497 : vector<16xf32> to vector<16xf32>
      tpu.vector_store %swap3A_501[%swap3A_502], %swap3A_505 {add = true, strides = array<i32>} : memref<1024xf32, #tpu.memory_space<vmem>>, vector<16xf32>,
      %mul3A_506 = arith.constant 16 : i32
      %mul3A_507 = arith.muli %scan3A_316, %mul3A_506 : i32
      %mul3A_508 = arith.constant 16 : i32
      %mul3A_509 = arith.muli %scan3A_316, %mul3A_508 : i32
      %add3A_510 = arith.constant 9216 : i32
      %add3A_511 = arith.addi %add3A_510, %mul3A_509 : i32
      %get3A_512 = arith.constant 0 : i32
      %get3A_513 = arith.constant 0 : i32
      %get3A_514 = tpu.memref_slice %arg8[%get3A_512, %get3A_513] : memref<1x16384xf32, #tpu.memory_space<vmem>> -> memref<1x16384xf32, #tpu.memory_space<vmem>>
      %get3A_515 = tpu.memref_squeeze %get3A_514 : memref<1x16384xf32, #tpu.memory_space<vmem>> -> memref<16384xf32, #tpu.memory_space<vmem>>
      %get3A_516 = arith.index_cast %add3A_511 : i32 to index
      %get3A_517 = tpu.vector_load %get3A_515[%get3A_516] {strides = array<i32>} : memref<16384xf32, #tpu.memory_space<vmem>>, vector<16xf32>,
      %get3A_518 = vector.shape_cast %get3A_517 : vector<16xf32> to vector<16xf32>
      %swap3A_519 = arith.constant 9 : i32
      %swap3A_520 = arith.constant 0 : i32
      %swap3A_521 = tpu.memref_slice %arg11[%swap3A_519, %swap3A_520] : memref<16x1024xf32, #tpu.memory_space<vmem>> -> memref<1x1024xf32, #tpu.memory_space<vmem>>
      %swap3A_522 = tpu.memref_squeeze %swap3A_521 : memref<1x1024xf32, #tpu.memory_space<vmem>> -> memref<1024xf32, #tpu.memory_space<vmem>>
      %swap3A_523 = arith.index_cast %mul3A_507 : i32 to index
      %swap3A_524 = tpu.vector_load %swap3A_522[%swap3A_523] {strides = array<i32>} : memref<1024xf32, #tpu.memory_space<vmem>>, vector<16xf32>,
      %swap3A_525 = vector.shape_cast %swap3A_524 : vector<16xf32> to vector<16xf32>
      %swap3A_526 = vector.shape_cast %get3A_518 : vector<16xf32> to vector<16xf32>
      tpu.vector_store %swap3A_522[%swap3A_523], %swap3A_526 {add = true, strides = array<i32>} : memref<1024xf32, #tpu.memory_space<vmem>>, vector<16xf32>,
      %mul3A_527 = arith.constant 16 : i32
      %mul3A_528 = arith.muli %scan3A_316, %mul3A_527 : i32
      %mul3A_529 = arith.constant 16 : i32
      %mul3A_530 = arith.muli %scan3A_316, %mul3A_529 : i32
      %add3A_531 = arith.constant 10240 : i32
      %add3A_532 = arith.addi %add3A_531, %mul3A_530 : i32
      %get3A_533 = arith.constant 0 : i32
      %get3A_534 = arith.constant 0 : i32
      %get3A_535 = tpu.memref_slice %arg8[%get3A_533, %get3A_534] : memref<1x16384xf32, #tpu.memory_space<vmem>> -> memref<1x16384xf32, #tpu.memory_space<vmem>>
      %get3A_536 = tpu.memref_squeeze %get3A_535 : memref<1x16384xf32, #tpu.memory_space<vmem>> -> memref<16384xf32, #tpu.memory_space<vmem>>
      %get3A_537 = arith.index_cast %add3A_532 : i32 to index
      %get3A_538 = tpu.vector_load %get3A_536[%get3A_537] {strides = array<i32>} : memref<16384xf32, #tpu.memory_space<vmem>>, vector<16xf32>,
      %get3A_539 = vector.shape_cast %get3A_538 : vector<16xf32> to vector<16xf32>
      %swap3A_540 = arith.constant 10 : i32
      %swap3A_541 = arith.constant 0 : i32
      %swap3A_542 = tpu.memref_slice %arg11[%swap3A_540, %swap3A_541] : memref<16x1024xf32, #tpu.memory_space<vmem>> -> memref<1x1024xf32, #tpu.memory_space<vmem>>
      %swap3A_543 = tpu.memref_squeeze %swap3A_542 : memref<1x1024xf32, #tpu.memory_space<vmem>> -> memref<1024xf32, #tpu.memory_space<vmem>>
      %swap3A_544 = arith.index_cast %mul3A_528 : i32 to index
      %swap3A_545 = tpu.vector_load %swap3A_543[%swap3A_544] {strides = array<i32>} : memref<1024xf32, #tpu.memory_space<vmem>>, vector<16xf32>,
      %swap3A_546 = vector.shape_cast %swap3A_545 : vector<16xf32> to vector<16xf32>
      %swap3A_547 = vector.shape_cast %get3A_539 : vector<16xf32> to vector<16xf32>
      tpu.vector_store %swap3A_543[%swap3A_544], %swap3A_547 {add = true, strides = array<i32>} : memref<1024xf32, #tpu.memory_space<vmem>>, vector<16xf32>,
      %mul3A_548 = arith.constant 16 : i32
      %mul3A_549 = arith.muli %scan3A_316, %mul3A_548 : i32
      %mul3A_550 = arith.constant 16 : i32
      %mul3A_551 = arith.muli %scan3A_316, %mul3A_550 : i32
      %add3A_552 = arith.constant 11264 : i32
      %add3A_553 = arith.addi %add3A_552, %mul3A_551 : i32
      %get3A_554 = arith.constant 0 : i32
      %get3A_555 = arith.constant 0 : i32
      %get3A_556 = tpu.memref_slice %arg8[%get3A_554, %get3A_555] : memref<1x16384xf32, #tpu.memory_space<vmem>> -> memref<1x16384xf32, #tpu.memory_space<vmem>>
      %get3A_557 = tpu.memref_squeeze %get3A_556 : memref<1x16384xf32, #tpu.memory_space<vmem>> -> memref<16384xf32, #tpu.memory_space<vmem>>
      %get3A_558 = arith.index_cast %add3A_553 : i32 to index
      %get3A_559 = tpu.vector_load %get3A_557[%get3A_558] {strides = array<i32>} : memref<16384xf32, #tpu.memory_space<vmem>>, vector<16xf32>,
      %get3A_560 = vector.shape_cast %get3A_559 : vector<16xf32> to vector<16xf32>
      %swap3A_561 = arith.constant 11 : i32
      %swap3A_562 = arith.constant 0 : i32
      %swap3A_563 = tpu.memref_slice %arg11[%swap3A_561, %swap3A_562] : memref<16x1024xf32, #tpu.memory_space<vmem>> -> memref<1x1024xf32, #tpu.memory_space<vmem>>
      %swap3A_564 = tpu.memref_squeeze %swap3A_563 : memref<1x1024xf32, #tpu.memory_space<vmem>> -> memref<1024xf32, #tpu.memory_space<vmem>>
      %swap3A_565 = arith.index_cast %mul3A_549 : i32 to index
      %swap3A_566 = tpu.vector_load %swap3A_564[%swap3A_565] {strides = array<i32>} : memref<1024xf32, #tpu.memory_space<vmem>>, vector<16xf32>,
      %swap3A_567 = vector.shape_cast %swap3A_566 : vector<16xf32> to vector<16xf32>
      %swap3A_568 = vector.shape_cast %get3A_560 : vector<16xf32> to vector<16xf32>
      tpu.vector_store %swap3A_564[%swap3A_565], %swap3A_568 {add = true, strides = array<i32>} : memref<1024xf32, #tpu.memory_space<vmem>>, vector<16xf32>,
      %mul3A_569 = arith.constant 16 : i32
      %mul3A_570 = arith.muli %scan3A_316, %mul3A_569 : i32
      %mul3A_571 = arith.constant 16 : i32
      %mul3A_572 = arith.muli %scan3A_316, %mul3A_571 : i32
      %add3A_573 = arith.constant 12288 : i32
      %add3A_574 = arith.addi %add3A_573, %mul3A_572 : i32
      %get3A_575 = arith.constant 0 : i32
      %get3A_576 = arith.constant 0 : i32
      %get3A_577 = tpu.memref_slice %arg8[%get3A_575, %get3A_576] : memref<1x16384xf32, #tpu.memory_space<vmem>> -> memref<1x16384xf32, #tpu.memory_space<vmem>>
      %get3A_578 = tpu.memref_squeeze %get3A_577 : memref<1x16384xf32, #tpu.memory_space<vmem>> -> memref<16384xf32, #tpu.memory_space<vmem>>
      %get3A_579 = arith.index_cast %add3A_574 : i32 to index
      %get3A_580 = tpu.vector_load %get3A_578[%get3A_579] {strides = array<i32>} : memref<16384xf32, #tpu.memory_space<vmem>>, vector<16xf32>,
      %get3A_581 = vector.shape_cast %get3A_580 : vector<16xf32> to vector<16xf32>
      %swap3A_582 = arith.constant 12 : i32
      %swap3A_583 = arith.constant 0 : i32
      %swap3A_584 = tpu.memref_slice %arg11[%swap3A_582, %swap3A_583] : memref<16x1024xf32, #tpu.memory_space<vmem>> -> memref<1x1024xf32, #tpu.memory_space<vmem>>
      %swap3A_585 = tpu.memref_squeeze %swap3A_584 : memref<1x1024xf32, #tpu.memory_space<vmem>> -> memref<1024xf32, #tpu.memory_space<vmem>>
      %swap3A_586 = arith.index_cast %mul3A_570 : i32 to index
      %swap3A_587 = tpu.vector_load %swap3A_585[%swap3A_586] {strides = array<i32>} : memref<1024xf32, #tpu.memory_space<vmem>>, vector<16xf32>,
      %swap3A_588 = vector.shape_cast %swap3A_587 : vector<16xf32> to vector<16xf32>
      %swap3A_589 = vector.shape_cast %get3A_581 : vector<16xf32> to vector<16xf32>
      tpu.vector_store %swap3A_585[%swap3A_586], %swap3A_589 {add = true, strides = array<i32>} : memref<1024xf32, #tpu.memory_space<vmem>>, vector<16xf32>,
      %mul3A_590 = arith.constant 16 : i32
      %mul3A_591 = arith.muli %scan3A_316, %mul3A_590 : i32
      %mul3A_592 = arith.constant 16 : i32
      %mul3A_593 = arith.muli %scan3A_316, %mul3A_592 : i32
      %add3A_594 = arith.constant 13312 : i32
      %add3A_595 = arith.addi %add3A_594, %mul3A_593 : i32
      %get3A_596 = arith.constant 0 : i32
      %get3A_597 = arith.constant 0 : i32
      %get3A_598 = tpu.memref_slice %arg8[%get3A_596, %get3A_597] : memref<1x16384xf32, #tpu.memory_space<vmem>> -> memref<1x16384xf32, #tpu.memory_space<vmem>>
      %get3A_599 = tpu.memref_squeeze %get3A_598 : memref<1x16384xf32, #tpu.memory_space<vmem>> -> memref<16384xf32, #tpu.memory_space<vmem>>
      %get3A_600 = arith.index_cast %add3A_595 : i32 to index
      %get3A_601 = tpu.vector_load %get3A_599[%get3A_600] {strides = array<i32>} : memref<16384xf32, #tpu.memory_space<vmem>>, vector<16xf32>,
      %get3A_602 = vector.shape_cast %get3A_601 : vector<16xf32> to vector<16xf32>
      %swap3A_603 = arith.constant 13 : i32
      %swap3A_604 = arith.constant 0 : i32
      %swap3A_605 = tpu.memref_slice %arg11[%swap3A_603, %swap3A_604] : memref<16x1024xf32, #tpu.memory_space<vmem>> -> memref<1x1024xf32, #tpu.memory_space<vmem>>
      %swap3A_606 = tpu.memref_squeeze %swap3A_605 : memref<1x1024xf32, #tpu.memory_space<vmem>> -> memref<1024xf32, #tpu.memory_space<vmem>>
      %swap3A_607 = arith.index_cast %mul3A_591 : i32 to index
      %swap3A_608 = tpu.vector_load %swap3A_606[%swap3A_607] {strides = array<i32>} : memref<1024xf32, #tpu.memory_space<vmem>>, vector<16xf32>,
      %swap3A_609 = vector.shape_cast %swap3A_608 : vector<16xf32> to vector<16xf32>
      %swap3A_610 = vector.shape_cast %get3A_602 : vector<16xf32> to vector<16xf32>
      tpu.vector_store %swap3A_606[%swap3A_607], %swap3A_610 {add = true, strides = array<i32>} : memref<1024xf32, #tpu.memory_space<vmem>>, vector<16xf32>,
      %mul3A_611 = arith.constant 16 : i32
      %mul3A_612 = arith.muli %scan3A_316, %mul3A_611 : i32
      %mul3A_613 = arith.constant 16 : i32
      %mul3A_614 = arith.muli %scan3A_316, %mul3A_613 : i32
      %add3A_615 = arith.constant 14336 : i32
      %add3A_616 = arith.addi %add3A_615, %mul3A_614 : i32
      %get3A_617 = arith.constant 0 : i32
      %get3A_618 = arith.constant 0 : i32
      %get3A_619 = tpu.memref_slice %arg8[%get3A_617, %get3A_618] : memref<1x16384xf32, #tpu.memory_space<vmem>> -> memref<1x16384xf32, #tpu.memory_space<vmem>>
      %get3A_620 = tpu.memref_squeeze %get3A_619 : memref<1x16384xf32, #tpu.memory_space<vmem>> -> memref<16384xf32, #tpu.memory_space<vmem>>
      %get3A_621 = arith.index_cast %add3A_616 : i32 to index
      %get3A_622 = tpu.vector_load %get3A_620[%get3A_621] {strides = array<i32>} : memref<16384xf32, #tpu.memory_space<vmem>>, vector<16xf32>,
      %get3A_623 = vector.shape_cast %get3A_622 : vector<16xf32> to vector<16xf32>
      %swap3A_624 = arith.constant 14 : i32
      %swap3A_625 = arith.constant 0 : i32
      %swap3A_626 = tpu.memref_slice %arg11[%swap3A_624, %swap3A_625] : memref<16x1024xf32, #tpu.memory_space<vmem>> -> memref<1x1024xf32, #tpu.memory_space<vmem>>
      %swap3A_627 = tpu.memref_squeeze %swap3A_626 : memref<1x1024xf32, #tpu.memory_space<vmem>> -> memref<1024xf32, #tpu.memory_space<vmem>>
      %swap3A_628 = arith.index_cast %mul3A_612 : i32 to index
      %swap3A_629 = tpu.vector_load %swap3A_627[%swap3A_628] {strides = array<i32>} : memref<1024xf32, #tpu.memory_space<vmem>>, vector<16xf32>,
      %swap3A_630 = vector.shape_cast %swap3A_629 : vector<16xf32> to vector<16xf32>
      %swap3A_631 = vector.shape_cast %get3A_623 : vector<16xf32> to vector<16xf32>
      tpu.vector_store %swap3A_627[%swap3A_628], %swap3A_631 {add = true, strides = array<i32>} : memref<1024xf32, #tpu.memory_space<vmem>>, vector<16xf32>,
      %mul3A_632 = arith.constant 16 : i32
      %mul3A_633 = arith.muli %scan3A_316, %mul3A_632 : i32
      %mul3A_634 = arith.constant 16 : i32
      %mul3A_635 = arith.muli %scan3A_316, %mul3A_634 : i32
      %add3A_636 = arith.constant 15360 : i32
      %add3A_637 = arith.addi %add3A_636, %mul3A_635 : i32
      %get3A_638 = arith.constant 0 : i32
      %get3A_639 = arith.constant 0 : i32
      %get3A_640 = tpu.memref_slice %arg8[%get3A_638, %get3A_639] : memref<1x16384xf32, #tpu.memory_space<vmem>> -> memref<1x16384xf32, #tpu.memory_space<vmem>>
      %get3A_641 = tpu.memref_squeeze %get3A_640 : memref<1x16384xf32, #tpu.memory_space<vmem>> -> memref<16384xf32, #tpu.memory_space<vmem>>
      %get3A_642 = arith.index_cast %add3A_637 : i32 to index
      %get3A_643 = tpu.vector_load %get3A_641[%get3A_642] {strides = array<i32>} : memref<16384xf32, #tpu.memory_space<vmem>>, vector<16xf32>,
      %get3A_644 = vector.shape_cast %get3A_643 : vector<16xf32> to vector<16xf32>
      %swap3A_645 = arith.constant 15 : i32
      %swap3A_646 = arith.constant 0 : i32
      %swap3A_647 = tpu.memref_slice %arg11[%swap3A_645, %swap3A_646] : memref<16x1024xf32, #tpu.memory_space<vmem>> -> memref<1x1024xf32, #tpu.memory_space<vmem>>
      %swap3A_648 = tpu.memref_squeeze %swap3A_647 : memref<1x1024xf32, #tpu.memory_space<vmem>> -> memref<1024xf32, #tpu.memory_space<vmem>>
      %swap3A_649 = arith.index_cast %mul3A_633 : i32 to index
      %swap3A_650 = tpu.vector_load %swap3A_648[%swap3A_649] {strides = array<i32>} : memref<1024xf32, #tpu.memory_space<vmem>>, vector<16xf32>,
      %swap3A_651 = vector.shape_cast %swap3A_650 : vector<16xf32> to vector<16xf32>
      %swap3A_652 = vector.shape_cast %get3A_644 : vector<16xf32> to vector<16xf32>
      tpu.vector_store %swap3A_648[%swap3A_649], %swap3A_652 {add = true, strides = array<i32>} : memref<1024xf32, #tpu.memory_space<vmem>>, vector<16xf32>,
      %scan3A_653 = arith.constant 0 : i32
      scf.yield %scan3A_653 : i32
    }
    %scan3A_89 = arith.constant 64 : i32
    %mul3A_90 = arith.constant 128 : i32
    %mul3A_91 = arith.muli %add3A, %mul3A_90 : i32
    %add3A_92 = arith.constant 16 : i32
    %add3A_93 = arith.addi %mul3A_91, %add3A_92 : i32
    %dma_start3A_94 = arith.constant 0 : i32
    %dma_start3A_95 = tpu.memref_slice %arg5[%add3A_93, %dma_start3A_94] : memref<4096x1024xf32, #tpu.memory_space<hbm>> -> memref<16x1024xf32, #tpu.memory_space<hbm>>
    %dma_start3A_96 = arith.constant 0 : i32
    %dma_start3A_97 = tpu.memref_slice %arg5[%add3A_93, %dma_start3A_96] : memref<4096x1024xf32, #tpu.memory_space<hbm>> -> memref<16x1024xf32, #tpu.memory_space<hbm>>
    tpu.enqueue_dma source(%arg11 : memref<16x1024xf32, #tpu.memory_space<vmem>>) target(%dma_start3A_97 : memref<16x1024xf32, #tpu.memory_space<hbm>>) target_semaphore(%arg14 : memref<!tpu.dma_semaphore, #tpu.memory_space<semaphore_mem>>)
    %dma_wait3A_98 = arith.constant 0 : i32
    %dma_wait3A_99 = tpu.memref_slice %arg5[%add3A_93, %dma_wait3A_98] : memref<4096x1024xf32, #tpu.memory_space<hbm>> -> memref<16x1024xf32, #tpu.memory_space<hbm>>
    %dma_wait3A_100 = arith.constant 0 : i32
    %dma_wait3A_101 = tpu.memref_slice %arg5[%add3A_93, %dma_wait3A_100] : memref<4096x1024xf32, #tpu.memory_space<hbm>> -> memref<16x1024xf32, #tpu.memory_space<hbm>>
    tpu.wait_dma2 semaphore(%arg14 : memref<!tpu.dma_semaphore, #tpu.memory_space<semaphore_mem>>) src(%arg11 : memref<16x1024xf32, #tpu.memory_space<vmem>>) dst(%dma_wait3A_101 : memref<16x1024xf32, #tpu.memory_space<hbm>>)
    %dma_start3A_102 = arith.constant 65536 : i32
    %dma_start3A_103 = tpu.memref_slice %arg3[%squeeze3A, %dma_start3A_102] : memref<64x131072xf32, #tpu.memory_space<hbm>> -> memref<1x16384xf32, #tpu.memory_space<hbm>>
    %dma_start3A_104 = arith.constant 65536 : i32
    %dma_start3A_105 = tpu.memref_slice %arg3[%squeeze3A, %dma_start3A_104] : memref<64x131072xf32, #tpu.memory_space<hbm>> -> memref<1x16384xf32, #tpu.memory_space<hbm>>
    tpu.enqueue_dma source(%dma_start3A_105 : memref<1x16384xf32, #tpu.memory_space<hbm>>) target(%arg8 : memref<1x16384xf32, #tpu.memory_space<vmem>>) target_semaphore(%arg13 : memref<!tpu.dma_semaphore, #tpu.memory_space<semaphore_mem>>)
    %dma_start3A_106 = arith.constant 64 : i32
    %dma_start3A_107 = arith.constant 0 : i32
    %dma_start3A_108 = tpu.memref_slice %arg4[%dma_start3A_106, %dma_start3A_107] : memref<128x1024xf32, #tpu.memory_space<hbm>> -> memref<16x1024xf32, #tpu.memory_space<hbm>>
    %dma_start3A_109 = arith.constant 64 : i32
    %dma_start3A_110 = arith.constant 0 : i32
    %dma_start3A_111 = tpu.memref_slice %arg4[%dma_start3A_109, %dma_start3A_110] : memref<128x1024xf32, #tpu.memory_space<hbm>> -> memref<16x1024xf32, #tpu.memory_space<hbm>>
    tpu.enqueue_dma source(%dma_start3A_111 : memref<16x1024xf32, #tpu.memory_space<hbm>>) target(%arg11 : memref<16x1024xf32, #tpu.memory_space<vmem>>) target_semaphore(%arg13 : memref<!tpu.dma_semaphore, #tpu.memory_space<semaphore_mem>>)
    %dma_wait3A_112 = arith.constant 32768 : i32
    %dma_wait3A_113 = tpu.memref_slice %arg3[%squeeze3A, %dma_wait3A_112] : memref<64x131072xf32, #tpu.memory_space<hbm>> -> memref<1x16384xf32, #tpu.memory_space<hbm>>
    %dma_wait3A_114 = arith.constant 32768 : i32
    %dma_wait3A_115 = tpu.memref_slice %arg3[%squeeze3A, %dma_wait3A_114] : memref<64x131072xf32, #tpu.memory_space<hbm>> -> memref<1x16384xf32, #tpu.memory_space<hbm>>
    tpu.wait_dma2 semaphore(%arg13 : memref<!tpu.dma_semaphore, #tpu.memory_space<semaphore_mem>>) src(%dma_wait3A_115 : memref<1x16384xf32, #tpu.memory_space<hbm>>) dst(%arg9 : memref<1x16384xf32, #tpu.memory_space<vmem>>)
    %dma_wait3A_116 = arith.constant 32 : i32
    %dma_wait3A_117 = arith.constant 0 : i32
    %dma_wait3A_118 = tpu.memref_slice %arg4[%dma_wait3A_116, %dma_wait3A_117] : memref<128x1024xf32, #tpu.memory_space<hbm>> -> memref<16x1024xf32, #tpu.memory_space<hbm>>
    %dma_wait3A_119 = arith.constant 32 : i32
    %dma_wait3A_120 = arith.constant 0 : i32
    %dma_wait3A_121 = tpu.memref_slice %arg4[%dma_wait3A_119, %dma_wait3A_120] : memref<128x1024xf32, #tpu.memory_space<hbm>> -> memref<16x1024xf32, #tpu.memory_space<hbm>>
    tpu.wait_dma2 semaphore(%arg13 : memref<!tpu.dma_semaphore, #tpu.memory_space<semaphore_mem>>) src(%dma_wait3A_121 : memref<16x1024xf32, #tpu.memory_space<hbm>>) dst(%arg12 : memref<16x1024xf32, #tpu.memory_space<vmem>>)
    %scan3A_122 = arith.constant 0 : i32
    %scan3A_123 = arith.constant 0 : i32
    %scan3A_124 = arith.constant 64 : i32
    %scan3A_125 = arith.addi %scan3A_123, %scan3A_124 : i32
    %scan3A_126 = arith.constant 1 : i32
    %scan3A_127 = scf.for %scan3A_316 = %scan3A_123 to %scan3A_125 step %scan3A_126 iter_args(%scan3A_317 = %scan3A_122) -> (i32)  : i32 {
      %mul3A_318 = arith.constant 16 : i32
      %mul3A_319 = arith.muli %scan3A_316, %mul3A_318 : i32
      %mul3A_320 = arith.constant 16 : i32
      %mul3A_321 = arith.muli %scan3A_316, %mul3A_320 : i32
      %add3A_322 = arith.constant 0 : i32
      %add3A_323 = arith.addi %add3A_322, %mul3A_321 : i32
      %get3A_324 = arith.constant 0 : i32
      %get3A_325 = arith.constant 0 : i32
      %get3A_326 = tpu.memref_slice %arg9[%get3A_324, %get3A_325] : memref<1x16384xf32, #tpu.memory_space<vmem>> -> memref<1x16384xf32, #tpu.memory_space<vmem>>
      %get3A_327 = tpu.memref_squeeze %get3A_326 : memref<1x16384xf32, #tpu.memory_space<vmem>> -> memref<16384xf32, #tpu.memory_space<vmem>>
      %get3A_328 = arith.index_cast %add3A_323 : i32 to index
      %get3A_329 = tpu.vector_load %get3A_327[%get3A_328] {strides = array<i32>} : memref<16384xf32, #tpu.memory_space<vmem>>, vector<16xf32>,
      %get3A_330 = vector.shape_cast %get3A_329 : vector<16xf32> to vector<16xf32>
      %swap3A = arith.constant 0 : i32
      %swap3A_331 = arith.constant 0 : i32
      %swap3A_332 = tpu.memref_slice %arg12[%swap3A, %swap3A_331] : memref<16x1024xf32, #tpu.memory_space<vmem>> -> memref<1x1024xf32, #tpu.memory_space<vmem>>
      %swap3A_333 = tpu.memref_squeeze %swap3A_332 : memref<1x1024xf32, #tpu.memory_space<vmem>> -> memref<1024xf32, #tpu.memory_space<vmem>>
      %swap3A_334 = arith.index_cast %mul3A_319 : i32 to index
      %swap3A_335 = tpu.vector_load %swap3A_333[%swap3A_334] {strides = array<i32>} : memref<1024xf32, #tpu.memory_space<vmem>>, vector<16xf32>,
      %swap3A_336 = vector.shape_cast %swap3A_335 : vector<16xf32> to vector<16xf32>
      %swap3A_337 = vector.shape_cast %get3A_330 : vector<16xf32> to vector<16xf32>
      tpu.vector_store %swap3A_333[%swap3A_334], %swap3A_337 {add = true, strides = array<i32>} : memref<1024xf32, #tpu.memory_space<vmem>>, vector<16xf32>,
      %mul3A_338 = arith.constant 16 : i32
      %mul3A_339 = arith.muli %scan3A_316, %mul3A_338 : i32
      %mul3A_340 = arith.constant 16 : i32
      %mul3A_341 = arith.muli %scan3A_316, %mul3A_340 : i32
      %add3A_342 = arith.constant 1024 : i32
      %add3A_343 = arith.addi %add3A_342, %mul3A_341 : i32
      %get3A_344 = arith.constant 0 : i32
      %get3A_345 = arith.constant 0 : i32
      %get3A_346 = tpu.memref_slice %arg9[%get3A_344, %get3A_345] : memref<1x16384xf32, #tpu.memory_space<vmem>> -> memref<1x16384xf32, #tpu.memory_space<vmem>>
      %get3A_347 = tpu.memref_squeeze %get3A_346 : memref<1x16384xf32, #tpu.memory_space<vmem>> -> memref<16384xf32, #tpu.memory_space<vmem>>
      %get3A_348 = arith.index_cast %add3A_343 : i32 to index
      %get3A_349 = tpu.vector_load %get3A_347[%get3A_348] {strides = array<i32>} : memref<16384xf32, #tpu.memory_space<vmem>>, vector<16xf32>,
      %get3A_350 = vector.shape_cast %get3A_349 : vector<16xf32> to vector<16xf32>
      %swap3A_351 = arith.constant 1 : i32
      %swap3A_352 = arith.constant 0 : i32
      %swap3A_353 = tpu.memref_slice %arg12[%swap3A_351, %swap3A_352] : memref<16x1024xf32, #tpu.memory_space<vmem>> -> memref<1x1024xf32, #tpu.memory_space<vmem>>
      %swap3A_354 = tpu.memref_squeeze %swap3A_353 : memref<1x1024xf32, #tpu.memory_space<vmem>> -> memref<1024xf32, #tpu.memory_space<vmem>>
      %swap3A_355 = arith.index_cast %mul3A_339 : i32 to index
      %swap3A_356 = tpu.vector_load %swap3A_354[%swap3A_355] {strides = array<i32>} : memref<1024xf32, #tpu.memory_space<vmem>>, vector<16xf32>,
      %swap3A_357 = vector.shape_cast %swap3A_356 : vector<16xf32> to vector<16xf32>
      %swap3A_358 = vector.shape_cast %get3A_350 : vector<16xf32> to vector<16xf32>
      tpu.vector_store %swap3A_354[%swap3A_355], %swap3A_358 {add = true, strides = array<i32>} : memref<1024xf32, #tpu.memory_space<vmem>>, vector<16xf32>,
      %mul3A_359 = arith.constant 16 : i32
      %mul3A_360 = arith.muli %scan3A_316, %mul3A_359 : i32
      %mul3A_361 = arith.constant 16 : i32
      %mul3A_362 = arith.muli %scan3A_316, %mul3A_361 : i32
      %add3A_363 = arith.constant 2048 : i32
      %add3A_364 = arith.addi %add3A_363, %mul3A_362 : i32
      %get3A_365 = arith.constant 0 : i32
      %get3A_366 = arith.constant 0 : i32
      %get3A_367 = tpu.memref_slice %arg9[%get3A_365, %get3A_366] : memref<1x16384xf32, #tpu.memory_space<vmem>> -> memref<1x16384xf32, #tpu.memory_space<vmem>>
      %get3A_368 = tpu.memref_squeeze %get3A_367 : memref<1x16384xf32, #tpu.memory_space<vmem>> -> memref<16384xf32, #tpu.memory_space<vmem>>
      %get3A_369 = arith.index_cast %add3A_364 : i32 to index
      %get3A_370 = tpu.vector_load %get3A_368[%get3A_369] {strides = array<i32>} : memref<16384xf32, #tpu.memory_space<vmem>>, vector<16xf32>,
      %get3A_371 = vector.shape_cast %get3A_370 : vector<16xf32> to vector<16xf32>
      %swap3A_372 = arith.constant 2 : i32
      %swap3A_373 = arith.constant 0 : i32
      %swap3A_374 = tpu.memref_slice %arg12[%swap3A_372, %swap3A_373] : memref<16x1024xf32, #tpu.memory_space<vmem>> -> memref<1x1024xf32, #tpu.memory_space<vmem>>
      %swap3A_375 = tpu.memref_squeeze %swap3A_374 : memref<1x1024xf32, #tpu.memory_space<vmem>> -> memref<1024xf32, #tpu.memory_space<vmem>>
      %swap3A_376 = arith.index_cast %mul3A_360 : i32 to index
      %swap3A_377 = tpu.vector_load %swap3A_375[%swap3A_376] {strides = array<i32>} : memref<1024xf32, #tpu.memory_space<vmem>>, vector<16xf32>,
      %swap3A_378 = vector.shape_cast %swap3A_377 : vector<16xf32> to vector<16xf32>
      %swap3A_379 = vector.shape_cast %get3A_371 : vector<16xf32> to vector<16xf32>
      tpu.vector_store %swap3A_375[%swap3A_376], %swap3A_379 {add = true, strides = array<i32>} : memref<1024xf32, #tpu.memory_space<vmem>>, vector<16xf32>,
      %mul3A_380 = arith.constant 16 : i32
      %mul3A_381 = arith.muli %scan3A_316, %mul3A_380 : i32
      %mul3A_382 = arith.constant 16 : i32
      %mul3A_383 = arith.muli %scan3A_316, %mul3A_382 : i32
      %add3A_384 = arith.constant 3072 : i32
      %add3A_385 = arith.addi %add3A_384, %mul3A_383 : i32
      %get3A_386 = arith.constant 0 : i32
      %get3A_387 = arith.constant 0 : i32
      %get3A_388 = tpu.memref_slice %arg9[%get3A_386, %get3A_387] : memref<1x16384xf32, #tpu.memory_space<vmem>> -> memref<1x16384xf32, #tpu.memory_space<vmem>>
      %get3A_389 = tpu.memref_squeeze %get3A_388 : memref<1x16384xf32, #tpu.memory_space<vmem>> -> memref<16384xf32, #tpu.memory_space<vmem>>
      %get3A_390 = arith.index_cast %add3A_385 : i32 to index
      %get3A_391 = tpu.vector_load %get3A_389[%get3A_390] {strides = array<i32>} : memref<16384xf32, #tpu.memory_space<vmem>>, vector<16xf32>,
      %get3A_392 = vector.shape_cast %get3A_391 : vector<16xf32> to vector<16xf32>
      %swap3A_393 = arith.constant 3 : i32
      %swap3A_394 = arith.constant 0 : i32
      %swap3A_395 = tpu.memref_slice %arg12[%swap3A_393, %swap3A_394] : memref<16x1024xf32, #tpu.memory_space<vmem>> -> memref<1x1024xf32, #tpu.memory_space<vmem>>
      %swap3A_396 = tpu.memref_squeeze %swap3A_395 : memref<1x1024xf32, #tpu.memory_space<vmem>> -> memref<1024xf32, #tpu.memory_space<vmem>>
      %swap3A_397 = arith.index_cast %mul3A_381 : i32 to index
      %swap3A_398 = tpu.vector_load %swap3A_396[%swap3A_397] {strides = array<i32>} : memref<1024xf32, #tpu.memory_space<vmem>>, vector<16xf32>,
      %swap3A_399 = vector.shape_cast %swap3A_398 : vector<16xf32> to vector<16xf32>
      %swap3A_400 = vector.shape_cast %get3A_392 : vector<16xf32> to vector<16xf32>
      tpu.vector_store %swap3A_396[%swap3A_397], %swap3A_400 {add = true, strides = array<i32>} : memref<1024xf32, #tpu.memory_space<vmem>>, vector<16xf32>,
      %mul3A_401 = arith.constant 16 : i32
      %mul3A_402 = arith.muli %scan3A_316, %mul3A_401 : i32
      %mul3A_403 = arith.constant 16 : i32
      %mul3A_404 = arith.muli %scan3A_316, %mul3A_403 : i32
      %add3A_405 = arith.constant 4096 : i32
      %add3A_406 = arith.addi %add3A_405, %mul3A_404 : i32
      %get3A_407 = arith.constant 0 : i32
      %get3A_408 = arith.constant 0 : i32
      %get3A_409 = tpu.memref_slice %arg9[%get3A_407, %get3A_408] : memref<1x16384xf32, #tpu.memory_space<vmem>> -> memref<1x16384xf32, #tpu.memory_space<vmem>>
      %get3A_410 = tpu.memref_squeeze %get3A_409 : memref<1x16384xf32, #tpu.memory_space<vmem>> -> memref<16384xf32, #tpu.memory_space<vmem>>
      %get3A_411 = arith.index_cast %add3A_406 : i32 to index
      %get3A_412 = tpu.vector_load %get3A_410[%get3A_411] {strides = array<i32>} : memref<16384xf32, #tpu.memory_space<vmem>>, vector<16xf32>,
      %get3A_413 = vector.shape_cast %get3A_412 : vector<16xf32> to vector<16xf32>
      %swap3A_414 = arith.constant 4 : i32
      %swap3A_415 = arith.constant 0 : i32
      %swap3A_416 = tpu.memref_slice %arg12[%swap3A_414, %swap3A_415] : memref<16x1024xf32, #tpu.memory_space<vmem>> -> memref<1x1024xf32, #tpu.memory_space<vmem>>
      %swap3A_417 = tpu.memref_squeeze %swap3A_416 : memref<1x1024xf32, #tpu.memory_space<vmem>> -> memref<1024xf32, #tpu.memory_space<vmem>>
      %swap3A_418 = arith.index_cast %mul3A_402 : i32 to index
      %swap3A_419 = tpu.vector_load %swap3A_417[%swap3A_418] {strides = array<i32>} : memref<1024xf32, #tpu.memory_space<vmem>>, vector<16xf32>,
      %swap3A_420 = vector.shape_cast %swap3A_419 : vector<16xf32> to vector<16xf32>
      %swap3A_421 = vector.shape_cast %get3A_413 : vector<16xf32> to vector<16xf32>
      tpu.vector_store %swap3A_417[%swap3A_418], %swap3A_421 {add = true, strides = array<i32>} : memref<1024xf32, #tpu.memory_space<vmem>>, vector<16xf32>,
      %mul3A_422 = arith.constant 16 : i32
      %mul3A_423 = arith.muli %scan3A_316, %mul3A_422 : i32
      %mul3A_424 = arith.constant 16 : i32
      %mul3A_425 = arith.muli %scan3A_316, %mul3A_424 : i32
      %add3A_426 = arith.constant 5120 : i32
      %add3A_427 = arith.addi %add3A_426, %mul3A_425 : i32
      %get3A_428 = arith.constant 0 : i32
      %get3A_429 = arith.constant 0 : i32
      %get3A_430 = tpu.memref_slice %arg9[%get3A_428, %get3A_429] : memref<1x16384xf32, #tpu.memory_space<vmem>> -> memref<1x16384xf32, #tpu.memory_space<vmem>>
      %get3A_431 = tpu.memref_squeeze %get3A_430 : memref<1x16384xf32, #tpu.memory_space<vmem>> -> memref<16384xf32, #tpu.memory_space<vmem>>
      %get3A_432 = arith.index_cast %add3A_427 : i32 to index
      %get3A_433 = tpu.vector_load %get3A_431[%get3A_432] {strides = array<i32>} : memref<16384xf32, #tpu.memory_space<vmem>>, vector<16xf32>,
      %get3A_434 = vector.shape_cast %get3A_433 : vector<16xf32> to vector<16xf32>
      %swap3A_435 = arith.constant 5 : i32
      %swap3A_436 = arith.constant 0 : i32
      %swap3A_437 = tpu.memref_slice %arg12[%swap3A_435, %swap3A_436] : memref<16x1024xf32, #tpu.memory_space<vmem>> -> memref<1x1024xf32, #tpu.memory_space<vmem>>
      %swap3A_438 = tpu.memref_squeeze %swap3A_437 : memref<1x1024xf32, #tpu.memory_space<vmem>> -> memref<1024xf32, #tpu.memory_space<vmem>>
      %swap3A_439 = arith.index_cast %mul3A_423 : i32 to index
      %swap3A_440 = tpu.vector_load %swap3A_438[%swap3A_439] {strides = array<i32>} : memref<1024xf32, #tpu.memory_space<vmem>>, vector<16xf32>,
      %swap3A_441 = vector.shape_cast %swap3A_440 : vector<16xf32> to vector<16xf32>
      %swap3A_442 = vector.shape_cast %get3A_434 : vector<16xf32> to vector<16xf32>
      tpu.vector_store %swap3A_438[%swap3A_439], %swap3A_442 {add = true, strides = array<i32>} : memref<1024xf32, #tpu.memory_space<vmem>>, vector<16xf32>,
      %mul3A_443 = arith.constant 16 : i32
      %mul3A_444 = arith.muli %scan3A_316, %mul3A_443 : i32
      %mul3A_445 = arith.constant 16 : i32
      %mul3A_446 = arith.muli %scan3A_316, %mul3A_445 : i32
      %add3A_447 = arith.constant 6144 : i32
      %add3A_448 = arith.addi %add3A_447, %mul3A_446 : i32
      %get3A_449 = arith.constant 0 : i32
      %get3A_450 = arith.constant 0 : i32
      %get3A_451 = tpu.memref_slice %arg9[%get3A_449, %get3A_450] : memref<1x16384xf32, #tpu.memory_space<vmem>> -> memref<1x16384xf32, #tpu.memory_space<vmem>>
      %get3A_452 = tpu.memref_squeeze %get3A_451 : memref<1x16384xf32, #tpu.memory_space<vmem>> -> memref<16384xf32, #tpu.memory_space<vmem>>
      %get3A_453 = arith.index_cast %add3A_448 : i32 to index
      %get3A_454 = tpu.vector_load %get3A_452[%get3A_453] {strides = array<i32>} : memref<16384xf32, #tpu.memory_space<vmem>>, vector<16xf32>,
      %get3A_455 = vector.shape_cast %get3A_454 : vector<16xf32> to vector<16xf32>
      %swap3A_456 = arith.constant 6 : i32
      %swap3A_457 = arith.constant 0 : i32
      %swap3A_458 = tpu.memref_slice %arg12[%swap3A_456, %swap3A_457] : memref<16x1024xf32, #tpu.memory_space<vmem>> -> memref<1x1024xf32, #tpu.memory_space<vmem>>
      %swap3A_459 = tpu.memref_squeeze %swap3A_458 : memref<1x1024xf32, #tpu.memory_space<vmem>> -> memref<1024xf32, #tpu.memory_space<vmem>>
      %swap3A_460 = arith.index_cast %mul3A_444 : i32 to index
      %swap3A_461 = tpu.vector_load %swap3A_459[%swap3A_460] {strides = array<i32>} : memref<1024xf32, #tpu.memory_space<vmem>>, vector<16xf32>,
      %swap3A_462 = vector.shape_cast %swap3A_461 : vector<16xf32> to vector<16xf32>
      %swap3A_463 = vector.shape_cast %get3A_455 : vector<16xf32> to vector<16xf32>
      tpu.vector_store %swap3A_459[%swap3A_460], %swap3A_463 {add = true, strides = array<i32>} : memref<1024xf32, #tpu.memory_space<vmem>>, vector<16xf32>,
      %mul3A_464 = arith.constant 16 : i32
      %mul3A_465 = arith.muli %scan3A_316, %mul3A_464 : i32
      %mul3A_466 = arith.constant 16 : i32
      %mul3A_467 = arith.muli %scan3A_316, %mul3A_466 : i32
      %add3A_468 = arith.constant 7168 : i32
      %add3A_469 = arith.addi %add3A_468, %mul3A_467 : i32
      %get3A_470 = arith.constant 0 : i32
      %get3A_471 = arith.constant 0 : i32
      %get3A_472 = tpu.memref_slice %arg9[%get3A_470, %get3A_471] : memref<1x16384xf32, #tpu.memory_space<vmem>> -> memref<1x16384xf32, #tpu.memory_space<vmem>>
      %get3A_473 = tpu.memref_squeeze %get3A_472 : memref<1x16384xf32, #tpu.memory_space<vmem>> -> memref<16384xf32, #tpu.memory_space<vmem>>
      %get3A_474 = arith.index_cast %add3A_469 : i32 to index
      %get3A_475 = tpu.vector_load %get3A_473[%get3A_474] {strides = array<i32>} : memref<16384xf32, #tpu.memory_space<vmem>>, vector<16xf32>,
      %get3A_476 = vector.shape_cast %get3A_475 : vector<16xf32> to vector<16xf32>
      %swap3A_477 = arith.constant 7 : i32
      %swap3A_478 = arith.constant 0 : i32
      %swap3A_479 = tpu.memref_slice %arg12[%swap3A_477, %swap3A_478] : memref<16x1024xf32, #tpu.memory_space<vmem>> -> memref<1x1024xf32, #tpu.memory_space<vmem>>
      %swap3A_480 = tpu.memref_squeeze %swap3A_479 : memref<1x1024xf32, #tpu.memory_space<vmem>> -> memref<1024xf32, #tpu.memory_space<vmem>>
      %swap3A_481 = arith.index_cast %mul3A_465 : i32 to index
      %swap3A_482 = tpu.vector_load %swap3A_480[%swap3A_481] {strides = array<i32>} : memref<1024xf32, #tpu.memory_space<vmem>>, vector<16xf32>,
      %swap3A_483 = vector.shape_cast %swap3A_482 : vector<16xf32> to vector<16xf32>
      %swap3A_484 = vector.shape_cast %get3A_476 : vector<16xf32> to vector<16xf32>
      tpu.vector_store %swap3A_480[%swap3A_481], %swap3A_484 {add = true, strides = array<i32>} : memref<1024xf32, #tpu.memory_space<vmem>>, vector<16xf32>,
      %mul3A_485 = arith.constant 16 : i32
      %mul3A_486 = arith.muli %scan3A_316, %mul3A_485 : i32
      %mul3A_487 = arith.constant 16 : i32
      %mul3A_488 = arith.muli %scan3A_316, %mul3A_487 : i32
      %add3A_489 = arith.constant 8192 : i32
      %add3A_490 = arith.addi %add3A_489, %mul3A_488 : i32
      %get3A_491 = arith.constant 0 : i32
      %get3A_492 = arith.constant 0 : i32
      %get3A_493 = tpu.memref_slice %arg9[%get3A_491, %get3A_492] : memref<1x16384xf32, #tpu.memory_space<vmem>> -> memref<1x16384xf32, #tpu.memory_space<vmem>>
      %get3A_494 = tpu.memref_squeeze %get3A_493 : memref<1x16384xf32, #tpu.memory_space<vmem>> -> memref<16384xf32, #tpu.memory_space<vmem>>
      %get3A_495 = arith.index_cast %add3A_490 : i32 to index
      %get3A_496 = tpu.vector_load %get3A_494[%get3A_495] {strides = array<i32>} : memref<16384xf32, #tpu.memory_space<vmem>>, vector<16xf32>,
      %get3A_497 = vector.shape_cast %get3A_496 : vector<16xf32> to vector<16xf32>
      %swap3A_498 = arith.constant 8 : i32
      %swap3A_499 = arith.constant 0 : i32
      %swap3A_500 = tpu.memref_slice %arg12[%swap3A_498, %swap3A_499] : memref<16x1024xf32, #tpu.memory_space<vmem>> -> memref<1x1024xf32, #tpu.memory_space<vmem>>
      %swap3A_501 = tpu.memref_squeeze %swap3A_500 : memref<1x1024xf32, #tpu.memory_space<vmem>> -> memref<1024xf32, #tpu.memory_space<vmem>>
      %swap3A_502 = arith.index_cast %mul3A_486 : i32 to index
      %swap3A_503 = tpu.vector_load %swap3A_501[%swap3A_502] {strides = array<i32>} : memref<1024xf32, #tpu.memory_space<vmem>>, vector<16xf32>,
      %swap3A_504 = vector.shape_cast %swap3A_503 : vector<16xf32> to vector<16xf32>
      %swap3A_505 = vector.shape_cast %get3A_497 : vector<16xf32> to vector<16xf32>
      tpu.vector_store %swap3A_501[%swap3A_502], %swap3A_505 {add = true, strides = array<i32>} : memref<1024xf32, #tpu.memory_space<vmem>>, vector<16xf32>,
      %mul3A_506 = arith.constant 16 : i32
      %mul3A_507 = arith.muli %scan3A_316, %mul3A_506 : i32
      %mul3A_508 = arith.constant 16 : i32
      %mul3A_509 = arith.muli %scan3A_316, %mul3A_508 : i32
      %add3A_510 = arith.constant 9216 : i32
      %add3A_511 = arith.addi %add3A_510, %mul3A_509 : i32
      %get3A_512 = arith.constant 0 : i32
      %get3A_513 = arith.constant 0 : i32
      %get3A_514 = tpu.memref_slice %arg9[%get3A_512, %get3A_513] : memref<1x16384xf32, #tpu.memory_space<vmem>> -> memref<1x16384xf32, #tpu.memory_space<vmem>>
      %get3A_515 = tpu.memref_squeeze %get3A_514 : memref<1x16384xf32, #tpu.memory_space<vmem>> -> memref<16384xf32, #tpu.memory_space<vmem>>
      %get3A_516 = arith.index_cast %add3A_511 : i32 to index
      %get3A_517 = tpu.vector_load %get3A_515[%get3A_516] {strides = array<i32>} : memref<16384xf32, #tpu.memory_space<vmem>>, vector<16xf32>,
      %get3A_518 = vector.shape_cast %get3A_517 : vector<16xf32> to vector<16xf32>
      %swap3A_519 = arith.constant 9 : i32
      %swap3A_520 = arith.constant 0 : i32
      %swap3A_521 = tpu.memref_slice %arg12[%swap3A_519, %swap3A_520] : memref<16x1024xf32, #tpu.memory_space<vmem>> -> memref<1x1024xf32, #tpu.memory_space<vmem>>
      %swap3A_522 = tpu.memref_squeeze %swap3A_521 : memref<1x1024xf32, #tpu.memory_space<vmem>> -> memref<1024xf32, #tpu.memory_space<vmem>>
      %swap3A_523 = arith.index_cast %mul3A_507 : i32 to index
      %swap3A_524 = tpu.vector_load %swap3A_522[%swap3A_523] {strides = array<i32>} : memref<1024xf32, #tpu.memory_space<vmem>>, vector<16xf32>,
      %swap3A_525 = vector.shape_cast %swap3A_524 : vector<16xf32> to vector<16xf32>
      %swap3A_526 = vector.shape_cast %get3A_518 : vector<16xf32> to vector<16xf32>
      tpu.vector_store %swap3A_522[%swap3A_523], %swap3A_526 {add = true, strides = array<i32>} : memref<1024xf32, #tpu.memory_space<vmem>>, vector<16xf32>,
      %mul3A_527 = arith.constant 16 : i32
      %mul3A_528 = arith.muli %scan3A_316, %mul3A_527 : i32
      %mul3A_529 = arith.constant 16 : i32
      %mul3A_530 = arith.muli %scan3A_316, %mul3A_529 : i32
      %add3A_531 = arith.constant 10240 : i32
      %add3A_532 = arith.addi %add3A_531, %mul3A_530 : i32
      %get3A_533 = arith.constant 0 : i32
      %get3A_534 = arith.constant 0 : i32
      %get3A_535 = tpu.memref_slice %arg9[%get3A_533, %get3A_534] : memref<1x16384xf32, #tpu.memory_space<vmem>> -> memref<1x16384xf32, #tpu.memory_space<vmem>>
      %get3A_536 = tpu.memref_squeeze %get3A_535 : memref<1x16384xf32, #tpu.memory_space<vmem>> -> memref<16384xf32, #tpu.memory_space<vmem>>
      %get3A_537 = arith.index_cast %add3A_532 : i32 to index
      %get3A_538 = tpu.vector_load %get3A_536[%get3A_537] {strides = array<i32>} : memref<16384xf32, #tpu.memory_space<vmem>>, vector<16xf32>,
      %get3A_539 = vector.shape_cast %get3A_538 : vector<16xf32> to vector<16xf32>
      %swap3A_540 = arith.constant 10 : i32
      %swap3A_541 = arith.constant 0 : i32
      %swap3A_542 = tpu.memref_slice %arg12[%swap3A_540, %swap3A_541] : memref<16x1024xf32, #tpu.memory_space<vmem>> -> memref<1x1024xf32, #tpu.memory_space<vmem>>
      %swap3A_543 = tpu.memref_squeeze %swap3A_542 : memref<1x1024xf32, #tpu.memory_space<vmem>> -> memref<1024xf32, #tpu.memory_space<vmem>>
      %swap3A_544 = arith.index_cast %mul3A_528 : i32 to index
      %swap3A_545 = tpu.vector_load %swap3A_543[%swap3A_544] {strides = array<i32>} : memref<1024xf32, #tpu.memory_space<vmem>>, vector<16xf32>,
      %swap3A_546 = vector.shape_cast %swap3A_545 : vector<16xf32> to vector<16xf32>
      %swap3A_547 = vector.shape_cast %get3A_539 : vector<16xf32> to vector<16xf32>
      tpu.vector_store %swap3A_543[%swap3A_544], %swap3A_547 {add = true, strides = array<i32>} : memref<1024xf32, #tpu.memory_space<vmem>>, vector<16xf32>,
      %mul3A_548 = arith.constant 16 : i32
      %mul3A_549 = arith.muli %scan3A_316, %mul3A_548 : i32
      %mul3A_550 = arith.constant 16 : i32
      %mul3A_551 = arith.muli %scan3A_316, %mul3A_550 : i32
      %add3A_552 = arith.constant 11264 : i32
      %add3A_553 = arith.addi %add3A_552, %mul3A_551 : i32
      %get3A_554 = arith.constant 0 : i32
      %get3A_555 = arith.constant 0 : i32
      %get3A_556 = tpu.memref_slice %arg9[%get3A_554, %get3A_555] : memref<1x16384xf32, #tpu.memory_space<vmem>> -> memref<1x16384xf32, #tpu.memory_space<vmem>>
      %get3A_557 = tpu.memref_squeeze %get3A_556 : memref<1x16384xf32, #tpu.memory_space<vmem>> -> memref<16384xf32, #tpu.memory_space<vmem>>
      %get3A_558 = arith.index_cast %add3A_553 : i32 to index
      %get3A_559 = tpu.vector_load %get3A_557[%get3A_558] {strides = array<i32>} : memref<16384xf32, #tpu.memory_space<vmem>>, vector<16xf32>,
      %get3A_560 = vector.shape_cast %get3A_559 : vector<16xf32> to vector<16xf32>
      %swap3A_561 = arith.constant 11 : i32
      %swap3A_562 = arith.constant 0 : i32
      %swap3A_563 = tpu.memref_slice %arg12[%swap3A_561, %swap3A_562] : memref<16x1024xf32, #tpu.memory_space<vmem>> -> memref<1x1024xf32, #tpu.memory_space<vmem>>
      %swap3A_564 = tpu.memref_squeeze %swap3A_563 : memref<1x1024xf32, #tpu.memory_space<vmem>> -> memref<1024xf32, #tpu.memory_space<vmem>>
      %swap3A_565 = arith.index_cast %mul3A_549 : i32 to index
      %swap3A_566 = tpu.vector_load %swap3A_564[%swap3A_565] {strides = array<i32>} : memref<1024xf32, #tpu.memory_space<vmem>>, vector<16xf32>,
      %swap3A_567 = vector.shape_cast %swap3A_566 : vector<16xf32> to vector<16xf32>
      %swap3A_568 = vector.shape_cast %get3A_560 : vector<16xf32> to vector<16xf32>
      tpu.vector_store %swap3A_564[%swap3A_565], %swap3A_568 {add = true, strides = array<i32>} : memref<1024xf32, #tpu.memory_space<vmem>>, vector<16xf32>,
      %mul3A_569 = arith.constant 16 : i32
      %mul3A_570 = arith.muli %scan3A_316, %mul3A_569 : i32
      %mul3A_571 = arith.constant 16 : i32
      %mul3A_572 = arith.muli %scan3A_316, %mul3A_571 : i32
      %add3A_573 = arith.constant 12288 : i32
      %add3A_574 = arith.addi %add3A_573, %mul3A_572 : i32
      %get3A_575 = arith.constant 0 : i32
      %get3A_576 = arith.constant 0 : i32
      %get3A_577 = tpu.memref_slice %arg9[%get3A_575, %get3A_576] : memref<1x16384xf32, #tpu.memory_space<vmem>> -> memref<1x16384xf32, #tpu.memory_space<vmem>>
      %get3A_578 = tpu.memref_squeeze %get3A_577 : memref<1x16384xf32, #tpu.memory_space<vmem>> -> memref<16384xf32, #tpu.memory_space<vmem>>
      %get3A_579 = arith.index_cast %add3A_574 : i32 to index
      %get3A_580 = tpu.vector_load %get3A_578[%get3A_579] {strides = array<i32>} : memref<16384xf32, #tpu.memory_space<vmem>>, vector<16xf32>,
      %get3A_581 = vector.shape_cast %get3A_580 : vector<16xf32> to vector<16xf32>
      %swap3A_582 = arith.constant 12 : i32
      %swap3A_583 = arith.constant 0 : i32
      %swap3A_584 = tpu.memref_slice %arg12[%swap3A_582, %swap3A_583] : memref<16x1024xf32, #tpu.memory_space<vmem>> -> memref<1x1024xf32, #tpu.memory_space<vmem>>
      %swap3A_585 = tpu.memref_squeeze %swap3A_584 : memref<1x1024xf32, #tpu.memory_space<vmem>> -> memref<1024xf32, #tpu.memory_space<vmem>>
      %swap3A_586 = arith.index_cast %mul3A_570 : i32 to index
      %swap3A_587 = tpu.vector_load %swap3A_585[%swap3A_586] {strides = array<i32>} : memref<1024xf32, #tpu.memory_space<vmem>>, vector<16xf32>,
      %swap3A_588 = vector.shape_cast %swap3A_587 : vector<16xf32> to vector<16xf32>
      %swap3A_589 = vector.shape_cast %get3A_581 : vector<16xf32> to vector<16xf32>
      tpu.vector_store %swap3A_585[%swap3A_586], %swap3A_589 {add = true, strides = array<i32>} : memref<1024xf32, #tpu.memory_space<vmem>>, vector<16xf32>,
      %mul3A_590 = arith.constant 16 : i32
      %mul3A_591 = arith.muli %scan3A_316, %mul3A_590 : i32
      %mul3A_592 = arith.constant 16 : i32
      %mul3A_593 = arith.muli %scan3A_316, %mul3A_592 : i32
      %add3A_594 = arith.constant 13312 : i32
      %add3A_595 = arith.addi %add3A_594, %mul3A_593 : i32
      %get3A_596 = arith.constant 0 : i32
      %get3A_597 = arith.constant 0 : i32
      %get3A_598 = tpu.memref_slice %arg9[%get3A_596, %get3A_597] : memref<1x16384xf32, #tpu.memory_space<vmem>> -> memref<1x16384xf32, #tpu.memory_space<vmem>>
      %get3A_599 = tpu.memref_squeeze %get3A_598 : memref<1x16384xf32, #tpu.memory_space<vmem>> -> memref<16384xf32, #tpu.memory_space<vmem>>
      %get3A_600 = arith.index_cast %add3A_595 : i32 to index
      %get3A_601 = tpu.vector_load %get3A_599[%get3A_600] {strides = array<i32>} : memref<16384xf32, #tpu.memory_space<vmem>>, vector<16xf32>,
      %get3A_602 = vector.shape_cast %get3A_601 : vector<16xf32> to vector<16xf32>
      %swap3A_603 = arith.constant 13 : i32
      %swap3A_604 = arith.constant 0 : i32
      %swap3A_605 = tpu.memref_slice %arg12[%swap3A_603, %swap3A_604] : memref<16x1024xf32, #tpu.memory_space<vmem>> -> memref<1x1024xf32, #tpu.memory_space<vmem>>
      %swap3A_606 = tpu.memref_squeeze %swap3A_605 : memref<1x1024xf32, #tpu.memory_space<vmem>> -> memref<1024xf32, #tpu.memory_space<vmem>>
      %swap3A_607 = arith.index_cast %mul3A_591 : i32 to index
      %swap3A_608 = tpu.vector_load %swap3A_606[%swap3A_607] {strides = array<i32>} : memref<1024xf32, #tpu.memory_space<vmem>>, vector<16xf32>,
      %swap3A_609 = vector.shape_cast %swap3A_608 : vector<16xf32> to vector<16xf32>
      %swap3A_610 = vector.shape_cast %get3A_602 : vector<16xf32> to vector<16xf32>
      tpu.vector_store %swap3A_606[%swap3A_607], %swap3A_610 {add = true, strides = array<i32>} : memref<1024xf32, #tpu.memory_space<vmem>>, vector<16xf32>,
      %mul3A_611 = arith.constant 16 : i32
      %mul3A_612 = arith.muli %scan3A_316, %mul3A_611 : i32
      %mul3A_613 = arith.constant 16 : i32
      %mul3A_614 = arith.muli %scan3A_316, %mul3A_613 : i32
      %add3A_615 = arith.constant 14336 : i32
      %add3A_616 = arith.addi %add3A_615, %mul3A_614 : i32
      %get3A_617 = arith.constant 0 : i32
      %get3A_618 = arith.constant 0 : i32
      %get3A_619 = tpu.memref_slice %arg9[%get3A_617, %get3A_618] : memref<1x16384xf32, #tpu.memory_space<vmem>> -> memref<1x16384xf32, #tpu.memory_space<vmem>>
      %get3A_620 = tpu.memref_squeeze %get3A_619 : memref<1x16384xf32, #tpu.memory_space<vmem>> -> memref<16384xf32, #tpu.memory_space<vmem>>
      %get3A_621 = arith.index_cast %add3A_616 : i32 to index
      %get3A_622 = tpu.vector_load %get3A_620[%get3A_621] {strides = array<i32>} : memref<16384xf32, #tpu.memory_space<vmem>>, vector<16xf32>,
      %get3A_623 = vector.shape_cast %get3A_622 : vector<16xf32> to vector<16xf32>
      %swap3A_624 = arith.constant 14 : i32
      %swap3A_625 = arith.constant 0 : i32
      %swap3A_626 = tpu.memref_slice %arg12[%swap3A_624, %swap3A_625] : memref<16x1024xf32, #tpu.memory_space<vmem>> -> memref<1x1024xf32, #tpu.memory_space<vmem>>
      %swap3A_627 = tpu.memref_squeeze %swap3A_626 : memref<1x1024xf32, #tpu.memory_space<vmem>> -> memref<1024xf32, #tpu.memory_space<vmem>>
      %swap3A_628 = arith.index_cast %mul3A_612 : i32 to index
      %swap3A_629 = tpu.vector_load %swap3A_627[%swap3A_628] {strides = array<i32>} : memref<1024xf32, #tpu.memory_space<vmem>>, vector<16xf32>,
      %swap3A_630 = vector.shape_cast %swap3A_629 : vector<16xf32> to vector<16xf32>
      %swap3A_631 = vector.shape_cast %get3A_623 : vector<16xf32> to vector<16xf32>
      tpu.vector_store %swap3A_627[%swap3A_628], %swap3A_631 {add = true, strides = array<i32>} : memref<1024xf32, #tpu.memory_space<vmem>>, vector<16xf32>,
      %mul3A_632 = arith.constant 16 : i32
      %mul3A_633 = arith.muli %scan3A_316, %mul3A_632 : i32
      %mul3A_634 = arith.constant 16 : i32
      %mul3A_635 = arith.muli %scan3A_316, %mul3A_634 : i32
      %add3A_636 = arith.constant 15360 : i32
      %add3A_637 = arith.addi %add3A_636, %mul3A_635 : i32
      %get3A_638 = arith.constant 0 : i32
      %get3A_639 = arith.constant 0 : i32
      %get3A_640 = tpu.memref_slice %arg9[%get3A_638, %get3A_639] : memref<1x16384xf32, #tpu.memory_space<vmem>> -> memref<1x16384xf32, #tpu.memory_space<vmem>>
      %get3A_641 = tpu.memref_squeeze %get3A_640 : memref<1x16384xf32, #tpu.memory_space<vmem>> -> memref<16384xf32, #tpu.memory_space<vmem>>
      %get3A_642 = arith.index_cast %add3A_637 : i32 to index
      %get3A_643 = tpu.vector_load %get3A_641[%get3A_642] {strides = array<i32>} : memref<16384xf32, #tpu.memory_space<vmem>>, vector<16xf32>,
      %get3A_644 = vector.shape_cast %get3A_643 : vector<16xf32> to vector<16xf32>
      %swap3A_645 = arith.constant 15 : i32
      %swap3A_646 = arith.constant 0 : i32
      %swap3A_647 = tpu.memref_slice %arg12[%swap3A_645, %swap3A_646] : memref<16x1024xf32, #tpu.memory_space<vmem>> -> memref<1x1024xf32, #tpu.memory_space<vmem>>
      %swap3A_648 = tpu.memref_squeeze %swap3A_647 : memref<1x1024xf32, #tpu.memory_space<vmem>> -> memref<1024xf32, #tpu.memory_space<vmem>>
      %swap3A_649 = arith.index_cast %mul3A_633 : i32 to index
      %swap3A_650 = tpu.vector_load %swap3A_648[%swap3A_649] {strides = array<i32>} : memref<1024xf32, #tpu.memory_space<vmem>>, vector<16xf32>,
      %swap3A_651 = vector.shape_cast %swap3A_650 : vector<16xf32> to vector<16xf32>
      %swap3A_652 = vector.shape_cast %get3A_644 : vector<16xf32> to vector<16xf32>
      tpu.vector_store %swap3A_648[%swap3A_649], %swap3A_652 {add = true, strides = array<i32>} : memref<1024xf32, #tpu.memory_space<vmem>>, vector<16xf32>,
      %scan3A_653 = arith.constant 0 : i32
      scf.yield %scan3A_653 : i32
    }
    %scan3A_128 = arith.constant 64 : i32
    %mul3A_129 = arith.constant 128 : i32
    %mul3A_130 = arith.muli %add3A, %mul3A_129 : i32
    %add3A_131 = arith.constant 32 : i32
    %add3A_132 = arith.addi %mul3A_130, %add3A_131 : i32
    %dma_start3A_133 = arith.constant 0 : i32
    %dma_start3A_134 = tpu.memref_slice %arg5[%add3A_132, %dma_start3A_133] : memref<4096x1024xf32, #tpu.memory_space<hbm>> -> memref<16x1024xf32, #tpu.memory_space<hbm>>
    %dma_start3A_135 = arith.constant 0 : i32
    %dma_start3A_136 = tpu.memref_slice %arg5[%add3A_132, %dma_start3A_135] : memref<4096x1024xf32, #tpu.memory_space<hbm>> -> memref<16x1024xf32, #tpu.memory_space<hbm>>
    tpu.enqueue_dma source(%arg12 : memref<16x1024xf32, #tpu.memory_space<vmem>>) target(%dma_start3A_136 : memref<16x1024xf32, #tpu.memory_space<hbm>>) target_semaphore(%arg14 : memref<!tpu.dma_semaphore, #tpu.memory_space<semaphore_mem>>)
    %dma_wait3A_137 = arith.constant 0 : i32
    %dma_wait3A_138 = tpu.memref_slice %arg5[%add3A_132, %dma_wait3A_137] : memref<4096x1024xf32, #tpu.memory_space<hbm>> -> memref<16x1024xf32, #tpu.memory_space<hbm>>
    %dma_wait3A_139 = arith.constant 0 : i32
    %dma_wait3A_140 = tpu.memref_slice %arg5[%add3A_132, %dma_wait3A_139] : memref<4096x1024xf32, #tpu.memory_space<hbm>> -> memref<16x1024xf32, #tpu.memory_space<hbm>>
    tpu.wait_dma2 semaphore(%arg14 : memref<!tpu.dma_semaphore, #tpu.memory_space<semaphore_mem>>) src(%arg12 : memref<16x1024xf32, #tpu.memory_space<vmem>>) dst(%dma_wait3A_140 : memref<16x1024xf32, #tpu.memory_space<hbm>>)
    %dma_start3A_141 = arith.constant 81920 : i32
    %dma_start3A_142 = tpu.memref_slice %arg3[%squeeze3A, %dma_start3A_141] : memref<64x131072xf32, #tpu.memory_space<hbm>> -> memref<1x16384xf32, #tpu.memory_space<hbm>>
    %dma_start3A_143 = arith.constant 81920 : i32
    %dma_start3A_144 = tpu.memref_slice %arg3[%squeeze3A, %dma_start3A_143] : memref<64x131072xf32, #tpu.memory_space<hbm>> -> memref<1x16384xf32, #tpu.memory_space<hbm>>
    tpu.enqueue_dma source(%dma_start3A_144 : memref<1x16384xf32, #tpu.memory_space<hbm>>) target(%arg9 : memref<1x16384xf32, #tpu.memory_space<vmem>>) target_semaphore(%arg13 : memref<!tpu.dma_semaphore, #tpu.memory_space<semaphore_mem>>)
    %dma_start3A_145 = arith.constant 80 : i32
    %dma_start3A_146 = arith.constant 0 : i32
    %dma_start3A_147 = tpu.memref_slice %arg4[%dma_start3A_145, %dma_start3A_146] : memref<128x1024xf32, #tpu.memory_space<hbm>> -> memref<16x1024xf32, #tpu.memory_space<hbm>>
    %dma_start3A_148 = arith.constant 80 : i32
    %dma_start3A_149 = arith.constant 0 : i32
    %dma_start3A_150 = tpu.memref_slice %arg4[%dma_start3A_148, %dma_start3A_149] : memref<128x1024xf32, #tpu.memory_space<hbm>> -> memref<16x1024xf32, #tpu.memory_space<hbm>>
    tpu.enqueue_dma source(%dma_start3A_150 : memref<16x1024xf32, #tpu.memory_space<hbm>>) target(%arg12 : memref<16x1024xf32, #tpu.memory_space<vmem>>) target_semaphore(%arg13 : memref<!tpu.dma_semaphore, #tpu.memory_space<semaphore_mem>>)
    %dma_wait3A_151 = arith.constant 49152 : i32
    %dma_wait3A_152 = tpu.memref_slice %arg3[%squeeze3A, %dma_wait3A_151] : memref<64x131072xf32, #tpu.memory_space<hbm>> -> memref<1x16384xf32, #tpu.memory_space<hbm>>
    %dma_wait3A_153 = arith.constant 49152 : i32
    %dma_wait3A_154 = tpu.memref_slice %arg3[%squeeze3A, %dma_wait3A_153] : memref<64x131072xf32, #tpu.memory_space<hbm>> -> memref<1x16384xf32, #tpu.memory_space<hbm>>
    tpu.wait_dma2 semaphore(%arg13 : memref<!tpu.dma_semaphore, #tpu.memory_space<semaphore_mem>>) src(%dma_wait3A_154 : memref<1x16384xf32, #tpu.memory_space<hbm>>) dst(%arg7 : memref<1x16384xf32, #tpu.memory_space<vmem>>)
    %dma_wait3A_155 = arith.constant 48 : i32
    %dma_wait3A_156 = arith.constant 0 : i32
    %dma_wait3A_157 = tpu.memref_slice %arg4[%dma_wait3A_155, %dma_wait3A_156] : memref<128x1024xf32, #tpu.memory_space<hbm>> -> memref<16x1024xf32, #tpu.memory_space<hbm>>
    %dma_wait3A_158 = arith.constant 48 : i32
    %dma_wait3A_159 = arith.constant 0 : i32
    %dma_wait3A_160 = tpu.memref_slice %arg4[%dma_wait3A_158, %dma_wait3A_159] : memref<128x1024xf32, #tpu.memory_space<hbm>> -> memref<16x1024xf32, #tpu.memory_space<hbm>>
    tpu.wait_dma2 semaphore(%arg13 : memref<!tpu.dma_semaphore, #tpu.memory_space<semaphore_mem>>) src(%dma_wait3A_160 : memref<16x1024xf32, #tpu.memory_space<hbm>>) dst(%arg10 : memref<16x1024xf32, #tpu.memory_space<vmem>>)
    %scan3A_161 = arith.constant 0 : i32
    %scan3A_162 = arith.constant 0 : i32
    %scan3A_163 = arith.constant 64 : i32
    %scan3A_164 = arith.addi %scan3A_162, %scan3A_163 : i32
    %scan3A_165 = arith.constant 1 : i32
    %scan3A_166 = scf.for %scan3A_316 = %scan3A_162 to %scan3A_164 step %scan3A_165 iter_args(%scan3A_317 = %scan3A_161) -> (i32)  : i32 {
      %mul3A_318 = arith.constant 16 : i32
      %mul3A_319 = arith.muli %scan3A_316, %mul3A_318 : i32
      %mul3A_320 = arith.constant 16 : i32
      %mul3A_321 = arith.muli %scan3A_316, %mul3A_320 : i32
      %add3A_322 = arith.constant 0 : i32
      %add3A_323 = arith.addi %add3A_322, %mul3A_321 : i32
      %get3A_324 = arith.constant 0 : i32
      %get3A_325 = arith.constant 0 : i32
      %get3A_326 = tpu.memref_slice %arg7[%get3A_324, %get3A_325] : memref<1x16384xf32, #tpu.memory_space<vmem>> -> memref<1x16384xf32, #tpu.memory_space<vmem>>
      %get3A_327 = tpu.memref_squeeze %get3A_326 : memref<1x16384xf32, #tpu.memory_space<vmem>> -> memref<16384xf32, #tpu.memory_space<vmem>>
      %get3A_328 = arith.index_cast %add3A_323 : i32 to index
      %get3A_329 = tpu.vector_load %get3A_327[%get3A_328] {strides = array<i32>} : memref<16384xf32, #tpu.memory_space<vmem>>, vector<16xf32>,
      %get3A_330 = vector.shape_cast %get3A_329 : vector<16xf32> to vector<16xf32>
      %swap3A = arith.constant 0 : i32
      %swap3A_331 = arith.constant 0 : i32
      %swap3A_332 = tpu.memref_slice %arg10[%swap3A, %swap3A_331] : memref<16x1024xf32, #tpu.memory_space<vmem>> -> memref<1x1024xf32, #tpu.memory_space<vmem>>
      %swap3A_333 = tpu.memref_squeeze %swap3A_332 : memref<1x1024xf32, #tpu.memory_space<vmem>> -> memref<1024xf32, #tpu.memory_space<vmem>>
      %swap3A_334 = arith.index_cast %mul3A_319 : i32 to index
      %swap3A_335 = tpu.vector_load %swap3A_333[%swap3A_334] {strides = array<i32>} : memref<1024xf32, #tpu.memory_space<vmem>>, vector<16xf32>,
      %swap3A_336 = vector.shape_cast %swap3A_335 : vector<16xf32> to vector<16xf32>
      %swap3A_337 = vector.shape_cast %get3A_330 : vector<16xf32> to vector<16xf32>
      tpu.vector_store %swap3A_333[%swap3A_334], %swap3A_337 {add = true, strides = array<i32>} : memref<1024xf32, #tpu.memory_space<vmem>>, vector<16xf32>,
      %mul3A_338 = arith.constant 16 : i32
      %mul3A_339 = arith.muli %scan3A_316, %mul3A_338 : i32
      %mul3A_340 = arith.constant 16 : i32
      %mul3A_341 = arith.muli %scan3A_316, %mul3A_340 : i32
      %add3A_342 = arith.constant 1024 : i32
      %add3A_343 = arith.addi %add3A_342, %mul3A_341 : i32
      %get3A_344 = arith.constant 0 : i32
      %get3A_345 = arith.constant 0 : i32
      %get3A_346 = tpu.memref_slice %arg7[%get3A_344, %get3A_345] : memref<1x16384xf32, #tpu.memory_space<vmem>> -> memref<1x16384xf32, #tpu.memory_space<vmem>>
      %get3A_347 = tpu.memref_squeeze %get3A_346 : memref<1x16384xf32, #tpu.memory_space<vmem>> -> memref<16384xf32, #tpu.memory_space<vmem>>
      %get3A_348 = arith.index_cast %add3A_343 : i32 to index
      %get3A_349 = tpu.vector_load %get3A_347[%get3A_348] {strides = array<i32>} : memref<16384xf32, #tpu.memory_space<vmem>>, vector<16xf32>,
      %get3A_350 = vector.shape_cast %get3A_349 : vector<16xf32> to vector<16xf32>
      %swap3A_351 = arith.constant 1 : i32
      %swap3A_352 = arith.constant 0 : i32
      %swap3A_353 = tpu.memref_slice %arg10[%swap3A_351, %swap3A_352] : memref<16x1024xf32, #tpu.memory_space<vmem>> -> memref<1x1024xf32, #tpu.memory_space<vmem>>
      %swap3A_354 = tpu.memref_squeeze %swap3A_353 : memref<1x1024xf32, #tpu.memory_space<vmem>> -> memref<1024xf32, #tpu.memory_space<vmem>>
      %swap3A_355 = arith.index_cast %mul3A_339 : i32 to index
      %swap3A_356 = tpu.vector_load %swap3A_354[%swap3A_355] {strides = array<i32>} : memref<1024xf32, #tpu.memory_space<vmem>>, vector<16xf32>,
      %swap3A_357 = vector.shape_cast %swap3A_356 : vector<16xf32> to vector<16xf32>
      %swap3A_358 = vector.shape_cast %get3A_350 : vector<16xf32> to vector<16xf32>
      tpu.vector_store %swap3A_354[%swap3A_355], %swap3A_358 {add = true, strides = array<i32>} : memref<1024xf32, #tpu.memory_space<vmem>>, vector<16xf32>,
      %mul3A_359 = arith.constant 16 : i32
      %mul3A_360 = arith.muli %scan3A_316, %mul3A_359 : i32
      %mul3A_361 = arith.constant 16 : i32
      %mul3A_362 = arith.muli %scan3A_316, %mul3A_361 : i32
      %add3A_363 = arith.constant 2048 : i32
      %add3A_364 = arith.addi %add3A_363, %mul3A_362 : i32
      %get3A_365 = arith.constant 0 : i32
      %get3A_366 = arith.constant 0 : i32
      %get3A_367 = tpu.memref_slice %arg7[%get3A_365, %get3A_366] : memref<1x16384xf32, #tpu.memory_space<vmem>> -> memref<1x16384xf32, #tpu.memory_space<vmem>>
      %get3A_368 = tpu.memref_squeeze %get3A_367 : memref<1x16384xf32, #tpu.memory_space<vmem>> -> memref<16384xf32, #tpu.memory_space<vmem>>
      %get3A_369 = arith.index_cast %add3A_364 : i32 to index
      %get3A_370 = tpu.vector_load %get3A_368[%get3A_369] {strides = array<i32>} : memref<16384xf32, #tpu.memory_space<vmem>>, vector<16xf32>,
      %get3A_371 = vector.shape_cast %get3A_370 : vector<16xf32> to vector<16xf32>
      %swap3A_372 = arith.constant 2 : i32
      %swap3A_373 = arith.constant 0 : i32
      %swap3A_374 = tpu.memref_slice %arg10[%swap3A_372, %swap3A_373] : memref<16x1024xf32, #tpu.memory_space<vmem>> -> memref<1x1024xf32, #tpu.memory_space<vmem>>
      %swap3A_375 = tpu.memref_squeeze %swap3A_374 : memref<1x1024xf32, #tpu.memory_space<vmem>> -> memref<1024xf32, #tpu.memory_space<vmem>>
      %swap3A_376 = arith.index_cast %mul3A_360 : i32 to index
      %swap3A_377 = tpu.vector_load %swap3A_375[%swap3A_376] {strides = array<i32>} : memref<1024xf32, #tpu.memory_space<vmem>>, vector<16xf32>,
      %swap3A_378 = vector.shape_cast %swap3A_377 : vector<16xf32> to vector<16xf32>
      %swap3A_379 = vector.shape_cast %get3A_371 : vector<16xf32> to vector<16xf32>
      tpu.vector_store %swap3A_375[%swap3A_376], %swap3A_379 {add = true, strides = array<i32>} : memref<1024xf32, #tpu.memory_space<vmem>>, vector<16xf32>,
      %mul3A_380 = arith.constant 16 : i32
      %mul3A_381 = arith.muli %scan3A_316, %mul3A_380 : i32
      %mul3A_382 = arith.constant 16 : i32
      %mul3A_383 = arith.muli %scan3A_316, %mul3A_382 : i32
      %add3A_384 = arith.constant 3072 : i32
      %add3A_385 = arith.addi %add3A_384, %mul3A_383 : i32
      %get3A_386 = arith.constant 0 : i32
      %get3A_387 = arith.constant 0 : i32
      %get3A_388 = tpu.memref_slice %arg7[%get3A_386, %get3A_387] : memref<1x16384xf32, #tpu.memory_space<vmem>> -> memref<1x16384xf32, #tpu.memory_space<vmem>>
      %get3A_389 = tpu.memref_squeeze %get3A_388 : memref<1x16384xf32, #tpu.memory_space<vmem>> -> memref<16384xf32, #tpu.memory_space<vmem>>
      %get3A_390 = arith.index_cast %add3A_385 : i32 to index
      %get3A_391 = tpu.vector_load %get3A_389[%get3A_390] {strides = array<i32>} : memref<16384xf32, #tpu.memory_space<vmem>>, vector<16xf32>,
      %get3A_392 = vector.shape_cast %get3A_391 : vector<16xf32> to vector<16xf32>
      %swap3A_393 = arith.constant 3 : i32
      %swap3A_394 = arith.constant 0 : i32
      %swap3A_395 = tpu.memref_slice %arg10[%swap3A_393, %swap3A_394] : memref<16x1024xf32, #tpu.memory_space<vmem>> -> memref<1x1024xf32, #tpu.memory_space<vmem>>
      %swap3A_396 = tpu.memref_squeeze %swap3A_395 : memref<1x1024xf32, #tpu.memory_space<vmem>> -> memref<1024xf32, #tpu.memory_space<vmem>>
      %swap3A_397 = arith.index_cast %mul3A_381 : i32 to index
      %swap3A_398 = tpu.vector_load %swap3A_396[%swap3A_397] {strides = array<i32>} : memref<1024xf32, #tpu.memory_space<vmem>>, vector<16xf32>,
      %swap3A_399 = vector.shape_cast %swap3A_398 : vector<16xf32> to vector<16xf32>
      %swap3A_400 = vector.shape_cast %get3A_392 : vector<16xf32> to vector<16xf32>
      tpu.vector_store %swap3A_396[%swap3A_397], %swap3A_400 {add = true, strides = array<i32>} : memref<1024xf32, #tpu.memory_space<vmem>>, vector<16xf32>,
      %mul3A_401 = arith.constant 16 : i32
      %mul3A_402 = arith.muli %scan3A_316, %mul3A_401 : i32
      %mul3A_403 = arith.constant 16 : i32
      %mul3A_404 = arith.muli %scan3A_316, %mul3A_403 : i32
      %add3A_405 = arith.constant 4096 : i32
      %add3A_406 = arith.addi %add3A_405, %mul3A_404 : i32
      %get3A_407 = arith.constant 0 : i32
      %get3A_408 = arith.constant 0 : i32
      %get3A_409 = tpu.memref_slice %arg7[%get3A_407, %get3A_408] : memref<1x16384xf32, #tpu.memory_space<vmem>> -> memref<1x16384xf32, #tpu.memory_space<vmem>>
      %get3A_410 = tpu.memref_squeeze %get3A_409 : memref<1x16384xf32, #tpu.memory_space<vmem>> -> memref<16384xf32, #tpu.memory_space<vmem>>
      %get3A_411 = arith.index_cast %add3A_406 : i32 to index
      %get3A_412 = tpu.vector_load %get3A_410[%get3A_411] {strides = array<i32>} : memref<16384xf32, #tpu.memory_space<vmem>>, vector<16xf32>,
      %get3A_413 = vector.shape_cast %get3A_412 : vector<16xf32> to vector<16xf32>
      %swap3A_414 = arith.constant 4 : i32
      %swap3A_415 = arith.constant 0 : i32
      %swap3A_416 = tpu.memref_slice %arg10[%swap3A_414, %swap3A_415] : memref<16x1024xf32, #tpu.memory_space<vmem>> -> memref<1x1024xf32, #tpu.memory_space<vmem>>
      %swap3A_417 = tpu.memref_squeeze %swap3A_416 : memref<1x1024xf32, #tpu.memory_space<vmem>> -> memref<1024xf32, #tpu.memory_space<vmem>>
      %swap3A_418 = arith.index_cast %mul3A_402 : i32 to index
      %swap3A_419 = tpu.vector_load %swap3A_417[%swap3A_418] {strides = array<i32>} : memref<1024xf32, #tpu.memory_space<vmem>>, vector<16xf32>,
      %swap3A_420 = vector.shape_cast %swap3A_419 : vector<16xf32> to vector<16xf32>
      %swap3A_421 = vector.shape_cast %get3A_413 : vector<16xf32> to vector<16xf32>
      tpu.vector_store %swap3A_417[%swap3A_418], %swap3A_421 {add = true, strides = array<i32>} : memref<1024xf32, #tpu.memory_space<vmem>>, vector<16xf32>,
      %mul3A_422 = arith.constant 16 : i32
      %mul3A_423 = arith.muli %scan3A_316, %mul3A_422 : i32
      %mul3A_424 = arith.constant 16 : i32
      %mul3A_425 = arith.muli %scan3A_316, %mul3A_424 : i32
      %add3A_426 = arith.constant 5120 : i32
      %add3A_427 = arith.addi %add3A_426, %mul3A_425 : i32
      %get3A_428 = arith.constant 0 : i32
      %get3A_429 = arith.constant 0 : i32
      %get3A_430 = tpu.memref_slice %arg7[%get3A_428, %get3A_429] : memref<1x16384xf32, #tpu.memory_space<vmem>> -> memref<1x16384xf32, #tpu.memory_space<vmem>>
      %get3A_431 = tpu.memref_squeeze %get3A_430 : memref<1x16384xf32, #tpu.memory_space<vmem>> -> memref<16384xf32, #tpu.memory_space<vmem>>
      %get3A_432 = arith.index_cast %add3A_427 : i32 to index
      %get3A_433 = tpu.vector_load %get3A_431[%get3A_432] {strides = array<i32>} : memref<16384xf32, #tpu.memory_space<vmem>>, vector<16xf32>,
      %get3A_434 = vector.shape_cast %get3A_433 : vector<16xf32> to vector<16xf32>
      %swap3A_435 = arith.constant 5 : i32
      %swap3A_436 = arith.constant 0 : i32
      %swap3A_437 = tpu.memref_slice %arg10[%swap3A_435, %swap3A_436] : memref<16x1024xf32, #tpu.memory_space<vmem>> -> memref<1x1024xf32, #tpu.memory_space<vmem>>
      %swap3A_438 = tpu.memref_squeeze %swap3A_437 : memref<1x1024xf32, #tpu.memory_space<vmem>> -> memref<1024xf32, #tpu.memory_space<vmem>>
      %swap3A_439 = arith.index_cast %mul3A_423 : i32 to index
      %swap3A_440 = tpu.vector_load %swap3A_438[%swap3A_439] {strides = array<i32>} : memref<1024xf32, #tpu.memory_space<vmem>>, vector<16xf32>,
      %swap3A_441 = vector.shape_cast %swap3A_440 : vector<16xf32> to vector<16xf32>
      %swap3A_442 = vector.shape_cast %get3A_434 : vector<16xf32> to vector<16xf32>
      tpu.vector_store %swap3A_438[%swap3A_439], %swap3A_442 {add = true, strides = array<i32>} : memref<1024xf32, #tpu.memory_space<vmem>>, vector<16xf32>,
      %mul3A_443 = arith.constant 16 : i32
      %mul3A_444 = arith.muli %scan3A_316, %mul3A_443 : i32
      %mul3A_445 = arith.constant 16 : i32
      %mul3A_446 = arith.muli %scan3A_316, %mul3A_445 : i32
      %add3A_447 = arith.constant 6144 : i32
      %add3A_448 = arith.addi %add3A_447, %mul3A_446 : i32
      %get3A_449 = arith.constant 0 : i32
      %get3A_450 = arith.constant 0 : i32
      %get3A_451 = tpu.memref_slice %arg7[%get3A_449, %get3A_450] : memref<1x16384xf32, #tpu.memory_space<vmem>> -> memref<1x16384xf32, #tpu.memory_space<vmem>>
      %get3A_452 = tpu.memref_squeeze %get3A_451 : memref<1x16384xf32, #tpu.memory_space<vmem>> -> memref<16384xf32, #tpu.memory_space<vmem>>
      %get3A_453 = arith.index_cast %add3A_448 : i32 to index
      %get3A_454 = tpu.vector_load %get3A_452[%get3A_453] {strides = array<i32>} : memref<16384xf32, #tpu.memory_space<vmem>>, vector<16xf32>,
      %get3A_455 = vector.shape_cast %get3A_454 : vector<16xf32> to vector<16xf32>
      %swap3A_456 = arith.constant 6 : i32
      %swap3A_457 = arith.constant 0 : i32
      %swap3A_458 = tpu.memref_slice %arg10[%swap3A_456, %swap3A_457] : memref<16x1024xf32, #tpu.memory_space<vmem>> -> memref<1x1024xf32, #tpu.memory_space<vmem>>
      %swap3A_459 = tpu.memref_squeeze %swap3A_458 : memref<1x1024xf32, #tpu.memory_space<vmem>> -> memref<1024xf32, #tpu.memory_space<vmem>>
      %swap3A_460 = arith.index_cast %mul3A_444 : i32 to index
      %swap3A_461 = tpu.vector_load %swap3A_459[%swap3A_460] {strides = array<i32>} : memref<1024xf32, #tpu.memory_space<vmem>>, vector<16xf32>,
      %swap3A_462 = vector.shape_cast %swap3A_461 : vector<16xf32> to vector<16xf32>
      %swap3A_463 = vector.shape_cast %get3A_455 : vector<16xf32> to vector<16xf32>
      tpu.vector_store %swap3A_459[%swap3A_460], %swap3A_463 {add = true, strides = array<i32>} : memref<1024xf32, #tpu.memory_space<vmem>>, vector<16xf32>,
      %mul3A_464 = arith.constant 16 : i32
      %mul3A_465 = arith.muli %scan3A_316, %mul3A_464 : i32
      %mul3A_466 = arith.constant 16 : i32
      %mul3A_467 = arith.muli %scan3A_316, %mul3A_466 : i32
      %add3A_468 = arith.constant 7168 : i32
      %add3A_469 = arith.addi %add3A_468, %mul3A_467 : i32
      %get3A_470 = arith.constant 0 : i32
      %get3A_471 = arith.constant 0 : i32
      %get3A_472 = tpu.memref_slice %arg7[%get3A_470, %get3A_471] : memref<1x16384xf32, #tpu.memory_space<vmem>> -> memref<1x16384xf32, #tpu.memory_space<vmem>>
      %get3A_473 = tpu.memref_squeeze %get3A_472 : memref<1x16384xf32, #tpu.memory_space<vmem>> -> memref<16384xf32, #tpu.memory_space<vmem>>
      %get3A_474 = arith.index_cast %add3A_469 : i32 to index
      %get3A_475 = tpu.vector_load %get3A_473[%get3A_474] {strides = array<i32>} : memref<16384xf32, #tpu.memory_space<vmem>>, vector<16xf32>,
      %get3A_476 = vector.shape_cast %get3A_475 : vector<16xf32> to vector<16xf32>
      %swap3A_477 = arith.constant 7 : i32
      %swap3A_478 = arith.constant 0 : i32
      %swap3A_479 = tpu.memref_slice %arg10[%swap3A_477, %swap3A_478] : memref<16x1024xf32, #tpu.memory_space<vmem>> -> memref<1x1024xf32, #tpu.memory_space<vmem>>
      %swap3A_480 = tpu.memref_squeeze %swap3A_479 : memref<1x1024xf32, #tpu.memory_space<vmem>> -> memref<1024xf32, #tpu.memory_space<vmem>>
      %swap3A_481 = arith.index_cast %mul3A_465 : i32 to index
      %swap3A_482 = tpu.vector_load %swap3A_480[%swap3A_481] {strides = array<i32>} : memref<1024xf32, #tpu.memory_space<vmem>>, vector<16xf32>,
      %swap3A_483 = vector.shape_cast %swap3A_482 : vector<16xf32> to vector<16xf32>
      %swap3A_484 = vector.shape_cast %get3A_476 : vector<16xf32> to vector<16xf32>
      tpu.vector_store %swap3A_480[%swap3A_481], %swap3A_484 {add = true, strides = array<i32>} : memref<1024xf32, #tpu.memory_space<vmem>>, vector<16xf32>,
      %mul3A_485 = arith.constant 16 : i32
      %mul3A_486 = arith.muli %scan3A_316, %mul3A_485 : i32
      %mul3A_487 = arith.constant 16 : i32
      %mul3A_488 = arith.muli %scan3A_316, %mul3A_487 : i32
      %add3A_489 = arith.constant 8192 : i32
      %add3A_490 = arith.addi %add3A_489, %mul3A_488 : i32
      %get3A_491 = arith.constant 0 : i32
      %get3A_492 = arith.constant 0 : i32
      %get3A_493 = tpu.memref_slice %arg7[%get3A_491, %get3A_492] : memref<1x16384xf32, #tpu.memory_space<vmem>> -> memref<1x16384xf32, #tpu.memory_space<vmem>>
      %get3A_494 = tpu.memref_squeeze %get3A_493 : memref<1x16384xf32, #tpu.memory_space<vmem>> -> memref<16384xf32, #tpu.memory_space<vmem>>
      %get3A_495 = arith.index_cast %add3A_490 : i32 to index
      %get3A_496 = tpu.vector_load %get3A_494[%get3A_495] {strides = array<i32>} : memref<16384xf32, #tpu.memory_space<vmem>>, vector<16xf32>,
      %get3A_497 = vector.shape_cast %get3A_496 : vector<16xf32> to vector<16xf32>
      %swap3A_498 = arith.constant 8 : i32
      %swap3A_499 = arith.constant 0 : i32
      %swap3A_500 = tpu.memref_slice %arg10[%swap3A_498, %swap3A_499] : memref<16x1024xf32, #tpu.memory_space<vmem>> -> memref<1x1024xf32, #tpu.memory_space<vmem>>
      %swap3A_501 = tpu.memref_squeeze %swap3A_500 : memref<1x1024xf32, #tpu.memory_space<vmem>> -> memref<1024xf32, #tpu.memory_space<vmem>>
      %swap3A_502 = arith.index_cast %mul3A_486 : i32 to index
      %swap3A_503 = tpu.vector_load %swap3A_501[%swap3A_502] {strides = array<i32>} : memref<1024xf32, #tpu.memory_space<vmem>>, vector<16xf32>,
      %swap3A_504 = vector.shape_cast %swap3A_503 : vector<16xf32> to vector<16xf32>
      %swap3A_505 = vector.shape_cast %get3A_497 : vector<16xf32> to vector<16xf32>
      tpu.vector_store %swap3A_501[%swap3A_502], %swap3A_505 {add = true, strides = array<i32>} : memref<1024xf32, #tpu.memory_space<vmem>>, vector<16xf32>,
      %mul3A_506 = arith.constant 16 : i32
      %mul3A_507 = arith.muli %scan3A_316, %mul3A_506 : i32
      %mul3A_508 = arith.constant 16 : i32
      %mul3A_509 = arith.muli %scan3A_316, %mul3A_508 : i32
      %add3A_510 = arith.constant 9216 : i32
      %add3A_511 = arith.addi %add3A_510, %mul3A_509 : i32
      %get3A_512 = arith.constant 0 : i32
      %get3A_513 = arith.constant 0 : i32
      %get3A_514 = tpu.memref_slice %arg7[%get3A_512, %get3A_513] : memref<1x16384xf32, #tpu.memory_space<vmem>> -> memref<1x16384xf32, #tpu.memory_space<vmem>>
      %get3A_515 = tpu.memref_squeeze %get3A_514 : memref<1x16384xf32, #tpu.memory_space<vmem>> -> memref<16384xf32, #tpu.memory_space<vmem>>
      %get3A_516 = arith.index_cast %add3A_511 : i32 to index
      %get3A_517 = tpu.vector_load %get3A_515[%get3A_516] {strides = array<i32>} : memref<16384xf32, #tpu.memory_space<vmem>>, vector<16xf32>,
      %get3A_518 = vector.shape_cast %get3A_517 : vector<16xf32> to vector<16xf32>
      %swap3A_519 = arith.constant 9 : i32
      %swap3A_520 = arith.constant 0 : i32
      %swap3A_521 = tpu.memref_slice %arg10[%swap3A_519, %swap3A_520] : memref<16x1024xf32, #tpu.memory_space<vmem>> -> memref<1x1024xf32, #tpu.memory_space<vmem>>
      %swap3A_522 = tpu.memref_squeeze %swap3A_521 : memref<1x1024xf32, #tpu.memory_space<vmem>> -> memref<1024xf32, #tpu.memory_space<vmem>>
      %swap3A_523 = arith.index_cast %mul3A_507 : i32 to index
      %swap3A_524 = tpu.vector_load %swap3A_522[%swap3A_523] {strides = array<i32>} : memref<1024xf32, #tpu.memory_space<vmem>>, vector<16xf32>,
      %swap3A_525 = vector.shape_cast %swap3A_524 : vector<16xf32> to vector<16xf32>
      %swap3A_526 = vector.shape_cast %get3A_518 : vector<16xf32> to vector<16xf32>
      tpu.vector_store %swap3A_522[%swap3A_523], %swap3A_526 {add = true, strides = array<i32>} : memref<1024xf32, #tpu.memory_space<vmem>>, vector<16xf32>,
      %mul3A_527 = arith.constant 16 : i32
      %mul3A_528 = arith.muli %scan3A_316, %mul3A_527 : i32
      %mul3A_529 = arith.constant 16 : i32
      %mul3A_530 = arith.muli %scan3A_316, %mul3A_529 : i32
      %add3A_531 = arith.constant 10240 : i32
      %add3A_532 = arith.addi %add3A_531, %mul3A_530 : i32
      %get3A_533 = arith.constant 0 : i32
      %get3A_534 = arith.constant 0 : i32
      %get3A_535 = tpu.memref_slice %arg7[%get3A_533, %get3A_534] : memref<1x16384xf32, #tpu.memory_space<vmem>> -> memref<1x16384xf32, #tpu.memory_space<vmem>>
      %get3A_536 = tpu.memref_squeeze %get3A_535 : memref<1x16384xf32, #tpu.memory_space<vmem>> -> memref<16384xf32, #tpu.memory_space<vmem>>
      %get3A_537 = arith.index_cast %add3A_532 : i32 to index
      %get3A_538 = tpu.vector_load %get3A_536[%get3A_537] {strides = array<i32>} : memref<16384xf32, #tpu.memory_space<vmem>>, vector<16xf32>,
      %get3A_539 = vector.shape_cast %get3A_538 : vector<16xf32> to vector<16xf32>
      %swap3A_540 = arith.constant 10 : i32
      %swap3A_541 = arith.constant 0 : i32
      %swap3A_542 = tpu.memref_slice %arg10[%swap3A_540, %swap3A_541] : memref<16x1024xf32, #tpu.memory_space<vmem>> -> memref<1x1024xf32, #tpu.memory_space<vmem>>
      %swap3A_543 = tpu.memref_squeeze %swap3A_542 : memref<1x1024xf32, #tpu.memory_space<vmem>> -> memref<1024xf32, #tpu.memory_space<vmem>>
      %swap3A_544 = arith.index_cast %mul3A_528 : i32 to index
      %swap3A_545 = tpu.vector_load %swap3A_543[%swap3A_544] {strides = array<i32>} : memref<1024xf32, #tpu.memory_space<vmem>>, vector<16xf32>,
      %swap3A_546 = vector.shape_cast %swap3A_545 : vector<16xf32> to vector<16xf32>
      %swap3A_547 = vector.shape_cast %get3A_539 : vector<16xf32> to vector<16xf32>
      tpu.vector_store %swap3A_543[%swap3A_544], %swap3A_547 {add = true, strides = array<i32>} : memref<1024xf32, #tpu.memory_space<vmem>>, vector<16xf32>,
      %mul3A_548 = arith.constant 16 : i32
      %mul3A_549 = arith.muli %scan3A_316, %mul3A_548 : i32
      %mul3A_550 = arith.constant 16 : i32
      %mul3A_551 = arith.muli %scan3A_316, %mul3A_550 : i32
      %add3A_552 = arith.constant 11264 : i32
      %add3A_553 = arith.addi %add3A_552, %mul3A_551 : i32
      %get3A_554 = arith.constant 0 : i32
      %get3A_555 = arith.constant 0 : i32
      %get3A_556 = tpu.memref_slice %arg7[%get3A_554, %get3A_555] : memref<1x16384xf32, #tpu.memory_space<vmem>> -> memref<1x16384xf32, #tpu.memory_space<vmem>>
      %get3A_557 = tpu.memref_squeeze %get3A_556 : memref<1x16384xf32, #tpu.memory_space<vmem>> -> memref<16384xf32, #tpu.memory_space<vmem>>
      %get3A_558 = arith.index_cast %add3A_553 : i32 to index
      %get3A_559 = tpu.vector_load %get3A_557[%get3A_558] {strides = array<i32>} : memref<16384xf32, #tpu.memory_space<vmem>>, vector<16xf32>,
      %get3A_560 = vector.shape_cast %get3A_559 : vector<16xf32> to vector<16xf32>
      %swap3A_561 = arith.constant 11 : i32
      %swap3A_562 = arith.constant 0 : i32
      %swap3A_563 = tpu.memref_slice %arg10[%swap3A_561, %swap3A_562] : memref<16x1024xf32, #tpu.memory_space<vmem>> -> memref<1x1024xf32, #tpu.memory_space<vmem>>
      %swap3A_564 = tpu.memref_squeeze %swap3A_563 : memref<1x1024xf32, #tpu.memory_space<vmem>> -> memref<1024xf32, #tpu.memory_space<vmem>>
      %swap3A_565 = arith.index_cast %mul3A_549 : i32 to index
      %swap3A_566 = tpu.vector_load %swap3A_564[%swap3A_565] {strides = array<i32>} : memref<1024xf32, #tpu.memory_space<vmem>>, vector<16xf32>,
      %swap3A_567 = vector.shape_cast %swap3A_566 : vector<16xf32> to vector<16xf32>
      %swap3A_568 = vector.shape_cast %get3A_560 : vector<16xf32> to vector<16xf32>
      tpu.vector_store %swap3A_564[%swap3A_565], %swap3A_568 {add = true, strides = array<i32>} : memref<1024xf32, #tpu.memory_space<vmem>>, vector<16xf32>,
      %mul3A_569 = arith.constant 16 : i32
      %mul3A_570 = arith.muli %scan3A_316, %mul3A_569 : i32
      %mul3A_571 = arith.constant 16 : i32
      %mul3A_572 = arith.muli %scan3A_316, %mul3A_571 : i32
      %add3A_573 = arith.constant 12288 : i32
      %add3A_574 = arith.addi %add3A_573, %mul3A_572 : i32
      %get3A_575 = arith.constant 0 : i32
      %get3A_576 = arith.constant 0 : i32
      %get3A_577 = tpu.memref_slice %arg7[%get3A_575, %get3A_576] : memref<1x16384xf32, #tpu.memory_space<vmem>> -> memref<1x16384xf32, #tpu.memory_space<vmem>>
      %get3A_578 = tpu.memref_squeeze %get3A_577 : memref<1x16384xf32, #tpu.memory_space<vmem>> -> memref<16384xf32, #tpu.memory_space<vmem>>
      %get3A_579 = arith.index_cast %add3A_574 : i32 to index
      %get3A_580 = tpu.vector_load %get3A_578[%get3A_579] {strides = array<i32>} : memref<16384xf32, #tpu.memory_space<vmem>>, vector<16xf32>,
      %get3A_581 = vector.shape_cast %get3A_580 : vector<16xf32> to vector<16xf32>
      %swap3A_582 = arith.constant 12 : i32
      %swap3A_583 = arith.constant 0 : i32
      %swap3A_584 = tpu.memref_slice %arg10[%swap3A_582, %swap3A_583] : memref<16x1024xf32, #tpu.memory_space<vmem>> -> memref<1x1024xf32, #tpu.memory_space<vmem>>
      %swap3A_585 = tpu.memref_squeeze %swap3A_584 : memref<1x1024xf32, #tpu.memory_space<vmem>> -> memref<1024xf32, #tpu.memory_space<vmem>>
      %swap3A_586 = arith.index_cast %mul3A_570 : i32 to index
      %swap3A_587 = tpu.vector_load %swap3A_585[%swap3A_586] {strides = array<i32>} : memref<1024xf32, #tpu.memory_space<vmem>>, vector<16xf32>,
      %swap3A_588 = vector.shape_cast %swap3A_587 : vector<16xf32> to vector<16xf32>
      %swap3A_589 = vector.shape_cast %get3A_581 : vector<16xf32> to vector<16xf32>
      tpu.vector_store %swap3A_585[%swap3A_586], %swap3A_589 {add = true, strides = array<i32>} : memref<1024xf32, #tpu.memory_space<vmem>>, vector<16xf32>,
      %mul3A_590 = arith.constant 16 : i32
      %mul3A_591 = arith.muli %scan3A_316, %mul3A_590 : i32
      %mul3A_592 = arith.constant 16 : i32
      %mul3A_593 = arith.muli %scan3A_316, %mul3A_592 : i32
      %add3A_594 = arith.constant 13312 : i32
      %add3A_595 = arith.addi %add3A_594, %mul3A_593 : i32
      %get3A_596 = arith.constant 0 : i32
      %get3A_597 = arith.constant 0 : i32
      %get3A_598 = tpu.memref_slice %arg7[%get3A_596, %get3A_597] : memref<1x16384xf32, #tpu.memory_space<vmem>> -> memref<1x16384xf32, #tpu.memory_space<vmem>>
      %get3A_599 = tpu.memref_squeeze %get3A_598 : memref<1x16384xf32, #tpu.memory_space<vmem>> -> memref<16384xf32, #tpu.memory_space<vmem>>
      %get3A_600 = arith.index_cast %add3A_595 : i32 to index
      %get3A_601 = tpu.vector_load %get3A_599[%get3A_600] {strides = array<i32>} : memref<16384xf32, #tpu.memory_space<vmem>>, vector<16xf32>,
      %get3A_602 = vector.shape_cast %get3A_601 : vector<16xf32> to vector<16xf32>
      %swap3A_603 = arith.constant 13 : i32
      %swap3A_604 = arith.constant 0 : i32
      %swap3A_605 = tpu.memref_slice %arg10[%swap3A_603, %swap3A_604] : memref<16x1024xf32, #tpu.memory_space<vmem>> -> memref<1x1024xf32, #tpu.memory_space<vmem>>
      %swap3A_606 = tpu.memref_squeeze %swap3A_605 : memref<1x1024xf32, #tpu.memory_space<vmem>> -> memref<1024xf32, #tpu.memory_space<vmem>>
      %swap3A_607 = arith.index_cast %mul3A_591 : i32 to index
      %swap3A_608 = tpu.vector_load %swap3A_606[%swap3A_607] {strides = array<i32>} : memref<1024xf32, #tpu.memory_space<vmem>>, vector<16xf32>,
      %swap3A_609 = vector.shape_cast %swap3A_608 : vector<16xf32> to vector<16xf32>
      %swap3A_610 = vector.shape_cast %get3A_602 : vector<16xf32> to vector<16xf32>
      tpu.vector_store %swap3A_606[%swap3A_607], %swap3A_610 {add = true, strides = array<i32>} : memref<1024xf32, #tpu.memory_space<vmem>>, vector<16xf32>,
      %mul3A_611 = arith.constant 16 : i32
      %mul3A_612 = arith.muli %scan3A_316, %mul3A_611 : i32
      %mul3A_613 = arith.constant 16 : i32
      %mul3A_614 = arith.muli %scan3A_316, %mul3A_613 : i32
      %add3A_615 = arith.constant 14336 : i32
      %add3A_616 = arith.addi %add3A_615, %mul3A_614 : i32
      %get3A_617 = arith.constant 0 : i32
      %get3A_618 = arith.constant 0 : i32
      %get3A_619 = tpu.memref_slice %arg7[%get3A_617, %get3A_618] : memref<1x16384xf32, #tpu.memory_space<vmem>> -> memref<1x16384xf32, #tpu.memory_space<vmem>>
      %get3A_620 = tpu.memref_squeeze %get3A_619 : memref<1x16384xf32, #tpu.memory_space<vmem>> -> memref<16384xf32, #tpu.memory_space<vmem>>
      %get3A_621 = arith.index_cast %add3A_616 : i32 to index
      %get3A_622 = tpu.vector_load %get3A_620[%get3A_621] {strides = array<i32>} : memref<16384xf32, #tpu.memory_space<vmem>>, vector<16xf32>,
      %get3A_623 = vector.shape_cast %get3A_622 : vector<16xf32> to vector<16xf32>
      %swap3A_624 = arith.constant 14 : i32
      %swap3A_625 = arith.constant 0 : i32
      %swap3A_626 = tpu.memref_slice %arg10[%swap3A_624, %swap3A_625] : memref<16x1024xf32, #tpu.memory_space<vmem>> -> memref<1x1024xf32, #tpu.memory_space<vmem>>
      %swap3A_627 = tpu.memref_squeeze %swap3A_626 : memref<1x1024xf32, #tpu.memory_space<vmem>> -> memref<1024xf32, #tpu.memory_space<vmem>>
      %swap3A_628 = arith.index_cast %mul3A_612 : i32 to index
      %swap3A_629 = tpu.vector_load %swap3A_627[%swap3A_628] {strides = array<i32>} : memref<1024xf32, #tpu.memory_space<vmem>>, vector<16xf32>,
      %swap3A_630 = vector.shape_cast %swap3A_629 : vector<16xf32> to vector<16xf32>
      %swap3A_631 = vector.shape_cast %get3A_623 : vector<16xf32> to vector<16xf32>
      tpu.vector_store %swap3A_627[%swap3A_628], %swap3A_631 {add = true, strides = array<i32>} : memref<1024xf32, #tpu.memory_space<vmem>>, vector<16xf32>,
      %mul3A_632 = arith.constant 16 : i32
      %mul3A_633 = arith.muli %scan3A_316, %mul3A_632 : i32
      %mul3A_634 = arith.constant 16 : i32
      %mul3A_635 = arith.muli %scan3A_316, %mul3A_634 : i32
      %add3A_636 = arith.constant 15360 : i32
      %add3A_637 = arith.addi %add3A_636, %mul3A_635 : i32
      %get3A_638 = arith.constant 0 : i32
      %get3A_639 = arith.constant 0 : i32
      %get3A_640 = tpu.memref_slice %arg7[%get3A_638, %get3A_639] : memref<1x16384xf32, #tpu.memory_space<vmem>> -> memref<1x16384xf32, #tpu.memory_space<vmem>>
      %get3A_641 = tpu.memref_squeeze %get3A_640 : memref<1x16384xf32, #tpu.memory_space<vmem>> -> memref<16384xf32, #tpu.memory_space<vmem>>
      %get3A_642 = arith.index_cast %add3A_637 : i32 to index
      %get3A_643 = tpu.vector_load %get3A_641[%get3A_642] {strides = array<i32>} : memref<16384xf32, #tpu.memory_space<vmem>>, vector<16xf32>,
      %get3A_644 = vector.shape_cast %get3A_643 : vector<16xf32> to vector<16xf32>
      %swap3A_645 = arith.constant 15 : i32
      %swap3A_646 = arith.constant 0 : i32
      %swap3A_647 = tpu.memref_slice %arg10[%swap3A_645, %swap3A_646] : memref<16x1024xf32, #tpu.memory_space<vmem>> -> memref<1x1024xf32, #tpu.memory_space<vmem>>
      %swap3A_648 = tpu.memref_squeeze %swap3A_647 : memref<1x1024xf32, #tpu.memory_space<vmem>> -> memref<1024xf32, #tpu.memory_space<vmem>>
      %swap3A_649 = arith.index_cast %mul3A_633 : i32 to index
      %swap3A_650 = tpu.vector_load %swap3A_648[%swap3A_649] {strides = array<i32>} : memref<1024xf32, #tpu.memory_space<vmem>>, vector<16xf32>,
      %swap3A_651 = vector.shape_cast %swap3A_650 : vector<16xf32> to vector<16xf32>
      %swap3A_652 = vector.shape_cast %get3A_644 : vector<16xf32> to vector<16xf32>
      tpu.vector_store %swap3A_648[%swap3A_649], %swap3A_652 {add = true, strides = array<i32>} : memref<1024xf32, #tpu.memory_space<vmem>>, vector<16xf32>,
      %scan3A_653 = arith.constant 0 : i32
      scf.yield %scan3A_653 : i32
    }
    %scan3A_167 = arith.constant 64 : i32
    %mul3A_168 = arith.constant 128 : i32
    %mul3A_169 = arith.muli %add3A, %mul3A_168 : i32
    %add3A_170 = arith.constant 48 : i32
    %add3A_171 = arith.addi %mul3A_169, %add3A_170 : i32
    %dma_start3A_172 = arith.constant 0 : i32
    %dma_start3A_173 = tpu.memref_slice %arg5[%add3A_171, %dma_start3A_172] : memref<4096x1024xf32, #tpu.memory_space<hbm>> -> memref<16x1024xf32, #tpu.memory_space<hbm>>
    %dma_start3A_174 = arith.constant 0 : i32
    %dma_start3A_175 = tpu.memref_slice %arg5[%add3A_171, %dma_start3A_174] : memref<4096x1024xf32, #tpu.memory_space<hbm>> -> memref<16x1024xf32, #tpu.memory_space<hbm>>
    tpu.enqueue_dma source(%arg10 : memref<16x1024xf32, #tpu.memory_space<vmem>>) target(%dma_start3A_175 : memref<16x1024xf32, #tpu.memory_space<hbm>>) target_semaphore(%arg14 : memref<!tpu.dma_semaphore, #tpu.memory_space<semaphore_mem>>)
    %dma_wait3A_176 = arith.constant 0 : i32
    %dma_wait3A_177 = tpu.memref_slice %arg5[%add3A_171, %dma_wait3A_176] : memref<4096x1024xf32, #tpu.memory_space<hbm>> -> memref<16x1024xf32, #tpu.memory_space<hbm>>
    %dma_wait3A_178 = arith.constant 0 : i32
    %dma_wait3A_179 = tpu.memref_slice %arg5[%add3A_171, %dma_wait3A_178] : memref<4096x1024xf32, #tpu.memory_space<hbm>> -> memref<16x1024xf32, #tpu.memory_space<hbm>>
    tpu.wait_dma2 semaphore(%arg14 : memref<!tpu.dma_semaphore, #tpu.memory_space<semaphore_mem>>) src(%arg10 : memref<16x1024xf32, #tpu.memory_space<vmem>>) dst(%dma_wait3A_179 : memref<16x1024xf32, #tpu.memory_space<hbm>>)
    %dma_start3A_180 = arith.constant 98304 : i32
    %dma_start3A_181 = tpu.memref_slice %arg3[%squeeze3A, %dma_start3A_180] : memref<64x131072xf32, #tpu.memory_space<hbm>> -> memref<1x16384xf32, #tpu.memory_space<hbm>>
    %dma_start3A_182 = arith.constant 98304 : i32
    %dma_start3A_183 = tpu.memref_slice %arg3[%squeeze3A, %dma_start3A_182] : memref<64x131072xf32, #tpu.memory_space<hbm>> -> memref<1x16384xf32, #tpu.memory_space<hbm>>
    tpu.enqueue_dma source(%dma_start3A_183 : memref<1x16384xf32, #tpu.memory_space<hbm>>) target(%arg7 : memref<1x16384xf32, #tpu.memory_space<vmem>>) target_semaphore(%arg13 : memref<!tpu.dma_semaphore, #tpu.memory_space<semaphore_mem>>)
    %dma_start3A_184 = arith.constant 96 : i32
    %dma_start3A_185 = arith.constant 0 : i32
    %dma_start3A_186 = tpu.memref_slice %arg4[%dma_start3A_184, %dma_start3A_185] : memref<128x1024xf32, #tpu.memory_space<hbm>> -> memref<16x1024xf32, #tpu.memory_space<hbm>>
    %dma_start3A_187 = arith.constant 96 : i32
    %dma_start3A_188 = arith.constant 0 : i32
    %dma_start3A_189 = tpu.memref_slice %arg4[%dma_start3A_187, %dma_start3A_188] : memref<128x1024xf32, #tpu.memory_space<hbm>> -> memref<16x1024xf32, #tpu.memory_space<hbm>>
    tpu.enqueue_dma source(%dma_start3A_189 : memref<16x1024xf32, #tpu.memory_space<hbm>>) target(%arg10 : memref<16x1024xf32, #tpu.memory_space<vmem>>) target_semaphore(%arg13 : memref<!tpu.dma_semaphore, #tpu.memory_space<semaphore_mem>>)
    %dma_wait3A_190 = arith.constant 65536 : i32
    %dma_wait3A_191 = tpu.memref_slice %arg3[%squeeze3A, %dma_wait3A_190] : memref<64x131072xf32, #tpu.memory_space<hbm>> -> memref<1x16384xf32, #tpu.memory_space<hbm>>
    %dma_wait3A_192 = arith.constant 65536 : i32
    %dma_wait3A_193 = tpu.memref_slice %arg3[%squeeze3A, %dma_wait3A_192] : memref<64x131072xf32, #tpu.memory_space<hbm>> -> memref<1x16384xf32, #tpu.memory_space<hbm>>
    tpu.wait_dma2 semaphore(%arg13 : memref<!tpu.dma_semaphore, #tpu.memory_space<semaphore_mem>>) src(%dma_wait3A_193 : memref<1x16384xf32, #tpu.memory_space<hbm>>) dst(%arg8 : memref<1x16384xf32, #tpu.memory_space<vmem>>)
    %dma_wait3A_194 = arith.constant 64 : i32
    %dma_wait3A_195 = arith.constant 0 : i32
    %dma_wait3A_196 = tpu.memref_slice %arg4[%dma_wait3A_194, %dma_wait3A_195] : memref<128x1024xf32, #tpu.memory_space<hbm>> -> memref<16x1024xf32, #tpu.memory_space<hbm>>
    %dma_wait3A_197 = arith.constant 64 : i32
    %dma_wait3A_198 = arith.constant 0 : i32
    %dma_wait3A_199 = tpu.memref_slice %arg4[%dma_wait3A_197, %dma_wait3A_198] : memref<128x1024xf32, #tpu.memory_space<hbm>> -> memref<16x1024xf32, #tpu.memory_space<hbm>>
    tpu.wait_dma2 semaphore(%arg13 : memref<!tpu.dma_semaphore, #tpu.memory_space<semaphore_mem>>) src(%dma_wait3A_199 : memref<16x1024xf32, #tpu.memory_space<hbm>>) dst(%arg11 : memref<16x1024xf32, #tpu.memory_space<vmem>>)
    %scan3A_200 = arith.constant 0 : i32
    %scan3A_201 = arith.constant 0 : i32
    %scan3A_202 = arith.constant 64 : i32
    %scan3A_203 = arith.addi %scan3A_201, %scan3A_202 : i32
    %scan3A_204 = arith.constant 1 : i32
    %scan3A_205 = scf.for %scan3A_316 = %scan3A_201 to %scan3A_203 step %scan3A_204 iter_args(%scan3A_317 = %scan3A_200) -> (i32)  : i32 {
      %mul3A_318 = arith.constant 16 : i32
      %mul3A_319 = arith.muli %scan3A_316, %mul3A_318 : i32
      %mul3A_320 = arith.constant 16 : i32
      %mul3A_321 = arith.muli %scan3A_316, %mul3A_320 : i32
      %add3A_322 = arith.constant 0 : i32
      %add3A_323 = arith.addi %add3A_322, %mul3A_321 : i32
      %get3A_324 = arith.constant 0 : i32
      %get3A_325 = arith.constant 0 : i32
      %get3A_326 = tpu.memref_slice %arg8[%get3A_324, %get3A_325] : memref<1x16384xf32, #tpu.memory_space<vmem>> -> memref<1x16384xf32, #tpu.memory_space<vmem>>
      %get3A_327 = tpu.memref_squeeze %get3A_326 : memref<1x16384xf32, #tpu.memory_space<vmem>> -> memref<16384xf32, #tpu.memory_space<vmem>>
      %get3A_328 = arith.index_cast %add3A_323 : i32 to index
      %get3A_329 = tpu.vector_load %get3A_327[%get3A_328] {strides = array<i32>} : memref<16384xf32, #tpu.memory_space<vmem>>, vector<16xf32>,
      %get3A_330 = vector.shape_cast %get3A_329 : vector<16xf32> to vector<16xf32>
      %swap3A = arith.constant 0 : i32
      %swap3A_331 = arith.constant 0 : i32
      %swap3A_332 = tpu.memref_slice %arg11[%swap3A, %swap3A_331] : memref<16x1024xf32, #tpu.memory_space<vmem>> -> memref<1x1024xf32, #tpu.memory_space<vmem>>
      %swap3A_333 = tpu.memref_squeeze %swap3A_332 : memref<1x1024xf32, #tpu.memory_space<vmem>> -> memref<1024xf32, #tpu.memory_space<vmem>>
      %swap3A_334 = arith.index_cast %mul3A_319 : i32 to index
      %swap3A_335 = tpu.vector_load %swap3A_333[%swap3A_334] {strides = array<i32>} : memref<1024xf32, #tpu.memory_space<vmem>>, vector<16xf32>,
      %swap3A_336 = vector.shape_cast %swap3A_335 : vector<16xf32> to vector<16xf32>
      %swap3A_337 = vector.shape_cast %get3A_330 : vector<16xf32> to vector<16xf32>
      tpu.vector_store %swap3A_333[%swap3A_334], %swap3A_337 {add = true, strides = array<i32>} : memref<1024xf32, #tpu.memory_space<vmem>>, vector<16xf32>,
      %mul3A_338 = arith.constant 16 : i32
      %mul3A_339 = arith.muli %scan3A_316, %mul3A_338 : i32
      %mul3A_340 = arith.constant 16 : i32
      %mul3A_341 = arith.muli %scan3A_316, %mul3A_340 : i32
      %add3A_342 = arith.constant 1024 : i32
      %add3A_343 = arith.addi %add3A_342, %mul3A_341 : i32
      %get3A_344 = arith.constant 0 : i32
      %get3A_345 = arith.constant 0 : i32
      %get3A_346 = tpu.memref_slice %arg8[%get3A_344, %get3A_345] : memref<1x16384xf32, #tpu.memory_space<vmem>> -> memref<1x16384xf32, #tpu.memory_space<vmem>>
      %get3A_347 = tpu.memref_squeeze %get3A_346 : memref<1x16384xf32, #tpu.memory_space<vmem>> -> memref<16384xf32, #tpu.memory_space<vmem>>
      %get3A_348 = arith.index_cast %add3A_343 : i32 to index
      %get3A_349 = tpu.vector_load %get3A_347[%get3A_348] {strides = array<i32>} : memref<16384xf32, #tpu.memory_space<vmem>>, vector<16xf32>,
      %get3A_350 = vector.shape_cast %get3A_349 : vector<16xf32> to vector<16xf32>
      %swap3A_351 = arith.constant 1 : i32
      %swap3A_352 = arith.constant 0 : i32
      %swap3A_353 = tpu.memref_slice %arg11[%swap3A_351, %swap3A_352] : memref<16x1024xf32, #tpu.memory_space<vmem>> -> memref<1x1024xf32, #tpu.memory_space<vmem>>
      %swap3A_354 = tpu.memref_squeeze %swap3A_353 : memref<1x1024xf32, #tpu.memory_space<vmem>> -> memref<1024xf32, #tpu.memory_space<vmem>>
      %swap3A_355 = arith.index_cast %mul3A_339 : i32 to index
      %swap3A_356 = tpu.vector_load %swap3A_354[%swap3A_355] {strides = array<i32>} : memref<1024xf32, #tpu.memory_space<vmem>>, vector<16xf32>,
      %swap3A_357 = vector.shape_cast %swap3A_356 : vector<16xf32> to vector<16xf32>
      %swap3A_358 = vector.shape_cast %get3A_350 : vector<16xf32> to vector<16xf32>
      tpu.vector_store %swap3A_354[%swap3A_355], %swap3A_358 {add = true, strides = array<i32>} : memref<1024xf32, #tpu.memory_space<vmem>>, vector<16xf32>,
      %mul3A_359 = arith.constant 16 : i32
      %mul3A_360 = arith.muli %scan3A_316, %mul3A_359 : i32
      %mul3A_361 = arith.constant 16 : i32
      %mul3A_362 = arith.muli %scan3A_316, %mul3A_361 : i32
      %add3A_363 = arith.constant 2048 : i32
      %add3A_364 = arith.addi %add3A_363, %mul3A_362 : i32
      %get3A_365 = arith.constant 0 : i32
      %get3A_366 = arith.constant 0 : i32
      %get3A_367 = tpu.memref_slice %arg8[%get3A_365, %get3A_366] : memref<1x16384xf32, #tpu.memory_space<vmem>> -> memref<1x16384xf32, #tpu.memory_space<vmem>>
      %get3A_368 = tpu.memref_squeeze %get3A_367 : memref<1x16384xf32, #tpu.memory_space<vmem>> -> memref<16384xf32, #tpu.memory_space<vmem>>
      %get3A_369 = arith.index_cast %add3A_364 : i32 to index
      %get3A_370 = tpu.vector_load %get3A_368[%get3A_369] {strides = array<i32>} : memref<16384xf32, #tpu.memory_space<vmem>>, vector<16xf32>,
      %get3A_371 = vector.shape_cast %get3A_370 : vector<16xf32> to vector<16xf32>
      %swap3A_372 = arith.constant 2 : i32
      %swap3A_373 = arith.constant 0 : i32
      %swap3A_374 = tpu.memref_slice %arg11[%swap3A_372, %swap3A_373] : memref<16x1024xf32, #tpu.memory_space<vmem>> -> memref<1x1024xf32, #tpu.memory_space<vmem>>
      %swap3A_375 = tpu.memref_squeeze %swap3A_374 : memref<1x1024xf32, #tpu.memory_space<vmem>> -> memref<1024xf32, #tpu.memory_space<vmem>>
      %swap3A_376 = arith.index_cast %mul3A_360 : i32 to index
      %swap3A_377 = tpu.vector_load %swap3A_375[%swap3A_376] {strides = array<i32>} : memref<1024xf32, #tpu.memory_space<vmem>>, vector<16xf32>,
      %swap3A_378 = vector.shape_cast %swap3A_377 : vector<16xf32> to vector<16xf32>
      %swap3A_379 = vector.shape_cast %get3A_371 : vector<16xf32> to vector<16xf32>
      tpu.vector_store %swap3A_375[%swap3A_376], %swap3A_379 {add = true, strides = array<i32>} : memref<1024xf32, #tpu.memory_space<vmem>>, vector<16xf32>,
      %mul3A_380 = arith.constant 16 : i32
      %mul3A_381 = arith.muli %scan3A_316, %mul3A_380 : i32
      %mul3A_382 = arith.constant 16 : i32
      %mul3A_383 = arith.muli %scan3A_316, %mul3A_382 : i32
      %add3A_384 = arith.constant 3072 : i32
      %add3A_385 = arith.addi %add3A_384, %mul3A_383 : i32
      %get3A_386 = arith.constant 0 : i32
      %get3A_387 = arith.constant 0 : i32
      %get3A_388 = tpu.memref_slice %arg8[%get3A_386, %get3A_387] : memref<1x16384xf32, #tpu.memory_space<vmem>> -> memref<1x16384xf32, #tpu.memory_space<vmem>>
      %get3A_389 = tpu.memref_squeeze %get3A_388 : memref<1x16384xf32, #tpu.memory_space<vmem>> -> memref<16384xf32, #tpu.memory_space<vmem>>
      %get3A_390 = arith.index_cast %add3A_385 : i32 to index
      %get3A_391 = tpu.vector_load %get3A_389[%get3A_390] {strides = array<i32>} : memref<16384xf32, #tpu.memory_space<vmem>>, vector<16xf32>,
      %get3A_392 = vector.shape_cast %get3A_391 : vector<16xf32> to vector<16xf32>
      %swap3A_393 = arith.constant 3 : i32
      %swap3A_394 = arith.constant 0 : i32
      %swap3A_395 = tpu.memref_slice %arg11[%swap3A_393, %swap3A_394] : memref<16x1024xf32, #tpu.memory_space<vmem>> -> memref<1x1024xf32, #tpu.memory_space<vmem>>
      %swap3A_396 = tpu.memref_squeeze %swap3A_395 : memref<1x1024xf32, #tpu.memory_space<vmem>> -> memref<1024xf32, #tpu.memory_space<vmem>>
      %swap3A_397 = arith.index_cast %mul3A_381 : i32 to index
      %swap3A_398 = tpu.vector_load %swap3A_396[%swap3A_397] {strides = array<i32>} : memref<1024xf32, #tpu.memory_space<vmem>>, vector<16xf32>,
      %swap3A_399 = vector.shape_cast %swap3A_398 : vector<16xf32> to vector<16xf32>
      %swap3A_400 = vector.shape_cast %get3A_392 : vector<16xf32> to vector<16xf32>
      tpu.vector_store %swap3A_396[%swap3A_397], %swap3A_400 {add = true, strides = array<i32>} : memref<1024xf32, #tpu.memory_space<vmem>>, vector<16xf32>,
      %mul3A_401 = arith.constant 16 : i32
      %mul3A_402 = arith.muli %scan3A_316, %mul3A_401 : i32
      %mul3A_403 = arith.constant 16 : i32
      %mul3A_404 = arith.muli %scan3A_316, %mul3A_403 : i32
      %add3A_405 = arith.constant 4096 : i32
      %add3A_406 = arith.addi %add3A_405, %mul3A_404 : i32
      %get3A_407 = arith.constant 0 : i32
      %get3A_408 = arith.constant 0 : i32
      %get3A_409 = tpu.memref_slice %arg8[%get3A_407, %get3A_408] : memref<1x16384xf32, #tpu.memory_space<vmem>> -> memref<1x16384xf32, #tpu.memory_space<vmem>>
      %get3A_410 = tpu.memref_squeeze %get3A_409 : memref<1x16384xf32, #tpu.memory_space<vmem>> -> memref<16384xf32, #tpu.memory_space<vmem>>
      %get3A_411 = arith.index_cast %add3A_406 : i32 to index
      %get3A_412 = tpu.vector_load %get3A_410[%get3A_411] {strides = array<i32>} : memref<16384xf32, #tpu.memory_space<vmem>>, vector<16xf32>,
      %get3A_413 = vector.shape_cast %get3A_412 : vector<16xf32> to vector<16xf32>
      %swap3A_414 = arith.constant 4 : i32
      %swap3A_415 = arith.constant 0 : i32
      %swap3A_416 = tpu.memref_slice %arg11[%swap3A_414, %swap3A_415] : memref<16x1024xf32, #tpu.memory_space<vmem>> -> memref<1x1024xf32, #tpu.memory_space<vmem>>
      %swap3A_417 = tpu.memref_squeeze %swap3A_416 : memref<1x1024xf32, #tpu.memory_space<vmem>> -> memref<1024xf32, #tpu.memory_space<vmem>>
      %swap3A_418 = arith.index_cast %mul3A_402 : i32 to index
      %swap3A_419 = tpu.vector_load %swap3A_417[%swap3A_418] {strides = array<i32>} : memref<1024xf32, #tpu.memory_space<vmem>>, vector<16xf32>,
      %swap3A_420 = vector.shape_cast %swap3A_419 : vector<16xf32> to vector<16xf32>
      %swap3A_421 = vector.shape_cast %get3A_413 : vector<16xf32> to vector<16xf32>
      tpu.vector_store %swap3A_417[%swap3A_418], %swap3A_421 {add = true, strides = array<i32>} : memref<1024xf32, #tpu.memory_space<vmem>>, vector<16xf32>,
      %mul3A_422 = arith.constant 16 : i32
      %mul3A_423 = arith.muli %scan3A_316, %mul3A_422 : i32
      %mul3A_424 = arith.constant 16 : i32
      %mul3A_425 = arith.muli %scan3A_316, %mul3A_424 : i32
      %add3A_426 = arith.constant 5120 : i32
      %add3A_427 = arith.addi %add3A_426, %mul3A_425 : i32
      %get3A_428 = arith.constant 0 : i32
      %get3A_429 = arith.constant 0 : i32
      %get3A_430 = tpu.memref_slice %arg8[%get3A_428, %get3A_429] : memref<1x16384xf32, #tpu.memory_space<vmem>> -> memref<1x16384xf32, #tpu.memory_space<vmem>>
      %get3A_431 = tpu.memref_squeeze %get3A_430 : memref<1x16384xf32, #tpu.memory_space<vmem>> -> memref<16384xf32, #tpu.memory_space<vmem>>
      %get3A_432 = arith.index_cast %add3A_427 : i32 to index
      %get3A_433 = tpu.vector_load %get3A_431[%get3A_432] {strides = array<i32>} : memref<16384xf32, #tpu.memory_space<vmem>>, vector<16xf32>,
      %get3A_434 = vector.shape_cast %get3A_433 : vector<16xf32> to vector<16xf32>
      %swap3A_435 = arith.constant 5 : i32
      %swap3A_436 = arith.constant 0 : i32
      %swap3A_437 = tpu.memref_slice %arg11[%swap3A_435, %swap3A_436] : memref<16x1024xf32, #tpu.memory_space<vmem>> -> memref<1x1024xf32, #tpu.memory_space<vmem>>
      %swap3A_438 = tpu.memref_squeeze %swap3A_437 : memref<1x1024xf32, #tpu.memory_space<vmem>> -> memref<1024xf32, #tpu.memory_space<vmem>>
      %swap3A_439 = arith.index_cast %mul3A_423 : i32 to index
      %swap3A_440 = tpu.vector_load %swap3A_438[%swap3A_439] {strides = array<i32>} : memref<1024xf32, #tpu.memory_space<vmem>>, vector<16xf32>,
      %swap3A_441 = vector.shape_cast %swap3A_440 : vector<16xf32> to vector<16xf32>
      %swap3A_442 = vector.shape_cast %get3A_434 : vector<16xf32> to vector<16xf32>
      tpu.vector_store %swap3A_438[%swap3A_439], %swap3A_442 {add = true, strides = array<i32>} : memref<1024xf32, #tpu.memory_space<vmem>>, vector<16xf32>,
      %mul3A_443 = arith.constant 16 : i32
      %mul3A_444 = arith.muli %scan3A_316, %mul3A_443 : i32
      %mul3A_445 = arith.constant 16 : i32
      %mul3A_446 = arith.muli %scan3A_316, %mul3A_445 : i32
      %add3A_447 = arith.constant 6144 : i32
      %add3A_448 = arith.addi %add3A_447, %mul3A_446 : i32
      %get3A_449 = arith.constant 0 : i32
      %get3A_450 = arith.constant 0 : i32
      %get3A_451 = tpu.memref_slice %arg8[%get3A_449, %get3A_450] : memref<1x16384xf32, #tpu.memory_space<vmem>> -> memref<1x16384xf32, #tpu.memory_space<vmem>>
      %get3A_452 = tpu.memref_squeeze %get3A_451 : memref<1x16384xf32, #tpu.memory_space<vmem>> -> memref<16384xf32, #tpu.memory_space<vmem>>
      %get3A_453 = arith.index_cast %add3A_448 : i32 to index
      %get3A_454 = tpu.vector_load %get3A_452[%get3A_453] {strides = array<i32>} : memref<16384xf32, #tpu.memory_space<vmem>>, vector<16xf32>,
      %get3A_455 = vector.shape_cast %get3A_454 : vector<16xf32> to vector<16xf32>
      %swap3A_456 = arith.constant 6 : i32
      %swap3A_457 = arith.constant 0 : i32
      %swap3A_458 = tpu.memref_slice %arg11[%swap3A_456, %swap3A_457] : memref<16x1024xf32, #tpu.memory_space<vmem>> -> memref<1x1024xf32, #tpu.memory_space<vmem>>
      %swap3A_459 = tpu.memref_squeeze %swap3A_458 : memref<1x1024xf32, #tpu.memory_space<vmem>> -> memref<1024xf32, #tpu.memory_space<vmem>>
      %swap3A_460 = arith.index_cast %mul3A_444 : i32 to index
      %swap3A_461 = tpu.vector_load %swap3A_459[%swap3A_460] {strides = array<i32>} : memref<1024xf32, #tpu.memory_space<vmem>>, vector<16xf32>,
      %swap3A_462 = vector.shape_cast %swap3A_461 : vector<16xf32> to vector<16xf32>
      %swap3A_463 = vector.shape_cast %get3A_455 : vector<16xf32> to vector<16xf32>
      tpu.vector_store %swap3A_459[%swap3A_460], %swap3A_463 {add = true, strides = array<i32>} : memref<1024xf32, #tpu.memory_space<vmem>>, vector<16xf32>,
      %mul3A_464 = arith.constant 16 : i32
      %mul3A_465 = arith.muli %scan3A_316, %mul3A_464 : i32
      %mul3A_466 = arith.constant 16 : i32
      %mul3A_467 = arith.muli %scan3A_316, %mul3A_466 : i32
      %add3A_468 = arith.constant 7168 : i32
      %add3A_469 = arith.addi %add3A_468, %mul3A_467 : i32
      %get3A_470 = arith.constant 0 : i32
      %get3A_471 = arith.constant 0 : i32
      %get3A_472 = tpu.memref_slice %arg8[%get3A_470, %get3A_471] : memref<1x16384xf32, #tpu.memory_space<vmem>> -> memref<1x16384xf32, #tpu.memory_space<vmem>>
      %get3A_473 = tpu.memref_squeeze %get3A_472 : memref<1x16384xf32, #tpu.memory_space<vmem>> -> memref<16384xf32, #tpu.memory_space<vmem>>
      %get3A_474 = arith.index_cast %add3A_469 : i32 to index
      %get3A_475 = tpu.vector_load %get3A_473[%get3A_474] {strides = array<i32>} : memref<16384xf32, #tpu.memory_space<vmem>>, vector<16xf32>,
      %get3A_476 = vector.shape_cast %get3A_475 : vector<16xf32> to vector<16xf32>
      %swap3A_477 = arith.constant 7 : i32
      %swap3A_478 = arith.constant 0 : i32
      %swap3A_479 = tpu.memref_slice %arg11[%swap3A_477, %swap3A_478] : memref<16x1024xf32, #tpu.memory_space<vmem>> -> memref<1x1024xf32, #tpu.memory_space<vmem>>
      %swap3A_480 = tpu.memref_squeeze %swap3A_479 : memref<1x1024xf32, #tpu.memory_space<vmem>> -> memref<1024xf32, #tpu.memory_space<vmem>>
      %swap3A_481 = arith.index_cast %mul3A_465 : i32 to index
      %swap3A_482 = tpu.vector_load %swap3A_480[%swap3A_481] {strides = array<i32>} : memref<1024xf32, #tpu.memory_space<vmem>>, vector<16xf32>,
      %swap3A_483 = vector.shape_cast %swap3A_482 : vector<16xf32> to vector<16xf32>
      %swap3A_484 = vector.shape_cast %get3A_476 : vector<16xf32> to vector<16xf32>
      tpu.vector_store %swap3A_480[%swap3A_481], %swap3A_484 {add = true, strides = array<i32>} : memref<1024xf32, #tpu.memory_space<vmem>>, vector<16xf32>,
      %mul3A_485 = arith.constant 16 : i32
      %mul3A_486 = arith.muli %scan3A_316, %mul3A_485 : i32
      %mul3A_487 = arith.constant 16 : i32
      %mul3A_488 = arith.muli %scan3A_316, %mul3A_487 : i32
      %add3A_489 = arith.constant 8192 : i32
      %add3A_490 = arith.addi %add3A_489, %mul3A_488 : i32
      %get3A_491 = arith.constant 0 : i32
      %get3A_492 = arith.constant 0 : i32
      %get3A_493 = tpu.memref_slice %arg8[%get3A_491, %get3A_492] : memref<1x16384xf32, #tpu.memory_space<vmem>> -> memref<1x16384xf32, #tpu.memory_space<vmem>>
      %get3A_494 = tpu.memref_squeeze %get3A_493 : memref<1x16384xf32, #tpu.memory_space<vmem>> -> memref<16384xf32, #tpu.memory_space<vmem>>
      %get3A_495 = arith.index_cast %add3A_490 : i32 to index
      %get3A_496 = tpu.vector_load %get3A_494[%get3A_495] {strides = array<i32>} : memref<16384xf32, #tpu.memory_space<vmem>>, vector<16xf32>,
      %get3A_497 = vector.shape_cast %get3A_496 : vector<16xf32> to vector<16xf32>
      %swap3A_498 = arith.constant 8 : i32
      %swap3A_499 = arith.constant 0 : i32
      %swap3A_500 = tpu.memref_slice %arg11[%swap3A_498, %swap3A_499] : memref<16x1024xf32, #tpu.memory_space<vmem>> -> memref<1x1024xf32, #tpu.memory_space<vmem>>
      %swap3A_501 = tpu.memref_squeeze %swap3A_500 : memref<1x1024xf32, #tpu.memory_space<vmem>> -> memref<1024xf32, #tpu.memory_space<vmem>>
      %swap3A_502 = arith.index_cast %mul3A_486 : i32 to index
      %swap3A_503 = tpu.vector_load %swap3A_501[%swap3A_502] {strides = array<i32>} : memref<1024xf32, #tpu.memory_space<vmem>>, vector<16xf32>,
      %swap3A_504 = vector.shape_cast %swap3A_503 : vector<16xf32> to vector<16xf32>
      %swap3A_505 = vector.shape_cast %get3A_497 : vector<16xf32> to vector<16xf32>
      tpu.vector_store %swap3A_501[%swap3A_502], %swap3A_505 {add = true, strides = array<i32>} : memref<1024xf32, #tpu.memory_space<vmem>>, vector<16xf32>,
      %mul3A_506 = arith.constant 16 : i32
      %mul3A_507 = arith.muli %scan3A_316, %mul3A_506 : i32
      %mul3A_508 = arith.constant 16 : i32
      %mul3A_509 = arith.muli %scan3A_316, %mul3A_508 : i32
      %add3A_510 = arith.constant 9216 : i32
      %add3A_511 = arith.addi %add3A_510, %mul3A_509 : i32
      %get3A_512 = arith.constant 0 : i32
      %get3A_513 = arith.constant 0 : i32
      %get3A_514 = tpu.memref_slice %arg8[%get3A_512, %get3A_513] : memref<1x16384xf32, #tpu.memory_space<vmem>> -> memref<1x16384xf32, #tpu.memory_space<vmem>>
      %get3A_515 = tpu.memref_squeeze %get3A_514 : memref<1x16384xf32, #tpu.memory_space<vmem>> -> memref<16384xf32, #tpu.memory_space<vmem>>
      %get3A_516 = arith.index_cast %add3A_511 : i32 to index
      %get3A_517 = tpu.vector_load %get3A_515[%get3A_516] {strides = array<i32>} : memref<16384xf32, #tpu.memory_space<vmem>>, vector<16xf32>,
      %get3A_518 = vector.shape_cast %get3A_517 : vector<16xf32> to vector<16xf32>
      %swap3A_519 = arith.constant 9 : i32
      %swap3A_520 = arith.constant 0 : i32
      %swap3A_521 = tpu.memref_slice %arg11[%swap3A_519, %swap3A_520] : memref<16x1024xf32, #tpu.memory_space<vmem>> -> memref<1x1024xf32, #tpu.memory_space<vmem>>
      %swap3A_522 = tpu.memref_squeeze %swap3A_521 : memref<1x1024xf32, #tpu.memory_space<vmem>> -> memref<1024xf32, #tpu.memory_space<vmem>>
      %swap3A_523 = arith.index_cast %mul3A_507 : i32 to index
      %swap3A_524 = tpu.vector_load %swap3A_522[%swap3A_523] {strides = array<i32>} : memref<1024xf32, #tpu.memory_space<vmem>>, vector<16xf32>,
      %swap3A_525 = vector.shape_cast %swap3A_524 : vector<16xf32> to vector<16xf32>
      %swap3A_526 = vector.shape_cast %get3A_518 : vector<16xf32> to vector<16xf32>
      tpu.vector_store %swap3A_522[%swap3A_523], %swap3A_526 {add = true, strides = array<i32>} : memref<1024xf32, #tpu.memory_space<vmem>>, vector<16xf32>,
      %mul3A_527 = arith.constant 16 : i32
      %mul3A_528 = arith.muli %scan3A_316, %mul3A_527 : i32
      %mul3A_529 = arith.constant 16 : i32
      %mul3A_530 = arith.muli %scan3A_316, %mul3A_529 : i32
      %add3A_531 = arith.constant 10240 : i32
      %add3A_532 = arith.addi %add3A_531, %mul3A_530 : i32
      %get3A_533 = arith.constant 0 : i32
      %get3A_534 = arith.constant 0 : i32
      %get3A_535 = tpu.memref_slice %arg8[%get3A_533, %get3A_534] : memref<1x16384xf32, #tpu.memory_space<vmem>> -> memref<1x16384xf32, #tpu.memory_space<vmem>>
      %get3A_536 = tpu.memref_squeeze %get3A_535 : memref<1x16384xf32, #tpu.memory_space<vmem>> -> memref<16384xf32, #tpu.memory_space<vmem>>
      %get3A_537 = arith.index_cast %add3A_532 : i32 to index
      %get3A_538 = tpu.vector_load %get3A_536[%get3A_537] {strides = array<i32>} : memref<16384xf32, #tpu.memory_space<vmem>>, vector<16xf32>,
      %get3A_539 = vector.shape_cast %get3A_538 : vector<16xf32> to vector<16xf32>
      %swap3A_540 = arith.constant 10 : i32
      %swap3A_541 = arith.constant 0 : i32
      %swap3A_542 = tpu.memref_slice %arg11[%swap3A_540, %swap3A_541] : memref<16x1024xf32, #tpu.memory_space<vmem>> -> memref<1x1024xf32, #tpu.memory_space<vmem>>
      %swap3A_543 = tpu.memref_squeeze %swap3A_542 : memref<1x1024xf32, #tpu.memory_space<vmem>> -> memref<1024xf32, #tpu.memory_space<vmem>>
      %swap3A_544 = arith.index_cast %mul3A_528 : i32 to index
      %swap3A_545 = tpu.vector_load %swap3A_543[%swap3A_544] {strides = array<i32>} : memref<1024xf32, #tpu.memory_space<vmem>>, vector<16xf32>,
      %swap3A_546 = vector.shape_cast %swap3A_545 : vector<16xf32> to vector<16xf32>
      %swap3A_547 = vector.shape_cast %get3A_539 : vector<16xf32> to vector<16xf32>
      tpu.vector_store %swap3A_543[%swap3A_544], %swap3A_547 {add = true, strides = array<i32>} : memref<1024xf32, #tpu.memory_space<vmem>>, vector<16xf32>,
      %mul3A_548 = arith.constant 16 : i32
      %mul3A_549 = arith.muli %scan3A_316, %mul3A_548 : i32
      %mul3A_550 = arith.constant 16 : i32
      %mul3A_551 = arith.muli %scan3A_316, %mul3A_550 : i32
      %add3A_552 = arith.constant 11264 : i32
      %add3A_553 = arith.addi %add3A_552, %mul3A_551 : i32
      %get3A_554 = arith.constant 0 : i32
      %get3A_555 = arith.constant 0 : i32
      %get3A_556 = tpu.memref_slice %arg8[%get3A_554, %get3A_555] : memref<1x16384xf32, #tpu.memory_space<vmem>> -> memref<1x16384xf32, #tpu.memory_space<vmem>>
      %get3A_557 = tpu.memref_squeeze %get3A_556 : memref<1x16384xf32, #tpu.memory_space<vmem>> -> memref<16384xf32, #tpu.memory_space<vmem>>
      %get3A_558 = arith.index_cast %add3A_553 : i32 to index
      %get3A_559 = tpu.vector_load %get3A_557[%get3A_558] {strides = array<i32>} : memref<16384xf32, #tpu.memory_space<vmem>>, vector<16xf32>,
      %get3A_560 = vector.shape_cast %get3A_559 : vector<16xf32> to vector<16xf32>
      %swap3A_561 = arith.constant 11 : i32
      %swap3A_562 = arith.constant 0 : i32
      %swap3A_563 = tpu.memref_slice %arg11[%swap3A_561, %swap3A_562] : memref<16x1024xf32, #tpu.memory_space<vmem>> -> memref<1x1024xf32, #tpu.memory_space<vmem>>
      %swap3A_564 = tpu.memref_squeeze %swap3A_563 : memref<1x1024xf32, #tpu.memory_space<vmem>> -> memref<1024xf32, #tpu.memory_space<vmem>>
      %swap3A_565 = arith.index_cast %mul3A_549 : i32 to index
      %swap3A_566 = tpu.vector_load %swap3A_564[%swap3A_565] {strides = array<i32>} : memref<1024xf32, #tpu.memory_space<vmem>>, vector<16xf32>,
      %swap3A_567 = vector.shape_cast %swap3A_566 : vector<16xf32> to vector<16xf32>
      %swap3A_568 = vector.shape_cast %get3A_560 : vector<16xf32> to vector<16xf32>
      tpu.vector_store %swap3A_564[%swap3A_565], %swap3A_568 {add = true, strides = array<i32>} : memref<1024xf32, #tpu.memory_space<vmem>>, vector<16xf32>,
      %mul3A_569 = arith.constant 16 : i32
      %mul3A_570 = arith.muli %scan3A_316, %mul3A_569 : i32
      %mul3A_571 = arith.constant 16 : i32
      %mul3A_572 = arith.muli %scan3A_316, %mul3A_571 : i32
      %add3A_573 = arith.constant 12288 : i32
      %add3A_574 = arith.addi %add3A_573, %mul3A_572 : i32
      %get3A_575 = arith.constant 0 : i32
      %get3A_576 = arith.constant 0 : i32
      %get3A_577 = tpu.memref_slice %arg8[%get3A_575, %get3A_576] : memref<1x16384xf32, #tpu.memory_space<vmem>> -> memref<1x16384xf32, #tpu.memory_space<vmem>>
      %get3A_578 = tpu.memref_squeeze %get3A_577 : memref<1x16384xf32, #tpu.memory_space<vmem>> -> memref<16384xf32, #tpu.memory_space<vmem>>
      %get3A_579 = arith.index_cast %add3A_574 : i32 to index
      %get3A_580 = tpu.vector_load %get3A_578[%get3A_579] {strides = array<i32>} : memref<16384xf32, #tpu.memory_space<vmem>>, vector<16xf32>,
      %get3A_581 = vector.shape_cast %get3A_580 : vector<16xf32> to vector<16xf32>
      %swap3A_582 = arith.constant 12 : i32
      %swap3A_583 = arith.constant 0 : i32
      %swap3A_584 = tpu.memref_slice %arg11[%swap3A_582, %swap3A_583] : memref<16x1024xf32, #tpu.memory_space<vmem>> -> memref<1x1024xf32, #tpu.memory_space<vmem>>
      %swap3A_585 = tpu.memref_squeeze %swap3A_584 : memref<1x1024xf32, #tpu.memory_space<vmem>> -> memref<1024xf32, #tpu.memory_space<vmem>>
      %swap3A_586 = arith.index_cast %mul3A_570 : i32 to index
      %swap3A_587 = tpu.vector_load %swap3A_585[%swap3A_586] {strides = array<i32>} : memref<1024xf32, #tpu.memory_space<vmem>>, vector<16xf32>,
      %swap3A_588 = vector.shape_cast %swap3A_587 : vector<16xf32> to vector<16xf32>
      %swap3A_589 = vector.shape_cast %get3A_581 : vector<16xf32> to vector<16xf32>
      tpu.vector_store %swap3A_585[%swap3A_586], %swap3A_589 {add = true, strides = array<i32>} : memref<1024xf32, #tpu.memory_space<vmem>>, vector<16xf32>,
      %mul3A_590 = arith.constant 16 : i32
      %mul3A_591 = arith.muli %scan3A_316, %mul3A_590 : i32
      %mul3A_592 = arith.constant 16 : i32
      %mul3A_593 = arith.muli %scan3A_316, %mul3A_592 : i32
      %add3A_594 = arith.constant 13312 : i32
      %add3A_595 = arith.addi %add3A_594, %mul3A_593 : i32
      %get3A_596 = arith.constant 0 : i32
      %get3A_597 = arith.constant 0 : i32
      %get3A_598 = tpu.memref_slice %arg8[%get3A_596, %get3A_597] : memref<1x16384xf32, #tpu.memory_space<vmem>> -> memref<1x16384xf32, #tpu.memory_space<vmem>>
      %get3A_599 = tpu.memref_squeeze %get3A_598 : memref<1x16384xf32, #tpu.memory_space<vmem>> -> memref<16384xf32, #tpu.memory_space<vmem>>
      %get3A_600 = arith.index_cast %add3A_595 : i32 to index
      %get3A_601 = tpu.vector_load %get3A_599[%get3A_600] {strides = array<i32>} : memref<16384xf32, #tpu.memory_space<vmem>>, vector<16xf32>,
      %get3A_602 = vector.shape_cast %get3A_601 : vector<16xf32> to vector<16xf32>
      %swap3A_603 = arith.constant 13 : i32
      %swap3A_604 = arith.constant 0 : i32
      %swap3A_605 = tpu.memref_slice %arg11[%swap3A_603, %swap3A_604] : memref<16x1024xf32, #tpu.memory_space<vmem>> -> memref<1x1024xf32, #tpu.memory_space<vmem>>
      %swap3A_606 = tpu.memref_squeeze %swap3A_605 : memref<1x1024xf32, #tpu.memory_space<vmem>> -> memref<1024xf32, #tpu.memory_space<vmem>>
      %swap3A_607 = arith.index_cast %mul3A_591 : i32 to index
      %swap3A_608 = tpu.vector_load %swap3A_606[%swap3A_607] {strides = array<i32>} : memref<1024xf32, #tpu.memory_space<vmem>>, vector<16xf32>,
      %swap3A_609 = vector.shape_cast %swap3A_608 : vector<16xf32> to vector<16xf32>
      %swap3A_610 = vector.shape_cast %get3A_602 : vector<16xf32> to vector<16xf32>
      tpu.vector_store %swap3A_606[%swap3A_607], %swap3A_610 {add = true, strides = array<i32>} : memref<1024xf32, #tpu.memory_space<vmem>>, vector<16xf32>,
      %mul3A_611 = arith.constant 16 : i32
      %mul3A_612 = arith.muli %scan3A_316, %mul3A_611 : i32
      %mul3A_613 = arith.constant 16 : i32
      %mul3A_614 = arith.muli %scan3A_316, %mul3A_613 : i32
      %add3A_615 = arith.constant 14336 : i32
      %add3A_616 = arith.addi %add3A_615, %mul3A_614 : i32
      %get3A_617 = arith.constant 0 : i32
      %get3A_618 = arith.constant 0 : i32
      %get3A_619 = tpu.memref_slice %arg8[%get3A_617, %get3A_618] : memref<1x16384xf32, #tpu.memory_space<vmem>> -> memref<1x16384xf32, #tpu.memory_space<vmem>>
      %get3A_620 = tpu.memref_squeeze %get3A_619 : memref<1x16384xf32, #tpu.memory_space<vmem>> -> memref<16384xf32, #tpu.memory_space<vmem>>
      %get3A_621 = arith.index_cast %add3A_616 : i32 to index
      %get3A_622 = tpu.vector_load %get3A_620[%get3A_621] {strides = array<i32>} : memref<16384xf32, #tpu.memory_space<vmem>>, vector<16xf32>,
      %get3A_623 = vector.shape_cast %get3A_622 : vector<16xf32> to vector<16xf32>
      %swap3A_624 = arith.constant 14 : i32
      %swap3A_625 = arith.constant 0 : i32
      %swap3A_626 = tpu.memref_slice %arg11[%swap3A_624, %swap3A_625] : memref<16x1024xf32, #tpu.memory_space<vmem>> -> memref<1x1024xf32, #tpu.memory_space<vmem>>
      %swap3A_627 = tpu.memref_squeeze %swap3A_626 : memref<1x1024xf32, #tpu.memory_space<vmem>> -> memref<1024xf32, #tpu.memory_space<vmem>>
      %swap3A_628 = arith.index_cast %mul3A_612 : i32 to index
      %swap3A_629 = tpu.vector_load %swap3A_627[%swap3A_628] {strides = array<i32>} : memref<1024xf32, #tpu.memory_space<vmem>>, vector<16xf32>,
      %swap3A_630 = vector.shape_cast %swap3A_629 : vector<16xf32> to vector<16xf32>
      %swap3A_631 = vector.shape_cast %get3A_623 : vector<16xf32> to vector<16xf32>
      tpu.vector_store %swap3A_627[%swap3A_628], %swap3A_631 {add = true, strides = array<i32>} : memref<1024xf32, #tpu.memory_space<vmem>>, vector<16xf32>,
      %mul3A_632 = arith.constant 16 : i32
      %mul3A_633 = arith.muli %scan3A_316, %mul3A_632 : i32
      %mul3A_634 = arith.constant 16 : i32
      %mul3A_635 = arith.muli %scan3A_316, %mul3A_634 : i32
      %add3A_636 = arith.constant 15360 : i32
      %add3A_637 = arith.addi %add3A_636, %mul3A_635 : i32
      %get3A_638 = arith.constant 0 : i32
      %get3A_639 = arith.constant 0 : i32
      %get3A_640 = tpu.memref_slice %arg8[%get3A_638, %get3A_639] : memref<1x16384xf32, #tpu.memory_space<vmem>> -> memref<1x16384xf32, #tpu.memory_space<vmem>>
      %get3A_641 = tpu.memref_squeeze %get3A_640 : memref<1x16384xf32, #tpu.memory_space<vmem>> -> memref<16384xf32, #tpu.memory_space<vmem>>
      %get3A_642 = arith.index_cast %add3A_637 : i32 to index
      %get3A_643 = tpu.vector_load %get3A_641[%get3A_642] {strides = array<i32>} : memref<16384xf32, #tpu.memory_space<vmem>>, vector<16xf32>,
      %get3A_644 = vector.shape_cast %get3A_643 : vector<16xf32> to vector<16xf32>
      %swap3A_645 = arith.constant 15 : i32
      %swap3A_646 = arith.constant 0 : i32
      %swap3A_647 = tpu.memref_slice %arg11[%swap3A_645, %swap3A_646] : memref<16x1024xf32, #tpu.memory_space<vmem>> -> memref<1x1024xf32, #tpu.memory_space<vmem>>
      %swap3A_648 = tpu.memref_squeeze %swap3A_647 : memref<1x1024xf32, #tpu.memory_space<vmem>> -> memref<1024xf32, #tpu.memory_space<vmem>>
      %swap3A_649 = arith.index_cast %mul3A_633 : i32 to index
      %swap3A_650 = tpu.vector_load %swap3A_648[%swap3A_649] {strides = array<i32>} : memref<1024xf32, #tpu.memory_space<vmem>>, vector<16xf32>,
      %swap3A_651 = vector.shape_cast %swap3A_650 : vector<16xf32> to vector<16xf32>
      %swap3A_652 = vector.shape_cast %get3A_644 : vector<16xf32> to vector<16xf32>
      tpu.vector_store %swap3A_648[%swap3A_649], %swap3A_652 {add = true, strides = array<i32>} : memref<1024xf32, #tpu.memory_space<vmem>>, vector<16xf32>,
      %scan3A_653 = arith.constant 0 : i32
      scf.yield %scan3A_653 : i32
    }
    %scan3A_206 = arith.constant 64 : i32
    %mul3A_207 = arith.constant 128 : i32
    %mul3A_208 = arith.muli %add3A, %mul3A_207 : i32
    %add3A_209 = arith.constant 64 : i32
    %add3A_210 = arith.addi %mul3A_208, %add3A_209 : i32
    %dma_start3A_211 = arith.constant 0 : i32
    %dma_start3A_212 = tpu.memref_slice %arg5[%add3A_210, %dma_start3A_211] : memref<4096x1024xf32, #tpu.memory_space<hbm>> -> memref<16x1024xf32, #tpu.memory_space<hbm>>
    %dma_start3A_213 = arith.constant 0 : i32
    %dma_start3A_214 = tpu.memref_slice %arg5[%add3A_210, %dma_start3A_213] : memref<4096x1024xf32, #tpu.memory_space<hbm>> -> memref<16x1024xf32, #tpu.memory_space<hbm>>
    tpu.enqueue_dma source(%arg11 : memref<16x1024xf32, #tpu.memory_space<vmem>>) target(%dma_start3A_214 : memref<16x1024xf32, #tpu.memory_space<hbm>>) target_semaphore(%arg14 : memref<!tpu.dma_semaphore, #tpu.memory_space<semaphore_mem>>)
    %dma_wait3A_215 = arith.constant 0 : i32
    %dma_wait3A_216 = tpu.memref_slice %arg5[%add3A_210, %dma_wait3A_215] : memref<4096x1024xf32, #tpu.memory_space<hbm>> -> memref<16x1024xf32, #tpu.memory_space<hbm>>
    %dma_wait3A_217 = arith.constant 0 : i32
    %dma_wait3A_218 = tpu.memref_slice %arg5[%add3A_210, %dma_wait3A_217] : memref<4096x1024xf32, #tpu.memory_space<hbm>> -> memref<16x1024xf32, #tpu.memory_space<hbm>>
    tpu.wait_dma2 semaphore(%arg14 : memref<!tpu.dma_semaphore, #tpu.memory_space<semaphore_mem>>) src(%arg11 : memref<16x1024xf32, #tpu.memory_space<vmem>>) dst(%dma_wait3A_218 : memref<16x1024xf32, #tpu.memory_space<hbm>>)
    %dma_start3A_219 = arith.constant 114688 : i32
    %dma_start3A_220 = tpu.memref_slice %arg3[%squeeze3A, %dma_start3A_219] : memref<64x131072xf32, #tpu.memory_space<hbm>> -> memref<1x16384xf32, #tpu.memory_space<hbm>>
    %dma_start3A_221 = arith.constant 114688 : i32
    %dma_start3A_222 = tpu.memref_slice %arg3[%squeeze3A, %dma_start3A_221] : memref<64x131072xf32, #tpu.memory_space<hbm>> -> memref<1x16384xf32, #tpu.memory_space<hbm>>
    tpu.enqueue_dma source(%dma_start3A_222 : memref<1x16384xf32, #tpu.memory_space<hbm>>) target(%arg8 : memref<1x16384xf32, #tpu.memory_space<vmem>>) target_semaphore(%arg13 : memref<!tpu.dma_semaphore, #tpu.memory_space<semaphore_mem>>)
    %dma_start3A_223 = arith.constant 112 : i32
    %dma_start3A_224 = arith.constant 0 : i32
    %dma_start3A_225 = tpu.memref_slice %arg4[%dma_start3A_223, %dma_start3A_224] : memref<128x1024xf32, #tpu.memory_space<hbm>> -> memref<16x1024xf32, #tpu.memory_space<hbm>>
    %dma_start3A_226 = arith.constant 112 : i32
    %dma_start3A_227 = arith.constant 0 : i32
    %dma_start3A_228 = tpu.memref_slice %arg4[%dma_start3A_226, %dma_start3A_227] : memref<128x1024xf32, #tpu.memory_space<hbm>> -> memref<16x1024xf32, #tpu.memory_space<hbm>>
    tpu.enqueue_dma source(%dma_start3A_228 : memref<16x1024xf32, #tpu.memory_space<hbm>>) target(%arg11 : memref<16x1024xf32, #tpu.memory_space<vmem>>) target_semaphore(%arg13 : memref<!tpu.dma_semaphore, #tpu.memory_space<semaphore_mem>>)
    %dma_wait3A_229 = arith.constant 81920 : i32
    %dma_wait3A_230 = tpu.memref_slice %arg3[%squeeze3A, %dma_wait3A_229] : memref<64x131072xf32, #tpu.memory_space<hbm>> -> memref<1x16384xf32, #tpu.memory_space<hbm>>
    %dma_wait3A_231 = arith.constant 81920 : i32
    %dma_wait3A_232 = tpu.memref_slice %arg3[%squeeze3A, %dma_wait3A_231] : memref<64x131072xf32, #tpu.memory_space<hbm>> -> memref<1x16384xf32, #tpu.memory_space<hbm>>
    tpu.wait_dma2 semaphore(%arg13 : memref<!tpu.dma_semaphore, #tpu.memory_space<semaphore_mem>>) src(%dma_wait3A_232 : memref<1x16384xf32, #tpu.memory_space<hbm>>) dst(%arg9 : memref<1x16384xf32, #tpu.memory_space<vmem>>)
    %dma_wait3A_233 = arith.constant 80 : i32
    %dma_wait3A_234 = arith.constant 0 : i32
    %dma_wait3A_235 = tpu.memref_slice %arg4[%dma_wait3A_233, %dma_wait3A_234] : memref<128x1024xf32, #tpu.memory_space<hbm>> -> memref<16x1024xf32, #tpu.memory_space<hbm>>
    %dma_wait3A_236 = arith.constant 80 : i32
    %dma_wait3A_237 = arith.constant 0 : i32
    %dma_wait3A_238 = tpu.memref_slice %arg4[%dma_wait3A_236, %dma_wait3A_237] : memref<128x1024xf32, #tpu.memory_space<hbm>> -> memref<16x1024xf32, #tpu.memory_space<hbm>>
    tpu.wait_dma2 semaphore(%arg13 : memref<!tpu.dma_semaphore, #tpu.memory_space<semaphore_mem>>) src(%dma_wait3A_238 : memref<16x1024xf32, #tpu.memory_space<hbm>>) dst(%arg12 : memref<16x1024xf32, #tpu.memory_space<vmem>>)
    %scan3A_239 = arith.constant 0 : i32
    %scan3A_240 = arith.constant 0 : i32
    %scan3A_241 = arith.constant 64 : i32
    %scan3A_242 = arith.addi %scan3A_240, %scan3A_241 : i32
    %scan3A_243 = arith.constant 1 : i32
    %scan3A_244 = scf.for %scan3A_316 = %scan3A_240 to %scan3A_242 step %scan3A_243 iter_args(%scan3A_317 = %scan3A_239) -> (i32)  : i32 {
      %mul3A_318 = arith.constant 16 : i32
      %mul3A_319 = arith.muli %scan3A_316, %mul3A_318 : i32
      %mul3A_320 = arith.constant 16 : i32
      %mul3A_321 = arith.muli %scan3A_316, %mul3A_320 : i32
      %add3A_322 = arith.constant 0 : i32
      %add3A_323 = arith.addi %add3A_322, %mul3A_321 : i32
      %get3A_324 = arith.constant 0 : i32
      %get3A_325 = arith.constant 0 : i32
      %get3A_326 = tpu.memref_slice %arg9[%get3A_324, %get3A_325] : memref<1x16384xf32, #tpu.memory_space<vmem>> -> memref<1x16384xf32, #tpu.memory_space<vmem>>
      %get3A_327 = tpu.memref_squeeze %get3A_326 : memref<1x16384xf32, #tpu.memory_space<vmem>> -> memref<16384xf32, #tpu.memory_space<vmem>>
      %get3A_328 = arith.index_cast %add3A_323 : i32 to index
      %get3A_329 = tpu.vector_load %get3A_327[%get3A_328] {strides = array<i32>} : memref<16384xf32, #tpu.memory_space<vmem>>, vector<16xf32>,
      %get3A_330 = vector.shape_cast %get3A_329 : vector<16xf32> to vector<16xf32>
      %swap3A = arith.constant 0 : i32
      %swap3A_331 = arith.constant 0 : i32
      %swap3A_332 = tpu.memref_slice %arg12[%swap3A, %swap3A_331] : memref<16x1024xf32, #tpu.memory_space<vmem>> -> memref<1x1024xf32, #tpu.memory_space<vmem>>
      %swap3A_333 = tpu.memref_squeeze %swap3A_332 : memref<1x1024xf32, #tpu.memory_space<vmem>> -> memref<1024xf32, #tpu.memory_space<vmem>>
      %swap3A_334 = arith.index_cast %mul3A_319 : i32 to index
      %swap3A_335 = tpu.vector_load %swap3A_333[%swap3A_334] {strides = array<i32>} : memref<1024xf32, #tpu.memory_space<vmem>>, vector<16xf32>,
      %swap3A_336 = vector.shape_cast %swap3A_335 : vector<16xf32> to vector<16xf32>
      %swap3A_337 = vector.shape_cast %get3A_330 : vector<16xf32> to vector<16xf32>
      tpu.vector_store %swap3A_333[%swap3A_334], %swap3A_337 {add = true, strides = array<i32>} : memref<1024xf32, #tpu.memory_space<vmem>>, vector<16xf32>,
      %mul3A_338 = arith.constant 16 : i32
      %mul3A_339 = arith.muli %scan3A_316, %mul3A_338 : i32
      %mul3A_340 = arith.constant 16 : i32
      %mul3A_341 = arith.muli %scan3A_316, %mul3A_340 : i32
      %add3A_342 = arith.constant 1024 : i32
      %add3A_343 = arith.addi %add3A_342, %mul3A_341 : i32
      %get3A_344 = arith.constant 0 : i32
      %get3A_345 = arith.constant 0 : i32
      %get3A_346 = tpu.memref_slice %arg9[%get3A_344, %get3A_345] : memref<1x16384xf32, #tpu.memory_space<vmem>> -> memref<1x16384xf32, #tpu.memory_space<vmem>>
      %get3A_347 = tpu.memref_squeeze %get3A_346 : memref<1x16384xf32, #tpu.memory_space<vmem>> -> memref<16384xf32, #tpu.memory_space<vmem>>
      %get3A_348 = arith.index_cast %add3A_343 : i32 to index
      %get3A_349 = tpu.vector_load %get3A_347[%get3A_348] {strides = array<i32>} : memref<16384xf32, #tpu.memory_space<vmem>>, vector<16xf32>,
      %get3A_350 = vector.shape_cast %get3A_349 : vector<16xf32> to vector<16xf32>
      %swap3A_351 = arith.constant 1 : i32
      %swap3A_352 = arith.constant 0 : i32
      %swap3A_353 = tpu.memref_slice %arg12[%swap3A_351, %swap3A_352] : memref<16x1024xf32, #tpu.memory_space<vmem>> -> memref<1x1024xf32, #tpu.memory_space<vmem>>
      %swap3A_354 = tpu.memref_squeeze %swap3A_353 : memref<1x1024xf32, #tpu.memory_space<vmem>> -> memref<1024xf32, #tpu.memory_space<vmem>>
      %swap3A_355 = arith.index_cast %mul3A_339 : i32 to index
      %swap3A_356 = tpu.vector_load %swap3A_354[%swap3A_355] {strides = array<i32>} : memref<1024xf32, #tpu.memory_space<vmem>>, vector<16xf32>,
      %swap3A_357 = vector.shape_cast %swap3A_356 : vector<16xf32> to vector<16xf32>
      %swap3A_358 = vector.shape_cast %get3A_350 : vector<16xf32> to vector<16xf32>
      tpu.vector_store %swap3A_354[%swap3A_355], %swap3A_358 {add = true, strides = array<i32>} : memref<1024xf32, #tpu.memory_space<vmem>>, vector<16xf32>,
      %mul3A_359 = arith.constant 16 : i32
      %mul3A_360 = arith.muli %scan3A_316, %mul3A_359 : i32
      %mul3A_361 = arith.constant 16 : i32
      %mul3A_362 = arith.muli %scan3A_316, %mul3A_361 : i32
      %add3A_363 = arith.constant 2048 : i32
      %add3A_364 = arith.addi %add3A_363, %mul3A_362 : i32
      %get3A_365 = arith.constant 0 : i32
      %get3A_366 = arith.constant 0 : i32
      %get3A_367 = tpu.memref_slice %arg9[%get3A_365, %get3A_366] : memref<1x16384xf32, #tpu.memory_space<vmem>> -> memref<1x16384xf32, #tpu.memory_space<vmem>>
      %get3A_368 = tpu.memref_squeeze %get3A_367 : memref<1x16384xf32, #tpu.memory_space<vmem>> -> memref<16384xf32, #tpu.memory_space<vmem>>
      %get3A_369 = arith.index_cast %add3A_364 : i32 to index
      %get3A_370 = tpu.vector_load %get3A_368[%get3A_369] {strides = array<i32>} : memref<16384xf32, #tpu.memory_space<vmem>>, vector<16xf32>,
      %get3A_371 = vector.shape_cast %get3A_370 : vector<16xf32> to vector<16xf32>
      %swap3A_372 = arith.constant 2 : i32
      %swap3A_373 = arith.constant 0 : i32
      %swap3A_374 = tpu.memref_slice %arg12[%swap3A_372, %swap3A_373] : memref<16x1024xf32, #tpu.memory_space<vmem>> -> memref<1x1024xf32, #tpu.memory_space<vmem>>
      %swap3A_375 = tpu.memref_squeeze %swap3A_374 : memref<1x1024xf32, #tpu.memory_space<vmem>> -> memref<1024xf32, #tpu.memory_space<vmem>>
      %swap3A_376 = arith.index_cast %mul3A_360 : i32 to index
      %swap3A_377 = tpu.vector_load %swap3A_375[%swap3A_376] {strides = array<i32>} : memref<1024xf32, #tpu.memory_space<vmem>>, vector<16xf32>,
      %swap3A_378 = vector.shape_cast %swap3A_377 : vector<16xf32> to vector<16xf32>
      %swap3A_379 = vector.shape_cast %get3A_371 : vector<16xf32> to vector<16xf32>
      tpu.vector_store %swap3A_375[%swap3A_376], %swap3A_379 {add = true, strides = array<i32>} : memref<1024xf32, #tpu.memory_space<vmem>>, vector<16xf32>,
      %mul3A_380 = arith.constant 16 : i32
      %mul3A_381 = arith.muli %scan3A_316, %mul3A_380 : i32
      %mul3A_382 = arith.constant 16 : i32
      %mul3A_383 = arith.muli %scan3A_316, %mul3A_382 : i32
      %add3A_384 = arith.constant 3072 : i32
      %add3A_385 = arith.addi %add3A_384, %mul3A_383 : i32
      %get3A_386 = arith.constant 0 : i32
      %get3A_387 = arith.constant 0 : i32
      %get3A_388 = tpu.memref_slice %arg9[%get3A_386, %get3A_387] : memref<1x16384xf32, #tpu.memory_space<vmem>> -> memref<1x16384xf32, #tpu.memory_space<vmem>>
      %get3A_389 = tpu.memref_squeeze %get3A_388 : memref<1x16384xf32, #tpu.memory_space<vmem>> -> memref<16384xf32, #tpu.memory_space<vmem>>
      %get3A_390 = arith.index_cast %add3A_385 : i32 to index
      %get3A_391 = tpu.vector_load %get3A_389[%get3A_390] {strides = array<i32>} : memref<16384xf32, #tpu.memory_space<vmem>>, vector<16xf32>,
      %get3A_392 = vector.shape_cast %get3A_391 : vector<16xf32> to vector<16xf32>
      %swap3A_393 = arith.constant 3 : i32
      %swap3A_394 = arith.constant 0 : i32
      %swap3A_395 = tpu.memref_slice %arg12[%swap3A_393, %swap3A_394] : memref<16x1024xf32, #tpu.memory_space<vmem>> -> memref<1x1024xf32, #tpu.memory_space<vmem>>
      %swap3A_396 = tpu.memref_squeeze %swap3A_395 : memref<1x1024xf32, #tpu.memory_space<vmem>> -> memref<1024xf32, #tpu.memory_space<vmem>>
      %swap3A_397 = arith.index_cast %mul3A_381 : i32 to index
      %swap3A_398 = tpu.vector_load %swap3A_396[%swap3A_397] {strides = array<i32>} : memref<1024xf32, #tpu.memory_space<vmem>>, vector<16xf32>,
      %swap3A_399 = vector.shape_cast %swap3A_398 : vector<16xf32> to vector<16xf32>
      %swap3A_400 = vector.shape_cast %get3A_392 : vector<16xf32> to vector<16xf32>
      tpu.vector_store %swap3A_396[%swap3A_397], %swap3A_400 {add = true, strides = array<i32>} : memref<1024xf32, #tpu.memory_space<vmem>>, vector<16xf32>,
      %mul3A_401 = arith.constant 16 : i32
      %mul3A_402 = arith.muli %scan3A_316, %mul3A_401 : i32
      %mul3A_403 = arith.constant 16 : i32
      %mul3A_404 = arith.muli %scan3A_316, %mul3A_403 : i32
      %add3A_405 = arith.constant 4096 : i32
      %add3A_406 = arith.addi %add3A_405, %mul3A_404 : i32
      %get3A_407 = arith.constant 0 : i32
      %get3A_408 = arith.constant 0 : i32
      %get3A_409 = tpu.memref_slice %arg9[%get3A_407, %get3A_408] : memref<1x16384xf32, #tpu.memory_space<vmem>> -> memref<1x16384xf32, #tpu.memory_space<vmem>>
      %get3A_410 = tpu.memref_squeeze %get3A_409 : memref<1x16384xf32, #tpu.memory_space<vmem>> -> memref<16384xf32, #tpu.memory_space<vmem>>
      %get3A_411 = arith.index_cast %add3A_406 : i32 to index
      %get3A_412 = tpu.vector_load %get3A_410[%get3A_411] {strides = array<i32>} : memref<16384xf32, #tpu.memory_space<vmem>>, vector<16xf32>,
      %get3A_413 = vector.shape_cast %get3A_412 : vector<16xf32> to vector<16xf32>
      %swap3A_414 = arith.constant 4 : i32
      %swap3A_415 = arith.constant 0 : i32
      %swap3A_416 = tpu.memref_slice %arg12[%swap3A_414, %swap3A_415] : memref<16x1024xf32, #tpu.memory_space<vmem>> -> memref<1x1024xf32, #tpu.memory_space<vmem>>
      %swap3A_417 = tpu.memref_squeeze %swap3A_416 : memref<1x1024xf32, #tpu.memory_space<vmem>> -> memref<1024xf32, #tpu.memory_space<vmem>>
      %swap3A_418 = arith.index_cast %mul3A_402 : i32 to index
      %swap3A_419 = tpu.vector_load %swap3A_417[%swap3A_418] {strides = array<i32>} : memref<1024xf32, #tpu.memory_space<vmem>>, vector<16xf32>,
      %swap3A_420 = vector.shape_cast %swap3A_419 : vector<16xf32> to vector<16xf32>
      %swap3A_421 = vector.shape_cast %get3A_413 : vector<16xf32> to vector<16xf32>
      tpu.vector_store %swap3A_417[%swap3A_418], %swap3A_421 {add = true, strides = array<i32>} : memref<1024xf32, #tpu.memory_space<vmem>>, vector<16xf32>,
      %mul3A_422 = arith.constant 16 : i32
      %mul3A_423 = arith.muli %scan3A_316, %mul3A_422 : i32
      %mul3A_424 = arith.constant 16 : i32
      %mul3A_425 = arith.muli %scan3A_316, %mul3A_424 : i32
      %add3A_426 = arith.constant 5120 : i32
      %add3A_427 = arith.addi %add3A_426, %mul3A_425 : i32
      %get3A_428 = arith.constant 0 : i32
      %get3A_429 = arith.constant 0 : i32
      %get3A_430 = tpu.memref_slice %arg9[%get3A_428, %get3A_429] : memref<1x16384xf32, #tpu.memory_space<vmem>> -> memref<1x16384xf32, #tpu.memory_space<vmem>>
      %get3A_431 = tpu.memref_squeeze %get3A_430 : memref<1x16384xf32, #tpu.memory_space<vmem>> -> memref<16384xf32, #tpu.memory_space<vmem>>
      %get3A_432 = arith.index_cast %add3A_427 : i32 to index
      %get3A_433 = tpu.vector_load %get3A_431[%get3A_432] {strides = array<i32>} : memref<16384xf32, #tpu.memory_space<vmem>>, vector<16xf32>,
      %get3A_434 = vector.shape_cast %get3A_433 : vector<16xf32> to vector<16xf32>
      %swap3A_435 = arith.constant 5 : i32
      %swap3A_436 = arith.constant 0 : i32
      %swap3A_437 = tpu.memref_slice %arg12[%swap3A_435, %swap3A_436] : memref<16x1024xf32, #tpu.memory_space<vmem>> -> memref<1x1024xf32, #tpu.memory_space<vmem>>
      %swap3A_438 = tpu.memref_squeeze %swap3A_437 : memref<1x1024xf32, #tpu.memory_space<vmem>> -> memref<1024xf32, #tpu.memory_space<vmem>>
      %swap3A_439 = arith.index_cast %mul3A_423 : i32 to index
      %swap3A_440 = tpu.vector_load %swap3A_438[%swap3A_439] {strides = array<i32>} : memref<1024xf32, #tpu.memory_space<vmem>>, vector<16xf32>,
      %swap3A_441 = vector.shape_cast %swap3A_440 : vector<16xf32> to vector<16xf32>
      %swap3A_442 = vector.shape_cast %get3A_434 : vector<16xf32> to vector<16xf32>
      tpu.vector_store %swap3A_438[%swap3A_439], %swap3A_442 {add = true, strides = array<i32>} : memref<1024xf32, #tpu.memory_space<vmem>>, vector<16xf32>,
      %mul3A_443 = arith.constant 16 : i32
      %mul3A_444 = arith.muli %scan3A_316, %mul3A_443 : i32
      %mul3A_445 = arith.constant 16 : i32
      %mul3A_446 = arith.muli %scan3A_316, %mul3A_445 : i32
      %add3A_447 = arith.constant 6144 : i32
      %add3A_448 = arith.addi %add3A_447, %mul3A_446 : i32
      %get3A_449 = arith.constant 0 : i32
      %get3A_450 = arith.constant 0 : i32
      %get3A_451 = tpu.memref_slice %arg9[%get3A_449, %get3A_450] : memref<1x16384xf32, #tpu.memory_space<vmem>> -> memref<1x16384xf32, #tpu.memory_space<vmem>>
      %get3A_452 = tpu.memref_squeeze %get3A_451 : memref<1x16384xf32, #tpu.memory_space<vmem>> -> memref<16384xf32, #tpu.memory_space<vmem>>
      %get3A_453 = arith.index_cast %add3A_448 : i32 to index
      %get3A_454 = tpu.vector_load %get3A_452[%get3A_453] {strides = array<i32>} : memref<16384xf32, #tpu.memory_space<vmem>>, vector<16xf32>,
      %get3A_455 = vector.shape_cast %get3A_454 : vector<16xf32> to vector<16xf32>
      %swap3A_456 = arith.constant 6 : i32
      %swap3A_457 = arith.constant 0 : i32
      %swap3A_458 = tpu.memref_slice %arg12[%swap3A_456, %swap3A_457] : memref<16x1024xf32, #tpu.memory_space<vmem>> -> memref<1x1024xf32, #tpu.memory_space<vmem>>
      %swap3A_459 = tpu.memref_squeeze %swap3A_458 : memref<1x1024xf32, #tpu.memory_space<vmem>> -> memref<1024xf32, #tpu.memory_space<vmem>>
      %swap3A_460 = arith.index_cast %mul3A_444 : i32 to index
      %swap3A_461 = tpu.vector_load %swap3A_459[%swap3A_460] {strides = array<i32>} : memref<1024xf32, #tpu.memory_space<vmem>>, vector<16xf32>,
      %swap3A_462 = vector.shape_cast %swap3A_461 : vector<16xf32> to vector<16xf32>
      %swap3A_463 = vector.shape_cast %get3A_455 : vector<16xf32> to vector<16xf32>
      tpu.vector_store %swap3A_459[%swap3A_460], %swap3A_463 {add = true, strides = array<i32>} : memref<1024xf32, #tpu.memory_space<vmem>>, vector<16xf32>,
      %mul3A_464 = arith.constant 16 : i32
      %mul3A_465 = arith.muli %scan3A_316, %mul3A_464 : i32
      %mul3A_466 = arith.constant 16 : i32
      %mul3A_467 = arith.muli %scan3A_316, %mul3A_466 : i32
      %add3A_468 = arith.constant 7168 : i32
      %add3A_469 = arith.addi %add3A_468, %mul3A_467 : i32
      %get3A_470 = arith.constant 0 : i32
      %get3A_471 = arith.constant 0 : i32
      %get3A_472 = tpu.memref_slice %arg9[%get3A_470, %get3A_471] : memref<1x16384xf32, #tpu.memory_space<vmem>> -> memref<1x16384xf32, #tpu.memory_space<vmem>>
      %get3A_473 = tpu.memref_squeeze %get3A_472 : memref<1x16384xf32, #tpu.memory_space<vmem>> -> memref<16384xf32, #tpu.memory_space<vmem>>
      %get3A_474 = arith.index_cast %add3A_469 : i32 to index
      %get3A_475 = tpu.vector_load %get3A_473[%get3A_474] {strides = array<i32>} : memref<16384xf32, #tpu.memory_space<vmem>>, vector<16xf32>,
      %get3A_476 = vector.shape_cast %get3A_475 : vector<16xf32> to vector<16xf32>
      %swap3A_477 = arith.constant 7 : i32
      %swap3A_478 = arith.constant 0 : i32
      %swap3A_479 = tpu.memref_slice %arg12[%swap3A_477, %swap3A_478] : memref<16x1024xf32, #tpu.memory_space<vmem>> -> memref<1x1024xf32, #tpu.memory_space<vmem>>
      %swap3A_480 = tpu.memref_squeeze %swap3A_479 : memref<1x1024xf32, #tpu.memory_space<vmem>> -> memref<1024xf32, #tpu.memory_space<vmem>>
      %swap3A_481 = arith.index_cast %mul3A_465 : i32 to index
      %swap3A_482 = tpu.vector_load %swap3A_480[%swap3A_481] {strides = array<i32>} : memref<1024xf32, #tpu.memory_space<vmem>>, vector<16xf32>,
      %swap3A_483 = vector.shape_cast %swap3A_482 : vector<16xf32> to vector<16xf32>
      %swap3A_484 = vector.shape_cast %get3A_476 : vector<16xf32> to vector<16xf32>
      tpu.vector_store %swap3A_480[%swap3A_481], %swap3A_484 {add = true, strides = array<i32>} : memref<1024xf32, #tpu.memory_space<vmem>>, vector<16xf32>,
      %mul3A_485 = arith.constant 16 : i32
      %mul3A_486 = arith.muli %scan3A_316, %mul3A_485 : i32
      %mul3A_487 = arith.constant 16 : i32
      %mul3A_488 = arith.muli %scan3A_316, %mul3A_487 : i32
      %add3A_489 = arith.constant 8192 : i32
      %add3A_490 = arith.addi %add3A_489, %mul3A_488 : i32
      %get3A_491 = arith.constant 0 : i32
      %get3A_492 = arith.constant 0 : i32
      %get3A_493 = tpu.memref_slice %arg9[%get3A_491, %get3A_492] : memref<1x16384xf32, #tpu.memory_space<vmem>> -> memref<1x16384xf32, #tpu.memory_space<vmem>>
      %get3A_494 = tpu.memref_squeeze %get3A_493 : memref<1x16384xf32, #tpu.memory_space<vmem>> -> memref<16384xf32, #tpu.memory_space<vmem>>
      %get3A_495 = arith.index_cast %add3A_490 : i32 to index
      %get3A_496 = tpu.vector_load %get3A_494[%get3A_495] {strides = array<i32>} : memref<16384xf32, #tpu.memory_space<vmem>>, vector<16xf32>,
      %get3A_497 = vector.shape_cast %get3A_496 : vector<16xf32> to vector<16xf32>
      %swap3A_498 = arith.constant 8 : i32
      %swap3A_499 = arith.constant 0 : i32
      %swap3A_500 = tpu.memref_slice %arg12[%swap3A_498, %swap3A_499] : memref<16x1024xf32, #tpu.memory_space<vmem>> -> memref<1x1024xf32, #tpu.memory_space<vmem>>
      %swap3A_501 = tpu.memref_squeeze %swap3A_500 : memref<1x1024xf32, #tpu.memory_space<vmem>> -> memref<1024xf32, #tpu.memory_space<vmem>>
      %swap3A_502 = arith.index_cast %mul3A_486 : i32 to index
      %swap3A_503 = tpu.vector_load %swap3A_501[%swap3A_502] {strides = array<i32>} : memref<1024xf32, #tpu.memory_space<vmem>>, vector<16xf32>,
      %swap3A_504 = vector.shape_cast %swap3A_503 : vector<16xf32> to vector<16xf32>
      %swap3A_505 = vector.shape_cast %get3A_497 : vector<16xf32> to vector<16xf32>
      tpu.vector_store %swap3A_501[%swap3A_502], %swap3A_505 {add = true, strides = array<i32>} : memref<1024xf32, #tpu.memory_space<vmem>>, vector<16xf32>,
      %mul3A_506 = arith.constant 16 : i32
      %mul3A_507 = arith.muli %scan3A_316, %mul3A_506 : i32
      %mul3A_508 = arith.constant 16 : i32
      %mul3A_509 = arith.muli %scan3A_316, %mul3A_508 : i32
      %add3A_510 = arith.constant 9216 : i32
      %add3A_511 = arith.addi %add3A_510, %mul3A_509 : i32
      %get3A_512 = arith.constant 0 : i32
      %get3A_513 = arith.constant 0 : i32
      %get3A_514 = tpu.memref_slice %arg9[%get3A_512, %get3A_513] : memref<1x16384xf32, #tpu.memory_space<vmem>> -> memref<1x16384xf32, #tpu.memory_space<vmem>>
      %get3A_515 = tpu.memref_squeeze %get3A_514 : memref<1x16384xf32, #tpu.memory_space<vmem>> -> memref<16384xf32, #tpu.memory_space<vmem>>
      %get3A_516 = arith.index_cast %add3A_511 : i32 to index
      %get3A_517 = tpu.vector_load %get3A_515[%get3A_516] {strides = array<i32>} : memref<16384xf32, #tpu.memory_space<vmem>>, vector<16xf32>,
      %get3A_518 = vector.shape_cast %get3A_517 : vector<16xf32> to vector<16xf32>
      %swap3A_519 = arith.constant 9 : i32
      %swap3A_520 = arith.constant 0 : i32
      %swap3A_521 = tpu.memref_slice %arg12[%swap3A_519, %swap3A_520] : memref<16x1024xf32, #tpu.memory_space<vmem>> -> memref<1x1024xf32, #tpu.memory_space<vmem>>
      %swap3A_522 = tpu.memref_squeeze %swap3A_521 : memref<1x1024xf32, #tpu.memory_space<vmem>> -> memref<1024xf32, #tpu.memory_space<vmem>>
      %swap3A_523 = arith.index_cast %mul3A_507 : i32 to index
      %swap3A_524 = tpu.vector_load %swap3A_522[%swap3A_523] {strides = array<i32>} : memref<1024xf32, #tpu.memory_space<vmem>>, vector<16xf32>,
      %swap3A_525 = vector.shape_cast %swap3A_524 : vector<16xf32> to vector<16xf32>
      %swap3A_526 = vector.shape_cast %get3A_518 : vector<16xf32> to vector<16xf32>
      tpu.vector_store %swap3A_522[%swap3A_523], %swap3A_526 {add = true, strides = array<i32>} : memref<1024xf32, #tpu.memory_space<vmem>>, vector<16xf32>,
      %mul3A_527 = arith.constant 16 : i32
      %mul3A_528 = arith.muli %scan3A_316, %mul3A_527 : i32
      %mul3A_529 = arith.constant 16 : i32
      %mul3A_530 = arith.muli %scan3A_316, %mul3A_529 : i32
      %add3A_531 = arith.constant 10240 : i32
      %add3A_532 = arith.addi %add3A_531, %mul3A_530 : i32
      %get3A_533 = arith.constant 0 : i32
      %get3A_534 = arith.constant 0 : i32
      %get3A_535 = tpu.memref_slice %arg9[%get3A_533, %get3A_534] : memref<1x16384xf32, #tpu.memory_space<vmem>> -> memref<1x16384xf32, #tpu.memory_space<vmem>>
      %get3A_536 = tpu.memref_squeeze %get3A_535 : memref<1x16384xf32, #tpu.memory_space<vmem>> -> memref<16384xf32, #tpu.memory_space<vmem>>
      %get3A_537 = arith.index_cast %add3A_532 : i32 to index
      %get3A_538 = tpu.vector_load %get3A_536[%get3A_537] {strides = array<i32>} : memref<16384xf32, #tpu.memory_space<vmem>>, vector<16xf32>,
      %get3A_539 = vector.shape_cast %get3A_538 : vector<16xf32> to vector<16xf32>
      %swap3A_540 = arith.constant 10 : i32
      %swap3A_541 = arith.constant 0 : i32
      %swap3A_542 = tpu.memref_slice %arg12[%swap3A_540, %swap3A_541] : memref<16x1024xf32, #tpu.memory_space<vmem>> -> memref<1x1024xf32, #tpu.memory_space<vmem>>
      %swap3A_543 = tpu.memref_squeeze %swap3A_542 : memref<1x1024xf32, #tpu.memory_space<vmem>> -> memref<1024xf32, #tpu.memory_space<vmem>>
      %swap3A_544 = arith.index_cast %mul3A_528 : i32 to index
      %swap3A_545 = tpu.vector_load %swap3A_543[%swap3A_544] {strides = array<i32>} : memref<1024xf32, #tpu.memory_space<vmem>>, vector<16xf32>,
      %swap3A_546 = vector.shape_cast %swap3A_545 : vector<16xf32> to vector<16xf32>
      %swap3A_547 = vector.shape_cast %get3A_539 : vector<16xf32> to vector<16xf32>
      tpu.vector_store %swap3A_543[%swap3A_544], %swap3A_547 {add = true, strides = array<i32>} : memref<1024xf32, #tpu.memory_space<vmem>>, vector<16xf32>,
      %mul3A_548 = arith.constant 16 : i32
      %mul3A_549 = arith.muli %scan3A_316, %mul3A_548 : i32
      %mul3A_550 = arith.constant 16 : i32
      %mul3A_551 = arith.muli %scan3A_316, %mul3A_550 : i32
      %add3A_552 = arith.constant 11264 : i32
      %add3A_553 = arith.addi %add3A_552, %mul3A_551 : i32
      %get3A_554 = arith.constant 0 : i32
      %get3A_555 = arith.constant 0 : i32
      %get3A_556 = tpu.memref_slice %arg9[%get3A_554, %get3A_555] : memref<1x16384xf32, #tpu.memory_space<vmem>> -> memref<1x16384xf32, #tpu.memory_space<vmem>>
      %get3A_557 = tpu.memref_squeeze %get3A_556 : memref<1x16384xf32, #tpu.memory_space<vmem>> -> memref<16384xf32, #tpu.memory_space<vmem>>
      %get3A_558 = arith.index_cast %add3A_553 : i32 to index
      %get3A_559 = tpu.vector_load %get3A_557[%get3A_558] {strides = array<i32>} : memref<16384xf32, #tpu.memory_space<vmem>>, vector<16xf32>,
      %get3A_560 = vector.shape_cast %get3A_559 : vector<16xf32> to vector<16xf32>
      %swap3A_561 = arith.constant 11 : i32
      %swap3A_562 = arith.constant 0 : i32
      %swap3A_563 = tpu.memref_slice %arg12[%swap3A_561, %swap3A_562] : memref<16x1024xf32, #tpu.memory_space<vmem>> -> memref<1x1024xf32, #tpu.memory_space<vmem>>
      %swap3A_564 = tpu.memref_squeeze %swap3A_563 : memref<1x1024xf32, #tpu.memory_space<vmem>> -> memref<1024xf32, #tpu.memory_space<vmem>>
      %swap3A_565 = arith.index_cast %mul3A_549 : i32 to index
      %swap3A_566 = tpu.vector_load %swap3A_564[%swap3A_565] {strides = array<i32>} : memref<1024xf32, #tpu.memory_space<vmem>>, vector<16xf32>,
      %swap3A_567 = vector.shape_cast %swap3A_566 : vector<16xf32> to vector<16xf32>
      %swap3A_568 = vector.shape_cast %get3A_560 : vector<16xf32> to vector<16xf32>
      tpu.vector_store %swap3A_564[%swap3A_565], %swap3A_568 {add = true, strides = array<i32>} : memref<1024xf32, #tpu.memory_space<vmem>>, vector<16xf32>,
      %mul3A_569 = arith.constant 16 : i32
      %mul3A_570 = arith.muli %scan3A_316, %mul3A_569 : i32
      %mul3A_571 = arith.constant 16 : i32
      %mul3A_572 = arith.muli %scan3A_316, %mul3A_571 : i32
      %add3A_573 = arith.constant 12288 : i32
      %add3A_574 = arith.addi %add3A_573, %mul3A_572 : i32
      %get3A_575 = arith.constant 0 : i32
      %get3A_576 = arith.constant 0 : i32
      %get3A_577 = tpu.memref_slice %arg9[%get3A_575, %get3A_576] : memref<1x16384xf32, #tpu.memory_space<vmem>> -> memref<1x16384xf32, #tpu.memory_space<vmem>>
      %get3A_578 = tpu.memref_squeeze %get3A_577 : memref<1x16384xf32, #tpu.memory_space<vmem>> -> memref<16384xf32, #tpu.memory_space<vmem>>
      %get3A_579 = arith.index_cast %add3A_574 : i32 to index
      %get3A_580 = tpu.vector_load %get3A_578[%get3A_579] {strides = array<i32>} : memref<16384xf32, #tpu.memory_space<vmem>>, vector<16xf32>,
      %get3A_581 = vector.shape_cast %get3A_580 : vector<16xf32> to vector<16xf32>
      %swap3A_582 = arith.constant 12 : i32
      %swap3A_583 = arith.constant 0 : i32
      %swap3A_584 = tpu.memref_slice %arg12[%swap3A_582, %swap3A_583] : memref<16x1024xf32, #tpu.memory_space<vmem>> -> memref<1x1024xf32, #tpu.memory_space<vmem>>
      %swap3A_585 = tpu.memref_squeeze %swap3A_584 : memref<1x1024xf32, #tpu.memory_space<vmem>> -> memref<1024xf32, #tpu.memory_space<vmem>>
      %swap3A_586 = arith.index_cast %mul3A_570 : i32 to index
      %swap3A_587 = tpu.vector_load %swap3A_585[%swap3A_586] {strides = array<i32>} : memref<1024xf32, #tpu.memory_space<vmem>>, vector<16xf32>,
      %swap3A_588 = vector.shape_cast %swap3A_587 : vector<16xf32> to vector<16xf32>
      %swap3A_589 = vector.shape_cast %get3A_581 : vector<16xf32> to vector<16xf32>
      tpu.vector_store %swap3A_585[%swap3A_586], %swap3A_589 {add = true, strides = array<i32>} : memref<1024xf32, #tpu.memory_space<vmem>>, vector<16xf32>,
      %mul3A_590 = arith.constant 16 : i32
      %mul3A_591 = arith.muli %scan3A_316, %mul3A_590 : i32
      %mul3A_592 = arith.constant 16 : i32
      %mul3A_593 = arith.muli %scan3A_316, %mul3A_592 : i32
      %add3A_594 = arith.constant 13312 : i32
      %add3A_595 = arith.addi %add3A_594, %mul3A_593 : i32
      %get3A_596 = arith.constant 0 : i32
      %get3A_597 = arith.constant 0 : i32
      %get3A_598 = tpu.memref_slice %arg9[%get3A_596, %get3A_597] : memref<1x16384xf32, #tpu.memory_space<vmem>> -> memref<1x16384xf32, #tpu.memory_space<vmem>>
      %get3A_599 = tpu.memref_squeeze %get3A_598 : memref<1x16384xf32, #tpu.memory_space<vmem>> -> memref<16384xf32, #tpu.memory_space<vmem>>
      %get3A_600 = arith.index_cast %add3A_595 : i32 to index
      %get3A_601 = tpu.vector_load %get3A_599[%get3A_600] {strides = array<i32>} : memref<16384xf32, #tpu.memory_space<vmem>>, vector<16xf32>,
      %get3A_602 = vector.shape_cast %get3A_601 : vector<16xf32> to vector<16xf32>
      %swap3A_603 = arith.constant 13 : i32
      %swap3A_604 = arith.constant 0 : i32
      %swap3A_605 = tpu.memref_slice %arg12[%swap3A_603, %swap3A_604] : memref<16x1024xf32, #tpu.memory_space<vmem>> -> memref<1x1024xf32, #tpu.memory_space<vmem>>
      %swap3A_606 = tpu.memref_squeeze %swap3A_605 : memref<1x1024xf32, #tpu.memory_space<vmem>> -> memref<1024xf32, #tpu.memory_space<vmem>>
      %swap3A_607 = arith.index_cast %mul3A_591 : i32 to index
      %swap3A_608 = tpu.vector_load %swap3A_606[%swap3A_607] {strides = array<i32>} : memref<1024xf32, #tpu.memory_space<vmem>>, vector<16xf32>,
      %swap3A_609 = vector.shape_cast %swap3A_608 : vector<16xf32> to vector<16xf32>
      %swap3A_610 = vector.shape_cast %get3A_602 : vector<16xf32> to vector<16xf32>
      tpu.vector_store %swap3A_606[%swap3A_607], %swap3A_610 {add = true, strides = array<i32>} : memref<1024xf32, #tpu.memory_space<vmem>>, vector<16xf32>,
      %mul3A_611 = arith.constant 16 : i32
      %mul3A_612 = arith.muli %scan3A_316, %mul3A_611 : i32
      %mul3A_613 = arith.constant 16 : i32
      %mul3A_614 = arith.muli %scan3A_316, %mul3A_613 : i32
      %add3A_615 = arith.constant 14336 : i32
      %add3A_616 = arith.addi %add3A_615, %mul3A_614 : i32
      %get3A_617 = arith.constant 0 : i32
      %get3A_618 = arith.constant 0 : i32
      %get3A_619 = tpu.memref_slice %arg9[%get3A_617, %get3A_618] : memref<1x16384xf32, #tpu.memory_space<vmem>> -> memref<1x16384xf32, #tpu.memory_space<vmem>>
      %get3A_620 = tpu.memref_squeeze %get3A_619 : memref<1x16384xf32, #tpu.memory_space<vmem>> -> memref<16384xf32, #tpu.memory_space<vmem>>
      %get3A_621 = arith.index_cast %add3A_616 : i32 to index
      %get3A_622 = tpu.vector_load %get3A_620[%get3A_621] {strides = array<i32>} : memref<16384xf32, #tpu.memory_space<vmem>>, vector<16xf32>,
      %get3A_623 = vector.shape_cast %get3A_622 : vector<16xf32> to vector<16xf32>
      %swap3A_624 = arith.constant 14 : i32
      %swap3A_625 = arith.constant 0 : i32
      %swap3A_626 = tpu.memref_slice %arg12[%swap3A_624, %swap3A_625] : memref<16x1024xf32, #tpu.memory_space<vmem>> -> memref<1x1024xf32, #tpu.memory_space<vmem>>
      %swap3A_627 = tpu.memref_squeeze %swap3A_626 : memref<1x1024xf32, #tpu.memory_space<vmem>> -> memref<1024xf32, #tpu.memory_space<vmem>>
      %swap3A_628 = arith.index_cast %mul3A_612 : i32 to index
      %swap3A_629 = tpu.vector_load %swap3A_627[%swap3A_628] {strides = array<i32>} : memref<1024xf32, #tpu.memory_space<vmem>>, vector<16xf32>,
      %swap3A_630 = vector.shape_cast %swap3A_629 : vector<16xf32> to vector<16xf32>
      %swap3A_631 = vector.shape_cast %get3A_623 : vector<16xf32> to vector<16xf32>
      tpu.vector_store %swap3A_627[%swap3A_628], %swap3A_631 {add = true, strides = array<i32>} : memref<1024xf32, #tpu.memory_space<vmem>>, vector<16xf32>,
      %mul3A_632 = arith.constant 16 : i32
      %mul3A_633 = arith.muli %scan3A_316, %mul3A_632 : i32
      %mul3A_634 = arith.constant 16 : i32
      %mul3A_635 = arith.muli %scan3A_316, %mul3A_634 : i32
      %add3A_636 = arith.constant 15360 : i32
      %add3A_637 = arith.addi %add3A_636, %mul3A_635 : i32
      %get3A_638 = arith.constant 0 : i32
      %get3A_639 = arith.constant 0 : i32
      %get3A_640 = tpu.memref_slice %arg9[%get3A_638, %get3A_639] : memref<1x16384xf32, #tpu.memory_space<vmem>> -> memref<1x16384xf32, #tpu.memory_space<vmem>>
      %get3A_641 = tpu.memref_squeeze %get3A_640 : memref<1x16384xf32, #tpu.memory_space<vmem>> -> memref<16384xf32, #tpu.memory_space<vmem>>
      %get3A_642 = arith.index_cast %add3A_637 : i32 to index
      %get3A_643 = tpu.vector_load %get3A_641[%get3A_642] {strides = array<i32>} : memref<16384xf32, #tpu.memory_space<vmem>>, vector<16xf32>,
      %get3A_644 = vector.shape_cast %get3A_643 : vector<16xf32> to vector<16xf32>
      %swap3A_645 = arith.constant 15 : i32
      %swap3A_646 = arith.constant 0 : i32
      %swap3A_647 = tpu.memref_slice %arg12[%swap3A_645, %swap3A_646] : memref<16x1024xf32, #tpu.memory_space<vmem>> -> memref<1x1024xf32, #tpu.memory_space<vmem>>
      %swap3A_648 = tpu.memref_squeeze %swap3A_647 : memref<1x1024xf32, #tpu.memory_space<vmem>> -> memref<1024xf32, #tpu.memory_space<vmem>>
      %swap3A_649 = arith.index_cast %mul3A_633 : i32 to index
      %swap3A_650 = tpu.vector_load %swap3A_648[%swap3A_649] {strides = array<i32>} : memref<1024xf32, #tpu.memory_space<vmem>>, vector<16xf32>,
      %swap3A_651 = vector.shape_cast %swap3A_650 : vector<16xf32> to vector<16xf32>
      %swap3A_652 = vector.shape_cast %get3A_644 : vector<16xf32> to vector<16xf32>
      tpu.vector_store %swap3A_648[%swap3A_649], %swap3A_652 {add = true, strides = array<i32>} : memref<1024xf32, #tpu.memory_space<vmem>>, vector<16xf32>,
      %scan3A_653 = arith.constant 0 : i32
      scf.yield %scan3A_653 : i32
    }
    %scan3A_245 = arith.constant 64 : i32
    %mul3A_246 = arith.constant 128 : i32
    %mul3A_247 = arith.muli %add3A, %mul3A_246 : i32
    %add3A_248 = arith.constant 80 : i32
    %add3A_249 = arith.addi %mul3A_247, %add3A_248 : i32
    %dma_start3A_250 = arith.constant 0 : i32
    %dma_start3A_251 = tpu.memref_slice %arg5[%add3A_249, %dma_start3A_250] : memref<4096x1024xf32, #tpu.memory_space<hbm>> -> memref<16x1024xf32, #tpu.memory_space<hbm>>
    %dma_start3A_252 = arith.constant 0 : i32
    %dma_start3A_253 = tpu.memref_slice %arg5[%add3A_249, %dma_start3A_252] : memref<4096x1024xf32, #tpu.memory_space<hbm>> -> memref<16x1024xf32, #tpu.memory_space<hbm>>
    tpu.enqueue_dma source(%arg12 : memref<16x1024xf32, #tpu.memory_space<vmem>>) target(%dma_start3A_253 : memref<16x1024xf32, #tpu.memory_space<hbm>>) target_semaphore(%arg14 : memref<!tpu.dma_semaphore, #tpu.memory_space<semaphore_mem>>)
    %dma_wait3A_254 = arith.constant 98304 : i32
    %dma_wait3A_255 = tpu.memref_slice %arg3[%squeeze3A, %dma_wait3A_254] : memref<64x131072xf32, #tpu.memory_space<hbm>> -> memref<1x16384xf32, #tpu.memory_space<hbm>>
    %dma_wait3A_256 = arith.constant 98304 : i32
    %dma_wait3A_257 = tpu.memref_slice %arg3[%squeeze3A, %dma_wait3A_256] : memref<64x131072xf32, #tpu.memory_space<hbm>> -> memref<1x16384xf32, #tpu.memory_space<hbm>>
    tpu.wait_dma2 semaphore(%arg13 : memref<!tpu.dma_semaphore, #tpu.memory_space<semaphore_mem>>) src(%dma_wait3A_257 : memref<1x16384xf32, #tpu.memory_space<hbm>>) dst(%arg7 : memref<1x16384xf32, #tpu.memory_space<vmem>>)
    %dma_wait3A_258 = arith.constant 96 : i32
    %dma_wait3A_259 = arith.constant 0 : i32
    %dma_wait3A_260 = tpu.memref_slice %arg4[%dma_wait3A_258, %dma_wait3A_259] : memref<128x1024xf32, #tpu.memory_space<hbm>> -> memref<16x1024xf32, #tpu.memory_space<hbm>>
    %dma_wait3A_261 = arith.constant 96 : i32
    %dma_wait3A_262 = arith.constant 0 : i32
    %dma_wait3A_263 = tpu.memref_slice %arg4[%dma_wait3A_261, %dma_wait3A_262] : memref<128x1024xf32, #tpu.memory_space<hbm>> -> memref<16x1024xf32, #tpu.memory_space<hbm>>
    tpu.wait_dma2 semaphore(%arg13 : memref<!tpu.dma_semaphore, #tpu.memory_space<semaphore_mem>>) src(%dma_wait3A_263 : memref<16x1024xf32, #tpu.memory_space<hbm>>) dst(%arg10 : memref<16x1024xf32, #tpu.memory_space<vmem>>)
    %scan3A_264 = arith.constant 0 : i32
    %scan3A_265 = arith.constant 0 : i32
    %scan3A_266 = arith.constant 64 : i32
    %scan3A_267 = arith.addi %scan3A_265, %scan3A_266 : i32
    %scan3A_268 = arith.constant 1 : i32
    %scan3A_269 = scf.for %scan3A_316 = %scan3A_265 to %scan3A_267 step %scan3A_268 iter_args(%scan3A_317 = %scan3A_264) -> (i32)  : i32 {
      %mul3A_318 = arith.constant 16 : i32
      %mul3A_319 = arith.muli %scan3A_316, %mul3A_318 : i32
      %mul3A_320 = arith.constant 16 : i32
      %mul3A_321 = arith.muli %scan3A_316, %mul3A_320 : i32
      %add3A_322 = arith.constant 0 : i32
      %add3A_323 = arith.addi %add3A_322, %mul3A_321 : i32
      %get3A_324 = arith.constant 0 : i32
      %get3A_325 = arith.constant 0 : i32
      %get3A_326 = tpu.memref_slice %arg7[%get3A_324, %get3A_325] : memref<1x16384xf32, #tpu.memory_space<vmem>> -> memref<1x16384xf32, #tpu.memory_space<vmem>>
      %get3A_327 = tpu.memref_squeeze %get3A_326 : memref<1x16384xf32, #tpu.memory_space<vmem>> -> memref<16384xf32, #tpu.memory_space<vmem>>
      %get3A_328 = arith.index_cast %add3A_323 : i32 to index
      %get3A_329 = tpu.vector_load %get3A_327[%get3A_328] {strides = array<i32>} : memref<16384xf32, #tpu.memory_space<vmem>>, vector<16xf32>,
      %get3A_330 = vector.shape_cast %get3A_329 : vector<16xf32> to vector<16xf32>
      %swap3A = arith.constant 0 : i32
      %swap3A_331 = arith.constant 0 : i32
      %swap3A_332 = tpu.memref_slice %arg10[%swap3A, %swap3A_331] : memref<16x1024xf32, #tpu.memory_space<vmem>> -> memref<1x1024xf32, #tpu.memory_space<vmem>>
      %swap3A_333 = tpu.memref_squeeze %swap3A_332 : memref<1x1024xf32, #tpu.memory_space<vmem>> -> memref<1024xf32, #tpu.memory_space<vmem>>
      %swap3A_334 = arith.index_cast %mul3A_319 : i32 to index
      %swap3A_335 = tpu.vector_load %swap3A_333[%swap3A_334] {strides = array<i32>} : memref<1024xf32, #tpu.memory_space<vmem>>, vector<16xf32>,
      %swap3A_336 = vector.shape_cast %swap3A_335 : vector<16xf32> to vector<16xf32>
      %swap3A_337 = vector.shape_cast %get3A_330 : vector<16xf32> to vector<16xf32>
      tpu.vector_store %swap3A_333[%swap3A_334], %swap3A_337 {add = true, strides = array<i32>} : memref<1024xf32, #tpu.memory_space<vmem>>, vector<16xf32>,
      %mul3A_338 = arith.constant 16 : i32
      %mul3A_339 = arith.muli %scan3A_316, %mul3A_338 : i32
      %mul3A_340 = arith.constant 16 : i32
      %mul3A_341 = arith.muli %scan3A_316, %mul3A_340 : i32
      %add3A_342 = arith.constant 1024 : i32
      %add3A_343 = arith.addi %add3A_342, %mul3A_341 : i32
      %get3A_344 = arith.constant 0 : i32
      %get3A_345 = arith.constant 0 : i32
      %get3A_346 = tpu.memref_slice %arg7[%get3A_344, %get3A_345] : memref<1x16384xf32, #tpu.memory_space<vmem>> -> memref<1x16384xf32, #tpu.memory_space<vmem>>
      %get3A_347 = tpu.memref_squeeze %get3A_346 : memref<1x16384xf32, #tpu.memory_space<vmem>> -> memref<16384xf32, #tpu.memory_space<vmem>>
      %get3A_348 = arith.index_cast %add3A_343 : i32 to index
      %get3A_349 = tpu.vector_load %get3A_347[%get3A_348] {strides = array<i32>} : memref<16384xf32, #tpu.memory_space<vmem>>, vector<16xf32>,
      %get3A_350 = vector.shape_cast %get3A_349 : vector<16xf32> to vector<16xf32>
      %swap3A_351 = arith.constant 1 : i32
      %swap3A_352 = arith.constant 0 : i32
      %swap3A_353 = tpu.memref_slice %arg10[%swap3A_351, %swap3A_352] : memref<16x1024xf32, #tpu.memory_space<vmem>> -> memref<1x1024xf32, #tpu.memory_space<vmem>>
      %swap3A_354 = tpu.memref_squeeze %swap3A_353 : memref<1x1024xf32, #tpu.memory_space<vmem>> -> memref<1024xf32, #tpu.memory_space<vmem>>
      %swap3A_355 = arith.index_cast %mul3A_339 : i32 to index
      %swap3A_356 = tpu.vector_load %swap3A_354[%swap3A_355] {strides = array<i32>} : memref<1024xf32, #tpu.memory_space<vmem>>, vector<16xf32>,
      %swap3A_357 = vector.shape_cast %swap3A_356 : vector<16xf32> to vector<16xf32>
      %swap3A_358 = vector.shape_cast %get3A_350 : vector<16xf32> to vector<16xf32>
      tpu.vector_store %swap3A_354[%swap3A_355], %swap3A_358 {add = true, strides = array<i32>} : memref<1024xf32, #tpu.memory_space<vmem>>, vector<16xf32>,
      %mul3A_359 = arith.constant 16 : i32
      %mul3A_360 = arith.muli %scan3A_316, %mul3A_359 : i32
      %mul3A_361 = arith.constant 16 : i32
      %mul3A_362 = arith.muli %scan3A_316, %mul3A_361 : i32
      %add3A_363 = arith.constant 2048 : i32
      %add3A_364 = arith.addi %add3A_363, %mul3A_362 : i32
      %get3A_365 = arith.constant 0 : i32
      %get3A_366 = arith.constant 0 : i32
      %get3A_367 = tpu.memref_slice %arg7[%get3A_365, %get3A_366] : memref<1x16384xf32, #tpu.memory_space<vmem>> -> memref<1x16384xf32, #tpu.memory_space<vmem>>
      %get3A_368 = tpu.memref_squeeze %get3A_367 : memref<1x16384xf32, #tpu.memory_space<vmem>> -> memref<16384xf32, #tpu.memory_space<vmem>>
      %get3A_369 = arith.index_cast %add3A_364 : i32 to index
      %get3A_370 = tpu.vector_load %get3A_368[%get3A_369] {strides = array<i32>} : memref<16384xf32, #tpu.memory_space<vmem>>, vector<16xf32>,
      %get3A_371 = vector.shape_cast %get3A_370 : vector<16xf32> to vector<16xf32>
      %swap3A_372 = arith.constant 2 : i32
      %swap3A_373 = arith.constant 0 : i32
      %swap3A_374 = tpu.memref_slice %arg10[%swap3A_372, %swap3A_373] : memref<16x1024xf32, #tpu.memory_space<vmem>> -> memref<1x1024xf32, #tpu.memory_space<vmem>>
      %swap3A_375 = tpu.memref_squeeze %swap3A_374 : memref<1x1024xf32, #tpu.memory_space<vmem>> -> memref<1024xf32, #tpu.memory_space<vmem>>
      %swap3A_376 = arith.index_cast %mul3A_360 : i32 to index
      %swap3A_377 = tpu.vector_load %swap3A_375[%swap3A_376] {strides = array<i32>} : memref<1024xf32, #tpu.memory_space<vmem>>, vector<16xf32>,
      %swap3A_378 = vector.shape_cast %swap3A_377 : vector<16xf32> to vector<16xf32>
      %swap3A_379 = vector.shape_cast %get3A_371 : vector<16xf32> to vector<16xf32>
      tpu.vector_store %swap3A_375[%swap3A_376], %swap3A_379 {add = true, strides = array<i32>} : memref<1024xf32, #tpu.memory_space<vmem>>, vector<16xf32>,
      %mul3A_380 = arith.constant 16 : i32
      %mul3A_381 = arith.muli %scan3A_316, %mul3A_380 : i32
      %mul3A_382 = arith.constant 16 : i32
      %mul3A_383 = arith.muli %scan3A_316, %mul3A_382 : i32
      %add3A_384 = arith.constant 3072 : i32
      %add3A_385 = arith.addi %add3A_384, %mul3A_383 : i32
      %get3A_386 = arith.constant 0 : i32
      %get3A_387 = arith.constant 0 : i32
      %get3A_388 = tpu.memref_slice %arg7[%get3A_386, %get3A_387] : memref<1x16384xf32, #tpu.memory_space<vmem>> -> memref<1x16384xf32, #tpu.memory_space<vmem>>
      %get3A_389 = tpu.memref_squeeze %get3A_388 : memref<1x16384xf32, #tpu.memory_space<vmem>> -> memref<16384xf32, #tpu.memory_space<vmem>>
      %get3A_390 = arith.index_cast %add3A_385 : i32 to index
      %get3A_391 = tpu.vector_load %get3A_389[%get3A_390] {strides = array<i32>} : memref<16384xf32, #tpu.memory_space<vmem>>, vector<16xf32>,
      %get3A_392 = vector.shape_cast %get3A_391 : vector<16xf32> to vector<16xf32>
      %swap3A_393 = arith.constant 3 : i32
      %swap3A_394 = arith.constant 0 : i32
      %swap3A_395 = tpu.memref_slice %arg10[%swap3A_393, %swap3A_394] : memref<16x1024xf32, #tpu.memory_space<vmem>> -> memref<1x1024xf32, #tpu.memory_space<vmem>>
      %swap3A_396 = tpu.memref_squeeze %swap3A_395 : memref<1x1024xf32, #tpu.memory_space<vmem>> -> memref<1024xf32, #tpu.memory_space<vmem>>
      %swap3A_397 = arith.index_cast %mul3A_381 : i32 to index
      %swap3A_398 = tpu.vector_load %swap3A_396[%swap3A_397] {strides = array<i32>} : memref<1024xf32, #tpu.memory_space<vmem>>, vector<16xf32>,
      %swap3A_399 = vector.shape_cast %swap3A_398 : vector<16xf32> to vector<16xf32>
      %swap3A_400 = vector.shape_cast %get3A_392 : vector<16xf32> to vector<16xf32>
      tpu.vector_store %swap3A_396[%swap3A_397], %swap3A_400 {add = true, strides = array<i32>} : memref<1024xf32, #tpu.memory_space<vmem>>, vector<16xf32>,
      %mul3A_401 = arith.constant 16 : i32
      %mul3A_402 = arith.muli %scan3A_316, %mul3A_401 : i32
      %mul3A_403 = arith.constant 16 : i32
      %mul3A_404 = arith.muli %scan3A_316, %mul3A_403 : i32
      %add3A_405 = arith.constant 4096 : i32
      %add3A_406 = arith.addi %add3A_405, %mul3A_404 : i32
      %get3A_407 = arith.constant 0 : i32
      %get3A_408 = arith.constant 0 : i32
      %get3A_409 = tpu.memref_slice %arg7[%get3A_407, %get3A_408] : memref<1x16384xf32, #tpu.memory_space<vmem>> -> memref<1x16384xf32, #tpu.memory_space<vmem>>
      %get3A_410 = tpu.memref_squeeze %get3A_409 : memref<1x16384xf32, #tpu.memory_space<vmem>> -> memref<16384xf32, #tpu.memory_space<vmem>>
      %get3A_411 = arith.index_cast %add3A_406 : i32 to index
      %get3A_412 = tpu.vector_load %get3A_410[%get3A_411] {strides = array<i32>} : memref<16384xf32, #tpu.memory_space<vmem>>, vector<16xf32>,
      %get3A_413 = vector.shape_cast %get3A_412 : vector<16xf32> to vector<16xf32>
      %swap3A_414 = arith.constant 4 : i32
      %swap3A_415 = arith.constant 0 : i32
      %swap3A_416 = tpu.memref_slice %arg10[%swap3A_414, %swap3A_415] : memref<16x1024xf32, #tpu.memory_space<vmem>> -> memref<1x1024xf32, #tpu.memory_space<vmem>>
      %swap3A_417 = tpu.memref_squeeze %swap3A_416 : memref<1x1024xf32, #tpu.memory_space<vmem>> -> memref<1024xf32, #tpu.memory_space<vmem>>
      %swap3A_418 = arith.index_cast %mul3A_402 : i32 to index
      %swap3A_419 = tpu.vector_load %swap3A_417[%swap3A_418] {strides = array<i32>} : memref<1024xf32, #tpu.memory_space<vmem>>, vector<16xf32>,
      %swap3A_420 = vector.shape_cast %swap3A_419 : vector<16xf32> to vector<16xf32>
      %swap3A_421 = vector.shape_cast %get3A_413 : vector<16xf32> to vector<16xf32>
      tpu.vector_store %swap3A_417[%swap3A_418], %swap3A_421 {add = true, strides = array<i32>} : memref<1024xf32, #tpu.memory_space<vmem>>, vector<16xf32>,
      %mul3A_422 = arith.constant 16 : i32
      %mul3A_423 = arith.muli %scan3A_316, %mul3A_422 : i32
      %mul3A_424 = arith.constant 16 : i32
      %mul3A_425 = arith.muli %scan3A_316, %mul3A_424 : i32
      %add3A_426 = arith.constant 5120 : i32
      %add3A_427 = arith.addi %add3A_426, %mul3A_425 : i32
      %get3A_428 = arith.constant 0 : i32
      %get3A_429 = arith.constant 0 : i32
      %get3A_430 = tpu.memref_slice %arg7[%get3A_428, %get3A_429] : memref<1x16384xf32, #tpu.memory_space<vmem>> -> memref<1x16384xf32, #tpu.memory_space<vmem>>
      %get3A_431 = tpu.memref_squeeze %get3A_430 : memref<1x16384xf32, #tpu.memory_space<vmem>> -> memref<16384xf32, #tpu.memory_space<vmem>>
      %get3A_432 = arith.index_cast %add3A_427 : i32 to index
      %get3A_433 = tpu.vector_load %get3A_431[%get3A_432] {strides = array<i32>} : memref<16384xf32, #tpu.memory_space<vmem>>, vector<16xf32>,
      %get3A_434 = vector.shape_cast %get3A_433 : vector<16xf32> to vector<16xf32>
      %swap3A_435 = arith.constant 5 : i32
      %swap3A_436 = arith.constant 0 : i32
      %swap3A_437 = tpu.memref_slice %arg10[%swap3A_435, %swap3A_436] : memref<16x1024xf32, #tpu.memory_space<vmem>> -> memref<1x1024xf32, #tpu.memory_space<vmem>>
      %swap3A_438 = tpu.memref_squeeze %swap3A_437 : memref<1x1024xf32, #tpu.memory_space<vmem>> -> memref<1024xf32, #tpu.memory_space<vmem>>
      %swap3A_439 = arith.index_cast %mul3A_423 : i32 to index
      %swap3A_440 = tpu.vector_load %swap3A_438[%swap3A_439] {strides = array<i32>} : memref<1024xf32, #tpu.memory_space<vmem>>, vector<16xf32>,
      %swap3A_441 = vector.shape_cast %swap3A_440 : vector<16xf32> to vector<16xf32>
      %swap3A_442 = vector.shape_cast %get3A_434 : vector<16xf32> to vector<16xf32>
      tpu.vector_store %swap3A_438[%swap3A_439], %swap3A_442 {add = true, strides = array<i32>} : memref<1024xf32, #tpu.memory_space<vmem>>, vector<16xf32>,
      %mul3A_443 = arith.constant 16 : i32
      %mul3A_444 = arith.muli %scan3A_316, %mul3A_443 : i32
      %mul3A_445 = arith.constant 16 : i32
      %mul3A_446 = arith.muli %scan3A_316, %mul3A_445 : i32
      %add3A_447 = arith.constant 6144 : i32
      %add3A_448 = arith.addi %add3A_447, %mul3A_446 : i32
      %get3A_449 = arith.constant 0 : i32
      %get3A_450 = arith.constant 0 : i32
      %get3A_451 = tpu.memref_slice %arg7[%get3A_449, %get3A_450] : memref<1x16384xf32, #tpu.memory_space<vmem>> -> memref<1x16384xf32, #tpu.memory_space<vmem>>
      %get3A_452 = tpu.memref_squeeze %get3A_451 : memref<1x16384xf32, #tpu.memory_space<vmem>> -> memref<16384xf32, #tpu.memory_space<vmem>>
      %get3A_453 = arith.index_cast %add3A_448 : i32 to index
      %get3A_454 = tpu.vector_load %get3A_452[%get3A_453] {strides = array<i32>} : memref<16384xf32, #tpu.memory_space<vmem>>, vector<16xf32>,
      %get3A_455 = vector.shape_cast %get3A_454 : vector<16xf32> to vector<16xf32>
      %swap3A_456 = arith.constant 6 : i32
      %swap3A_457 = arith.constant 0 : i32
      %swap3A_458 = tpu.memref_slice %arg10[%swap3A_456, %swap3A_457] : memref<16x1024xf32, #tpu.memory_space<vmem>> -> memref<1x1024xf32, #tpu.memory_space<vmem>>
      %swap3A_459 = tpu.memref_squeeze %swap3A_458 : memref<1x1024xf32, #tpu.memory_space<vmem>> -> memref<1024xf32, #tpu.memory_space<vmem>>
      %swap3A_460 = arith.index_cast %mul3A_444 : i32 to index
      %swap3A_461 = tpu.vector_load %swap3A_459[%swap3A_460] {strides = array<i32>} : memref<1024xf32, #tpu.memory_space<vmem>>, vector<16xf32>,
      %swap3A_462 = vector.shape_cast %swap3A_461 : vector<16xf32> to vector<16xf32>
      %swap3A_463 = vector.shape_cast %get3A_455 : vector<16xf32> to vector<16xf32>
      tpu.vector_store %swap3A_459[%swap3A_460], %swap3A_463 {add = true, strides = array<i32>} : memref<1024xf32, #tpu.memory_space<vmem>>, vector<16xf32>,
      %mul3A_464 = arith.constant 16 : i32
      %mul3A_465 = arith.muli %scan3A_316, %mul3A_464 : i32
      %mul3A_466 = arith.constant 16 : i32
      %mul3A_467 = arith.muli %scan3A_316, %mul3A_466 : i32
      %add3A_468 = arith.constant 7168 : i32
      %add3A_469 = arith.addi %add3A_468, %mul3A_467 : i32
      %get3A_470 = arith.constant 0 : i32
      %get3A_471 = arith.constant 0 : i32
      %get3A_472 = tpu.memref_slice %arg7[%get3A_470, %get3A_471] : memref<1x16384xf32, #tpu.memory_space<vmem>> -> memref<1x16384xf32, #tpu.memory_space<vmem>>
      %get3A_473 = tpu.memref_squeeze %get3A_472 : memref<1x16384xf32, #tpu.memory_space<vmem>> -> memref<16384xf32, #tpu.memory_space<vmem>>
      %get3A_474 = arith.index_cast %add3A_469 : i32 to index
      %get3A_475 = tpu.vector_load %get3A_473[%get3A_474] {strides = array<i32>} : memref<16384xf32, #tpu.memory_space<vmem>>, vector<16xf32>,
      %get3A_476 = vector.shape_cast %get3A_475 : vector<16xf32> to vector<16xf32>
      %swap3A_477 = arith.constant 7 : i32
      %swap3A_478 = arith.constant 0 : i32
      %swap3A_479 = tpu.memref_slice %arg10[%swap3A_477, %swap3A_478] : memref<16x1024xf32, #tpu.memory_space<vmem>> -> memref<1x1024xf32, #tpu.memory_space<vmem>>
      %swap3A_480 = tpu.memref_squeeze %swap3A_479 : memref<1x1024xf32, #tpu.memory_space<vmem>> -> memref<1024xf32, #tpu.memory_space<vmem>>
      %swap3A_481 = arith.index_cast %mul3A_465 : i32 to index
      %swap3A_482 = tpu.vector_load %swap3A_480[%swap3A_481] {strides = array<i32>} : memref<1024xf32, #tpu.memory_space<vmem>>, vector<16xf32>,
      %swap3A_483 = vector.shape_cast %swap3A_482 : vector<16xf32> to vector<16xf32>
      %swap3A_484 = vector.shape_cast %get3A_476 : vector<16xf32> to vector<16xf32>
      tpu.vector_store %swap3A_480[%swap3A_481], %swap3A_484 {add = true, strides = array<i32>} : memref<1024xf32, #tpu.memory_space<vmem>>, vector<16xf32>,
      %mul3A_485 = arith.constant 16 : i32
      %mul3A_486 = arith.muli %scan3A_316, %mul3A_485 : i32
      %mul3A_487 = arith.constant 16 : i32
      %mul3A_488 = arith.muli %scan3A_316, %mul3A_487 : i32
      %add3A_489 = arith.constant 8192 : i32
      %add3A_490 = arith.addi %add3A_489, %mul3A_488 : i32
      %get3A_491 = arith.constant 0 : i32
      %get3A_492 = arith.constant 0 : i32
      %get3A_493 = tpu.memref_slice %arg7[%get3A_491, %get3A_492] : memref<1x16384xf32, #tpu.memory_space<vmem>> -> memref<1x16384xf32, #tpu.memory_space<vmem>>
      %get3A_494 = tpu.memref_squeeze %get3A_493 : memref<1x16384xf32, #tpu.memory_space<vmem>> -> memref<16384xf32, #tpu.memory_space<vmem>>
      %get3A_495 = arith.index_cast %add3A_490 : i32 to index
      %get3A_496 = tpu.vector_load %get3A_494[%get3A_495] {strides = array<i32>} : memref<16384xf32, #tpu.memory_space<vmem>>, vector<16xf32>,
      %get3A_497 = vector.shape_cast %get3A_496 : vector<16xf32> to vector<16xf32>
      %swap3A_498 = arith.constant 8 : i32
      %swap3A_499 = arith.constant 0 : i32
      %swap3A_500 = tpu.memref_slice %arg10[%swap3A_498, %swap3A_499] : memref<16x1024xf32, #tpu.memory_space<vmem>> -> memref<1x1024xf32, #tpu.memory_space<vmem>>
      %swap3A_501 = tpu.memref_squeeze %swap3A_500 : memref<1x1024xf32, #tpu.memory_space<vmem>> -> memref<1024xf32, #tpu.memory_space<vmem>>
      %swap3A_502 = arith.index_cast %mul3A_486 : i32 to index
      %swap3A_503 = tpu.vector_load %swap3A_501[%swap3A_502] {strides = array<i32>} : memref<1024xf32, #tpu.memory_space<vmem>>, vector<16xf32>,
      %swap3A_504 = vector.shape_cast %swap3A_503 : vector<16xf32> to vector<16xf32>
      %swap3A_505 = vector.shape_cast %get3A_497 : vector<16xf32> to vector<16xf32>
      tpu.vector_store %swap3A_501[%swap3A_502], %swap3A_505 {add = true, strides = array<i32>} : memref<1024xf32, #tpu.memory_space<vmem>>, vector<16xf32>,
      %mul3A_506 = arith.constant 16 : i32
      %mul3A_507 = arith.muli %scan3A_316, %mul3A_506 : i32
      %mul3A_508 = arith.constant 16 : i32
      %mul3A_509 = arith.muli %scan3A_316, %mul3A_508 : i32
      %add3A_510 = arith.constant 9216 : i32
      %add3A_511 = arith.addi %add3A_510, %mul3A_509 : i32
      %get3A_512 = arith.constant 0 : i32
      %get3A_513 = arith.constant 0 : i32
      %get3A_514 = tpu.memref_slice %arg7[%get3A_512, %get3A_513] : memref<1x16384xf32, #tpu.memory_space<vmem>> -> memref<1x16384xf32, #tpu.memory_space<vmem>>
      %get3A_515 = tpu.memref_squeeze %get3A_514 : memref<1x16384xf32, #tpu.memory_space<vmem>> -> memref<16384xf32, #tpu.memory_space<vmem>>
      %get3A_516 = arith.index_cast %add3A_511 : i32 to index
      %get3A_517 = tpu.vector_load %get3A_515[%get3A_516] {strides = array<i32>} : memref<16384xf32, #tpu.memory_space<vmem>>, vector<16xf32>,
      %get3A_518 = vector.shape_cast %get3A_517 : vector<16xf32> to vector<16xf32>
      %swap3A_519 = arith.constant 9 : i32
      %swap3A_520 = arith.constant 0 : i32
      %swap3A_521 = tpu.memref_slice %arg10[%swap3A_519, %swap3A_520] : memref<16x1024xf32, #tpu.memory_space<vmem>> -> memref<1x1024xf32, #tpu.memory_space<vmem>>
      %swap3A_522 = tpu.memref_squeeze %swap3A_521 : memref<1x1024xf32, #tpu.memory_space<vmem>> -> memref<1024xf32, #tpu.memory_space<vmem>>
      %swap3A_523 = arith.index_cast %mul3A_507 : i32 to index
      %swap3A_524 = tpu.vector_load %swap3A_522[%swap3A_523] {strides = array<i32>} : memref<1024xf32, #tpu.memory_space<vmem>>, vector<16xf32>,
      %swap3A_525 = vector.shape_cast %swap3A_524 : vector<16xf32> to vector<16xf32>
      %swap3A_526 = vector.shape_cast %get3A_518 : vector<16xf32> to vector<16xf32>
      tpu.vector_store %swap3A_522[%swap3A_523], %swap3A_526 {add = true, strides = array<i32>} : memref<1024xf32, #tpu.memory_space<vmem>>, vector<16xf32>,
      %mul3A_527 = arith.constant 16 : i32
      %mul3A_528 = arith.muli %scan3A_316, %mul3A_527 : i32
      %mul3A_529 = arith.constant 16 : i32
      %mul3A_530 = arith.muli %scan3A_316, %mul3A_529 : i32
      %add3A_531 = arith.constant 10240 : i32
      %add3A_532 = arith.addi %add3A_531, %mul3A_530 : i32
      %get3A_533 = arith.constant 0 : i32
      %get3A_534 = arith.constant 0 : i32
      %get3A_535 = tpu.memref_slice %arg7[%get3A_533, %get3A_534] : memref<1x16384xf32, #tpu.memory_space<vmem>> -> memref<1x16384xf32, #tpu.memory_space<vmem>>
      %get3A_536 = tpu.memref_squeeze %get3A_535 : memref<1x16384xf32, #tpu.memory_space<vmem>> -> memref<16384xf32, #tpu.memory_space<vmem>>
      %get3A_537 = arith.index_cast %add3A_532 : i32 to index
      %get3A_538 = tpu.vector_load %get3A_536[%get3A_537] {strides = array<i32>} : memref<16384xf32, #tpu.memory_space<vmem>>, vector<16xf32>,
      %get3A_539 = vector.shape_cast %get3A_538 : vector<16xf32> to vector<16xf32>
      %swap3A_540 = arith.constant 10 : i32
      %swap3A_541 = arith.constant 0 : i32
      %swap3A_542 = tpu.memref_slice %arg10[%swap3A_540, %swap3A_541] : memref<16x1024xf32, #tpu.memory_space<vmem>> -> memref<1x1024xf32, #tpu.memory_space<vmem>>
      %swap3A_543 = tpu.memref_squeeze %swap3A_542 : memref<1x1024xf32, #tpu.memory_space<vmem>> -> memref<1024xf32, #tpu.memory_space<vmem>>
      %swap3A_544 = arith.index_cast %mul3A_528 : i32 to index
      %swap3A_545 = tpu.vector_load %swap3A_543[%swap3A_544] {strides = array<i32>} : memref<1024xf32, #tpu.memory_space<vmem>>, vector<16xf32>,
      %swap3A_546 = vector.shape_cast %swap3A_545 : vector<16xf32> to vector<16xf32>
      %swap3A_547 = vector.shape_cast %get3A_539 : vector<16xf32> to vector<16xf32>
      tpu.vector_store %swap3A_543[%swap3A_544], %swap3A_547 {add = true, strides = array<i32>} : memref<1024xf32, #tpu.memory_space<vmem>>, vector<16xf32>,
      %mul3A_548 = arith.constant 16 : i32
      %mul3A_549 = arith.muli %scan3A_316, %mul3A_548 : i32
      %mul3A_550 = arith.constant 16 : i32
      %mul3A_551 = arith.muli %scan3A_316, %mul3A_550 : i32
      %add3A_552 = arith.constant 11264 : i32
      %add3A_553 = arith.addi %add3A_552, %mul3A_551 : i32
      %get3A_554 = arith.constant 0 : i32
      %get3A_555 = arith.constant 0 : i32
      %get3A_556 = tpu.memref_slice %arg7[%get3A_554, %get3A_555] : memref<1x16384xf32, #tpu.memory_space<vmem>> -> memref<1x16384xf32, #tpu.memory_space<vmem>>
      %get3A_557 = tpu.memref_squeeze %get3A_556 : memref<1x16384xf32, #tpu.memory_space<vmem>> -> memref<16384xf32, #tpu.memory_space<vmem>>
      %get3A_558 = arith.index_cast %add3A_553 : i32 to index
      %get3A_559 = tpu.vector_load %get3A_557[%get3A_558] {strides = array<i32>} : memref<16384xf32, #tpu.memory_space<vmem>>, vector<16xf32>,
      %get3A_560 = vector.shape_cast %get3A_559 : vector<16xf32> to vector<16xf32>
      %swap3A_561 = arith.constant 11 : i32
      %swap3A_562 = arith.constant 0 : i32
      %swap3A_563 = tpu.memref_slice %arg10[%swap3A_561, %swap3A_562] : memref<16x1024xf32, #tpu.memory_space<vmem>> -> memref<1x1024xf32, #tpu.memory_space<vmem>>
      %swap3A_564 = tpu.memref_squeeze %swap3A_563 : memref<1x1024xf32, #tpu.memory_space<vmem>> -> memref<1024xf32, #tpu.memory_space<vmem>>
      %swap3A_565 = arith.index_cast %mul3A_549 : i32 to index
      %swap3A_566 = tpu.vector_load %swap3A_564[%swap3A_565] {strides = array<i32>} : memref<1024xf32, #tpu.memory_space<vmem>>, vector<16xf32>,
      %swap3A_567 = vector.shape_cast %swap3A_566 : vector<16xf32> to vector<16xf32>
      %swap3A_568 = vector.shape_cast %get3A_560 : vector<16xf32> to vector<16xf32>
      tpu.vector_store %swap3A_564[%swap3A_565], %swap3A_568 {add = true, strides = array<i32>} : memref<1024xf32, #tpu.memory_space<vmem>>, vector<16xf32>,
      %mul3A_569 = arith.constant 16 : i32
      %mul3A_570 = arith.muli %scan3A_316, %mul3A_569 : i32
      %mul3A_571 = arith.constant 16 : i32
      %mul3A_572 = arith.muli %scan3A_316, %mul3A_571 : i32
      %add3A_573 = arith.constant 12288 : i32
      %add3A_574 = arith.addi %add3A_573, %mul3A_572 : i32
      %get3A_575 = arith.constant 0 : i32
      %get3A_576 = arith.constant 0 : i32
      %get3A_577 = tpu.memref_slice %arg7[%get3A_575, %get3A_576] : memref<1x16384xf32, #tpu.memory_space<vmem>> -> memref<1x16384xf32, #tpu.memory_space<vmem>>
      %get3A_578 = tpu.memref_squeeze %get3A_577 : memref<1x16384xf32, #tpu.memory_space<vmem>> -> memref<16384xf32, #tpu.memory_space<vmem>>
      %get3A_579 = arith.index_cast %add3A_574 : i32 to index
      %get3A_580 = tpu.vector_load %get3A_578[%get3A_579] {strides = array<i32>} : memref<16384xf32, #tpu.memory_space<vmem>>, vector<16xf32>,
      %get3A_581 = vector.shape_cast %get3A_580 : vector<16xf32> to vector<16xf32>
      %swap3A_582 = arith.constant 12 : i32
      %swap3A_583 = arith.constant 0 : i32
      %swap3A_584 = tpu.memref_slice %arg10[%swap3A_582, %swap3A_583] : memref<16x1024xf32, #tpu.memory_space<vmem>> -> memref<1x1024xf32, #tpu.memory_space<vmem>>
      %swap3A_585 = tpu.memref_squeeze %swap3A_584 : memref<1x1024xf32, #tpu.memory_space<vmem>> -> memref<1024xf32, #tpu.memory_space<vmem>>
      %swap3A_586 = arith.index_cast %mul3A_570 : i32 to index
      %swap3A_587 = tpu.vector_load %swap3A_585[%swap3A_586] {strides = array<i32>} : memref<1024xf32, #tpu.memory_space<vmem>>, vector<16xf32>,
      %swap3A_588 = vector.shape_cast %swap3A_587 : vector<16xf32> to vector<16xf32>
      %swap3A_589 = vector.shape_cast %get3A_581 : vector<16xf32> to vector<16xf32>
      tpu.vector_store %swap3A_585[%swap3A_586], %swap3A_589 {add = true, strides = array<i32>} : memref<1024xf32, #tpu.memory_space<vmem>>, vector<16xf32>,
      %mul3A_590 = arith.constant 16 : i32
      %mul3A_591 = arith.muli %scan3A_316, %mul3A_590 : i32
      %mul3A_592 = arith.constant 16 : i32
      %mul3A_593 = arith.muli %scan3A_316, %mul3A_592 : i32
      %add3A_594 = arith.constant 13312 : i32
      %add3A_595 = arith.addi %add3A_594, %mul3A_593 : i32
      %get3A_596 = arith.constant 0 : i32
      %get3A_597 = arith.constant 0 : i32
      %get3A_598 = tpu.memref_slice %arg7[%get3A_596, %get3A_597] : memref<1x16384xf32, #tpu.memory_space<vmem>> -> memref<1x16384xf32, #tpu.memory_space<vmem>>
      %get3A_599 = tpu.memref_squeeze %get3A_598 : memref<1x16384xf32, #tpu.memory_space<vmem>> -> memref<16384xf32, #tpu.memory_space<vmem>>
      %get3A_600 = arith.index_cast %add3A_595 : i32 to index
      %get3A_601 = tpu.vector_load %get3A_599[%get3A_600] {strides = array<i32>} : memref<16384xf32, #tpu.memory_space<vmem>>, vector<16xf32>,
      %get3A_602 = vector.shape_cast %get3A_601 : vector<16xf32> to vector<16xf32>
      %swap3A_603 = arith.constant 13 : i32
      %swap3A_604 = arith.constant 0 : i32
      %swap3A_605 = tpu.memref_slice %arg10[%swap3A_603, %swap3A_604] : memref<16x1024xf32, #tpu.memory_space<vmem>> -> memref<1x1024xf32, #tpu.memory_space<vmem>>
      %swap3A_606 = tpu.memref_squeeze %swap3A_605 : memref<1x1024xf32, #tpu.memory_space<vmem>> -> memref<1024xf32, #tpu.memory_space<vmem>>
      %swap3A_607 = arith.index_cast %mul3A_591 : i32 to index
      %swap3A_608 = tpu.vector_load %swap3A_606[%swap3A_607] {strides = array<i32>} : memref<1024xf32, #tpu.memory_space<vmem>>, vector<16xf32>,
      %swap3A_609 = vector.shape_cast %swap3A_608 : vector<16xf32> to vector<16xf32>
      %swap3A_610 = vector.shape_cast %get3A_602 : vector<16xf32> to vector<16xf32>
      tpu.vector_store %swap3A_606[%swap3A_607], %swap3A_610 {add = true, strides = array<i32>} : memref<1024xf32, #tpu.memory_space<vmem>>, vector<16xf32>,
      %mul3A_611 = arith.constant 16 : i32
      %mul3A_612 = arith.muli %scan3A_316, %mul3A_611 : i32
      %mul3A_613 = arith.constant 16 : i32
      %mul3A_614 = arith.muli %scan3A_316, %mul3A_613 : i32
      %add3A_615 = arith.constant 14336 : i32
      %add3A_616 = arith.addi %add3A_615, %mul3A_614 : i32
      %get3A_617 = arith.constant 0 : i32
      %get3A_618 = arith.constant 0 : i32
      %get3A_619 = tpu.memref_slice %arg7[%get3A_617, %get3A_618] : memref<1x16384xf32, #tpu.memory_space<vmem>> -> memref<1x16384xf32, #tpu.memory_space<vmem>>
      %get3A_620 = tpu.memref_squeeze %get3A_619 : memref<1x16384xf32, #tpu.memory_space<vmem>> -> memref<16384xf32, #tpu.memory_space<vmem>>
      %get3A_621 = arith.index_cast %add3A_616 : i32 to index
      %get3A_622 = tpu.vector_load %get3A_620[%get3A_621] {strides = array<i32>} : memref<16384xf32, #tpu.memory_space<vmem>>, vector<16xf32>,
      %get3A_623 = vector.shape_cast %get3A_622 : vector<16xf32> to vector<16xf32>
      %swap3A_624 = arith.constant 14 : i32
      %swap3A_625 = arith.constant 0 : i32
      %swap3A_626 = tpu.memref_slice %arg10[%swap3A_624, %swap3A_625] : memref<16x1024xf32, #tpu.memory_space<vmem>> -> memref<1x1024xf32, #tpu.memory_space<vmem>>
      %swap3A_627 = tpu.memref_squeeze %swap3A_626 : memref<1x1024xf32, #tpu.memory_space<vmem>> -> memref<1024xf32, #tpu.memory_space<vmem>>
      %swap3A_628 = arith.index_cast %mul3A_612 : i32 to index
      %swap3A_629 = tpu.vector_load %swap3A_627[%swap3A_628] {strides = array<i32>} : memref<1024xf32, #tpu.memory_space<vmem>>, vector<16xf32>,
      %swap3A_630 = vector.shape_cast %swap3A_629 : vector<16xf32> to vector<16xf32>
      %swap3A_631 = vector.shape_cast %get3A_623 : vector<16xf32> to vector<16xf32>
      tpu.vector_store %swap3A_627[%swap3A_628], %swap3A_631 {add = true, strides = array<i32>} : memref<1024xf32, #tpu.memory_space<vmem>>, vector<16xf32>,
      %mul3A_632 = arith.constant 16 : i32
      %mul3A_633 = arith.muli %scan3A_316, %mul3A_632 : i32
      %mul3A_634 = arith.constant 16 : i32
      %mul3A_635 = arith.muli %scan3A_316, %mul3A_634 : i32
      %add3A_636 = arith.constant 15360 : i32
      %add3A_637 = arith.addi %add3A_636, %mul3A_635 : i32
      %get3A_638 = arith.constant 0 : i32
      %get3A_639 = arith.constant 0 : i32
      %get3A_640 = tpu.memref_slice %arg7[%get3A_638, %get3A_639] : memref<1x16384xf32, #tpu.memory_space<vmem>> -> memref<1x16384xf32, #tpu.memory_space<vmem>>
      %get3A_641 = tpu.memref_squeeze %get3A_640 : memref<1x16384xf32, #tpu.memory_space<vmem>> -> memref<16384xf32, #tpu.memory_space<vmem>>
      %get3A_642 = arith.index_cast %add3A_637 : i32 to index
      %get3A_643 = tpu.vector_load %get3A_641[%get3A_642] {strides = array<i32>} : memref<16384xf32, #tpu.memory_space<vmem>>, vector<16xf32>,
      %get3A_644 = vector.shape_cast %get3A_643 : vector<16xf32> to vector<16xf32>
      %swap3A_645 = arith.constant 15 : i32
      %swap3A_646 = arith.constant 0 : i32
      %swap3A_647 = tpu.memref_slice %arg10[%swap3A_645, %swap3A_646] : memref<16x1024xf32, #tpu.memory_space<vmem>> -> memref<1x1024xf32, #tpu.memory_space<vmem>>
      %swap3A_648 = tpu.memref_squeeze %swap3A_647 : memref<1x1024xf32, #tpu.memory_space<vmem>> -> memref<1024xf32, #tpu.memory_space<vmem>>
      %swap3A_649 = arith.index_cast %mul3A_633 : i32 to index
      %swap3A_650 = tpu.vector_load %swap3A_648[%swap3A_649] {strides = array<i32>} : memref<1024xf32, #tpu.memory_space<vmem>>, vector<16xf32>,
      %swap3A_651 = vector.shape_cast %swap3A_650 : vector<16xf32> to vector<16xf32>
      %swap3A_652 = vector.shape_cast %get3A_644 : vector<16xf32> to vector<16xf32>
      tpu.vector_store %swap3A_648[%swap3A_649], %swap3A_652 {add = true, strides = array<i32>} : memref<1024xf32, #tpu.memory_space<vmem>>, vector<16xf32>,
      %scan3A_653 = arith.constant 0 : i32
      scf.yield %scan3A_653 : i32
    }
    %scan3A_270 = arith.constant 64 : i32
    %mul3A_271 = arith.constant 128 : i32
    %mul3A_272 = arith.muli %add3A, %mul3A_271 : i32
    %add3A_273 = arith.constant 96 : i32
    %add3A_274 = arith.addi %mul3A_272, %add3A_273 : i32
    %dma_start3A_275 = arith.constant 0 : i32
    %dma_start3A_276 = tpu.memref_slice %arg5[%add3A_274, %dma_start3A_275] : memref<4096x1024xf32, #tpu.memory_space<hbm>> -> memref<16x1024xf32, #tpu.memory_space<hbm>>
    %dma_start3A_277 = arith.constant 0 : i32
    %dma_start3A_278 = tpu.memref_slice %arg5[%add3A_274, %dma_start3A_277] : memref<4096x1024xf32, #tpu.memory_space<hbm>> -> memref<16x1024xf32, #tpu.memory_space<hbm>>
    tpu.enqueue_dma source(%arg10 : memref<16x1024xf32, #tpu.memory_space<vmem>>) target(%dma_start3A_278 : memref<16x1024xf32, #tpu.memory_space<hbm>>) target_semaphore(%arg14 : memref<!tpu.dma_semaphore, #tpu.memory_space<semaphore_mem>>)
    %dma_wait3A_279 = arith.constant 114688 : i32
    %dma_wait3A_280 = tpu.memref_slice %arg3[%squeeze3A, %dma_wait3A_279] : memref<64x131072xf32, #tpu.memory_space<hbm>> -> memref<1x16384xf32, #tpu.memory_space<hbm>>
    %dma_wait3A_281 = arith.constant 114688 : i32
    %dma_wait3A_282 = tpu.memref_slice %arg3[%squeeze3A, %dma_wait3A_281] : memref<64x131072xf32, #tpu.memory_space<hbm>> -> memref<1x16384xf32, #tpu.memory_space<hbm>>
    tpu.wait_dma2 semaphore(%arg13 : memref<!tpu.dma_semaphore, #tpu.memory_space<semaphore_mem>>) src(%dma_wait3A_282 : memref<1x16384xf32, #tpu.memory_space<hbm>>) dst(%arg8 : memref<1x16384xf32, #tpu.memory_space<vmem>>)
    %dma_wait3A_283 = arith.constant 112 : i32
    %dma_wait3A_284 = arith.constant 0 : i32
    %dma_wait3A_285 = tpu.memref_slice %arg4[%dma_wait3A_283, %dma_wait3A_284] : memref<128x1024xf32, #tpu.memory_space<hbm>> -> memref<16x1024xf32, #tpu.memory_space<hbm>>
    %dma_wait3A_286 = arith.constant 112 : i32
    %dma_wait3A_287 = arith.constant 0 : i32
    %dma_wait3A_288 = tpu.memref_slice %arg4[%dma_wait3A_286, %dma_wait3A_287] : memref<128x1024xf32, #tpu.memory_space<hbm>> -> memref<16x1024xf32, #tpu.memory_space<hbm>>
    tpu.wait_dma2 semaphore(%arg13 : memref<!tpu.dma_semaphore, #tpu.memory_space<semaphore_mem>>) src(%dma_wait3A_288 : memref<16x1024xf32, #tpu.memory_space<hbm>>) dst(%arg11 : memref<16x1024xf32, #tpu.memory_space<vmem>>)
    %scan3A_289 = arith.constant 0 : i32
    %scan3A_290 = arith.constant 0 : i32
    %scan3A_291 = arith.constant 64 : i32
    %scan3A_292 = arith.addi %scan3A_290, %scan3A_291 : i32
    %scan3A_293 = arith.constant 1 : i32
    %scan3A_294 = scf.for %scan3A_316 = %scan3A_290 to %scan3A_292 step %scan3A_293 iter_args(%scan3A_317 = %scan3A_289) -> (i32)  : i32 {
      %mul3A_318 = arith.constant 16 : i32
      %mul3A_319 = arith.muli %scan3A_316, %mul3A_318 : i32
      %mul3A_320 = arith.constant 16 : i32
      %mul3A_321 = arith.muli %scan3A_316, %mul3A_320 : i32
      %add3A_322 = arith.constant 0 : i32
      %add3A_323 = arith.addi %add3A_322, %mul3A_321 : i32
      %get3A_324 = arith.constant 0 : i32
      %get3A_325 = arith.constant 0 : i32
      %get3A_326 = tpu.memref_slice %arg8[%get3A_324, %get3A_325] : memref<1x16384xf32, #tpu.memory_space<vmem>> -> memref<1x16384xf32, #tpu.memory_space<vmem>>
      %get3A_327 = tpu.memref_squeeze %get3A_326 : memref<1x16384xf32, #tpu.memory_space<vmem>> -> memref<16384xf32, #tpu.memory_space<vmem>>
      %get3A_328 = arith.index_cast %add3A_323 : i32 to index
      %get3A_329 = tpu.vector_load %get3A_327[%get3A_328] {strides = array<i32>} : memref<16384xf32, #tpu.memory_space<vmem>>, vector<16xf32>,
      %get3A_330 = vector.shape_cast %get3A_329 : vector<16xf32> to vector<16xf32>
      %swap3A = arith.constant 0 : i32
      %swap3A_331 = arith.constant 0 : i32
      %swap3A_332 = tpu.memref_slice %arg11[%swap3A, %swap3A_331] : memref<16x1024xf32, #tpu.memory_space<vmem>> -> memref<1x1024xf32, #tpu.memory_space<vmem>>
      %swap3A_333 = tpu.memref_squeeze %swap3A_332 : memref<1x1024xf32, #tpu.memory_space<vmem>> -> memref<1024xf32, #tpu.memory_space<vmem>>
      %swap3A_334 = arith.index_cast %mul3A_319 : i32 to index
      %swap3A_335 = tpu.vector_load %swap3A_333[%swap3A_334] {strides = array<i32>} : memref<1024xf32, #tpu.memory_space<vmem>>, vector<16xf32>,
      %swap3A_336 = vector.shape_cast %swap3A_335 : vector<16xf32> to vector<16xf32>
      %swap3A_337 = vector.shape_cast %get3A_330 : vector<16xf32> to vector<16xf32>
      tpu.vector_store %swap3A_333[%swap3A_334], %swap3A_337 {add = true, strides = array<i32>} : memref<1024xf32, #tpu.memory_space<vmem>>, vector<16xf32>,
      %mul3A_338 = arith.constant 16 : i32
      %mul3A_339 = arith.muli %scan3A_316, %mul3A_338 : i32
      %mul3A_340 = arith.constant 16 : i32
      %mul3A_341 = arith.muli %scan3A_316, %mul3A_340 : i32
      %add3A_342 = arith.constant 1024 : i32
      %add3A_343 = arith.addi %add3A_342, %mul3A_341 : i32
      %get3A_344 = arith.constant 0 : i32
      %get3A_345 = arith.constant 0 : i32
      %get3A_346 = tpu.memref_slice %arg8[%get3A_344, %get3A_345] : memref<1x16384xf32, #tpu.memory_space<vmem>> -> memref<1x16384xf32, #tpu.memory_space<vmem>>
      %get3A_347 = tpu.memref_squeeze %get3A_346 : memref<1x16384xf32, #tpu.memory_space<vmem>> -> memref<16384xf32, #tpu.memory_space<vmem>>
      %get3A_348 = arith.index_cast %add3A_343 : i32 to index
      %get3A_349 = tpu.vector_load %get3A_347[%get3A_348] {strides = array<i32>} : memref<16384xf32, #tpu.memory_space<vmem>>, vector<16xf32>,
      %get3A_350 = vector.shape_cast %get3A_349 : vector<16xf32> to vector<16xf32>
      %swap3A_351 = arith.constant 1 : i32
      %swap3A_352 = arith.constant 0 : i32
      %swap3A_353 = tpu.memref_slice %arg11[%swap3A_351, %swap3A_352] : memref<16x1024xf32, #tpu.memory_space<vmem>> -> memref<1x1024xf32, #tpu.memory_space<vmem>>
      %swap3A_354 = tpu.memref_squeeze %swap3A_353 : memref<1x1024xf32, #tpu.memory_space<vmem>> -> memref<1024xf32, #tpu.memory_space<vmem>>
      %swap3A_355 = arith.index_cast %mul3A_339 : i32 to index
      %swap3A_356 = tpu.vector_load %swap3A_354[%swap3A_355] {strides = array<i32>} : memref<1024xf32, #tpu.memory_space<vmem>>, vector<16xf32>,
      %swap3A_357 = vector.shape_cast %swap3A_356 : vector<16xf32> to vector<16xf32>
      %swap3A_358 = vector.shape_cast %get3A_350 : vector<16xf32> to vector<16xf32>
      tpu.vector_store %swap3A_354[%swap3A_355], %swap3A_358 {add = true, strides = array<i32>} : memref<1024xf32, #tpu.memory_space<vmem>>, vector<16xf32>,
      %mul3A_359 = arith.constant 16 : i32
      %mul3A_360 = arith.muli %scan3A_316, %mul3A_359 : i32
      %mul3A_361 = arith.constant 16 : i32
      %mul3A_362 = arith.muli %scan3A_316, %mul3A_361 : i32
      %add3A_363 = arith.constant 2048 : i32
      %add3A_364 = arith.addi %add3A_363, %mul3A_362 : i32
      %get3A_365 = arith.constant 0 : i32
      %get3A_366 = arith.constant 0 : i32
      %get3A_367 = tpu.memref_slice %arg8[%get3A_365, %get3A_366] : memref<1x16384xf32, #tpu.memory_space<vmem>> -> memref<1x16384xf32, #tpu.memory_space<vmem>>
      %get3A_368 = tpu.memref_squeeze %get3A_367 : memref<1x16384xf32, #tpu.memory_space<vmem>> -> memref<16384xf32, #tpu.memory_space<vmem>>
      %get3A_369 = arith.index_cast %add3A_364 : i32 to index
      %get3A_370 = tpu.vector_load %get3A_368[%get3A_369] {strides = array<i32>} : memref<16384xf32, #tpu.memory_space<vmem>>, vector<16xf32>,
      %get3A_371 = vector.shape_cast %get3A_370 : vector<16xf32> to vector<16xf32>
      %swap3A_372 = arith.constant 2 : i32
      %swap3A_373 = arith.constant 0 : i32
      %swap3A_374 = tpu.memref_slice %arg11[%swap3A_372, %swap3A_373] : memref<16x1024xf32, #tpu.memory_space<vmem>> -> memref<1x1024xf32, #tpu.memory_space<vmem>>
      %swap3A_375 = tpu.memref_squeeze %swap3A_374 : memref<1x1024xf32, #tpu.memory_space<vmem>> -> memref<1024xf32, #tpu.memory_space<vmem>>
      %swap3A_376 = arith.index_cast %mul3A_360 : i32 to index
      %swap3A_377 = tpu.vector_load %swap3A_375[%swap3A_376] {strides = array<i32>} : memref<1024xf32, #tpu.memory_space<vmem>>, vector<16xf32>,
      %swap3A_378 = vector.shape_cast %swap3A_377 : vector<16xf32> to vector<16xf32>
      %swap3A_379 = vector.shape_cast %get3A_371 : vector<16xf32> to vector<16xf32>
      tpu.vector_store %swap3A_375[%swap3A_376], %swap3A_379 {add = true, strides = array<i32>} : memref<1024xf32, #tpu.memory_space<vmem>>, vector<16xf32>,
      %mul3A_380 = arith.constant 16 : i32
      %mul3A_381 = arith.muli %scan3A_316, %mul3A_380 : i32
      %mul3A_382 = arith.constant 16 : i32
      %mul3A_383 = arith.muli %scan3A_316, %mul3A_382 : i32
      %add3A_384 = arith.constant 3072 : i32
      %add3A_385 = arith.addi %add3A_384, %mul3A_383 : i32
      %get3A_386 = arith.constant 0 : i32
      %get3A_387 = arith.constant 0 : i32
      %get3A_388 = tpu.memref_slice %arg8[%get3A_386, %get3A_387] : memref<1x16384xf32, #tpu.memory_space<vmem>> -> memref<1x16384xf32, #tpu.memory_space<vmem>>
      %get3A_389 = tpu.memref_squeeze %get3A_388 : memref<1x16384xf32, #tpu.memory_space<vmem>> -> memref<16384xf32, #tpu.memory_space<vmem>>
      %get3A_390 = arith.index_cast %add3A_385 : i32 to index
      %get3A_391 = tpu.vector_load %get3A_389[%get3A_390] {strides = array<i32>} : memref<16384xf32, #tpu.memory_space<vmem>>, vector<16xf32>,
      %get3A_392 = vector.shape_cast %get3A_391 : vector<16xf32> to vector<16xf32>
      %swap3A_393 = arith.constant 3 : i32
      %swap3A_394 = arith.constant 0 : i32
      %swap3A_395 = tpu.memref_slice %arg11[%swap3A_393, %swap3A_394] : memref<16x1024xf32, #tpu.memory_space<vmem>> -> memref<1x1024xf32, #tpu.memory_space<vmem>>
      %swap3A_396 = tpu.memref_squeeze %swap3A_395 : memref<1x1024xf32, #tpu.memory_space<vmem>> -> memref<1024xf32, #tpu.memory_space<vmem>>
      %swap3A_397 = arith.index_cast %mul3A_381 : i32 to index
      %swap3A_398 = tpu.vector_load %swap3A_396[%swap3A_397] {strides = array<i32>} : memref<1024xf32, #tpu.memory_space<vmem>>, vector<16xf32>,
      %swap3A_399 = vector.shape_cast %swap3A_398 : vector<16xf32> to vector<16xf32>
      %swap3A_400 = vector.shape_cast %get3A_392 : vector<16xf32> to vector<16xf32>
      tpu.vector_store %swap3A_396[%swap3A_397], %swap3A_400 {add = true, strides = array<i32>} : memref<1024xf32, #tpu.memory_space<vmem>>, vector<16xf32>,
      %mul3A_401 = arith.constant 16 : i32
      %mul3A_402 = arith.muli %scan3A_316, %mul3A_401 : i32
      %mul3A_403 = arith.constant 16 : i32
      %mul3A_404 = arith.muli %scan3A_316, %mul3A_403 : i32
      %add3A_405 = arith.constant 4096 : i32
      %add3A_406 = arith.addi %add3A_405, %mul3A_404 : i32
      %get3A_407 = arith.constant 0 : i32
      %get3A_408 = arith.constant 0 : i32
      %get3A_409 = tpu.memref_slice %arg8[%get3A_407, %get3A_408] : memref<1x16384xf32, #tpu.memory_space<vmem>> -> memref<1x16384xf32, #tpu.memory_space<vmem>>
      %get3A_410 = tpu.memref_squeeze %get3A_409 : memref<1x16384xf32, #tpu.memory_space<vmem>> -> memref<16384xf32, #tpu.memory_space<vmem>>
      %get3A_411 = arith.index_cast %add3A_406 : i32 to index
      %get3A_412 = tpu.vector_load %get3A_410[%get3A_411] {strides = array<i32>} : memref<16384xf32, #tpu.memory_space<vmem>>, vector<16xf32>,
      %get3A_413 = vector.shape_cast %get3A_412 : vector<16xf32> to vector<16xf32>
      %swap3A_414 = arith.constant 4 : i32
      %swap3A_415 = arith.constant 0 : i32
      %swap3A_416 = tpu.memref_slice %arg11[%swap3A_414, %swap3A_415] : memref<16x1024xf32, #tpu.memory_space<vmem>> -> memref<1x1024xf32, #tpu.memory_space<vmem>>
      %swap3A_417 = tpu.memref_squeeze %swap3A_416 : memref<1x1024xf32, #tpu.memory_space<vmem>> -> memref<1024xf32, #tpu.memory_space<vmem>>
      %swap3A_418 = arith.index_cast %mul3A_402 : i32 to index
      %swap3A_419 = tpu.vector_load %swap3A_417[%swap3A_418] {strides = array<i32>} : memref<1024xf32, #tpu.memory_space<vmem>>, vector<16xf32>,
      %swap3A_420 = vector.shape_cast %swap3A_419 : vector<16xf32> to vector<16xf32>
      %swap3A_421 = vector.shape_cast %get3A_413 : vector<16xf32> to vector<16xf32>
      tpu.vector_store %swap3A_417[%swap3A_418], %swap3A_421 {add = true, strides = array<i32>} : memref<1024xf32, #tpu.memory_space<vmem>>, vector<16xf32>,
      %mul3A_422 = arith.constant 16 : i32
      %mul3A_423 = arith.muli %scan3A_316, %mul3A_422 : i32
      %mul3A_424 = arith.constant 16 : i32
      %mul3A_425 = arith.muli %scan3A_316, %mul3A_424 : i32
      %add3A_426 = arith.constant 5120 : i32
      %add3A_427 = arith.addi %add3A_426, %mul3A_425 : i32
      %get3A_428 = arith.constant 0 : i32
      %get3A_429 = arith.constant 0 : i32
      %get3A_430 = tpu.memref_slice %arg8[%get3A_428, %get3A_429] : memref<1x16384xf32, #tpu.memory_space<vmem>> -> memref<1x16384xf32, #tpu.memory_space<vmem>>
      %get3A_431 = tpu.memref_squeeze %get3A_430 : memref<1x16384xf32, #tpu.memory_space<vmem>> -> memref<16384xf32, #tpu.memory_space<vmem>>
      %get3A_432 = arith.index_cast %add3A_427 : i32 to index
      %get3A_433 = tpu.vector_load %get3A_431[%get3A_432] {strides = array<i32>} : memref<16384xf32, #tpu.memory_space<vmem>>, vector<16xf32>,
      %get3A_434 = vector.shape_cast %get3A_433 : vector<16xf32> to vector<16xf32>
      %swap3A_435 = arith.constant 5 : i32
      %swap3A_436 = arith.constant 0 : i32
      %swap3A_437 = tpu.memref_slice %arg11[%swap3A_435, %swap3A_436] : memref<16x1024xf32, #tpu.memory_space<vmem>> -> memref<1x1024xf32, #tpu.memory_space<vmem>>
      %swap3A_438 = tpu.memref_squeeze %swap3A_437 : memref<1x1024xf32, #tpu.memory_space<vmem>> -> memref<1024xf32, #tpu.memory_space<vmem>>
      %swap3A_439 = arith.index_cast %mul3A_423 : i32 to index
      %swap3A_440 = tpu.vector_load %swap3A_438[%swap3A_439] {strides = array<i32>} : memref<1024xf32, #tpu.memory_space<vmem>>, vector<16xf32>,
      %swap3A_441 = vector.shape_cast %swap3A_440 : vector<16xf32> to vector<16xf32>
      %swap3A_442 = vector.shape_cast %get3A_434 : vector<16xf32> to vector<16xf32>
      tpu.vector_store %swap3A_438[%swap3A_439], %swap3A_442 {add = true, strides = array<i32>} : memref<1024xf32, #tpu.memory_space<vmem>>, vector<16xf32>,
      %mul3A_443 = arith.constant 16 : i32
      %mul3A_444 = arith.muli %scan3A_316, %mul3A_443 : i32
      %mul3A_445 = arith.constant 16 : i32
      %mul3A_446 = arith.muli %scan3A_316, %mul3A_445 : i32
      %add3A_447 = arith.constant 6144 : i32
      %add3A_448 = arith.addi %add3A_447, %mul3A_446 : i32
      %get3A_449 = arith.constant 0 : i32
      %get3A_450 = arith.constant 0 : i32
      %get3A_451 = tpu.memref_slice %arg8[%get3A_449, %get3A_450] : memref<1x16384xf32, #tpu.memory_space<vmem>> -> memref<1x16384xf32, #tpu.memory_space<vmem>>
      %get3A_452 = tpu.memref_squeeze %get3A_451 : memref<1x16384xf32, #tpu.memory_space<vmem>> -> memref<16384xf32, #tpu.memory_space<vmem>>
      %get3A_453 = arith.index_cast %add3A_448 : i32 to index
      %get3A_454 = tpu.vector_load %get3A_452[%get3A_453] {strides = array<i32>} : memref<16384xf32, #tpu.memory_space<vmem>>, vector<16xf32>,
      %get3A_455 = vector.shape_cast %get3A_454 : vector<16xf32> to vector<16xf32>
      %swap3A_456 = arith.constant 6 : i32
      %swap3A_457 = arith.constant 0 : i32
      %swap3A_458 = tpu.memref_slice %arg11[%swap3A_456, %swap3A_457] : memref<16x1024xf32, #tpu.memory_space<vmem>> -> memref<1x1024xf32, #tpu.memory_space<vmem>>
      %swap3A_459 = tpu.memref_squeeze %swap3A_458 : memref<1x1024xf32, #tpu.memory_space<vmem>> -> memref<1024xf32, #tpu.memory_space<vmem>>
      %swap3A_460 = arith.index_cast %mul3A_444 : i32 to index
      %swap3A_461 = tpu.vector_load %swap3A_459[%swap3A_460] {strides = array<i32>} : memref<1024xf32, #tpu.memory_space<vmem>>, vector<16xf32>,
      %swap3A_462 = vector.shape_cast %swap3A_461 : vector<16xf32> to vector<16xf32>
      %swap3A_463 = vector.shape_cast %get3A_455 : vector<16xf32> to vector<16xf32>
      tpu.vector_store %swap3A_459[%swap3A_460], %swap3A_463 {add = true, strides = array<i32>} : memref<1024xf32, #tpu.memory_space<vmem>>, vector<16xf32>,
      %mul3A_464 = arith.constant 16 : i32
      %mul3A_465 = arith.muli %scan3A_316, %mul3A_464 : i32
      %mul3A_466 = arith.constant 16 : i32
      %mul3A_467 = arith.muli %scan3A_316, %mul3A_466 : i32
      %add3A_468 = arith.constant 7168 : i32
      %add3A_469 = arith.addi %add3A_468, %mul3A_467 : i32
      %get3A_470 = arith.constant 0 : i32
      %get3A_471 = arith.constant 0 : i32
      %get3A_472 = tpu.memref_slice %arg8[%get3A_470, %get3A_471] : memref<1x16384xf32, #tpu.memory_space<vmem>> -> memref<1x16384xf32, #tpu.memory_space<vmem>>
      %get3A_473 = tpu.memref_squeeze %get3A_472 : memref<1x16384xf32, #tpu.memory_space<vmem>> -> memref<16384xf32, #tpu.memory_space<vmem>>
      %get3A_474 = arith.index_cast %add3A_469 : i32 to index
      %get3A_475 = tpu.vector_load %get3A_473[%get3A_474] {strides = array<i32>} : memref<16384xf32, #tpu.memory_space<vmem>>, vector<16xf32>,
      %get3A_476 = vector.shape_cast %get3A_475 : vector<16xf32> to vector<16xf32>
      %swap3A_477 = arith.constant 7 : i32
      %swap3A_478 = arith.constant 0 : i32
      %swap3A_479 = tpu.memref_slice %arg11[%swap3A_477, %swap3A_478] : memref<16x1024xf32, #tpu.memory_space<vmem>> -> memref<1x1024xf32, #tpu.memory_space<vmem>>
      %swap3A_480 = tpu.memref_squeeze %swap3A_479 : memref<1x1024xf32, #tpu.memory_space<vmem>> -> memref<1024xf32, #tpu.memory_space<vmem>>
      %swap3A_481 = arith.index_cast %mul3A_465 : i32 to index
      %swap3A_482 = tpu.vector_load %swap3A_480[%swap3A_481] {strides = array<i32>} : memref<1024xf32, #tpu.memory_space<vmem>>, vector<16xf32>,
      %swap3A_483 = vector.shape_cast %swap3A_482 : vector<16xf32> to vector<16xf32>
      %swap3A_484 = vector.shape_cast %get3A_476 : vector<16xf32> to vector<16xf32>
      tpu.vector_store %swap3A_480[%swap3A_481], %swap3A_484 {add = true, strides = array<i32>} : memref<1024xf32, #tpu.memory_space<vmem>>, vector<16xf32>,
      %mul3A_485 = arith.constant 16 : i32
      %mul3A_486 = arith.muli %scan3A_316, %mul3A_485 : i32
      %mul3A_487 = arith.constant 16 : i32
      %mul3A_488 = arith.muli %scan3A_316, %mul3A_487 : i32
      %add3A_489 = arith.constant 8192 : i32
      %add3A_490 = arith.addi %add3A_489, %mul3A_488 : i32
      %get3A_491 = arith.constant 0 : i32
      %get3A_492 = arith.constant 0 : i32
      %get3A_493 = tpu.memref_slice %arg8[%get3A_491, %get3A_492] : memref<1x16384xf32, #tpu.memory_space<vmem>> -> memref<1x16384xf32, #tpu.memory_space<vmem>>
      %get3A_494 = tpu.memref_squeeze %get3A_493 : memref<1x16384xf32, #tpu.memory_space<vmem>> -> memref<16384xf32, #tpu.memory_space<vmem>>
      %get3A_495 = arith.index_cast %add3A_490 : i32 to index
      %get3A_496 = tpu.vector_load %get3A_494[%get3A_495] {strides = array<i32>} : memref<16384xf32, #tpu.memory_space<vmem>>, vector<16xf32>,
      %get3A_497 = vector.shape_cast %get3A_496 : vector<16xf32> to vector<16xf32>
      %swap3A_498 = arith.constant 8 : i32
      %swap3A_499 = arith.constant 0 : i32
      %swap3A_500 = tpu.memref_slice %arg11[%swap3A_498, %swap3A_499] : memref<16x1024xf32, #tpu.memory_space<vmem>> -> memref<1x1024xf32, #tpu.memory_space<vmem>>
      %swap3A_501 = tpu.memref_squeeze %swap3A_500 : memref<1x1024xf32, #tpu.memory_space<vmem>> -> memref<1024xf32, #tpu.memory_space<vmem>>
      %swap3A_502 = arith.index_cast %mul3A_486 : i32 to index
      %swap3A_503 = tpu.vector_load %swap3A_501[%swap3A_502] {strides = array<i32>} : memref<1024xf32, #tpu.memory_space<vmem>>, vector<16xf32>,
      %swap3A_504 = vector.shape_cast %swap3A_503 : vector<16xf32> to vector<16xf32>
      %swap3A_505 = vector.shape_cast %get3A_497 : vector<16xf32> to vector<16xf32>
      tpu.vector_store %swap3A_501[%swap3A_502], %swap3A_505 {add = true, strides = array<i32>} : memref<1024xf32, #tpu.memory_space<vmem>>, vector<16xf32>,
      %mul3A_506 = arith.constant 16 : i32
      %mul3A_507 = arith.muli %scan3A_316, %mul3A_506 : i32
      %mul3A_508 = arith.constant 16 : i32
      %mul3A_509 = arith.muli %scan3A_316, %mul3A_508 : i32
      %add3A_510 = arith.constant 9216 : i32
      %add3A_511 = arith.addi %add3A_510, %mul3A_509 : i32
      %get3A_512 = arith.constant 0 : i32
      %get3A_513 = arith.constant 0 : i32
      %get3A_514 = tpu.memref_slice %arg8[%get3A_512, %get3A_513] : memref<1x16384xf32, #tpu.memory_space<vmem>> -> memref<1x16384xf32, #tpu.memory_space<vmem>>
      %get3A_515 = tpu.memref_squeeze %get3A_514 : memref<1x16384xf32, #tpu.memory_space<vmem>> -> memref<16384xf32, #tpu.memory_space<vmem>>
      %get3A_516 = arith.index_cast %add3A_511 : i32 to index
      %get3A_517 = tpu.vector_load %get3A_515[%get3A_516] {strides = array<i32>} : memref<16384xf32, #tpu.memory_space<vmem>>, vector<16xf32>,
      %get3A_518 = vector.shape_cast %get3A_517 : vector<16xf32> to vector<16xf32>
      %swap3A_519 = arith.constant 9 : i32
      %swap3A_520 = arith.constant 0 : i32
      %swap3A_521 = tpu.memref_slice %arg11[%swap3A_519, %swap3A_520] : memref<16x1024xf32, #tpu.memory_space<vmem>> -> memref<1x1024xf32, #tpu.memory_space<vmem>>
      %swap3A_522 = tpu.memref_squeeze %swap3A_521 : memref<1x1024xf32, #tpu.memory_space<vmem>> -> memref<1024xf32, #tpu.memory_space<vmem>>
      %swap3A_523 = arith.index_cast %mul3A_507 : i32 to index
      %swap3A_524 = tpu.vector_load %swap3A_522[%swap3A_523] {strides = array<i32>} : memref<1024xf32, #tpu.memory_space<vmem>>, vector<16xf32>,
      %swap3A_525 = vector.shape_cast %swap3A_524 : vector<16xf32> to vector<16xf32>
      %swap3A_526 = vector.shape_cast %get3A_518 : vector<16xf32> to vector<16xf32>
      tpu.vector_store %swap3A_522[%swap3A_523], %swap3A_526 {add = true, strides = array<i32>} : memref<1024xf32, #tpu.memory_space<vmem>>, vector<16xf32>,
      %mul3A_527 = arith.constant 16 : i32
      %mul3A_528 = arith.muli %scan3A_316, %mul3A_527 : i32
      %mul3A_529 = arith.constant 16 : i32
      %mul3A_530 = arith.muli %scan3A_316, %mul3A_529 : i32
      %add3A_531 = arith.constant 10240 : i32
      %add3A_532 = arith.addi %add3A_531, %mul3A_530 : i32
      %get3A_533 = arith.constant 0 : i32
      %get3A_534 = arith.constant 0 : i32
      %get3A_535 = tpu.memref_slice %arg8[%get3A_533, %get3A_534] : memref<1x16384xf32, #tpu.memory_space<vmem>> -> memref<1x16384xf32, #tpu.memory_space<vmem>>
      %get3A_536 = tpu.memref_squeeze %get3A_535 : memref<1x16384xf32, #tpu.memory_space<vmem>> -> memref<16384xf32, #tpu.memory_space<vmem>>
      %get3A_537 = arith.index_cast %add3A_532 : i32 to index
      %get3A_538 = tpu.vector_load %get3A_536[%get3A_537] {strides = array<i32>} : memref<16384xf32, #tpu.memory_space<vmem>>, vector<16xf32>,
      %get3A_539 = vector.shape_cast %get3A_538 : vector<16xf32> to vector<16xf32>
      %swap3A_540 = arith.constant 10 : i32
      %swap3A_541 = arith.constant 0 : i32
      %swap3A_542 = tpu.memref_slice %arg11[%swap3A_540, %swap3A_541] : memref<16x1024xf32, #tpu.memory_space<vmem>> -> memref<1x1024xf32, #tpu.memory_space<vmem>>
      %swap3A_543 = tpu.memref_squeeze %swap3A_542 : memref<1x1024xf32, #tpu.memory_space<vmem>> -> memref<1024xf32, #tpu.memory_space<vmem>>
      %swap3A_544 = arith.index_cast %mul3A_528 : i32 to index
      %swap3A_545 = tpu.vector_load %swap3A_543[%swap3A_544] {strides = array<i32>} : memref<1024xf32, #tpu.memory_space<vmem>>, vector<16xf32>,
      %swap3A_546 = vector.shape_cast %swap3A_545 : vector<16xf32> to vector<16xf32>
      %swap3A_547 = vector.shape_cast %get3A_539 : vector<16xf32> to vector<16xf32>
      tpu.vector_store %swap3A_543[%swap3A_544], %swap3A_547 {add = true, strides = array<i32>} : memref<1024xf32, #tpu.memory_space<vmem>>, vector<16xf32>,
      %mul3A_548 = arith.constant 16 : i32
      %mul3A_549 = arith.muli %scan3A_316, %mul3A_548 : i32
      %mul3A_550 = arith.constant 16 : i32
      %mul3A_551 = arith.muli %scan3A_316, %mul3A_550 : i32
      %add3A_552 = arith.constant 11264 : i32
      %add3A_553 = arith.addi %add3A_552, %mul3A_551 : i32
      %get3A_554 = arith.constant 0 : i32
      %get3A_555 = arith.constant 0 : i32
      %get3A_556 = tpu.memref_slice %arg8[%get3A_554, %get3A_555] : memref<1x16384xf32, #tpu.memory_space<vmem>> -> memref<1x16384xf32, #tpu.memory_space<vmem>>
      %get3A_557 = tpu.memref_squeeze %get3A_556 : memref<1x16384xf32, #tpu.memory_space<vmem>> -> memref<16384xf32, #tpu.memory_space<vmem>>
      %get3A_558 = arith.index_cast %add3A_553 : i32 to index
      %get3A_559 = tpu.vector_load %get3A_557[%get3A_558] {strides = array<i32>} : memref<16384xf32, #tpu.memory_space<vmem>>, vector<16xf32>,
      %get3A_560 = vector.shape_cast %get3A_559 : vector<16xf32> to vector<16xf32>
      %swap3A_561 = arith.constant 11 : i32
      %swap3A_562 = arith.constant 0 : i32
      %swap3A_563 = tpu.memref_slice %arg11[%swap3A_561, %swap3A_562] : memref<16x1024xf32, #tpu.memory_space<vmem>> -> memref<1x1024xf32, #tpu.memory_space<vmem>>
      %swap3A_564 = tpu.memref_squeeze %swap3A_563 : memref<1x1024xf32, #tpu.memory_space<vmem>> -> memref<1024xf32, #tpu.memory_space<vmem>>
      %swap3A_565 = arith.index_cast %mul3A_549 : i32 to index
      %swap3A_566 = tpu.vector_load %swap3A_564[%swap3A_565] {strides = array<i32>} : memref<1024xf32, #tpu.memory_space<vmem>>, vector<16xf32>,
      %swap3A_567 = vector.shape_cast %swap3A_566 : vector<16xf32> to vector<16xf32>
      %swap3A_568 = vector.shape_cast %get3A_560 : vector<16xf32> to vector<16xf32>
      tpu.vector_store %swap3A_564[%swap3A_565], %swap3A_568 {add = true, strides = array<i32>} : memref<1024xf32, #tpu.memory_space<vmem>>, vector<16xf32>,
      %mul3A_569 = arith.constant 16 : i32
      %mul3A_570 = arith.muli %scan3A_316, %mul3A_569 : i32
      %mul3A_571 = arith.constant 16 : i32
      %mul3A_572 = arith.muli %scan3A_316, %mul3A_571 : i32
      %add3A_573 = arith.constant 12288 : i32
      %add3A_574 = arith.addi %add3A_573, %mul3A_572 : i32
      %get3A_575 = arith.constant 0 : i32
      %get3A_576 = arith.constant 0 : i32
      %get3A_577 = tpu.memref_slice %arg8[%get3A_575, %get3A_576] : memref<1x16384xf32, #tpu.memory_space<vmem>> -> memref<1x16384xf32, #tpu.memory_space<vmem>>
      %get3A_578 = tpu.memref_squeeze %get3A_577 : memref<1x16384xf32, #tpu.memory_space<vmem>> -> memref<16384xf32, #tpu.memory_space<vmem>>
      %get3A_579 = arith.index_cast %add3A_574 : i32 to index
      %get3A_580 = tpu.vector_load %get3A_578[%get3A_579] {strides = array<i32>} : memref<16384xf32, #tpu.memory_space<vmem>>, vector<16xf32>,
      %get3A_581 = vector.shape_cast %get3A_580 : vector<16xf32> to vector<16xf32>
      %swap3A_582 = arith.constant 12 : i32
      %swap3A_583 = arith.constant 0 : i32
      %swap3A_584 = tpu.memref_slice %arg11[%swap3A_582, %swap3A_583] : memref<16x1024xf32, #tpu.memory_space<vmem>> -> memref<1x1024xf32, #tpu.memory_space<vmem>>
      %swap3A_585 = tpu.memref_squeeze %swap3A_584 : memref<1x1024xf32, #tpu.memory_space<vmem>> -> memref<1024xf32, #tpu.memory_space<vmem>>
      %swap3A_586 = arith.index_cast %mul3A_570 : i32 to index
      %swap3A_587 = tpu.vector_load %swap3A_585[%swap3A_586] {strides = array<i32>} : memref<1024xf32, #tpu.memory_space<vmem>>, vector<16xf32>,
      %swap3A_588 = vector.shape_cast %swap3A_587 : vector<16xf32> to vector<16xf32>
      %swap3A_589 = vector.shape_cast %get3A_581 : vector<16xf32> to vector<16xf32>
      tpu.vector_store %swap3A_585[%swap3A_586], %swap3A_589 {add = true, strides = array<i32>} : memref<1024xf32, #tpu.memory_space<vmem>>, vector<16xf32>,
      %mul3A_590 = arith.constant 16 : i32
      %mul3A_591 = arith.muli %scan3A_316, %mul3A_590 : i32
      %mul3A_592 = arith.constant 16 : i32
      %mul3A_593 = arith.muli %scan3A_316, %mul3A_592 : i32
      %add3A_594 = arith.constant 13312 : i32
      %add3A_595 = arith.addi %add3A_594, %mul3A_593 : i32
      %get3A_596 = arith.constant 0 : i32
      %get3A_597 = arith.constant 0 : i32
      %get3A_598 = tpu.memref_slice %arg8[%get3A_596, %get3A_597] : memref<1x16384xf32, #tpu.memory_space<vmem>> -> memref<1x16384xf32, #tpu.memory_space<vmem>>
      %get3A_599 = tpu.memref_squeeze %get3A_598 : memref<1x16384xf32, #tpu.memory_space<vmem>> -> memref<16384xf32, #tpu.memory_space<vmem>>
      %get3A_600 = arith.index_cast %add3A_595 : i32 to index
      %get3A_601 = tpu.vector_load %get3A_599[%get3A_600] {strides = array<i32>} : memref<16384xf32, #tpu.memory_space<vmem>>, vector<16xf32>,
      %get3A_602 = vector.shape_cast %get3A_601 : vector<16xf32> to vector<16xf32>
      %swap3A_603 = arith.constant 13 : i32
      %swap3A_604 = arith.constant 0 : i32
      %swap3A_605 = tpu.memref_slice %arg11[%swap3A_603, %swap3A_604] : memref<16x1024xf32, #tpu.memory_space<vmem>> -> memref<1x1024xf32, #tpu.memory_space<vmem>>
      %swap3A_606 = tpu.memref_squeeze %swap3A_605 : memref<1x1024xf32, #tpu.memory_space<vmem>> -> memref<1024xf32, #tpu.memory_space<vmem>>
      %swap3A_607 = arith.index_cast %mul3A_591 : i32 to index
      %swap3A_608 = tpu.vector_load %swap3A_606[%swap3A_607] {strides = array<i32>} : memref<1024xf32, #tpu.memory_space<vmem>>, vector<16xf32>,
      %swap3A_609 = vector.shape_cast %swap3A_608 : vector<16xf32> to vector<16xf32>
      %swap3A_610 = vector.shape_cast %get3A_602 : vector<16xf32> to vector<16xf32>
      tpu.vector_store %swap3A_606[%swap3A_607], %swap3A_610 {add = true, strides = array<i32>} : memref<1024xf32, #tpu.memory_space<vmem>>, vector<16xf32>,
      %mul3A_611 = arith.constant 16 : i32
      %mul3A_612 = arith.muli %scan3A_316, %mul3A_611 : i32
      %mul3A_613 = arith.constant 16 : i32
      %mul3A_614 = arith.muli %scan3A_316, %mul3A_613 : i32
      %add3A_615 = arith.constant 14336 : i32
      %add3A_616 = arith.addi %add3A_615, %mul3A_614 : i32
      %get3A_617 = arith.constant 0 : i32
      %get3A_618 = arith.constant 0 : i32
      %get3A_619 = tpu.memref_slice %arg8[%get3A_617, %get3A_618] : memref<1x16384xf32, #tpu.memory_space<vmem>> -> memref<1x16384xf32, #tpu.memory_space<vmem>>
      %get3A_620 = tpu.memref_squeeze %get3A_619 : memref<1x16384xf32, #tpu.memory_space<vmem>> -> memref<16384xf32, #tpu.memory_space<vmem>>
      %get3A_621 = arith.index_cast %add3A_616 : i32 to index
      %get3A_622 = tpu.vector_load %get3A_620[%get3A_621] {strides = array<i32>} : memref<16384xf32, #tpu.memory_space<vmem>>, vector<16xf32>,
      %get3A_623 = vector.shape_cast %get3A_622 : vector<16xf32> to vector<16xf32>
      %swap3A_624 = arith.constant 14 : i32
      %swap3A_625 = arith.constant 0 : i32
      %swap3A_626 = tpu.memref_slice %arg11[%swap3A_624, %swap3A_625] : memref<16x1024xf32, #tpu.memory_space<vmem>> -> memref<1x1024xf32, #tpu.memory_space<vmem>>
      %swap3A_627 = tpu.memref_squeeze %swap3A_626 : memref<1x1024xf32, #tpu.memory_space<vmem>> -> memref<1024xf32, #tpu.memory_space<vmem>>
      %swap3A_628 = arith.index_cast %mul3A_612 : i32 to index
      %swap3A_629 = tpu.vector_load %swap3A_627[%swap3A_628] {strides = array<i32>} : memref<1024xf32, #tpu.memory_space<vmem>>, vector<16xf32>,
      %swap3A_630 = vector.shape_cast %swap3A_629 : vector<16xf32> to vector<16xf32>
      %swap3A_631 = vector.shape_cast %get3A_623 : vector<16xf32> to vector<16xf32>
      tpu.vector_store %swap3A_627[%swap3A_628], %swap3A_631 {add = true, strides = array<i32>} : memref<1024xf32, #tpu.memory_space<vmem>>, vector<16xf32>,
      %mul3A_632 = arith.constant 16 : i32
      %mul3A_633 = arith.muli %scan3A_316, %mul3A_632 : i32
      %mul3A_634 = arith.constant 16 : i32
      %mul3A_635 = arith.muli %scan3A_316, %mul3A_634 : i32
      %add3A_636 = arith.constant 15360 : i32
      %add3A_637 = arith.addi %add3A_636, %mul3A_635 : i32
      %get3A_638 = arith.constant 0 : i32
      %get3A_639 = arith.constant 0 : i32
      %get3A_640 = tpu.memref_slice %arg8[%get3A_638, %get3A_639] : memref<1x16384xf32, #tpu.memory_space<vmem>> -> memref<1x16384xf32, #tpu.memory_space<vmem>>
      %get3A_641 = tpu.memref_squeeze %get3A_640 : memref<1x16384xf32, #tpu.memory_space<vmem>> -> memref<16384xf32, #tpu.memory_space<vmem>>
      %get3A_642 = arith.index_cast %add3A_637 : i32 to index
      %get3A_643 = tpu.vector_load %get3A_641[%get3A_642] {strides = array<i32>} : memref<16384xf32, #tpu.memory_space<vmem>>, vector<16xf32>,
      %get3A_644 = vector.shape_cast %get3A_643 : vector<16xf32> to vector<16xf32>
      %swap3A_645 = arith.constant 15 : i32
      %swap3A_646 = arith.constant 0 : i32
      %swap3A_647 = tpu.memref_slice %arg11[%swap3A_645, %swap3A_646] : memref<16x1024xf32, #tpu.memory_space<vmem>> -> memref<1x1024xf32, #tpu.memory_space<vmem>>
      %swap3A_648 = tpu.memref_squeeze %swap3A_647 : memref<1x1024xf32, #tpu.memory_space<vmem>> -> memref<1024xf32, #tpu.memory_space<vmem>>
      %swap3A_649 = arith.index_cast %mul3A_633 : i32 to index
      %swap3A_650 = tpu.vector_load %swap3A_648[%swap3A_649] {strides = array<i32>} : memref<1024xf32, #tpu.memory_space<vmem>>, vector<16xf32>,
      %swap3A_651 = vector.shape_cast %swap3A_650 : vector<16xf32> to vector<16xf32>
      %swap3A_652 = vector.shape_cast %get3A_644 : vector<16xf32> to vector<16xf32>
      tpu.vector_store %swap3A_648[%swap3A_649], %swap3A_652 {add = true, strides = array<i32>} : memref<1024xf32, #tpu.memory_space<vmem>>, vector<16xf32>,
      %scan3A_653 = arith.constant 0 : i32
      scf.yield %scan3A_653 : i32
    }
    %scan3A_295 = arith.constant 64 : i32
    %mul3A_296 = arith.constant 128 : i32
    %mul3A_297 = arith.muli %add3A, %mul3A_296 : i32
    %add3A_298 = arith.constant 112 : i32
    %add3A_299 = arith.addi %mul3A_297, %add3A_298 : i32
    %dma_start3A_300 = arith.constant 0 : i32
    %dma_start3A_301 = tpu.memref_slice %arg5[%add3A_299, %dma_start3A_300] : memref<4096x1024xf32, #tpu.memory_space<hbm>> -> memref<16x1024xf32, #tpu.memory_space<hbm>>
    %dma_start3A_302 = arith.constant 0 : i32
    %dma_start3A_303 = tpu.memref_slice %arg5[%add3A_299, %dma_start3A_302] : memref<4096x1024xf32, #tpu.memory_space<hbm>> -> memref<16x1024xf32, #tpu.memory_space<hbm>>
    tpu.enqueue_dma source(%arg11 : memref<16x1024xf32, #tpu.memory_space<vmem>>) target(%dma_start3A_303 : memref<16x1024xf32, #tpu.memory_space<hbm>>) target_semaphore(%arg14 : memref<!tpu.dma_semaphore, #tpu.memory_space<semaphore_mem>>)
    %dma_wait3A_304 = arith.constant 0 : i32
    %dma_wait3A_305 = tpu.memref_slice %arg5[%add3A_249, %dma_wait3A_304] : memref<4096x1024xf32, #tpu.memory_space<hbm>> -> memref<16x1024xf32, #tpu.memory_space<hbm>>
    %dma_wait3A_306 = arith.constant 0 : i32
    %dma_wait3A_307 = tpu.memref_slice %arg5[%add3A_249, %dma_wait3A_306] : memref<4096x1024xf32, #tpu.memory_space<hbm>> -> memref<16x1024xf32, #tpu.memory_space<hbm>>
    tpu.wait_dma2 semaphore(%arg14 : memref<!tpu.dma_semaphore, #tpu.memory_space<semaphore_mem>>) src(%arg12 : memref<16x1024xf32, #tpu.memory_space<vmem>>) dst(%dma_wait3A_307 : memref<16x1024xf32, #tpu.memory_space<hbm>>)
    %dma_wait3A_308 = arith.constant 0 : i32
    %dma_wait3A_309 = tpu.memref_slice %arg5[%add3A_274, %dma_wait3A_308] : memref<4096x1024xf32, #tpu.memory_space<hbm>> -> memref<16x1024xf32, #tpu.memory_space<hbm>>
    %dma_wait3A_310 = arith.constant 0 : i32
    %dma_wait3A_311 = tpu.memref_slice %arg5[%add3A_274, %dma_wait3A_310] : memref<4096x1024xf32, #tpu.memory_space<hbm>> -> memref<16x1024xf32, #tpu.memory_space<hbm>>
    tpu.wait_dma2 semaphore(%arg14 : memref<!tpu.dma_semaphore, #tpu.memory_space<semaphore_mem>>) src(%arg10 : memref<16x1024xf32, #tpu.memory_space<vmem>>) dst(%dma_wait3A_311 : memref<16x1024xf32, #tpu.memory_space<hbm>>)
    %dma_wait3A_312 = arith.constant 0 : i32
    %dma_wait3A_313 = tpu.memref_slice %arg5[%add3A_299, %dma_wait3A_312] : memref<4096x1024xf32, #tpu.memory_space<hbm>> -> memref<16x1024xf32, #tpu.memory_space<hbm>>
    %dma_wait3A_314 = arith.constant 0 : i32
    %dma_wait3A_315 = tpu.memref_slice %arg5[%add3A_299, %dma_wait3A_314] : memref<4096x1024xf32, #tpu.memory_space<hbm>> -> memref<16x1024xf32, #tpu.memory_space<hbm>>
    tpu.wait_dma2 semaphore(%arg14 : memref<!tpu.dma_semaphore, #tpu.memory_space<semaphore_mem>>) src(%arg11 : memref<16x1024xf32, #tpu.memory_space<vmem>>) dst(%dma_wait3A_315 : memref<16x1024xf32, #tpu.memory_space<hbm>>)
    return
  }
}

</mosaic_0001>

<sc_bundles>
// kernel: _sc_prompt.3.cloned.1.call-start
scs
__scs_entry_jumppad:
0x0: {  	(pc) =	sbr.rel $0x88, $3  }
0x1: {  	(tag) =	ssettag $0x0;
	lr =	simm.s32 $0x1  }
0x2: {  	[smem:$0x3F9E] =	sst lr;
	_ =	strace $0xD0000000  }
0x3: {  	_ = 	snop  }
0x4: {  	_ = 	snop  }
0x5: {  	_ = 	snop  }
0x6: {  	_ = 	snop  }
0x7: {  	_ = 	snop  }
__scs_overlays_trampoline_lowered:
0x8: {  	[smem:$0x3FAD] =	sst s0  }
0x9: {  	[smem:$0x3FAE] =	sst s1  }
0xa: {  	[smem:$0x3FAF] =	sst s2  }
0xb: {  	[smem:$0x3FB0] =	sst s3  }
0xc: {  	[smem:$0x3FB1] =	sst s4  }
0xd: {  	[smem:$0x3FB2] =	sst s5  }
0xe: {  	[smem:$0x3FB3] =	sst s6  }
0xf: {  	[smem:$0x3FB4] =	sst s7  }
0x10: {  	[smem:$0x3FB5] =	sst s8  }
0x11: {  	[smem:$0x3FB6] =	sst s9;
	s0 =	simm.s32 @!p0 $0x0  }
0x12: {  	s1 =	sld [smem:$0x3F9C];
	s0 =	simm.s32 @p0 $0x1  }
0x13: {  	[smem:$0x3FB7] =	sst s0;
	s0 =	simm.s32 @!p1 $0x0  }
0x14: {  	s2 =	sld [smem:$0x3F9B];
	s0 =	simm.s32 @p1 $0x1  }
0x15: {  	[smem:$0x3FB8] =	sst s0;
	s0 =	simm.s32 @!p2 $0x0  }
0x16: {  	s3 =	sld [smem:$0x3FDB];
	s0 =	simm.s32 @p2 $0x1  }
0x17: {  	s4 =	simm.s32 $0x1BF5;
	[smem:$0x3FBA] =	sst s0  }
0x18: {  	s0 =	sld [smem:$0x3F9D];
	_ =	swait.ge [sflag:s4], $0x0  }
0x19: {  	s7 =	sld [smem:$0x3F9E]  }
0x1a: {  	s8 =	sadd.s32 $0xFFFFE003, lr  }
0x1b: {  	s9 =	sadd.s32 $0xFFFFFEF7, lr;
	s5 =	simm.s32 $0xFFFFFFFF;
	p2 =	slt.u32 s8, $0xFFFFF086  }
0x1c: {  	p1 =	slt.u32 s9, $0xF7A;
	s5 =	simm.s32 @!p2 $0x0  }
0x1d: {  	s5 =	simm.s32 @p1 $0x1;
	p0 =	seq.s32 s7, s2  }
0x1e: {  	s7 =	smul.u32 @!p0 $0xF7A, s2;
	p2 =	seq.s32 @!p0 s5, $0x0  }
0x1f: {  	s9 =	smul.u32 $0xF7A, s1;
	s8 =	simm.s32 @!p0 $0x1BF5;
	p2 =	por !p2, p0  }
0x20: {  	[sflag:s8] =	ssyncset.s32 @!p0 $0xFFFFF086;
	s6 =	sadd.s32 @!p0 s3, s7;
	s7 =	simm.s32 @!p0 $0x108  }
0x21: {  	s3 =	sadd.s32 s3, s9;
	s6 =	sadd.s32 @!p0 $0x88, s6;
	s7 =	simm.s32 @p2 $0x1082  }
0x22: {  	[simem:s7], [sflag:s8] =	dma.local @!p0 [hbm:s6], $0xF7A  }
0x23: {  	s9 =	sor.u32 $0xD0000000, s2;
	s6 =	simm.s32 $0x108;
	_ =	swait.ge @!p0 [sflag:s8], $0x0  }
0x24: {  	s3 =	sadd.s32 $0x88, s3;
	s6 =	simm.s32 @!p1 $0x1082;
	[sflag:s4] =	ssyncset.s32 $0xFFFFF086  }
0x25: {  	[simem:s6], [sflag:s4] =	dma.local [hbm:s3], $0xF7A  }
0x26: {  	[smem:$0x3F9E] =	sst s1;
	(tag) =	ssettag s2;
	_ =	strace s9  }
0x27: {  	s1 =	sld [smem:$0x3FAE]  }
0x28: {  	s2 =	sld [smem:$0x3FAF]  }
0x29: {  	s4 =	sld [smem:$0x3FB1]  }
0x2a: {  	p0 =	seq.s32 s5, $0x0;
	s5 =	sld [smem:$0x3FB2]  }
0x2b: {  	s6 =	sld [smem:$0x3FB3]  }
0x2c: {  	s7 =	sld [smem:$0x3FB4]  }
0x2d: {  	s3 =	simm.s32 $0x108;
	s8 =	sld [smem:$0x3FB5]  }
0x2e: {  	s3 =	simm.s32 @!p0 $0x1082;
	s9 =	sld [smem:$0x3FB6]  }
0x2f: {  	lr =	sadd.s32 s0, s3;
	s0 =	sld [smem:$0x3FAD]  }
0x30: {  	s3 =	sld [smem:$0x3FB0]  }
0x31: {  	[smem:$0x3FB9] =	sst s10  }
0x32: {  	s10 =	sld [smem:$0x3FB7];
	_ =	sdelay $0x3  }
0x33: {  	p0 =	seq.s32 s10, $0x1;
	s10 =	sld [smem:$0x3FB9];
	_ =	sdelay $0x3  }
0x34: {  	[smem:$0x3FB9] =	sst s10  }
0x35: {  	s10 =	sld [smem:$0x3FB8];
	_ =	sdelay $0x3  }
0x36: {  	p1 =	seq.s32 s10, $0x1;
	s10 =	sld [smem:$0x3FB9];
	_ =	sdelay $0x3  }
0x37: {  	[smem:$0x3FB9] =	sst s10  }
0x38: {  	s10 =	sld [smem:$0x3FBA]  }
0x39: {  	_ = 	snop;
	(pc) =	sbr.ind lr, $3  }
0x3a: {  	_ = 	snop  }
0x3b: {  	_ = 	snop  }
0x3c: {  	p2 =	seq.s32 s10, $0x1;
	s10 =	sld [smem:$0x3FB9]  }
0x3d: {  	_ =	shalt  }
0x3e: {  	_ =	shalt  }
0x3f: {  	_ =	shalt  }
0x40: {  	_ =	shalt  }
0x41: {  	_ =	shalt  }
0x42: {  	_ =	shalt  }
0x43: {  	_ =	shalt  }
0x44: {  	_ =	shalt  }
0x45: {  	_ =	shalt  }
0x46: {  	_ =	shalt  }
0x47: {  	_ =	shalt  }
0x48: {  	_ =	shalt  }
0x49: {  	_ =	shalt  }
0x4a: {  	_ =	shalt  }
0x4b: {  	_ =	shalt  }
0x4c: {  	_ =	shalt  }
0x4d: {  	_ =	shalt  }
0x4e: {  	_ =	shalt  }
0x4f: {  	_ =	shalt  }
0x50: {  	_ =	shalt  }
0x51: {  	_ =	shalt  }
0x52: {  	_ =	shalt  }
0x53: {  	_ =	shalt  }
0x54: {  	_ =	shalt  }
0x55: {  	_ =	shalt  }
0x56: {  	_ =	shalt  }
0x57: {  	_ =	shalt  }
0x58: {  	_ =	shalt  }
0x59: {  	_ =	shalt  }
0x5a: {  	_ =	shalt  }
0x5b: {  	_ =	shalt  }
0x5c: {  	_ =	shalt  }
0x5d: {  	_ =	shalt  }
0x5e: {  	_ =	shalt  }
0x5f: {  	_ =	shalt  }
0x60: {  	_ =	shalt  }
0x61: {  	_ =	shalt  }
0x62: {  	_ =	shalt  }
0x63: {  	_ =	shalt  }
0x64: {  	_ =	shalt  }
0x65: {  	_ =	shalt  }
0x66: {  	_ =	shalt  }
0x67: {  	_ =	shalt  }
0x68: {  	_ =	shalt  }
0x69: {  	_ =	shalt  }
0x6a: {  	_ =	shalt  }
0x6b: {  	_ =	shalt  }
0x6c: {  	_ =	shalt  }
0x6d: {  	_ =	shalt  }
0x6e: {  	_ =	shalt  }
0x6f: {  	_ =	shalt  }
0x70: {  	_ =	shalt  }
0x71: {  	_ =	shalt  }
0x72: {  	_ =	shalt  }
0x73: {  	_ =	shalt  }
0x74: {  	_ =	shalt  }
0x75: {  	_ =	shalt  }
0x76: {  	_ =	shalt  }
0x77: {  	_ =	shalt  }
0x78: {  	_ =	shalt  }
0x79: {  	_ =	shalt  }
0x7a: {  	_ =	shalt  }
0x7b: {  	_ =	shalt  }
0x7c: {  	_ =	shalt  }
0x7d: {  	_ =	shalt  }
0x7e: {  	_ =	shalt  }
0x7f: {  	_ =	shalt  }
0x80: {  	_ =	shalt  }
0x81: {  	_ =	shalt  }
0x82: {  	_ =	shalt  }
0x83: {  	_ =	shalt  }
0x84: {  	_ =	shalt  }
0x85: {  	_ =	shalt  }
0x86: {  	_ =	shalt  }
0x87: {  	_ =	shalt  }
.Lfunc_end0:
.L_simem_size_0:
called_computation_lowered:
.L_overlay_start_0:
0x88: {  	s2 =	sld [smem:$0x3FD9]  }
0x89: {  	s3 =	sld [smem:$0x3FFE];
	_ =	sdelay $0x1  }
0x8a: {  	s1 =	srdreg.scid  }
0x8b: {  	s0 =	sand.u32 $0x1, s1  }
0x8c: {  	s18 =	sshll.u32 s0, $0xA;
	s2 =	sadd.s32 s3, s2  }
0x8d: {  	s2 =	sadd.s32 s2, s18  }
0x8e: {  	[smem:$0x3FC5] =	sst s2  }
0x8f: {  	_ = 	snop  }
0x90: {  	s2 =	sld [smem:$0x3FC9]  }
0x91: {  	s19 =	sld [smem:$0x3FC8]  }
0x92: {  	s4 =	sld [smem:$0x3FC7]  }
0x93: {  	s5 =	sld [smem:$0x3FD0];
	(tm) =	ssettm $0x1  }
0x94: {  	s6 =	sld [smem:$0x3FFB];
	_ =	sdelay $0x3  }
0x95: {  	_ =	strace s6  }
0x96: {  	s6 =	sld [smem:$0x3FFC];
	_ =	sdelay $0x3  }
0x97: {  	_ =	strace s6  }
0x98: {  	s6 =	sld [smem:$0x3FFD];
	_ =	sdelay $0x3  }
0x99: {  	_ =	strace s6  }
0x9a: {  	_ =	strace $0x8FFFFFFF  }
0x9b: {  	s20 =	sld [smem:$0x3FDB];
	_ =	sdelay $0x1  }
0x9c: {  	s7 =	simm.s32 $_scs_section_size  }
0x9d: {  	s8 =	simm.s32 $_size__tile_overlayer_lowered;
	s9 =	simm.s32 $_tile_overlayer_lowered  }
0x9e: {  	s23 =	simm.s32 $0x1BFF;
	s22 =	sshll.u32 s9, $0x1;
	s6 =	sadd.s32 s7, s20  }
0x9f: {  	s10 =	simm.s32 $0x0;
	s21 =	sshll.u32 s8, $0x1;
	s8 =	sadd.s32 s22, s6  }
0xa0: {  	[timem:s10], [sflag:s23] =	dma.local [hbm:s8], s21  }
0xa1: {  	_ =	swait.ge [sflag:s23], s21  }
0xa2: {  	s7 =	ssub.s32 $0x0, s21;
	[sflag:s23] =	ssyncset.done $0x0  }
0xa3: {  	[sflag:s23] =	ssyncadd.s32 s7;
	_ =	sdelay $0x1  }
0xa4: {  	s24 =	simm.s32 $0x1B8B  }
0xa5: {  	_ =	swait.ge [sflag:s24], $0x1  }
0xa6: {  	[sflag:s24] =	ssyncset.done $0x0  }
0xa7: {  	s25 =	simm.s32 $0x1B8E;
	[sflag:s24] =	ssyncadd.s32 $0xFFFFFFFF  }
0xa8: {  	s26 =	simm.s32 $execute0_lowered;
	[smem:$0x3FD2] =	sst s25  }
0xa9: {  	s7 =	sshll.u32 s26, $0x1;
	_ =	strace $0x80000046;
	[dreg:$0x1] =	wrdreg $0xFFFFFFFF  }
0xaa: {  	s28 =	simm.s32 $_size_execute0_lowered;
	s6 =	sadd.s32 s6, s7;
	[dreg:$0x0] =	wrdreg $0x0  }
0xab: {  	s7 =	sshll.u32 s28, $0x1;
	[dreg:$0x2] =	wrdreg s6  }
0xac: {  	[dreg:$0x3] =	wrdreg s7  }
0xad: {  	[dreg:$0x4] =	wrdreg $0xC0  }
0xae: {  	_ =	task [dreg:s10], $0x5FFFF  }
0xaf: {  	[dreg:$0x1] =	wrdreg $0xFFFFFFFF  }
0xb0: {  	[dreg:$0x0] =	wrdreg $0x60  }
0xb1: {  	[dreg:$0x2] =	wrdreg s2  }
0xb2: {  	[dreg:$0x3] =	wrdreg s19  }
0xb3: {  	[dreg:$0x4] =	wrdreg s4  }
0xb4: {  	[dreg:$0x5] =	wrdreg s5  }
0xb5: {  	[dreg:$0x6] =	wrdreg $0x9  }
0xb6: {  	_ =	task.clear_ibuf [dreg:s10], $0x7FFFF;
	_ =	strace $0x90000046  }
0xb7: {  	s29 =	simm.s32 $0x9;
	_ =	strace $0x80000048  }
0xb8: {  	_ =	swait.ge [sflag:s29], $0x1  }
0xb9: {  	[sflag:s29] =	ssyncadd.s32 $0xFFFFFFFF  }
0xba: {  	_ =	strace $0x90000048  }
0xbb: {  	_ =	sfence  }
0xbc: {  	s30 =	sld [smem:$0x0];
	_ =	sdelay $0x2  }
0xbd: {  	s31 =	sshll.u32 s1, $0xD;
	s1 =	sshrl.u32 s1, $0x2  }
0xbe: {  	s3 =	sand.u32 $0x4000, s31;
	s1 =	sadd.s32 s1, s30  }
0xbf: {  	s0 =	sor.u32 s3, s0;
	s1 =	sshll.u32 s1, $0x11  }
0xc0: {  	s0 =	sor.u32 s1, s0  }
0xc1: {  	s0 =	sadd.s32 $0x8F2B, s0  }
0xc2: {  	[sflag:s0] =	ssyncadd.remote.s32 $0x1  }
0xc3: {  	_ =	sfence.sel $0xFFFF  }
0xc4: {  	[dreg:$0x0] =	wrdreg $0xFFFFFFFF;
	(pc) =	sbr.abs _section_cstart, $3  }
0xc5: {  	[dreg:$0x1] =	wrdreg $0xFFFFFFFF  }
0xc6: {  	_ =	task.clear_ibuf [dreg:s10], $0x2FFFF;
	_ =	strace $0x9FFFFFFF  }
0xc7: {  	(tm) =	ssettm $0x7FFFFFFF  }
tec
execute0_lowered:
.L_overlay_start_1:
0x0: {  	(tag) =	ssettag $0x1  }
0x1: {  	s0 =	rddreg [dreg:$0x0]  }
0x2: {  	s1 =	rddreg [dreg:$0x1]  }
0x3: {  	s9 =	rddreg [dreg:$0x2]  }
0x4: {  	s2 =	rddreg [dreg:$0x3];
	s4 =	simm.s32 $0x0  }
0x5: {  	s3 =	srdreg.scid;
	[smem:$0x7FF] =	sst s4;
	s13 =	sadd.s32 $0x4000, s1  }
0x6: {  	s14 =	sadd.s32 $0x800, s9;
	_ =	strace $0x80000047;
	[dreg:$0x6] =	wrdreg s13  }
0x7: {  	s6 =	stileid.u32;
	s15 =	sadd.s32 $0x8000, s1;
	[dreg:$0x7] =	wrdreg s14  }
0x8: {  	s29 =	simm.s32 $0x3;
	s17 =	sadd.s32 $0x1000, s9;
	[dreg:$0x8] =	wrdreg s15  }
0x9: {  	s30 =	simm.s32 $0x400;
	s18 =	sadd.s32 $0xC000, s1;
	[dreg:$0x9] =	wrdreg s17  }
0xa: {  	s31 =	simm.s32 $0xC080;
	s19 =	sadd.s32 $0x1800, s9;
	[dreg:$0xa] =	wrdreg s18  }
0xb: {  	s3 =	sand.u32 $0x1, s3;
	s21 =	sadd.s32 $0x10000, s1;
	[dreg:$0xb] =	wrdreg s19  }
0xc: {  	s5 =	sshll.u32 s6, $0x1;
	s22 =	sadd.s32 $0x2000, s9;
	[dreg:$0xd] =	wrdreg s21  }
0xd: {  	s6 =	sshll.u32 s6, $0x9;
	s24 =	sadd.s32 $0x14000, s1;
	[dreg:$0xe] =	wrdreg s22  }
0xe: {  	s25 =	sadd.s32 $0x2800, s9;
	s5 =	sor.u32 s3, s5;
	[dreg:$0x10] =	wrdreg s24  }
0xf: {  	s3 =	ssub.s32 $0x2, s3;
	s6 =	sand.u32 $0x1800, s6;
	[dreg:$0x11] =	wrdreg s25  }
0x10: {  	s21 =	sadd.s32 $0x3000, s9;
	s7 =	sshll.u32 s5, $0x4;
	s8 =	sshrl.u32 s3, $0x1  }
0x11: {  	s0 =	sadd.s32 s0, s6;
	s16 =	sshll.u32 s5, $0xE;
	s5 =	simm.s32 $0x1  }
0x12: {  	s6 =	simm.s32 $0x2;
	s7 =	sand.u32 $0x70, s7;
	s3 =	ssub.s32 s3, s8  }
0x13: {  	s10 =	sadd.s32 s2, s16;
	s2 =	simm.s32 $0x14080;
	s8 =	simm.s32 $0x0  }
0x14: {  	s0 =	sadd.s32 s7, s0;
	s20 =	sadd.s32 $0x800, s10;
	s23 =	sadd.s32 $0x1000, s10  }
0x15: {  	s26 =	sadd.s32 $0x1800, s10;
	s22 =	sadd.s32 $0x2000, s10;
	[dreg:$0x5] =	wrdreg s0  }
0x16: {  	s24 =	sadd.s32 $0x2800, s10;
	s25 =	smax.u32 s3, $0x1;
	[dreg:$0xc] =	wrdreg s20  }
0x17: {  	s28 =	sadd.s32 $0x3800, s10;
	s3 =	simm.s32 $0x10080;
	[dreg:$0xf] =	wrdreg s23  }
0x18: {  	s7 =	simm.s32 $0x80;
	[dreg:$0x12] =	wrdreg s26;
	s20 =	sadd.s32 $0x18000, s1  }
0x19: {  	s23 =	sadd.s32 $0x3800, s9;
	s26 =	sadd.s32 $0x3000, s10;
	s0 =	simm.s32 $0x4080  }
.LBB2_1:
0x1a: {  	s9 =	rddreg [dreg:$0x5]  }
0x1b: {  	[tilespmem:s4], [sflag:$0x3] =	stream.linear.gather [hbm4b:s9+s4], $0x80, $0x38;
	[tilespmem:$0x18080] =	vst v63  }
0x1c: {  	_ =	swait.ge [sflag:s29], $0x80  }
0x1d: {  	[sflag:s29] =	ssyncset.done $0x0  }
0x1e: {  	[sflag:s29] =	ssyncadd.s32 $0xFFFFFF80  }
0x1f: {  	v0 =	vld [tilespmem:$0x0];
	_ =	sdelay $0x4  }
0x20: {  	(v2sf) =	vpush v0, $0x0;
	_ =	sdelay $0xe  }
0x21: {  	s11 =	spop (v2sf)  }
0x22: {  	s9 =	sshll.u32 s11, $0x11;
	s11 =	sshll.u32 s11, $0x7  }
0x23: {  	s12 =	sand.u32 $0xFFF00000, s9;
	s11 =	sand.u32 $0x380, s11  }
0x24: {  	s12 =	sor.u32 s11, s12  }
0x25: {  	s12 =	sshrl.u32 s12, $0x3  }
0x26: {  	s16 =	rddreg [dreg:$0x6];
	s13 =	sadd.s32 s1, s12  }
0x27: {  	[tilespmem:s7], [sflag:$0x1] =	stream.strided.gather [hbm4b:s13+s7], $0x4000, s30, s7, $0x38;
	[tilespmem:$0x18080] =	vst v63  }
0x28: {  	s15 =	rddreg [dreg:$0x2]  }
0x29: {  	[tilespmem:s31], [sflag:$0x1] =	stream.linear.gather [hbm4b:s15+s4], $0x4000, $0x38;
	[tilespmem:$0x18080] =	vst v63  }
0x2a: {  	s17 =	rddreg [dreg:$0x7];
	s13 =	sadd.s32 s12, s16  }
0x2b: {  	[tilespmem:s0], [sflag:$0x1] =	stream.strided.gather [hbm4b:s13+s7], $0x4000, s30, s7, $0x38;
	[tilespmem:$0x18080] =	vst v63  }
0x2c: {  	s18 =	rddreg [dreg:$0x8]  }
0x2d: {  	[tilespmem:s3], [sflag:$0x1] =	stream.linear.gather [hbm4b:s17+s4], $0x4000, $0x38;
	[tilespmem:$0x18080] =	vst v63  }
0x2e: {  	s14 =	simm.s32 $0x8080;
	s13 =	sadd.s32 s12, s18  }
0x2f: {  	[tilespmem:s14], [sflag:$0x1] =	stream.strided.gather [hbm4b:s13+s7], $0x4000, s30, s7, $0x38;
	[tilespmem:$0x18080] =	vst v63  }
0x30: {  	s19 =	rddreg [dreg:$0x9]  }
0x31: {  	[tilespmem:s2], [sflag:$0x1] =	stream.linear.gather [hbm4b:s19+s4], $0x4000, $0x38;
	[tilespmem:$0x18080] =	vst v63  }
0x32: {  	_ =	swait.ge [sflag:s5], $0x4000  }
0x33: {  	[sflag:s5] =	ssyncset.done $0x0  }
0x34: {  	[sflag:s5] =	ssyncadd.s32 $0xFFFFC000  }
0x35: {  	_ =	swait.ge [sflag:s5], $0x4000  }
0x36: {  	[sflag:s5] =	ssyncset.done $0x0  }
0x37: {  	[sflag:s5] =	ssyncadd.s32 $0xFFFFC000  }
0x38: {  	v0 =	vld [tilespmem:s7+$0x0];
	_ =	sdelay $0x1  }
0x39: {  	s15 =	sand.u32 $0x1C00, s4;
	s14 =	sand.u32 $0x70, s4  }
0x3a: {  	s13 =	sor.u32 s14, s15  }
0x3b: {  	s14 =	sor.u32 $0xC080, s13  }
0x3c: {  	[tilespmem:s14+$0x0] =	vst.add.f32.msk $0xffff, v0;
	s14 =	sand.u32 $0x3F0, s4  }
0x3d: {  	v0 =	vld [tilespmem:s14+$0x480];
	_ =	sdelay $0x3  }
0x3e: {  	s15 =	sor.u32 $0xC100, s13  }
0x3f: {  	[tilespmem:s15+$0x0] =	vst.add.f32.msk $0xffff, v0  }
0x40: {  	v0 =	vld [tilespmem:s14+$0x880];
	_ =	sdelay $0x3  }
0x41: {  	s16 =	sor.u32 $0xC180, s13  }
0x42: {  	[tilespmem:s16+$0x0] =	vst.add.f32.msk $0xffff, v0  }
0x43: {  	v0 =	vld [tilespmem:s14+$0xC80];
	_ =	sdelay $0x3  }
0x44: {  	s17 =	sor.u32 $0xC200, s13  }
0x45: {  	[tilespmem:s17+$0x0] =	vst.add.f32.msk $0xffff, v0  }
0x46: {  	v0 =	vld [tilespmem:s14+$0x1080];
	_ =	sdelay $0x3  }
0x47: {  	s18 =	sor.u32 $0xC280, s13  }
0x48: {  	[tilespmem:s18+$0x0] =	vst.add.f32.msk $0xffff, v0  }
0x49: {  	v0 =	vld [tilespmem:s14+$0x1480];
	_ =	sdelay $0x3  }
0x4a: {  	s19 =	sor.u32 $0xC300, s13  }
0x4b: {  	[tilespmem:s19+$0x0] =	vst.add.f32.msk $0xffff, v0  }
0x4c: {  	v0 =	vld [tilespmem:s14+$0x1880];
	_ =	sdelay $0x3  }
0x4d: {  	s16 =	sor.u32 $0xC380, s13  }
0x4e: {  	[tilespmem:s16+$0x0] =	vst.add.f32.msk $0xffff, v0  }
0x4f: {  	v0 =	vld [tilespmem:s14+$0x1C80];
	_ =	sdelay $0x4  }
0x50: {  	[tilespmem:s13+$0xC400] =	vst.add.f32.msk $0xffff, v0  }
0x51: {  	v0 =	vld [tilespmem:s14+$0x2080];
	_ =	sdelay $0x3  }
0x52: {  	s17 =	sor.u32 $0xE080, s13  }
0x53: {  	[tilespmem:s17+$0x0] =	vst.add.f32.msk $0xffff, v0  }
0x54: {  	v0 =	vld [tilespmem:s14+$0x2480];
	_ =	sdelay $0x3  }
0x55: {  	s18 =	sor.u32 $0xE100, s13  }
0x56: {  	[tilespmem:s18+$0x0] =	vst.add.f32.msk $0xffff, v0  }
0x57: {  	v0 =	vld [tilespmem:s14+$0x2880];
	_ =	sdelay $0x3  }
0x58: {  	s19 =	sor.u32 $0xE180, s13  }
0x59: {  	[tilespmem:s19+$0x0] =	vst.add.f32.msk $0xffff, v0  }
0x5a: {  	v0 =	vld [tilespmem:s14+$0x2C80];
	_ =	sdelay $0x3  }
0x5b: {  	s16 =	sor.u32 $0xE200, s13  }
0x5c: {  	[tilespmem:s16+$0x0] =	vst.add.f32.msk $0xffff, v0  }
0x5d: {  	v0 =	vld [tilespmem:s14+$0x3080];
	_ =	sdelay $0x3  }
0x5e: {  	s17 =	sor.u32 $0xE280, s13  }
0x5f: {  	[tilespmem:s17+$0x0] =	vst.add.f32.msk $0xffff, v0  }
0x60: {  	v0 =	vld [tilespmem:s14+$0x3480];
	_ =	sdelay $0x3  }
0x61: {  	s18 =	sor.u32 $0xE300, s13  }
0x62: {  	[tilespmem:s18+$0x0] =	vst.add.f32.msk $0xffff, v0  }
0x63: {  	v0 =	vld [tilespmem:s14+$0x3880];
	_ =	sdelay $0x3  }
0x64: {  	s19 =	sor.u32 $0xE380, s13  }
0x65: {  	[tilespmem:s19+$0x0] =	vst.add.f32.msk $0xffff, v0  }
0x66: {  	v0 =	vld [tilespmem:s14+$0x3C80];
	_ =	sdelay $0x4  }
0x67: {  	s14 =	simm.s32 $0x90;
	[tilespmem:s13+$0xE400] =	vst.add.f32.msk $0xffff, v0  }
0x68: {  	s15 =	simm.s32 $0x0;
	s16 =	simm.s32 $0x20;
	s13 =	simm.s32 $0x10;
	v0 =	vld [tilespmem:s14+$0x0]  }
.LBB2_2:
0x69: {  	p0 =	sne.s32 s16, $0x3F0;
	s15 =	sadd.s32 $0x80, s15  }
0x6a: {  	s17 =	sand.u32 $0x70, s13;
	s18 =	sand.u32 $0x1C00, s15  }
0x6b: {  	s17 =	sor.u32 s17, s18  }
0x6c: {  	s18 =	sor.u32 $0xC080, s17  }
0x6d: {  	[tilespmem:s18+$0x0] =	vst.add.f32.msk $0xffff, v0;
	s18 =	sand.u32 $0x3F0, s13;
	s13 =	smov.u32 s16  }
0x6e: {  	v0 =	vld [tilespmem:s18+$0x480];
	_ =	sdelay $0x3  }
0x6f: {  	s19 =	sor.u32 $0xC100, s17  }
0x70: {  	[tilespmem:s19+$0x0] =	vst.add.f32.msk $0xffff, v0  }
0x71: {  	v0 =	vld [tilespmem:s18+$0x880];
	_ =	sdelay $0x3  }
0x72: {  	s19 =	sor.u32 $0xC180, s17  }
0x73: {  	[tilespmem:s19+$0x0] =	vst.add.f32.msk $0xffff, v0  }
0x74: {  	v0 =	vld [tilespmem:s18+$0xC80];
	_ =	sdelay $0x3  }
0x75: {  	s19 =	sor.u32 $0xC200, s17  }
0x76: {  	[tilespmem:s19+$0x0] =	vst.add.f32.msk $0xffff, v0  }
0x77: {  	v0 =	vld [tilespmem:s18+$0x1080];
	_ =	sdelay $0x3  }
0x78: {  	s19 =	sor.u32 $0xC280, s17  }
0x79: {  	[tilespmem:s19+$0x0] =	vst.add.f32.msk $0xffff, v0  }
0x7a: {  	v0 =	vld [tilespmem:s18+$0x1480];
	_ =	sdelay $0x3  }
0x7b: {  	s19 =	sor.u32 $0xC300, s17  }
0x7c: {  	[tilespmem:s19+$0x0] =	vst.add.f32.msk $0xffff, v0  }
0x7d: {  	v0 =	vld [tilespmem:s18+$0x1880];
	_ =	sdelay $0x3  }
0x7e: {  	s19 =	sor.u32 $0xC380, s17  }
0x7f: {  	[tilespmem:s19+$0x0] =	vst.add.f32.msk $0xffff, v0  }
0x80: {  	v0 =	vld [tilespmem:s18+$0x1C80];
	_ =	sdelay $0x4  }
0x81: {  	[tilespmem:s17+$0xC400] =	vst.add.f32.msk $0xffff, v0  }
0x82: {  	v0 =	vld [tilespmem:s18+$0x2080];
	_ =	sdelay $0x3  }
0x83: {  	s19 =	sor.u32 $0xE080, s17  }
0x84: {  	[tilespmem:s19+$0x0] =	vst.add.f32.msk $0xffff, v0  }
0x85: {  	v0 =	vld [tilespmem:s18+$0x2480];
	_ =	sdelay $0x3  }
0x86: {  	s19 =	sor.u32 $0xE100, s17  }
0x87: {  	[tilespmem:s19+$0x0] =	vst.add.f32.msk $0xffff, v0  }
0x88: {  	v0 =	vld [tilespmem:s18+$0x2880];
	_ =	sdelay $0x3  }
0x89: {  	s19 =	sor.u32 $0xE180, s17  }
0x8a: {  	[tilespmem:s19+$0x0] =	vst.add.f32.msk $0xffff, v0  }
0x8b: {  	v0 =	vld [tilespmem:s18+$0x2C80];
	_ =	sdelay $0x3  }
0x8c: {  	s19 =	sor.u32 $0xE200, s17  }
0x8d: {  	[tilespmem:s19+$0x0] =	vst.add.f32.msk $0xffff, v0  }
0x8e: {  	v0 =	vld [tilespmem:s18+$0x3080];
	_ =	sdelay $0x3  }
0x8f: {  	s19 =	sor.u32 $0xE280, s17  }
0x90: {  	[tilespmem:s19+$0x0] =	vst.add.f32.msk $0xffff, v0  }
0x91: {  	v0 =	vld [tilespmem:s18+$0x3480];
	_ =	sdelay $0x3  }
0x92: {  	s19 =	sor.u32 $0xE300, s17  }
0x93: {  	[tilespmem:s19+$0x0] =	vst.add.f32.msk $0xffff, v0  }
0x94: {  	v0 =	vld [tilespmem:s18+$0x3880];
	_ =	sdelay $0x3  }
0x95: {  	s19 =	sor.u32 $0xE380, s17  }
0x96: {  	[tilespmem:s19+$0x0] =	vst.add.f32.msk $0xffff, v0  }
0x97: {  	v0 =	vld [tilespmem:s18+$0x3C80];
	_ =	sdelay $0x1  }
.Ltmp0:
0x98: {  	(pc) =	sbr.rel @p0 .LBB2_2-.Ltmp0, $3  }
0x99: {  	_ =	sdelay $0x1  }
0x9a: {  	s14 =	sadd.s32 $0x10, s14;
	[tilespmem:s17+$0xE400] =	vst.add.f32.msk $0xffff, v0  }
0x9b: {  	s16 =	sadd.s32 $0x10, s16;
	v0 =	vld [tilespmem:s14+$0x0]  }
0x9c: {  	s14 =	sadd.s32 $0x80, s15  }
0x9d: {  	s19 =	sand.u32 $0x70, s13;
	s14 =	sand.u32 $0x1C00, s14  }
0x9e: {  	s14 =	sor.u32 s19, s14  }
0x9f: {  	s15 =	sor.u32 $0xC080, s14  }
0xa0: {  	s13 =	sand.u32 $0x3F0, s13;
	[tilespmem:s15+$0x0] =	vst.add.f32.msk $0xffff, v0  }
0xa1: {  	v0 =	vld [tilespmem:s13+$0x480];
	_ =	sdelay $0x3  }
0xa2: {  	s16 =	sor.u32 $0xC100, s14  }
0xa3: {  	[tilespmem:s16+$0x0] =	vst.add.f32.msk $0xffff, v0  }
0xa4: {  	v0 =	vld [tilespmem:s13+$0x880];
	_ =	sdelay $0x3  }
0xa5: {  	s17 =	sor.u32 $0xC180, s14  }
0xa6: {  	[tilespmem:s17+$0x0] =	vst.add.f32.msk $0xffff, v0  }
0xa7: {  	v0 =	vld [tilespmem:s13+$0xC80];
	_ =	sdelay $0x3  }
0xa8: {  	s18 =	sor.u32 $0xC200, s14  }
0xa9: {  	[tilespmem:s18+$0x0] =	vst.add.f32.msk $0xffff, v0  }
0xaa: {  	v0 =	vld [tilespmem:s13+$0x1080];
	_ =	sdelay $0x3  }
0xab: {  	s19 =	sor.u32 $0xC280, s14  }
0xac: {  	[tilespmem:s19+$0x0] =	vst.add.f32.msk $0xffff, v0  }
0xad: {  	v0 =	vld [tilespmem:s13+$0x1480];
	_ =	sdelay $0x3  }
0xae: {  	s16 =	sor.u32 $0xC300, s14  }
0xaf: {  	[tilespmem:s16+$0x0] =	vst.add.f32.msk $0xffff, v0  }
0xb0: {  	v0 =	vld [tilespmem:s13+$0x1880];
	_ =	sdelay $0x3  }
0xb1: {  	s17 =	sor.u32 $0xC380, s14  }
0xb2: {  	[tilespmem:s17+$0x0] =	vst.add.f32.msk $0xffff, v0  }
0xb3: {  	v0 =	vld [tilespmem:s13+$0x1C80];
	_ =	sdelay $0x4  }
0xb4: {  	[tilespmem:s14+$0xC400] =	vst.add.f32.msk $0xffff, v0  }
0xb5: {  	v0 =	vld [tilespmem:s13+$0x2080];
	_ =	sdelay $0x3  }
0xb6: {  	s18 =	sor.u32 $0xE080, s14  }
0xb7: {  	[tilespmem:s18+$0x0] =	vst.add.f32.msk $0xffff, v0  }
0xb8: {  	v0 =	vld [tilespmem:s13+$0x2480];
	_ =	sdelay $0x3  }
0xb9: {  	s19 =	sor.u32 $0xE100, s14  }
0xba: {  	[tilespmem:s19+$0x0] =	vst.add.f32.msk $0xffff, v0  }
0xbb: {  	v0 =	vld [tilespmem:s13+$0x2880];
	_ =	sdelay $0x3  }
0xbc: {  	s16 =	sor.u32 $0xE180, s14  }
0xbd: {  	[tilespmem:s16+$0x0] =	vst.add.f32.msk $0xffff, v0  }
0xbe: {  	v0 =	vld [tilespmem:s13+$0x2C80];
	_ =	sdelay $0x3  }
0xbf: {  	s17 =	sor.u32 $0xE200, s14  }
0xc0: {  	[tilespmem:s17+$0x0] =	vst.add.f32.msk $0xffff, v0  }
0xc1: {  	v0 =	vld [tilespmem:s13+$0x3080];
	_ =	sdelay $0x3  }
0xc2: {  	s18 =	sor.u32 $0xE280, s14  }
0xc3: {  	[tilespmem:s18+$0x0] =	vst.add.f32.msk $0xffff, v0  }
0xc4: {  	v0 =	vld [tilespmem:s13+$0x3480];
	_ =	sdelay $0x3  }
0xc5: {  	s19 =	sor.u32 $0xE300, s14  }
0xc6: {  	[tilespmem:s19+$0x0] =	vst.add.f32.msk $0xffff, v0  }
0xc7: {  	v0 =	vld [tilespmem:s13+$0x3880];
	_ =	sdelay $0x3  }
0xc8: {  	s16 =	sor.u32 $0xE380, s14  }
0xc9: {  	[tilespmem:s16+$0x0] =	vst.add.f32.msk $0xffff, v0  }
0xca: {  	v0 =	vld [tilespmem:s13+$0x3C80];
	_ =	sdelay $0x4  }
0xcb: {  	s13 =	simm.s32 $0x0;
	[tilespmem:s14+$0xE400] =	vst.add.f32.msk $0xffff, v0  }
0xcc: {  	[hbm4b:s10+s13] =	stream.linear.scatter [tilespmem:s31], [sflag:$0x2], $0x4000, $0x38;
	[tilespmem:$0x18080] =	vst v63  }
0xcd: {  	_ =	swait.ge [sflag:s6], $0x4000  }
0xce: {  	[sflag:s6] =	ssyncset.done $0x0;
	s17 =	rddreg [dreg:$0xa]  }
0xcf: {  	[sflag:s6] =	ssyncadd.s32 $0xFFFFC000;
	s14 =	sadd.s32 s12, s17  }
0xd0: {  	[tilespmem:s7], [sflag:$0x1] =	stream.strided.gather [hbm4b:s14+s7], $0x4000, s30, s7, $0x38;
	[tilespmem:$0x18080] =	vst v63  }
0xd1: {  	s18 =	rddreg [dreg:$0xb]  }
0xd2: {  	[tilespmem:s31], [sflag:$0x1] =	stream.linear.gather [hbm4b:s18+s13], $0x4000, $0x38;
	[tilespmem:$0x18080] =	vst v63  }
0xd3: {  	_ =	swait.ge [sflag:s5], $0x4000  }
0xd4: {  	[sflag:s5] =	ssyncset.done $0x0  }
0xd5: {  	[sflag:s5] =	ssyncadd.s32 $0xFFFFC000  }
0xd6: {  	_ =	swait.ge [sflag:s5], $0x4000  }
0xd7: {  	[sflag:s5] =	ssyncset.done $0x0  }
0xd8: {  	s19 =	simm.s32 $0x4080;
	[sflag:s5] =	ssyncadd.s32 $0xFFFFC000  }
0xd9: {  	v0 =	vld [tilespmem:s19+$0x0];
	_ =	sdelay $0x1  }
0xda: {  	s15 =	sand.u32 $0x70, s13;
	s16 =	sand.u32 $0x1C00, s13  }
0xdb: {  	s14 =	sor.u32 s15, s16  }
0xdc: {  	s15 =	sor.u32 $0x10080, s14  }
0xdd: {  	[tilespmem:s15+$0x0] =	vst.add.f32.msk $0xffff, v0;
	s15 =	sand.u32 $0x3F0, s13  }
0xde: {  	v0 =	vld [tilespmem:s15+$0x4480];
	_ =	sdelay $0x3  }
0xdf: {  	s16 =	sor.u32 $0x10100, s14  }
0xe0: {  	[tilespmem:s16+$0x0] =	vst.add.f32.msk $0xffff, v0  }
0xe1: {  	v0 =	vld [tilespmem:s15+$0x4880];
	_ =	sdelay $0x3  }
0xe2: {  	s17 =	sor.u32 $0x10180, s14  }
0xe3: {  	[tilespmem:s17+$0x0] =	vst.add.f32.msk $0xffff, v0  }
0xe4: {  	v0 =	vld [tilespmem:s15+$0x4C80];
	_ =	sdelay $0x3  }
0xe5: {  	s18 =	sor.u32 $0x10200, s14  }
0xe6: {  	[tilespmem:s18+$0x0] =	vst.add.f32.msk $0xffff, v0  }
0xe7: {  	v0 =	vld [tilespmem:s15+$0x5080];
	_ =	sdelay $0x3  }
0xe8: {  	s19 =	sor.u32 $0x10280, s14  }
0xe9: {  	[tilespmem:s19+$0x0] =	vst.add.f32.msk $0xffff, v0  }
0xea: {  	v0 =	vld [tilespmem:s15+$0x5480];
	_ =	sdelay $0x3  }
0xeb: {  	s17 =	sor.u32 $0x10300, s14  }
0xec: {  	[tilespmem:s17+$0x0] =	vst.add.f32.msk $0xffff, v0  }
0xed: {  	v0 =	vld [tilespmem:s15+$0x5880];
	_ =	sdelay $0x3  }
0xee: {  	s18 =	sor.u32 $0x10380, s14  }
0xef: {  	[tilespmem:s18+$0x0] =	vst.add.f32.msk $0xffff, v0  }
0xf0: {  	v0 =	vld [tilespmem:s15+$0x5C80];
	_ =	sdelay $0x4  }
0xf1: {  	[tilespmem:s14+$0x10400] =	vst.add.f32.msk $0xffff, v0  }
0xf2: {  	v0 =	vld [tilespmem:s15+$0x6080];
	_ =	sdelay $0x3  }
0xf3: {  	s19 =	sor.u32 $0x12080, s14  }
0xf4: {  	[tilespmem:s19+$0x0] =	vst.add.f32.msk $0xffff, v0  }
0xf5: {  	v0 =	vld [tilespmem:s15+$0x6480];
	_ =	sdelay $0x3  }
0xf6: {  	s17 =	sor.u32 $0x12100, s14  }
0xf7: {  	[tilespmem:s17+$0x0] =	vst.add.f32.msk $0xffff, v0  }
0xf8: {  	v0 =	vld [tilespmem:s15+$0x6880];
	_ =	sdelay $0x3  }
0xf9: {  	s18 =	sor.u32 $0x12180, s14  }
0xfa: {  	[tilespmem:s18+$0x0] =	vst.add.f32.msk $0xffff, v0  }
0xfb: {  	v0 =	vld [tilespmem:s15+$0x6C80];
	_ =	sdelay $0x3  }
0xfc: {  	s19 =	sor.u32 $0x12200, s14  }
0xfd: {  	[tilespmem:s19+$0x0] =	vst.add.f32.msk $0xffff, v0  }
0xfe: {  	v0 =	vld [tilespmem:s15+$0x7080];
	_ =	sdelay $0x3  }
0xff: {  	s17 =	sor.u32 $0x12280, s14  }
0x100: {  	[tilespmem:s17+$0x0] =	vst.add.f32.msk $0xffff, v0  }
0x101: {  	v0 =	vld [tilespmem:s15+$0x7480];
	_ =	sdelay $0x3  }
0x102: {  	s18 =	sor.u32 $0x12300, s14  }
0x103: {  	[tilespmem:s18+$0x0] =	vst.add.f32.msk $0xffff, v0  }
0x104: {  	v0 =	vld [tilespmem:s15+$0x7880];
	_ =	sdelay $0x3  }
0x105: {  	s19 =	sor.u32 $0x12380, s14  }
0x106: {  	[tilespmem:s19+$0x0] =	vst.add.f32.msk $0xffff, v0  }
0x107: {  	v0 =	vld [tilespmem:s15+$0x7C80];
	_ =	sdelay $0x4  }
0x108: {  	s15 =	simm.s32 $0x4090;
	[tilespmem:s14+$0x12400] =	vst.add.f32.msk $0xffff, v0  }
0x109: {  	s16 =	simm.s32 $0x20;
	s14 =	simm.s32 $0x10;
	v0 =	vld [tilespmem:s15+$0x0]  }
.LBB2_4:
0x10a: {  	p0 =	sne.s32 s16, $0x3F0;
	s13 =	sadd.s32 $0x80, s13  }
0x10b: {  	s17 =	sand.u32 $0x70, s14;
	s18 =	sand.u32 $0x1C00, s13  }
0x10c: {  	s17 =	sor.u32 s17, s18  }
0x10d: {  	s18 =	sor.u32 $0x10080, s17  }
0x10e: {  	[tilespmem:s18+$0x0] =	vst.add.f32.msk $0xffff, v0;
	s18 =	sand.u32 $0x3F0, s14;
	s14 =	smov.u32 s16  }
0x10f: {  	v0 =	vld [tilespmem:s18+$0x4480];
	_ =	sdelay $0x3  }
0x110: {  	s19 =	sor.u32 $0x10100, s17  }
0x111: {  	[tilespmem:s19+$0x0] =	vst.add.f32.msk $0xffff, v0  }
0x112: {  	v0 =	vld [tilespmem:s18+$0x4880];
	_ =	sdelay $0x3  }
0x113: {  	s19 =	sor.u32 $0x10180, s17  }
0x114: {  	[tilespmem:s19+$0x0] =	vst.add.f32.msk $0xffff, v0  }
0x115: {  	v0 =	vld [tilespmem:s18+$0x4C80];
	_ =	sdelay $0x3  }
0x116: {  	s19 =	sor.u32 $0x10200, s17  }
0x117: {  	[tilespmem:s19+$0x0] =	vst.add.f32.msk $0xffff, v0  }
0x118: {  	v0 =	vld [tilespmem:s18+$0x5080];
	_ =	sdelay $0x3  }
0x119: {  	s19 =	sor.u32 $0x10280, s17  }
0x11a: {  	[tilespmem:s19+$0x0] =	vst.add.f32.msk $0xffff, v0  }
0x11b: {  	v0 =	vld [tilespmem:s18+$0x5480];
	_ =	sdelay $0x3  }
0x11c: {  	s19 =	sor.u32 $0x10300, s17  }
0x11d: {  	[tilespmem:s19+$0x0] =	vst.add.f32.msk $0xffff, v0  }
0x11e: {  	v0 =	vld [tilespmem:s18+$0x5880];
	_ =	sdelay $0x3  }
0x11f: {  	s19 =	sor.u32 $0x10380, s17  }
0x120: {  	[tilespmem:s19+$0x0] =	vst.add.f32.msk $0xffff, v0  }
0x121: {  	v0 =	vld [tilespmem:s18+$0x5C80];
	_ =	sdelay $0x4  }
0x122: {  	[tilespmem:s17+$0x10400] =	vst.add.f32.msk $0xffff, v0  }
0x123: {  	v0 =	vld [tilespmem:s18+$0x6080];
	_ =	sdelay $0x3  }
0x124: {  	s19 =	sor.u32 $0x12080, s17  }
0x125: {  	[tilespmem:s19+$0x0] =	vst.add.f32.msk $0xffff, v0  }
0x126: {  	v0 =	vld [tilespmem:s18+$0x6480];
	_ =	sdelay $0x3  }
0x127: {  	s19 =	sor.u32 $0x12100, s17  }
0x128: {  	[tilespmem:s19+$0x0] =	vst.add.f32.msk $0xffff, v0  }
0x129: {  	v0 =	vld [tilespmem:s18+$0x6880];
	_ =	sdelay $0x3  }
0x12a: {  	s19 =	sor.u32 $0x12180, s17  }
0x12b: {  	[tilespmem:s19+$0x0] =	vst.add.f32.msk $0xffff, v0  }
0x12c: {  	v0 =	vld [tilespmem:s18+$0x6C80];
	_ =	sdelay $0x3  }
0x12d: {  	s19 =	sor.u32 $0x12200, s17  }
0x12e: {  	[tilespmem:s19+$0x0] =	vst.add.f32.msk $0xffff, v0  }
0x12f: {  	v0 =	vld [tilespmem:s18+$0x7080];
	_ =	sdelay $0x3  }
0x130: {  	s19 =	sor.u32 $0x12280, s17  }
0x131: {  	[tilespmem:s19+$0x0] =	vst.add.f32.msk $0xffff, v0  }
0x132: {  	v0 =	vld [tilespmem:s18+$0x7480];
	_ =	sdelay $0x3  }
0x133: {  	s19 =	sor.u32 $0x12300, s17  }
0x134: {  	[tilespmem:s19+$0x0] =	vst.add.f32.msk $0xffff, v0  }
0x135: {  	v0 =	vld [tilespmem:s18+$0x7880];
	_ =	sdelay $0x3  }
0x136: {  	s19 =	sor.u32 $0x12380, s17  }
0x137: {  	[tilespmem:s19+$0x0] =	vst.add.f32.msk $0xffff, v0  }
0x138: {  	v0 =	vld [tilespmem:s18+$0x7C80];
	_ =	sdelay $0x1  }
.Ltmp1:
0x139: {  	(pc) =	sbr.rel @p0 .LBB2_4-.Ltmp1, $3  }
0x13a: {  	_ =	sdelay $0x1  }
0x13b: {  	s15 =	sadd.s32 $0x10, s15;
	[tilespmem:s17+$0x12400] =	vst.add.f32.msk $0xffff, v0  }
0x13c: {  	s16 =	sadd.s32 $0x10, s16;
	v0 =	vld [tilespmem:s15+$0x0]  }
0x13d: {  	s13 =	sadd.s32 $0x80, s13  }
0x13e: {  	s15 =	sand.u32 $0x70, s14;
	s13 =	sand.u32 $0x1C00, s13  }
0x13f: {  	s13 =	sor.u32 s15, s13  }
0x140: {  	s15 =	sor.u32 $0x10080, s13  }
0x141: {  	s14 =	sand.u32 $0x3F0, s14;
	[tilespmem:s15+$0x0] =	vst.add.f32.msk $0xffff, v0  }
0x142: {  	v0 =	vld [tilespmem:s14+$0x4480];
	_ =	sdelay $0x3  }
0x143: {  	s19 =	sor.u32 $0x10100, s13  }
0x144: {  	[tilespmem:s19+$0x0] =	vst.add.f32.msk $0xffff, v0  }
0x145: {  	v0 =	vld [tilespmem:s14+$0x4880];
	_ =	sdelay $0x3  }
0x146: {  	s16 =	sor.u32 $0x10180, s13  }
0x147: {  	[tilespmem:s16+$0x0] =	vst.add.f32.msk $0xffff, v0  }
0x148: {  	v0 =	vld [tilespmem:s14+$0x4C80];
	_ =	sdelay $0x3  }
0x149: {  	s17 =	sor.u32 $0x10200, s13  }
0x14a: {  	[tilespmem:s17+$0x0] =	vst.add.f32.msk $0xffff, v0  }
0x14b: {  	v0 =	vld [tilespmem:s14+$0x5080];
	_ =	sdelay $0x3  }
0x14c: {  	s18 =	sor.u32 $0x10280, s13  }
0x14d: {  	[tilespmem:s18+$0x0] =	vst.add.f32.msk $0xffff, v0  }
0x14e: {  	v0 =	vld [tilespmem:s14+$0x5480];
	_ =	sdelay $0x3  }
0x14f: {  	s19 =	sor.u32 $0x10300, s13  }
0x150: {  	[tilespmem:s19+$0x0] =	vst.add.f32.msk $0xffff, v0  }
0x151: {  	v0 =	vld [tilespmem:s14+$0x5880];
	_ =	sdelay $0x3  }
0x152: {  	s16 =	sor.u32 $0x10380, s13  }
0x153: {  	[tilespmem:s16+$0x0] =	vst.add.f32.msk $0xffff, v0  }
0x154: {  	v0 =	vld [tilespmem:s14+$0x5C80];
	_ =	sdelay $0x4  }
0x155: {  	[tilespmem:s13+$0x10400] =	vst.add.f32.msk $0xffff, v0  }
0x156: {  	v0 =	vld [tilespmem:s14+$0x6080];
	_ =	sdelay $0x3  }
0x157: {  	s17 =	sor.u32 $0x12080, s13  }
0x158: {  	[tilespmem:s17+$0x0] =	vst.add.f32.msk $0xffff, v0  }
0x159: {  	v0 =	vld [tilespmem:s14+$0x6480];
	_ =	sdelay $0x3  }
0x15a: {  	s18 =	sor.u32 $0x12100, s13  }
0x15b: {  	[tilespmem:s18+$0x0] =	vst.add.f32.msk $0xffff, v0  }
0x15c: {  	v0 =	vld [tilespmem:s14+$0x6880];
	_ =	sdelay $0x3  }
0x15d: {  	s19 =	sor.u32 $0x12180, s13  }
0x15e: {  	[tilespmem:s19+$0x0] =	vst.add.f32.msk $0xffff, v0  }
0x15f: {  	v0 =	vld [tilespmem:s14+$0x6C80];
	_ =	sdelay $0x3  }
0x160: {  	s16 =	sor.u32 $0x12200, s13  }
0x161: {  	[tilespmem:s16+$0x0] =	vst.add.f32.msk $0xffff, v0  }
0x162: {  	v0 =	vld [tilespmem:s14+$0x7080];
	_ =	sdelay $0x3  }
0x163: {  	s17 =	sor.u32 $0x12280, s13  }
0x164: {  	[tilespmem:s17+$0x0] =	vst.add.f32.msk $0xffff, v0  }
0x165: {  	v0 =	vld [tilespmem:s14+$0x7480];
	_ =	sdelay $0x3  }
0x166: {  	s18 =	sor.u32 $0x12300, s13  }
0x167: {  	[tilespmem:s18+$0x0] =	vst.add.f32.msk $0xffff, v0  }
0x168: {  	v0 =	vld [tilespmem:s14+$0x7880];
	_ =	sdelay $0x3  }
0x169: {  	s19 =	sor.u32 $0x12380, s13  }
0x16a: {  	[tilespmem:s19+$0x0] =	vst.add.f32.msk $0xffff, v0  }
0x16b: {  	v0 =	vld [tilespmem:s14+$0x7C80];
	_ =	sdelay $0x4  }
0x16c: {  	s16 =	rddreg [dreg:$0xc];
	[tilespmem:s13+$0x12400] =	vst.add.f32.msk $0xffff, v0;
	s13 =	simm.s32 $0x0  }
0x16d: {  	[hbm4b:s16+s13] =	stream.linear.scatter [tilespmem:s3], [sflag:$0x2], $0x4000, $0x38;
	[tilespmem:$0x18080] =	vst v63  }
0x16e: {  	_ =	swait.ge [sflag:s6], $0x4000  }
0x16f: {  	[sflag:s6] =	ssyncset.done $0x0;
	s17 =	rddreg [dreg:$0xd]  }
0x170: {  	[sflag:s6] =	ssyncadd.s32 $0xFFFFC000;
	s14 =	sadd.s32 s12, s17  }
0x171: {  	[tilespmem:s0], [sflag:$0x1] =	stream.strided.gather [hbm4b:s14+s7], $0x4000, s30, s7, $0x38;
	[tilespmem:$0x18080] =	vst v63  }
0x172: {  	s18 =	rddreg [dreg:$0xe]  }
0x173: {  	[tilespmem:s3], [sflag:$0x1] =	stream.linear.gather [hbm4b:s18+s13], $0x4000, $0x38;
	[tilespmem:$0x18080] =	vst v63  }
0x174: {  	_ =	swait.ge [sflag:s5], $0x4000  }
0x175: {  	[sflag:s5] =	ssyncset.done $0x0  }
0x176: {  	[sflag:s5] =	ssyncadd.s32 $0xFFFFC000  }
0x177: {  	_ =	swait.ge [sflag:s5], $0x4000  }
0x178: {  	[sflag:s5] =	ssyncset.done $0x0  }
0x179: {  	s19 =	simm.s32 $0x8080;
	[sflag:s5] =	ssyncadd.s32 $0xFFFFC000  }
0x17a: {  	v0 =	vld [tilespmem:s19+$0x0];
	_ =	sdelay $0x1  }
0x17b: {  	s15 =	sand.u32 $0x70, s13;
	s16 =	sand.u32 $0x1C00, s13  }
0x17c: {  	s14 =	sor.u32 s15, s16  }
0x17d: {  	s15 =	sor.u32 $0x14080, s14  }
0x17e: {  	[tilespmem:s15+$0x0] =	vst.add.f32.msk $0xffff, v0;
	s15 =	sand.u32 $0x3F0, s13  }
0x17f: {  	v0 =	vld [tilespmem:s15+$0x8480];
	_ =	sdelay $0x3  }
0x180: {  	s16 =	sor.u32 $0x14100, s14  }
0x181: {  	[tilespmem:s16+$0x0] =	vst.add.f32.msk $0xffff, v0  }
0x182: {  	v0 =	vld [tilespmem:s15+$0x8880];
	_ =	sdelay $0x3  }
0x183: {  	s17 =	sor.u32 $0x14180, s14  }
0x184: {  	[tilespmem:s17+$0x0] =	vst.add.f32.msk $0xffff, v0  }
0x185: {  	v0 =	vld [tilespmem:s15+$0x8C80];
	_ =	sdelay $0x3  }
0x186: {  	s18 =	sor.u32 $0x14200, s14  }
0x187: {  	[tilespmem:s18+$0x0] =	vst.add.f32.msk $0xffff, v0  }
0x188: {  	v0 =	vld [tilespmem:s15+$0x9080];
	_ =	sdelay $0x3  }
0x189: {  	s19 =	sor.u32 $0x14280, s14  }
0x18a: {  	[tilespmem:s19+$0x0] =	vst.add.f32.msk $0xffff, v0  }
0x18b: {  	v0 =	vld [tilespmem:s15+$0x9480];
	_ =	sdelay $0x3  }
0x18c: {  	s17 =	sor.u32 $0x14300, s14  }
0x18d: {  	[tilespmem:s17+$0x0] =	vst.add.f32.msk $0xffff, v0  }
0x18e: {  	v0 =	vld [tilespmem:s15+$0x9880];
	_ =	sdelay $0x3  }
0x18f: {  	s18 =	sor.u32 $0x14380, s14  }
0x190: {  	[tilespmem:s18+$0x0] =	vst.add.f32.msk $0xffff, v0  }
0x191: {  	v0 =	vld [tilespmem:s15+$0x9C80];
	_ =	sdelay $0x4  }
0x192: {  	[tilespmem:s14+$0x14400] =	vst.add.f32.msk $0xffff, v0  }
0x193: {  	v0 =	vld [tilespmem:s15+$0xA080];
	_ =	sdelay $0x3  }
0x194: {  	s19 =	sor.u32 $0x16080, s14  }
0x195: {  	[tilespmem:s19+$0x0] =	vst.add.f32.msk $0xffff, v0  }
0x196: {  	v0 =	vld [tilespmem:s15+$0xA480];
	_ =	sdelay $0x3  }
0x197: {  	s17 =	sor.u32 $0x16100, s14  }
0x198: {  	[tilespmem:s17+$0x0] =	vst.add.f32.msk $0xffff, v0  }
0x199: {  	v0 =	vld [tilespmem:s15+$0xA880];
	_ =	sdelay $0x3  }
0x19a: {  	s18 =	sor.u32 $0x16180, s14  }
0x19b: {  	[tilespmem:s18+$0x0] =	vst.add.f32.msk $0xffff, v0  }
0x19c: {  	v0 =	vld [tilespmem:s15+$0xAC80];
	_ =	sdelay $0x3  }
0x19d: {  	s19 =	sor.u32 $0x16200, s14  }
0x19e: {  	[tilespmem:s19+$0x0] =	vst.add.f32.msk $0xffff, v0  }
0x19f: {  	v0 =	vld [tilespmem:s15+$0xB080];
	_ =	sdelay $0x3  }
0x1a0: {  	s17 =	sor.u32 $0x16280, s14  }
0x1a1: {  	[tilespmem:s17+$0x0] =	vst.add.f32.msk $0xffff, v0  }
0x1a2: {  	v0 =	vld [tilespmem:s15+$0xB480];
	_ =	sdelay $0x3  }
0x1a3: {  	s18 =	sor.u32 $0x16300, s14  }
0x1a4: {  	[tilespmem:s18+$0x0] =	vst.add.f32.msk $0xffff, v0  }
0x1a5: {  	v0 =	vld [tilespmem:s15+$0xB880];
	_ =	sdelay $0x3  }
0x1a6: {  	s19 =	sor.u32 $0x16380, s14  }
0x1a7: {  	[tilespmem:s19+$0x0] =	vst.add.f32.msk $0xffff, v0  }
0x1a8: {  	v0 =	vld [tilespmem:s15+$0xBC80];
	_ =	sdelay $0x4  }
0x1a9: {  	s15 =	simm.s32 $0x8090;
	[tilespmem:s14+$0x16400] =	vst.add.f32.msk $0xffff, v0  }
0x1aa: {  	s16 =	simm.s32 $0x20;
	s14 =	simm.s32 $0x10;
	v0 =	vld [tilespmem:s15+$0x0]  }
.LBB2_6:
0x1ab: {  	p0 =	sne.s32 s16, $0x3F0;
	s13 =	sadd.s32 $0x80, s13  }
0x1ac: {  	s17 =	sand.u32 $0x70, s14;
	s18 =	sand.u32 $0x1C00, s13  }
0x1ad: {  	s17 =	sor.u32 s17, s18  }
0x1ae: {  	s18 =	sor.u32 $0x14080, s17  }
0x1af: {  	[tilespmem:s18+$0x0] =	vst.add.f32.msk $0xffff, v0;
	s18 =	sand.u32 $0x3F0, s14;
	s14 =	smov.u32 s16  }
0x1b0: {  	v0 =	vld [tilespmem:s18+$0x8480];
	_ =	sdelay $0x3  }
0x1b1: {  	s19 =	sor.u32 $0x14100, s17  }
0x1b2: {  	[tilespmem:s19+$0x0] =	vst.add.f32.msk $0xffff, v0  }
0x1b3: {  	v0 =	vld [tilespmem:s18+$0x8880];
	_ =	sdelay $0x3  }
0x1b4: {  	s19 =	sor.u32 $0x14180, s17  }
0x1b5: {  	[tilespmem:s19+$0x0] =	vst.add.f32.msk $0xffff, v0  }
0x1b6: {  	v0 =	vld [tilespmem:s18+$0x8C80];
	_ =	sdelay $0x3  }
0x1b7: {  	s19 =	sor.u32 $0x14200, s17  }
0x1b8: {  	[tilespmem:s19+$0x0] =	vst.add.f32.msk $0xffff, v0  }
0x1b9: {  	v0 =	vld [tilespmem:s18+$0x9080];
	_ =	sdelay $0x3  }
0x1ba: {  	s19 =	sor.u32 $0x14280, s17  }
0x1bb: {  	[tilespmem:s19+$0x0] =	vst.add.f32.msk $0xffff, v0  }
0x1bc: {  	v0 =	vld [tilespmem:s18+$0x9480];
	_ =	sdelay $0x3  }
0x1bd: {  	s19 =	sor.u32 $0x14300, s17  }
0x1be: {  	[tilespmem:s19+$0x0] =	vst.add.f32.msk $0xffff, v0  }
0x1bf: {  	v0 =	vld [tilespmem:s18+$0x9880];
	_ =	sdelay $0x3  }
0x1c0: {  	s19 =	sor.u32 $0x14380, s17  }
0x1c1: {  	[tilespmem:s19+$0x0] =	vst.add.f32.msk $0xffff, v0  }
0x1c2: {  	v0 =	vld [tilespmem:s18+$0x9C80];
	_ =	sdelay $0x4  }
0x1c3: {  	[tilespmem:s17+$0x14400] =	vst.add.f32.msk $0xffff, v0  }
0x1c4: {  	v0 =	vld [tilespmem:s18+$0xA080];
	_ =	sdelay $0x3  }
0x1c5: {  	s19 =	sor.u32 $0x16080, s17  }
0x1c6: {  	[tilespmem:s19+$0x0] =	vst.add.f32.msk $0xffff, v0  }
0x1c7: {  	v0 =	vld [tilespmem:s18+$0xA480];
	_ =	sdelay $0x3  }
0x1c8: {  	s19 =	sor.u32 $0x16100, s17  }
0x1c9: {  	[tilespmem:s19+$0x0] =	vst.add.f32.msk $0xffff, v0  }
0x1ca: {  	v0 =	vld [tilespmem:s18+$0xA880];
	_ =	sdelay $0x3  }
0x1cb: {  	s19 =	sor.u32 $0x16180, s17  }
0x1cc: {  	[tilespmem:s19+$0x0] =	vst.add.f32.msk $0xffff, v0  }
0x1cd: {  	v0 =	vld [tilespmem:s18+$0xAC80];
	_ =	sdelay $0x3  }
0x1ce: {  	s19 =	sor.u32 $0x16200, s17  }
0x1cf: {  	[tilespmem:s19+$0x0] =	vst.add.f32.msk $0xffff, v0  }
0x1d0: {  	v0 =	vld [tilespmem:s18+$0xB080];
	_ =	sdelay $0x3  }
0x1d1: {  	s19 =	sor.u32 $0x16280, s17  }
0x1d2: {  	[tilespmem:s19+$0x0] =	vst.add.f32.msk $0xffff, v0  }
0x1d3: {  	v0 =	vld [tilespmem:s18+$0xB480];
	_ =	sdelay $0x3  }
0x1d4: {  	s19 =	sor.u32 $0x16300, s17  }
0x1d5: {  	[tilespmem:s19+$0x0] =	vst.add.f32.msk $0xffff, v0  }
0x1d6: {  	v0 =	vld [tilespmem:s18+$0xB880];
	_ =	sdelay $0x3  }
0x1d7: {  	s19 =	sor.u32 $0x16380, s17  }
0x1d8: {  	[tilespmem:s19+$0x0] =	vst.add.f32.msk $0xffff, v0  }
0x1d9: {  	v0 =	vld [tilespmem:s18+$0xBC80];
	_ =	sdelay $0x1  }
.Ltmp2:
0x1da: {  	(pc) =	sbr.rel @p0 .LBB2_6-.Ltmp2, $3  }
0x1db: {  	_ =	sdelay $0x1  }
0x1dc: {  	s15 =	sadd.s32 $0x10, s15;
	[tilespmem:s17+$0x16400] =	vst.add.f32.msk $0xffff, v0  }
0x1dd: {  	s16 =	sadd.s32 $0x10, s16;
	v0 =	vld [tilespmem:s15+$0x0]  }
0x1de: {  	s13 =	sadd.s32 $0x80, s13  }
0x1df: {  	s15 =	sand.u32 $0x70, s14;
	s13 =	sand.u32 $0x1C00, s13  }
0x1e0: {  	s13 =	sor.u32 s15, s13  }
0x1e1: {  	s15 =	sor.u32 $0x14080, s13  }
0x1e2: {  	s14 =	sand.u32 $0x3F0, s14;
	[tilespmem:s15+$0x0] =	vst.add.f32.msk $0xffff, v0  }
0x1e3: {  	v0 =	vld [tilespmem:s14+$0x8480];
	_ =	sdelay $0x3  }
0x1e4: {  	s16 =	sor.u32 $0x14100, s13  }
0x1e5: {  	[tilespmem:s16+$0x0] =	vst.add.f32.msk $0xffff, v0  }
0x1e6: {  	v0 =	vld [tilespmem:s14+$0x8880];
	_ =	sdelay $0x3  }
0x1e7: {  	s17 =	sor.u32 $0x14180, s13  }
0x1e8: {  	[tilespmem:s17+$0x0] =	vst.add.f32.msk $0xffff, v0  }
0x1e9: {  	v0 =	vld [tilespmem:s14+$0x8C80];
	_ =	sdelay $0x3  }
0x1ea: {  	s18 =	sor.u32 $0x14200, s13  }
0x1eb: {  	[tilespmem:s18+$0x0] =	vst.add.f32.msk $0xffff, v0  }
0x1ec: {  	v0 =	vld [tilespmem:s14+$0x9080];
	_ =	sdelay $0x3  }
0x1ed: {  	s19 =	sor.u32 $0x14280, s13  }
0x1ee: {  	[tilespmem:s19+$0x0] =	vst.add.f32.msk $0xffff, v0  }
0x1ef: {  	v0 =	vld [tilespmem:s14+$0x9480];
	_ =	sdelay $0x3  }
0x1f0: {  	s16 =	sor.u32 $0x14300, s13  }
0x1f1: {  	[tilespmem:s16+$0x0] =	vst.add.f32.msk $0xffff, v0  }
0x1f2: {  	v0 =	vld [tilespmem:s14+$0x9880];
	_ =	sdelay $0x3  }
0x1f3: {  	s17 =	sor.u32 $0x14380, s13  }
0x1f4: {  	[tilespmem:s17+$0x0] =	vst.add.f32.msk $0xffff, v0  }
0x1f5: {  	v0 =	vld [tilespmem:s14+$0x9C80];
	_ =	sdelay $0x4  }
0x1f6: {  	[tilespmem:s13+$0x14400] =	vst.add.f32.msk $0xffff, v0  }
0x1f7: {  	v0 =	vld [tilespmem:s14+$0xA080];
	_ =	sdelay $0x3  }
0x1f8: {  	s18 =	sor.u32 $0x16080, s13  }
0x1f9: {  	[tilespmem:s18+$0x0] =	vst.add.f32.msk $0xffff, v0  }
0x1fa: {  	v0 =	vld [tilespmem:s14+$0xA480];
	_ =	sdelay $0x3  }
0x1fb: {  	s19 =	sor.u32 $0x16100, s13  }
0x1fc: {  	[tilespmem:s19+$0x0] =	vst.add.f32.msk $0xffff, v0  }
0x1fd: {  	v0 =	vld [tilespmem:s14+$0xA880];
	_ =	sdelay $0x3  }
0x1fe: {  	s16 =	sor.u32 $0x16180, s13  }
0x1ff: {  	[tilespmem:s16+$0x0] =	vst.add.f32.msk $0xffff, v0  }
0x200: {  	v0 =	vld [tilespmem:s14+$0xAC80];
	_ =	sdelay $0x3  }
0x201: {  	s17 =	sor.u32 $0x16200, s13  }
0x202: {  	[tilespmem:s17+$0x0] =	vst.add.f32.msk $0xffff, v0  }
0x203: {  	v0 =	vld [tilespmem:s14+$0xB080];
	_ =	sdelay $0x3  }
0x204: {  	s18 =	sor.u32 $0x16280, s13  }
0x205: {  	[tilespmem:s18+$0x0] =	vst.add.f32.msk $0xffff, v0  }
0x206: {  	v0 =	vld [tilespmem:s14+$0xB480];
	_ =	sdelay $0x3  }
0x207: {  	s19 =	sor.u32 $0x16300, s13  }
0x208: {  	[tilespmem:s19+$0x0] =	vst.add.f32.msk $0xffff, v0  }
0x209: {  	v0 =	vld [tilespmem:s14+$0xB880];
	_ =	sdelay $0x3  }
0x20a: {  	s16 =	sor.u32 $0x16380, s13  }
0x20b: {  	[tilespmem:s16+$0x0] =	vst.add.f32.msk $0xffff, v0  }
0x20c: {  	v0 =	vld [tilespmem:s14+$0xBC80];
	_ =	sdelay $0x4  }
0x20d: {  	s17 =	rddreg [dreg:$0xf];
	[tilespmem:s13+$0x16400] =	vst.add.f32.msk $0xffff, v0;
	s13 =	simm.s32 $0x0  }
0x20e: {  	[hbm4b:s17+s13] =	stream.linear.scatter [tilespmem:s2], [sflag:$0x2], $0x4000, $0x38;
	[tilespmem:$0x18080] =	vst v63  }
0x20f: {  	_ =	swait.ge [sflag:s6], $0x4000  }
0x210: {  	s19 =	simm.s32 $0x80;
	[sflag:s6] =	ssyncset.done $0x0;
	s18 =	rddreg [dreg:$0x10]  }
0x211: {  	s16 =	simm.s32 $0x8080;
	[sflag:s6] =	ssyncadd.s32 $0xFFFFC000;
	s14 =	sadd.s32 s12, s18  }
0x212: {  	[tilespmem:s16], [sflag:$0x1] =	stream.strided.gather [hbm4b:s14+s19], $0x4000, s30, s19, $0x38;
	[tilespmem:$0x18080] =	vst v63  }
0x213: {  	s16 =	rddreg [dreg:$0x11]  }
0x214: {  	[tilespmem:s2], [sflag:$0x1] =	stream.linear.gather [hbm4b:s16+s13], $0x4000, $0x38;
	[tilespmem:$0x18080] =	vst v63  }
0x215: {  	_ =	swait.ge [sflag:s5], $0x4000  }
0x216: {  	[sflag:s5] =	ssyncset.done $0x0  }
0x217: {  	[sflag:s5] =	ssyncadd.s32 $0xFFFFC000  }
0x218: {  	_ =	swait.ge [sflag:s5], $0x4000  }
0x219: {  	[sflag:s5] =	ssyncset.done $0x0  }
0x21a: {  	[sflag:s5] =	ssyncadd.s32 $0xFFFFC000  }
0x21b: {  	v0 =	vld [tilespmem:s19+$0x0];
	_ =	sdelay $0x1  }
0x21c: {  	s17 =	sand.u32 $0x70, s13;
	s18 =	sand.u32 $0x1C00, s13  }
0x21d: {  	s14 =	sor.u32 s17, s18  }
0x21e: {  	s15 =	sor.u32 $0xC080, s14  }
0x21f: {  	[tilespmem:s15+$0x0] =	vst.add.f32.msk $0xffff, v0;
	s15 =	sand.u32 $0x3F0, s13  }
0x220: {  	v0 =	vld [tilespmem:s15+$0x480];
	_ =	sdelay $0x3  }
0x221: {  	s19 =	sor.u32 $0xC100, s14  }
0x222: {  	[tilespmem:s19+$0x0] =	vst.add.f32.msk $0xffff, v0  }
0x223: {  	v0 =	vld [tilespmem:s15+$0x880];
	_ =	sdelay $0x3  }
0x224: {  	s17 =	sor.u32 $0xC180, s14  }
0x225: {  	[tilespmem:s17+$0x0] =	vst.add.f32.msk $0xffff, v0  }
0x226: {  	v0 =	vld [tilespmem:s15+$0xC80];
	_ =	sdelay $0x3  }
0x227: {  	s18 =	sor.u32 $0xC200, s14  }
0x228: {  	[tilespmem:s18+$0x0] =	vst.add.f32.msk $0xffff, v0  }
0x229: {  	v0 =	vld [tilespmem:s15+$0x1080];
	_ =	sdelay $0x3  }
0x22a: {  	s19 =	sor.u32 $0xC280, s14  }
0x22b: {  	[tilespmem:s19+$0x0] =	vst.add.f32.msk $0xffff, v0  }
0x22c: {  	v0 =	vld [tilespmem:s15+$0x1480];
	_ =	sdelay $0x3  }
0x22d: {  	s17 =	sor.u32 $0xC300, s14  }
0x22e: {  	[tilespmem:s17+$0x0] =	vst.add.f32.msk $0xffff, v0  }
0x22f: {  	v0 =	vld [tilespmem:s15+$0x1880];
	_ =	sdelay $0x3  }
0x230: {  	s18 =	sor.u32 $0xC380, s14  }
0x231: {  	[tilespmem:s18+$0x0] =	vst.add.f32.msk $0xffff, v0  }
0x232: {  	v0 =	vld [tilespmem:s15+$0x1C80];
	_ =	sdelay $0x4  }
0x233: {  	[tilespmem:s14+$0xC400] =	vst.add.f32.msk $0xffff, v0  }
0x234: {  	v0 =	vld [tilespmem:s15+$0x2080];
	_ =	sdelay $0x3  }
0x235: {  	s19 =	sor.u32 $0xE080, s14  }
0x236: {  	[tilespmem:s19+$0x0] =	vst.add.f32.msk $0xffff, v0  }
0x237: {  	v0 =	vld [tilespmem:s15+$0x2480];
	_ =	sdelay $0x3  }
0x238: {  	s17 =	sor.u32 $0xE100, s14  }
0x239: {  	[tilespmem:s17+$0x0] =	vst.add.f32.msk $0xffff, v0  }
0x23a: {  	v0 =	vld [tilespmem:s15+$0x2880];
	_ =	sdelay $0x3  }
0x23b: {  	s18 =	sor.u32 $0xE180, s14  }
0x23c: {  	[tilespmem:s18+$0x0] =	vst.add.f32.msk $0xffff, v0  }
0x23d: {  	v0 =	vld [tilespmem:s15+$0x2C80];
	_ =	sdelay $0x3  }
0x23e: {  	s19 =	sor.u32 $0xE200, s14  }
0x23f: {  	[tilespmem:s19+$0x0] =	vst.add.f32.msk $0xffff, v0  }
0x240: {  	v0 =	vld [tilespmem:s15+$0x3080];
	_ =	sdelay $0x3  }
0x241: {  	s17 =	sor.u32 $0xE280, s14  }
0x242: {  	[tilespmem:s17+$0x0] =	vst.add.f32.msk $0xffff, v0  }
0x243: {  	v0 =	vld [tilespmem:s15+$0x3480];
	_ =	sdelay $0x3  }
0x244: {  	s18 =	sor.u32 $0xE300, s14  }
0x245: {  	[tilespmem:s18+$0x0] =	vst.add.f32.msk $0xffff, v0  }
0x246: {  	v0 =	vld [tilespmem:s15+$0x3880];
	_ =	sdelay $0x3  }
0x247: {  	s19 =	sor.u32 $0xE380, s14  }
0x248: {  	[tilespmem:s19+$0x0] =	vst.add.f32.msk $0xffff, v0  }
0x249: {  	v0 =	vld [tilespmem:s15+$0x3C80];
	_ =	sdelay $0x4  }
0x24a: {  	s15 =	simm.s32 $0x90;
	[tilespmem:s14+$0xE400] =	vst.add.f32.msk $0xffff, v0  }
0x24b: {  	s16 =	simm.s32 $0x20;
	s14 =	simm.s32 $0x10;
	v0 =	vld [tilespmem:s15+$0x0]  }
.LBB2_8:
0x24c: {  	p0 =	sne.s32 s16, $0x3F0;
	s13 =	sadd.s32 $0x80, s13  }
0x24d: {  	s17 =	sand.u32 $0x70, s14;
	s18 =	sand.u32 $0x1C00, s13  }
0x24e: {  	s17 =	sor.u32 s17, s18  }
0x24f: {  	s18 =	sor.u32 $0xC080, s17  }
0x250: {  	[tilespmem:s18+$0x0] =	vst.add.f32.msk $0xffff, v0;
	s18 =	sand.u32 $0x3F0, s14;
	s14 =	smov.u32 s16  }
0x251: {  	v0 =	vld [tilespmem:s18+$0x480];
	_ =	sdelay $0x3  }
0x252: {  	s19 =	sor.u32 $0xC100, s17  }
0x253: {  	[tilespmem:s19+$0x0] =	vst.add.f32.msk $0xffff, v0  }
0x254: {  	v0 =	vld [tilespmem:s18+$0x880];
	_ =	sdelay $0x3  }
0x255: {  	s19 =	sor.u32 $0xC180, s17  }
0x256: {  	[tilespmem:s19+$0x0] =	vst.add.f32.msk $0xffff, v0  }
0x257: {  	v0 =	vld [tilespmem:s18+$0xC80];
	_ =	sdelay $0x3  }
0x258: {  	s19 =	sor.u32 $0xC200, s17  }
0x259: {  	[tilespmem:s19+$0x0] =	vst.add.f32.msk $0xffff, v0  }
0x25a: {  	v0 =	vld [tilespmem:s18+$0x1080];
	_ =	sdelay $0x3  }
0x25b: {  	s19 =	sor.u32 $0xC280, s17  }
0x25c: {  	[tilespmem:s19+$0x0] =	vst.add.f32.msk $0xffff, v0  }
0x25d: {  	v0 =	vld [tilespmem:s18+$0x1480];
	_ =	sdelay $0x3  }
0x25e: {  	s19 =	sor.u32 $0xC300, s17  }
0x25f: {  	[tilespmem:s19+$0x0] =	vst.add.f32.msk $0xffff, v0  }
0x260: {  	v0 =	vld [tilespmem:s18+$0x1880];
	_ =	sdelay $0x3  }
0x261: {  	s19 =	sor.u32 $0xC380, s17  }
0x262: {  	[tilespmem:s19+$0x0] =	vst.add.f32.msk $0xffff, v0  }
0x263: {  	v0 =	vld [tilespmem:s18+$0x1C80];
	_ =	sdelay $0x4  }
0x264: {  	[tilespmem:s17+$0xC400] =	vst.add.f32.msk $0xffff, v0  }
0x265: {  	v0 =	vld [tilespmem:s18+$0x2080];
	_ =	sdelay $0x3  }
0x266: {  	s19 =	sor.u32 $0xE080, s17  }
0x267: {  	[tilespmem:s19+$0x0] =	vst.add.f32.msk $0xffff, v0  }
0x268: {  	v0 =	vld [tilespmem:s18+$0x2480];
	_ =	sdelay $0x3  }
0x269: {  	s19 =	sor.u32 $0xE100, s17  }
0x26a: {  	[tilespmem:s19+$0x0] =	vst.add.f32.msk $0xffff, v0  }
0x26b: {  	v0 =	vld [tilespmem:s18+$0x2880];
	_ =	sdelay $0x3  }
0x26c: {  	s19 =	sor.u32 $0xE180, s17  }
0x26d: {  	[tilespmem:s19+$0x0] =	vst.add.f32.msk $0xffff, v0  }
0x26e: {  	v0 =	vld [tilespmem:s18+$0x2C80];
	_ =	sdelay $0x3  }
0x26f: {  	s19 =	sor.u32 $0xE200, s17  }
0x270: {  	[tilespmem:s19+$0x0] =	vst.add.f32.msk $0xffff, v0  }
0x271: {  	v0 =	vld [tilespmem:s18+$0x3080];
	_ =	sdelay $0x3  }
0x272: {  	s19 =	sor.u32 $0xE280, s17  }
0x273: {  	[tilespmem:s19+$0x0] =	vst.add.f32.msk $0xffff, v0  }
0x274: {  	v0 =	vld [tilespmem:s18+$0x3480];
	_ =	sdelay $0x3  }
0x275: {  	s19 =	sor.u32 $0xE300, s17  }
0x276: {  	[tilespmem:s19+$0x0] =	vst.add.f32.msk $0xffff, v0  }
0x277: {  	v0 =	vld [tilespmem:s18+$0x3880];
	_ =	sdelay $0x3  }
0x278: {  	s19 =	sor.u32 $0xE380, s17  }
0x279: {  	[tilespmem:s19+$0x0] =	vst.add.f32.msk $0xffff, v0  }
0x27a: {  	v0 =	vld [tilespmem:s18+$0x3C80];
	_ =	sdelay $0x1  }
.Ltmp3:
0x27b: {  	(pc) =	sbr.rel @p0 .LBB2_8-.Ltmp3, $3  }
0x27c: {  	_ =	sdelay $0x1  }
0x27d: {  	s15 =	sadd.s32 $0x10, s15;
	[tilespmem:s17+$0xE400] =	vst.add.f32.msk $0xffff, v0  }
0x27e: {  	s16 =	sadd.s32 $0x10, s16;
	v0 =	vld [tilespmem:s15+$0x0]  }
0x27f: {  	s13 =	sadd.s32 $0x80, s13  }
0x280: {  	s15 =	sand.u32 $0x70, s14;
	s13 =	sand.u32 $0x1C00, s13  }
0x281: {  	s13 =	sor.u32 s15, s13  }
0x282: {  	s15 =	sor.u32 $0xC080, s13  }
0x283: {  	s14 =	sand.u32 $0x3F0, s14;
	[tilespmem:s15+$0x0] =	vst.add.f32.msk $0xffff, v0  }
0x284: {  	v0 =	vld [tilespmem:s14+$0x480];
	_ =	sdelay $0x3  }
0x285: {  	s19 =	sor.u32 $0xC100, s13  }
0x286: {  	[tilespmem:s19+$0x0] =	vst.add.f32.msk $0xffff, v0  }
0x287: {  	v0 =	vld [tilespmem:s14+$0x880];
	_ =	sdelay $0x3  }
0x288: {  	s16 =	sor.u32 $0xC180, s13  }
0x289: {  	[tilespmem:s16+$0x0] =	vst.add.f32.msk $0xffff, v0  }
0x28a: {  	v0 =	vld [tilespmem:s14+$0xC80];
	_ =	sdelay $0x3  }
0x28b: {  	s17 =	sor.u32 $0xC200, s13  }
0x28c: {  	[tilespmem:s17+$0x0] =	vst.add.f32.msk $0xffff, v0  }
0x28d: {  	v0 =	vld [tilespmem:s14+$0x1080];
	_ =	sdelay $0x3  }
0x28e: {  	s18 =	sor.u32 $0xC280, s13  }
0x28f: {  	[tilespmem:s18+$0x0] =	vst.add.f32.msk $0xffff, v0  }
0x290: {  	v0 =	vld [tilespmem:s14+$0x1480];
	_ =	sdelay $0x3  }
0x291: {  	s19 =	sor.u32 $0xC300, s13  }
0x292: {  	[tilespmem:s19+$0x0] =	vst.add.f32.msk $0xffff, v0  }
0x293: {  	v0 =	vld [tilespmem:s14+$0x1880];
	_ =	sdelay $0x3  }
0x294: {  	s16 =	sor.u32 $0xC380, s13  }
0x295: {  	[tilespmem:s16+$0x0] =	vst.add.f32.msk $0xffff, v0  }
0x296: {  	v0 =	vld [tilespmem:s14+$0x1C80];
	_ =	sdelay $0x4  }
0x297: {  	[tilespmem:s13+$0xC400] =	vst.add.f32.msk $0xffff, v0  }
0x298: {  	v0 =	vld [tilespmem:s14+$0x2080];
	_ =	sdelay $0x3  }
0x299: {  	s17 =	sor.u32 $0xE080, s13  }
0x29a: {  	[tilespmem:s17+$0x0] =	vst.add.f32.msk $0xffff, v0  }
0x29b: {  	v0 =	vld [tilespmem:s14+$0x2480];
	_ =	sdelay $0x3  }
0x29c: {  	s18 =	sor.u32 $0xE100, s13  }
0x29d: {  	[tilespmem:s18+$0x0] =	vst.add.f32.msk $0xffff, v0  }
0x29e: {  	v0 =	vld [tilespmem:s14+$0x2880];
	_ =	sdelay $0x3  }
0x29f: {  	s19 =	sor.u32 $0xE180, s13  }
0x2a0: {  	[tilespmem:s19+$0x0] =	vst.add.f32.msk $0xffff, v0  }
0x2a1: {  	v0 =	vld [tilespmem:s14+$0x2C80];
	_ =	sdelay $0x3  }
0x2a2: {  	s16 =	sor.u32 $0xE200, s13  }
0x2a3: {  	[tilespmem:s16+$0x0] =	vst.add.f32.msk $0xffff, v0  }
0x2a4: {  	v0 =	vld [tilespmem:s14+$0x3080];
	_ =	sdelay $0x3  }
0x2a5: {  	s17 =	sor.u32 $0xE280, s13  }
0x2a6: {  	[tilespmem:s17+$0x0] =	vst.add.f32.msk $0xffff, v0  }
0x2a7: {  	v0 =	vld [tilespmem:s14+$0x3480];
	_ =	sdelay $0x3  }
0x2a8: {  	s18 =	sor.u32 $0xE300, s13  }
0x2a9: {  	[tilespmem:s18+$0x0] =	vst.add.f32.msk $0xffff, v0  }
0x2aa: {  	v0 =	vld [tilespmem:s14+$0x3880];
	_ =	sdelay $0x3  }
0x2ab: {  	s19 =	sor.u32 $0xE380, s13  }
0x2ac: {  	[tilespmem:s19+$0x0] =	vst.add.f32.msk $0xffff, v0  }
0x2ad: {  	v0 =	vld [tilespmem:s14+$0x3C80];
	_ =	sdelay $0x4  }
0x2ae: {  	s15 =	rddreg [dreg:$0x12];
	[tilespmem:s13+$0xE400] =	vst.add.f32.msk $0xffff, v0;
	s13 =	simm.s32 $0x0  }
0x2af: {  	[hbm4b:s15+s13] =	stream.linear.scatter [tilespmem:s31], [sflag:$0x2], $0x4000, $0x38;
	[tilespmem:$0x18080] =	vst v63  }
0x2b0: {  	_ =	swait.ge [sflag:s6], $0x4000  }
0x2b1: {  	[sflag:s6] =	ssyncset.done $0x0  }
0x2b2: {  	s12 =	sadd.s32 s12, s20;
	[sflag:s6] =	ssyncadd.s32 $0xFFFFC000  }
0x2b3: {  	[tilespmem:s7], [sflag:$0x1] =	stream.strided.gather [hbm4b:s12+s7], $0x4000, s30, s7, $0x38;
	[tilespmem:$0x18080] =	vst v63  }
0x2b4: {  	_ = 	snop  }
0x2b5: {  	[tilespmem:s31], [sflag:$0x1] =	stream.linear.gather [hbm4b:s21+s13], $0x4000, $0x38;
	[tilespmem:$0x18080] =	vst v63  }
0x2b6: {  	_ =	swait.ge [sflag:s5], $0x4000  }
0x2b7: {  	[sflag:s5] =	ssyncset.done $0x0  }
0x2b8: {  	[sflag:s5] =	ssyncadd.s32 $0xFFFFC000  }
0x2b9: {  	_ =	swait.ge [sflag:s5], $0x4000  }
0x2ba: {  	[sflag:s5] =	ssyncset.done $0x0  }
0x2bb: {  	s16 =	simm.s32 $0x4080;
	[sflag:s5] =	ssyncadd.s32 $0xFFFFC000  }
0x2bc: {  	v0 =	vld [tilespmem:s16+$0x0];
	_ =	sdelay $0x1  }
0x2bd: {  	s17 =	sand.u32 $0x70, s13;
	s18 =	sand.u32 $0x1C00, s13  }
0x2be: {  	s12 =	sor.u32 s17, s18  }
0x2bf: {  	s14 =	sor.u32 $0x10080, s12  }
0x2c0: {  	[tilespmem:s14+$0x0] =	vst.add.f32.msk $0xffff, v0;
	s14 =	sand.u32 $0x3F0, s13  }
0x2c1: {  	v0 =	vld [tilespmem:s14+$0x4480];
	_ =	sdelay $0x3  }
0x2c2: {  	s19 =	sor.u32 $0x10100, s12  }
0x2c3: {  	[tilespmem:s19+$0x0] =	vst.add.f32.msk $0xffff, v0  }
0x2c4: {  	v0 =	vld [tilespmem:s14+$0x4880];
	_ =	sdelay $0x3  }
0x2c5: {  	s16 =	sor.u32 $0x10180, s12  }
0x2c6: {  	[tilespmem:s16+$0x0] =	vst.add.f32.msk $0xffff, v0  }
0x2c7: {  	v0 =	vld [tilespmem:s14+$0x4C80];
	_ =	sdelay $0x3  }
0x2c8: {  	s17 =	sor.u32 $0x10200, s12  }
0x2c9: {  	[tilespmem:s17+$0x0] =	vst.add.f32.msk $0xffff, v0  }
0x2ca: {  	v0 =	vld [tilespmem:s14+$0x5080];
	_ =	sdelay $0x3  }
0x2cb: {  	s18 =	sor.u32 $0x10280, s12  }
0x2cc: {  	[tilespmem:s18+$0x0] =	vst.add.f32.msk $0xffff, v0  }
0x2cd: {  	v0 =	vld [tilespmem:s14+$0x5480];
	_ =	sdelay $0x3  }
0x2ce: {  	s19 =	sor.u32 $0x10300, s12  }
0x2cf: {  	[tilespmem:s19+$0x0] =	vst.add.f32.msk $0xffff, v0  }
0x2d0: {  	v0 =	vld [tilespmem:s14+$0x5880];
	_ =	sdelay $0x3  }
0x2d1: {  	s16 =	sor.u32 $0x10380, s12  }
0x2d2: {  	[tilespmem:s16+$0x0] =	vst.add.f32.msk $0xffff, v0  }
0x2d3: {  	v0 =	vld [tilespmem:s14+$0x5C80];
	_ =	sdelay $0x4  }
0x2d4: {  	[tilespmem:s12+$0x10400] =	vst.add.f32.msk $0xffff, v0  }
0x2d5: {  	v0 =	vld [tilespmem:s14+$0x6080];
	_ =	sdelay $0x3  }
0x2d6: {  	s17 =	sor.u32 $0x12080, s12  }
0x2d7: {  	[tilespmem:s17+$0x0] =	vst.add.f32.msk $0xffff, v0  }
0x2d8: {  	v0 =	vld [tilespmem:s14+$0x6480];
	_ =	sdelay $0x3  }
0x2d9: {  	s18 =	sor.u32 $0x12100, s12  }
0x2da: {  	[tilespmem:s18+$0x0] =	vst.add.f32.msk $0xffff, v0  }
0x2db: {  	v0 =	vld [tilespmem:s14+$0x6880];
	_ =	sdelay $0x3  }
0x2dc: {  	s19 =	sor.u32 $0x12180, s12  }
0x2dd: {  	[tilespmem:s19+$0x0] =	vst.add.f32.msk $0xffff, v0  }
0x2de: {  	v0 =	vld [tilespmem:s14+$0x6C80];
	_ =	sdelay $0x3  }
0x2df: {  	s16 =	sor.u32 $0x12200, s12  }
0x2e0: {  	[tilespmem:s16+$0x0] =	vst.add.f32.msk $0xffff, v0  }
0x2e1: {  	v0 =	vld [tilespmem:s14+$0x7080];
	_ =	sdelay $0x3  }
0x2e2: {  	s17 =	sor.u32 $0x12280, s12  }
0x2e3: {  	[tilespmem:s17+$0x0] =	vst.add.f32.msk $0xffff, v0  }
0x2e4: {  	v0 =	vld [tilespmem:s14+$0x7480];
	_ =	sdelay $0x3  }
0x2e5: {  	s18 =	sor.u32 $0x12300, s12  }
0x2e6: {  	[tilespmem:s18+$0x0] =	vst.add.f32.msk $0xffff, v0  }
0x2e7: {  	v0 =	vld [tilespmem:s14+$0x7880];
	_ =	sdelay $0x3  }
0x2e8: {  	s19 =	sor.u32 $0x12380, s12  }
0x2e9: {  	[tilespmem:s19+$0x0] =	vst.add.f32.msk $0xffff, v0  }
0x2ea: {  	v0 =	vld [tilespmem:s14+$0x7C80];
	_ =	sdelay $0x4  }
0x2eb: {  	s14 =	simm.s32 $0x4090;
	[tilespmem:s12+$0x12400] =	vst.add.f32.msk $0xffff, v0  }
0x2ec: {  	s15 =	simm.s32 $0x20;
	s12 =	simm.s32 $0x10;
	v0 =	vld [tilespmem:s14+$0x0]  }
.LBB2_10:
0x2ed: {  	p0 =	sne.s32 s15, $0x3F0;
	s13 =	sadd.s32 $0x80, s13  }
0x2ee: {  	s16 =	sand.u32 $0x70, s12;
	s17 =	sand.u32 $0x1C00, s13  }
0x2ef: {  	s16 =	sor.u32 s16, s17  }
0x2f0: {  	s17 =	sor.u32 $0x10080, s16  }
0x2f1: {  	[tilespmem:s17+$0x0] =	vst.add.f32.msk $0xffff, v0;
	s17 =	sand.u32 $0x3F0, s12;
	s12 =	smov.u32 s15  }
0x2f2: {  	v0 =	vld [tilespmem:s17+$0x4480];
	_ =	sdelay $0x3  }
0x2f3: {  	s18 =	sor.u32 $0x10100, s16  }
0x2f4: {  	[tilespmem:s18+$0x0] =	vst.add.f32.msk $0xffff, v0  }
0x2f5: {  	v0 =	vld [tilespmem:s17+$0x4880];
	_ =	sdelay $0x3  }
0x2f6: {  	s18 =	sor.u32 $0x10180, s16  }
0x2f7: {  	[tilespmem:s18+$0x0] =	vst.add.f32.msk $0xffff, v0  }
0x2f8: {  	v0 =	vld [tilespmem:s17+$0x4C80];
	_ =	sdelay $0x3  }
0x2f9: {  	s18 =	sor.u32 $0x10200, s16  }
0x2fa: {  	[tilespmem:s18+$0x0] =	vst.add.f32.msk $0xffff, v0  }
0x2fb: {  	v0 =	vld [tilespmem:s17+$0x5080];
	_ =	sdelay $0x3  }
0x2fc: {  	s18 =	sor.u32 $0x10280, s16  }
0x2fd: {  	[tilespmem:s18+$0x0] =	vst.add.f32.msk $0xffff, v0  }
0x2fe: {  	v0 =	vld [tilespmem:s17+$0x5480];
	_ =	sdelay $0x3  }
0x2ff: {  	s18 =	sor.u32 $0x10300, s16  }
0x300: {  	[tilespmem:s18+$0x0] =	vst.add.f32.msk $0xffff, v0  }
0x301: {  	v0 =	vld [tilespmem:s17+$0x5880];
	_ =	sdelay $0x3  }
0x302: {  	s18 =	sor.u32 $0x10380, s16  }
0x303: {  	[tilespmem:s18+$0x0] =	vst.add.f32.msk $0xffff, v0  }
0x304: {  	v0 =	vld [tilespmem:s17+$0x5C80];
	_ =	sdelay $0x4  }
0x305: {  	[tilespmem:s16+$0x10400] =	vst.add.f32.msk $0xffff, v0  }
0x306: {  	v0 =	vld [tilespmem:s17+$0x6080];
	_ =	sdelay $0x3  }
0x307: {  	s18 =	sor.u32 $0x12080, s16  }
0x308: {  	[tilespmem:s18+$0x0] =	vst.add.f32.msk $0xffff, v0  }
0x309: {  	v0 =	vld [tilespmem:s17+$0x6480];
	_ =	sdelay $0x3  }
0x30a: {  	s18 =	sor.u32 $0x12100, s16  }
0x30b: {  	[tilespmem:s18+$0x0] =	vst.add.f32.msk $0xffff, v0  }
0x30c: {  	v0 =	vld [tilespmem:s17+$0x6880];
	_ =	sdelay $0x3  }
0x30d: {  	s18 =	sor.u32 $0x12180, s16  }
0x30e: {  	[tilespmem:s18+$0x0] =	vst.add.f32.msk $0xffff, v0  }
0x30f: {  	v0 =	vld [tilespmem:s17+$0x6C80];
	_ =	sdelay $0x3  }
0x310: {  	s18 =	sor.u32 $0x12200, s16  }
0x311: {  	[tilespmem:s18+$0x0] =	vst.add.f32.msk $0xffff, v0  }
0x312: {  	v0 =	vld [tilespmem:s17+$0x7080];
	_ =	sdelay $0x3  }
0x313: {  	s18 =	sor.u32 $0x12280, s16  }
0x314: {  	[tilespmem:s18+$0x0] =	vst.add.f32.msk $0xffff, v0  }
0x315: {  	v0 =	vld [tilespmem:s17+$0x7480];
	_ =	sdelay $0x3  }
0x316: {  	s18 =	sor.u32 $0x12300, s16  }
0x317: {  	[tilespmem:s18+$0x0] =	vst.add.f32.msk $0xffff, v0  }
0x318: {  	v0 =	vld [tilespmem:s17+$0x7880];
	_ =	sdelay $0x3  }
0x319: {  	s18 =	sor.u32 $0x12380, s16  }
0x31a: {  	[tilespmem:s18+$0x0] =	vst.add.f32.msk $0xffff, v0  }
0x31b: {  	v0 =	vld [tilespmem:s17+$0x7C80];
	_ =	sdelay $0x1  }
.Ltmp4:
0x31c: {  	(pc) =	sbr.rel @p0 .LBB2_10-.Ltmp4, $3  }
0x31d: {  	_ =	sdelay $0x1  }
0x31e: {  	s14 =	sadd.s32 $0x10, s14;
	[tilespmem:s16+$0x12400] =	vst.add.f32.msk $0xffff, v0  }
0x31f: {  	s15 =	sadd.s32 $0x10, s15;
	v0 =	vld [tilespmem:s14+$0x0]  }
0x320: {  	s13 =	sadd.s32 $0x80, s13  }
0x321: {  	s14 =	sand.u32 $0x70, s12;
	s13 =	sand.u32 $0x1C00, s13  }
0x322: {  	s13 =	sor.u32 s14, s13  }
0x323: {  	s14 =	sor.u32 $0x10080, s13  }
0x324: {  	s12 =	sand.u32 $0x3F0, s12;
	[tilespmem:s14+$0x0] =	vst.add.f32.msk $0xffff, v0  }
0x325: {  	v0 =	vld [tilespmem:s12+$0x4480];
	_ =	sdelay $0x3  }
0x326: {  	s18 =	sor.u32 $0x10100, s13  }
0x327: {  	[tilespmem:s18+$0x0] =	vst.add.f32.msk $0xffff, v0  }
0x328: {  	v0 =	vld [tilespmem:s12+$0x4880];
	_ =	sdelay $0x3  }
0x329: {  	s19 =	sor.u32 $0x10180, s13  }
0x32a: {  	[tilespmem:s19+$0x0] =	vst.add.f32.msk $0xffff, v0  }
0x32b: {  	v0 =	vld [tilespmem:s12+$0x4C80];
	_ =	sdelay $0x3  }
0x32c: {  	s15 =	sor.u32 $0x10200, s13  }
0x32d: {  	[tilespmem:s15+$0x0] =	vst.add.f32.msk $0xffff, v0  }
0x32e: {  	v0 =	vld [tilespmem:s12+$0x5080];
	_ =	sdelay $0x3  }
0x32f: {  	s16 =	sor.u32 $0x10280, s13  }
0x330: {  	[tilespmem:s16+$0x0] =	vst.add.f32.msk $0xffff, v0  }
0x331: {  	v0 =	vld [tilespmem:s12+$0x5480];
	_ =	sdelay $0x3  }
0x332: {  	s17 =	sor.u32 $0x10300, s13  }
0x333: {  	[tilespmem:s17+$0x0] =	vst.add.f32.msk $0xffff, v0  }
0x334: {  	v0 =	vld [tilespmem:s12+$0x5880];
	_ =	sdelay $0x3  }
0x335: {  	s18 =	sor.u32 $0x10380, s13  }
0x336: {  	[tilespmem:s18+$0x0] =	vst.add.f32.msk $0xffff, v0  }
0x337: {  	v0 =	vld [tilespmem:s12+$0x5C80];
	_ =	sdelay $0x4  }
0x338: {  	[tilespmem:s13+$0x10400] =	vst.add.f32.msk $0xffff, v0  }
0x339: {  	v0 =	vld [tilespmem:s12+$0x6080];
	_ =	sdelay $0x3  }
0x33a: {  	s19 =	sor.u32 $0x12080, s13  }
0x33b: {  	[tilespmem:s19+$0x0] =	vst.add.f32.msk $0xffff, v0  }
0x33c: {  	v0 =	vld [tilespmem:s12+$0x6480];
	_ =	sdelay $0x3  }
0x33d: {  	s15 =	sor.u32 $0x12100, s13  }
0x33e: {  	[tilespmem:s15+$0x0] =	vst.add.f32.msk $0xffff, v0  }
0x33f: {  	v0 =	vld [tilespmem:s12+$0x6880];
	_ =	sdelay $0x3  }
0x340: {  	s16 =	sor.u32 $0x12180, s13  }
0x341: {  	[tilespmem:s16+$0x0] =	vst.add.f32.msk $0xffff, v0  }
0x342: {  	v0 =	vld [tilespmem:s12+$0x6C80];
	_ =	sdelay $0x3  }
0x343: {  	s17 =	sor.u32 $0x12200, s13  }
0x344: {  	[tilespmem:s17+$0x0] =	vst.add.f32.msk $0xffff, v0  }
0x345: {  	v0 =	vld [tilespmem:s12+$0x7080];
	_ =	sdelay $0x3  }
0x346: {  	s18 =	sor.u32 $0x12280, s13  }
0x347: {  	[tilespmem:s18+$0x0] =	vst.add.f32.msk $0xffff, v0  }
0x348: {  	v0 =	vld [tilespmem:s12+$0x7480];
	_ =	sdelay $0x3  }
0x349: {  	s19 =	sor.u32 $0x12300, s13  }
0x34a: {  	[tilespmem:s19+$0x0] =	vst.add.f32.msk $0xffff, v0  }
0x34b: {  	v0 =	vld [tilespmem:s12+$0x7880];
	_ =	sdelay $0x3  }
0x34c: {  	s15 =	sor.u32 $0x12380, s13  }
0x34d: {  	[tilespmem:s15+$0x0] =	vst.add.f32.msk $0xffff, v0  }
0x34e: {  	v0 =	vld [tilespmem:s12+$0x7C80];
	_ =	sdelay $0x4  }
0x34f: {  	s9 =	sor.u32 s9, s11;
	s12 =	simm.s32 $0x0;
	[tilespmem:s13+$0x12400] =	vst.add.f32.msk $0xffff, v0  }
0x350: {  	[hbm4b:s22+s12] =	stream.linear.scatter [tilespmem:s3], [sflag:$0x2], $0x4000, $0x38;
	[tilespmem:$0x18080] =	vst v63  }
0x351: {  	s9 =	sshrl.u32 s9, $0x3;
	_ =	swait.ge [sflag:s6], $0x4000  }
0x352: {  	s9 =	sor.u32 $0x1C000, s9;
	[sflag:s6] =	ssyncset.done $0x0  }
0x353: {  	s9 =	sadd.s32 s1, s9;
	[sflag:s6] =	ssyncadd.s32 $0xFFFFC000  }
0x354: {  	[tilespmem:s0], [sflag:$0x1] =	stream.strided.gather [hbm4b:s9+s7], $0x4000, s30, s7, $0x38;
	[tilespmem:$0x18080] =	vst v63  }
0x355: {  	_ = 	snop  }
0x356: {  	[tilespmem:s3], [sflag:$0x1] =	stream.linear.gather [hbm4b:s23+s12], $0x4000, $0x38;
	[tilespmem:$0x18080] =	vst v63  }
0x357: {  	_ =	swait.ge [sflag:s5], $0x4000  }
0x358: {  	[sflag:s5] =	ssyncset.done $0x0  }
0x359: {  	[sflag:s5] =	ssyncadd.s32 $0xFFFFC000  }
0x35a: {  	_ =	swait.ge [sflag:s5], $0x4000  }
0x35b: {  	[sflag:s5] =	ssyncset.done $0x0  }
0x35c: {  	s16 =	simm.s32 $0x8080;
	[sflag:s5] =	ssyncadd.s32 $0xFFFFC000  }
0x35d: {  	v0 =	vld [tilespmem:s16+$0x0];
	_ =	sdelay $0x1  }
0x35e: {  	s17 =	sand.u32 $0x70, s12;
	s18 =	sand.u32 $0x1C00, s12  }
0x35f: {  	s9 =	sor.u32 s17, s18  }
0x360: {  	s11 =	sor.u32 $0x14080, s9  }
0x361: {  	[tilespmem:s11+$0x0] =	vst.add.f32.msk $0xffff, v0;
	s11 =	sand.u32 $0x3F0, s12  }
0x362: {  	v0 =	vld [tilespmem:s11+$0x8480];
	_ =	sdelay $0x3  }
0x363: {  	s19 =	sor.u32 $0x14100, s9  }
0x364: {  	[tilespmem:s19+$0x0] =	vst.add.f32.msk $0xffff, v0  }
0x365: {  	v0 =	vld [tilespmem:s11+$0x8880];
	_ =	sdelay $0x3  }
0x366: {  	s14 =	sor.u32 $0x14180, s9  }
0x367: {  	[tilespmem:s14+$0x0] =	vst.add.f32.msk $0xffff, v0  }
0x368: {  	v0 =	vld [tilespmem:s11+$0x8C80];
	_ =	sdelay $0x3  }
0x369: {  	s15 =	sor.u32 $0x14200, s9  }
0x36a: {  	[tilespmem:s15+$0x0] =	vst.add.f32.msk $0xffff, v0  }
0x36b: {  	v0 =	vld [tilespmem:s11+$0x9080];
	_ =	sdelay $0x3  }
0x36c: {  	s16 =	sor.u32 $0x14280, s9  }
0x36d: {  	[tilespmem:s16+$0x0] =	vst.add.f32.msk $0xffff, v0  }
0x36e: {  	v0 =	vld [tilespmem:s11+$0x9480];
	_ =	sdelay $0x3  }
0x36f: {  	s17 =	sor.u32 $0x14300, s9  }
0x370: {  	[tilespmem:s17+$0x0] =	vst.add.f32.msk $0xffff, v0  }
0x371: {  	v0 =	vld [tilespmem:s11+$0x9880];
	_ =	sdelay $0x3  }
0x372: {  	s18 =	sor.u32 $0x14380, s9  }
0x373: {  	[tilespmem:s18+$0x0] =	vst.add.f32.msk $0xffff, v0  }
0x374: {  	v0 =	vld [tilespmem:s11+$0x9C80];
	_ =	sdelay $0x4  }
0x375: {  	[tilespmem:s9+$0x14400] =	vst.add.f32.msk $0xffff, v0  }
0x376: {  	v0 =	vld [tilespmem:s11+$0xA080];
	_ =	sdelay $0x3  }
0x377: {  	s19 =	sor.u32 $0x16080, s9  }
0x378: {  	[tilespmem:s19+$0x0] =	vst.add.f32.msk $0xffff, v0  }
0x379: {  	v0 =	vld [tilespmem:s11+$0xA480];
	_ =	sdelay $0x3  }
0x37a: {  	s14 =	sor.u32 $0x16100, s9  }
0x37b: {  	[tilespmem:s14+$0x0] =	vst.add.f32.msk $0xffff, v0  }
0x37c: {  	v0 =	vld [tilespmem:s11+$0xA880];
	_ =	sdelay $0x3  }
0x37d: {  	s15 =	sor.u32 $0x16180, s9  }
0x37e: {  	[tilespmem:s15+$0x0] =	vst.add.f32.msk $0xffff, v0  }
0x37f: {  	v0 =	vld [tilespmem:s11+$0xAC80];
	_ =	sdelay $0x3  }
0x380: {  	s16 =	sor.u32 $0x16200, s9  }
0x381: {  	[tilespmem:s16+$0x0] =	vst.add.f32.msk $0xffff, v0  }
0x382: {  	v0 =	vld [tilespmem:s11+$0xB080];
	_ =	sdelay $0x3  }
0x383: {  	s17 =	sor.u32 $0x16280, s9  }
0x384: {  	[tilespmem:s17+$0x0] =	vst.add.f32.msk $0xffff, v0  }
0x385: {  	v0 =	vld [tilespmem:s11+$0xB480];
	_ =	sdelay $0x3  }
0x386: {  	s18 =	sor.u32 $0x16300, s9  }
0x387: {  	[tilespmem:s18+$0x0] =	vst.add.f32.msk $0xffff, v0  }
0x388: {  	v0 =	vld [tilespmem:s11+$0xB880];
	_ =	sdelay $0x3  }
0x389: {  	s19 =	sor.u32 $0x16380, s9  }
0x38a: {  	[tilespmem:s19+$0x0] =	vst.add.f32.msk $0xffff, v0  }
0x38b: {  	v0 =	vld [tilespmem:s11+$0xBC80];
	_ =	sdelay $0x4  }
0x38c: {  	s11 =	simm.s32 $0x8090;
	[tilespmem:s9+$0x16400] =	vst.add.f32.msk $0xffff, v0  }
0x38d: {  	s13 =	simm.s32 $0x20;
	s9 =	simm.s32 $0x10;
	v0 =	vld [tilespmem:s11+$0x0]  }
.LBB2_12:
0x38e: {  	p0 =	sne.s32 s13, $0x3F0;
	s12 =	sadd.s32 $0x80, s12  }
0x38f: {  	s14 =	sand.u32 $0x70, s9;
	s15 =	sand.u32 $0x1C00, s12  }
0x390: {  	s14 =	sor.u32 s14, s15  }
0x391: {  	s15 =	sor.u32 $0x14080, s14  }
0x392: {  	[tilespmem:s15+$0x0] =	vst.add.f32.msk $0xffff, v0;
	s15 =	sand.u32 $0x3F0, s9;
	s9 =	smov.u32 s13  }
0x393: {  	v0 =	vld [tilespmem:s15+$0x8480];
	_ =	sdelay $0x3  }
0x394: {  	s16 =	sor.u32 $0x14100, s14  }
0x395: {  	[tilespmem:s16+$0x0] =	vst.add.f32.msk $0xffff, v0  }
0x396: {  	v0 =	vld [tilespmem:s15+$0x8880];
	_ =	sdelay $0x3  }
0x397: {  	s16 =	sor.u32 $0x14180, s14  }
0x398: {  	[tilespmem:s16+$0x0] =	vst.add.f32.msk $0xffff, v0  }
0x399: {  	v0 =	vld [tilespmem:s15+$0x8C80];
	_ =	sdelay $0x3  }
0x39a: {  	s16 =	sor.u32 $0x14200, s14  }
0x39b: {  	[tilespmem:s16+$0x0] =	vst.add.f32.msk $0xffff, v0  }
0x39c: {  	v0 =	vld [tilespmem:s15+$0x9080];
	_ =	sdelay $0x3  }
0x39d: {  	s16 =	sor.u32 $0x14280, s14  }
0x39e: {  	[tilespmem:s16+$0x0] =	vst.add.f32.msk $0xffff, v0  }
0x39f: {  	v0 =	vld [tilespmem:s15+$0x9480];
	_ =	sdelay $0x3  }
0x3a0: {  	s16 =	sor.u32 $0x14300, s14  }
0x3a1: {  	[tilespmem:s16+$0x0] =	vst.add.f32.msk $0xffff, v0  }
0x3a2: {  	v0 =	vld [tilespmem:s15+$0x9880];
	_ =	sdelay $0x3  }
0x3a3: {  	s16 =	sor.u32 $0x14380, s14  }
0x3a4: {  	[tilespmem:s16+$0x0] =	vst.add.f32.msk $0xffff, v0  }
0x3a5: {  	v0 =	vld [tilespmem:s15+$0x9C80];
	_ =	sdelay $0x4  }
0x3a6: {  	[tilespmem:s14+$0x14400] =	vst.add.f32.msk $0xffff, v0  }
0x3a7: {  	v0 =	vld [tilespmem:s15+$0xA080];
	_ =	sdelay $0x3  }
0x3a8: {  	s16 =	sor.u32 $0x16080, s14  }
0x3a9: {  	[tilespmem:s16+$0x0] =	vst.add.f32.msk $0xffff, v0  }
0x3aa: {  	v0 =	vld [tilespmem:s15+$0xA480];
	_ =	sdelay $0x3  }
0x3ab: {  	s16 =	sor.u32 $0x16100, s14  }
0x3ac: {  	[tilespmem:s16+$0x0] =	vst.add.f32.msk $0xffff, v0  }
0x3ad: {  	v0 =	vld [tilespmem:s15+$0xA880];
	_ =	sdelay $0x3  }
0x3ae: {  	s16 =	sor.u32 $0x16180, s14  }
0x3af: {  	[tilespmem:s16+$0x0] =	vst.add.f32.msk $0xffff, v0  }
0x3b0: {  	v0 =	vld [tilespmem:s15+$0xAC80];
	_ =	sdelay $0x3  }
0x3b1: {  	s16 =	sor.u32 $0x16200, s14  }
0x3b2: {  	[tilespmem:s16+$0x0] =	vst.add.f32.msk $0xffff, v0  }
0x3b3: {  	v0 =	vld [tilespmem:s15+$0xB080];
	_ =	sdelay $0x3  }
0x3b4: {  	s16 =	sor.u32 $0x16280, s14  }
0x3b5: {  	[tilespmem:s16+$0x0] =	vst.add.f32.msk $0xffff, v0  }
0x3b6: {  	v0 =	vld [tilespmem:s15+$0xB480];
	_ =	sdelay $0x3  }
0x3b7: {  	s16 =	sor.u32 $0x16300, s14  }
0x3b8: {  	[tilespmem:s16+$0x0] =	vst.add.f32.msk $0xffff, v0  }
0x3b9: {  	v0 =	vld [tilespmem:s15+$0xB880];
	_ =	sdelay $0x3  }
0x3ba: {  	s16 =	sor.u32 $0x16380, s14  }
0x3bb: {  	[tilespmem:s16+$0x0] =	vst.add.f32.msk $0xffff, v0  }
0x3bc: {  	v0 =	vld [tilespmem:s15+$0xBC80];
	_ =	sdelay $0x1  }
.Ltmp5:
0x3bd: {  	(pc) =	sbr.rel @p0 .LBB2_12-.Ltmp5, $3  }
0x3be: {  	_ =	sdelay $0x1  }
0x3bf: {  	s11 =	sadd.s32 $0x10, s11;
	[tilespmem:s14+$0x16400] =	vst.add.f32.msk $0xffff, v0  }
0x3c0: {  	s13 =	sadd.s32 $0x10, s13;
	v0 =	vld [tilespmem:s11+$0x0]  }
0x3c1: {  	s11 =	sadd.s32 $0x80, s12  }
0x3c2: {  	s19 =	sand.u32 $0x70, s9;
	s11 =	sand.u32 $0x1C00, s11  }
0x3c3: {  	s11 =	sor.u32 s19, s11  }
0x3c4: {  	s12 =	sor.u32 $0x14080, s11  }
0x3c5: {  	s9 =	sand.u32 $0x3F0, s9;
	[tilespmem:s12+$0x0] =	vst.add.f32.msk $0xffff, v0  }
0x3c6: {  	v0 =	vld [tilespmem:s9+$0x8480];
	_ =	sdelay $0x3  }
0x3c7: {  	s13 =	sor.u32 $0x14100, s11  }
0x3c8: {  	[tilespmem:s13+$0x0] =	vst.add.f32.msk $0xffff, v0  }
0x3c9: {  	v0 =	vld [tilespmem:s9+$0x8880];
	_ =	sdelay $0x3  }
0x3ca: {  	s14 =	sor.u32 $0x14180, s11  }
0x3cb: {  	[tilespmem:s14+$0x0] =	vst.add.f32.msk $0xffff, v0  }
0x3cc: {  	v0 =	vld [tilespmem:s9+$0x8C80];
	_ =	sdelay $0x3  }
0x3cd: {  	s15 =	sor.u32 $0x14200, s11  }
0x3ce: {  	[tilespmem:s15+$0x0] =	vst.add.f32.msk $0xffff, v0  }
0x3cf: {  	v0 =	vld [tilespmem:s9+$0x9080];
	_ =	sdelay $0x3  }
0x3d0: {  	s16 =	sor.u32 $0x14280, s11  }
0x3d1: {  	[tilespmem:s16+$0x0] =	vst.add.f32.msk $0xffff, v0  }
0x3d2: {  	v0 =	vld [tilespmem:s9+$0x9480];
	_ =	sdelay $0x3  }
0x3d3: {  	s17 =	sor.u32 $0x14300, s11  }
0x3d4: {  	[tilespmem:s17+$0x0] =	vst.add.f32.msk $0xffff, v0  }
0x3d5: {  	v0 =	vld [tilespmem:s9+$0x9880];
	_ =	sdelay $0x3  }
0x3d6: {  	s18 =	sor.u32 $0x14380, s11  }
0x3d7: {  	[tilespmem:s18+$0x0] =	vst.add.f32.msk $0xffff, v0  }
0x3d8: {  	v0 =	vld [tilespmem:s9+$0x9C80];
	_ =	sdelay $0x4  }
0x3d9: {  	[tilespmem:s11+$0x14400] =	vst.add.f32.msk $0xffff, v0  }
0x3da: {  	v0 =	vld [tilespmem:s9+$0xA080];
	_ =	sdelay $0x3  }
0x3db: {  	s19 =	sor.u32 $0x16080, s11  }
0x3dc: {  	[tilespmem:s19+$0x0] =	vst.add.f32.msk $0xffff, v0  }
0x3dd: {  	v0 =	vld [tilespmem:s9+$0xA480];
	_ =	sdelay $0x3  }
0x3de: {  	s13 =	sor.u32 $0x16100, s11  }
0x3df: {  	[tilespmem:s13+$0x0] =	vst.add.f32.msk $0xffff, v0  }
0x3e0: {  	v0 =	vld [tilespmem:s9+$0xA880];
	_ =	sdelay $0x3  }
0x3e1: {  	s14 =	sor.u32 $0x16180, s11  }
0x3e2: {  	[tilespmem:s14+$0x0] =	vst.add.f32.msk $0xffff, v0  }
0x3e3: {  	v0 =	vld [tilespmem:s9+$0xAC80];
	_ =	sdelay $0x3  }
0x3e4: {  	s15 =	sor.u32 $0x16200, s11  }
0x3e5: {  	[tilespmem:s15+$0x0] =	vst.add.f32.msk $0xffff, v0  }
0x3e6: {  	v0 =	vld [tilespmem:s9+$0xB080];
	_ =	sdelay $0x3  }
0x3e7: {  	s16 =	sor.u32 $0x16280, s11  }
0x3e8: {  	[tilespmem:s16+$0x0] =	vst.add.f32.msk $0xffff, v0  }
0x3e9: {  	v0 =	vld [tilespmem:s9+$0xB480];
	_ =	sdelay $0x3  }
0x3ea: {  	s17 =	sor.u32 $0x16300, s11  }
0x3eb: {  	[tilespmem:s17+$0x0] =	vst.add.f32.msk $0xffff, v0  }
0x3ec: {  	v0 =	vld [tilespmem:s9+$0xB880];
	_ =	sdelay $0x3  }
0x3ed: {  	s18 =	sor.u32 $0x16380, s11  }
0x3ee: {  	[tilespmem:s18+$0x0] =	vst.add.f32.msk $0xffff, v0  }
0x3ef: {  	v0 =	vld [tilespmem:s9+$0xBC80];
	_ =	sdelay $0x4  }
0x3f0: {  	s9 =	simm.s32 $0x0;
	[tilespmem:s11+$0x16400] =	vst.add.f32.msk $0xffff, v0  }
0x3f1: {  	[hbm4b:s24+s9] =	stream.linear.scatter [tilespmem:s2], [sflag:$0x2], $0x4000, $0x38;
	[tilespmem:$0x18080] =	vst v63  }
0x3f2: {  	_ =	swait.ge [sflag:s5], $0x4000  }
0x3f3: {  	[sflag:s5] =	ssyncset.done $0x0  }
0x3f4: {  	[sflag:s5] =	ssyncadd.s32 $0xFFFFC000  }
0x3f5: {  	_ =	swait.ge [sflag:s5], $0x4000  }
0x3f6: {  	[sflag:s5] =	ssyncset.done $0x0  }
0x3f7: {  	s19 =	simm.s32 $0x80;
	[sflag:s5] =	ssyncadd.s32 $0xFFFFC000  }
0x3f8: {  	v0 =	vld [tilespmem:s19+$0x0];
	_ =	sdelay $0x1  }
0x3f9: {  	s12 =	sand.u32 $0x70, s9;
	s13 =	sand.u32 $0x1C00, s9  }
0x3fa: {  	s11 =	sor.u32 s12, s13  }
0x3fb: {  	s12 =	sor.u32 $0xC080, s11  }
0x3fc: {  	[tilespmem:s12+$0x0] =	vst.add.f32.msk $0xffff, v0;
	s12 =	sand.u32 $0x3F0, s9  }
0x3fd: {  	v0 =	vld [tilespmem:s12+$0x480];
	_ =	sdelay $0x3  }
0x3fe: {  	s13 =	sor.u32 $0xC100, s11  }
0x3ff: {  	[tilespmem:s13+$0x0] =	vst.add.f32.msk $0xffff, v0  }
0x400: {  	v0 =	vld [tilespmem:s12+$0x880];
	_ =	sdelay $0x3  }
0x401: {  	s14 =	sor.u32 $0xC180, s11  }
0x402: {  	[tilespmem:s14+$0x0] =	vst.add.f32.msk $0xffff, v0  }
0x403: {  	v0 =	vld [tilespmem:s12+$0xC80];
	_ =	sdelay $0x3  }
0x404: {  	s15 =	sor.u32 $0xC200, s11  }
0x405: {  	[tilespmem:s15+$0x0] =	vst.add.f32.msk $0xffff, v0  }
0x406: {  	v0 =	vld [tilespmem:s12+$0x1080];
	_ =	sdelay $0x3  }
0x407: {  	s16 =	sor.u32 $0xC280, s11  }
0x408: {  	[tilespmem:s16+$0x0] =	vst.add.f32.msk $0xffff, v0  }
0x409: {  	v0 =	vld [tilespmem:s12+$0x1480];
	_ =	sdelay $0x3  }
0x40a: {  	s17 =	sor.u32 $0xC300, s11  }
0x40b: {  	[tilespmem:s17+$0x0] =	vst.add.f32.msk $0xffff, v0  }
0x40c: {  	v0 =	vld [tilespmem:s12+$0x1880];
	_ =	sdelay $0x3  }
0x40d: {  	s18 =	sor.u32 $0xC380, s11  }
0x40e: {  	[tilespmem:s18+$0x0] =	vst.add.f32.msk $0xffff, v0  }
0x40f: {  	v0 =	vld [tilespmem:s12+$0x1C80];
	_ =	sdelay $0x4  }
0x410: {  	[tilespmem:s11+$0xC400] =	vst.add.f32.msk $0xffff, v0  }
0x411: {  	v0 =	vld [tilespmem:s12+$0x2080];
	_ =	sdelay $0x3  }
0x412: {  	s19 =	sor.u32 $0xE080, s11  }
0x413: {  	[tilespmem:s19+$0x0] =	vst.add.f32.msk $0xffff, v0  }
0x414: {  	v0 =	vld [tilespmem:s12+$0x2480];
	_ =	sdelay $0x3  }
0x415: {  	s14 =	sor.u32 $0xE100, s11  }
0x416: {  	[tilespmem:s14+$0x0] =	vst.add.f32.msk $0xffff, v0  }
0x417: {  	v0 =	vld [tilespmem:s12+$0x2880];
	_ =	sdelay $0x3  }
0x418: {  	s15 =	sor.u32 $0xE180, s11  }
0x419: {  	[tilespmem:s15+$0x0] =	vst.add.f32.msk $0xffff, v0  }
0x41a: {  	v0 =	vld [tilespmem:s12+$0x2C80];
	_ =	sdelay $0x3  }
0x41b: {  	s16 =	sor.u32 $0xE200, s11  }
0x41c: {  	[tilespmem:s16+$0x0] =	vst.add.f32.msk $0xffff, v0  }
0x41d: {  	v0 =	vld [tilespmem:s12+$0x3080];
	_ =	sdelay $0x3  }
0x41e: {  	s17 =	sor.u32 $0xE280, s11  }
0x41f: {  	[tilespmem:s17+$0x0] =	vst.add.f32.msk $0xffff, v0  }
0x420: {  	v0 =	vld [tilespmem:s12+$0x3480];
	_ =	sdelay $0x3  }
0x421: {  	s18 =	sor.u32 $0xE300, s11  }
0x422: {  	[tilespmem:s18+$0x0] =	vst.add.f32.msk $0xffff, v0  }
0x423: {  	v0 =	vld [tilespmem:s12+$0x3880];
	_ =	sdelay $0x3  }
0x424: {  	s19 =	sor.u32 $0xE380, s11  }
0x425: {  	[tilespmem:s19+$0x0] =	vst.add.f32.msk $0xffff, v0  }
0x426: {  	v0 =	vld [tilespmem:s12+$0x3C80];
	_ =	sdelay $0x4  }
0x427: {  	s12 =	simm.s32 $0x90;
	[tilespmem:s11+$0xE400] =	vst.add.f32.msk $0xffff, v0  }
0x428: {  	s13 =	simm.s32 $0x20;
	s11 =	simm.s32 $0x10;
	v0 =	vld [tilespmem:s12+$0x0]  }
.LBB2_14:
0x429: {  	p0 =	sne.s32 s13, $0x3F0;
	s9 =	sadd.s32 $0x80, s9  }
0x42a: {  	s14 =	sand.u32 $0x70, s11;
	s15 =	sand.u32 $0x1C00, s9  }
0x42b: {  	s14 =	sor.u32 s14, s15  }
0x42c: {  	s15 =	sor.u32 $0xC080, s14  }
0x42d: {  	[tilespmem:s15+$0x0] =	vst.add.f32.msk $0xffff, v0;
	s15 =	sand.u32 $0x3F0, s11;
	s11 =	smov.u32 s13  }
0x42e: {  	v0 =	vld [tilespmem:s15+$0x480];
	_ =	sdelay $0x3  }
0x42f: {  	s16 =	sor.u32 $0xC100, s14  }
0x430: {  	[tilespmem:s16+$0x0] =	vst.add.f32.msk $0xffff, v0  }
0x431: {  	v0 =	vld [tilespmem:s15+$0x880];
	_ =	sdelay $0x3  }
0x432: {  	s16 =	sor.u32 $0xC180, s14  }
0x433: {  	[tilespmem:s16+$0x0] =	vst.add.f32.msk $0xffff, v0  }
0x434: {  	v0 =	vld [tilespmem:s15+$0xC80];
	_ =	sdelay $0x3  }
0x435: {  	s16 =	sor.u32 $0xC200, s14  }
0x436: {  	[tilespmem:s16+$0x0] =	vst.add.f32.msk $0xffff, v0  }
0x437: {  	v0 =	vld [tilespmem:s15+$0x1080];
	_ =	sdelay $0x3  }
0x438: {  	s16 =	sor.u32 $0xC280, s14  }
0x439: {  	[tilespmem:s16+$0x0] =	vst.add.f32.msk $0xffff, v0  }
0x43a: {  	v0 =	vld [tilespmem:s15+$0x1480];
	_ =	sdelay $0x3  }
0x43b: {  	s16 =	sor.u32 $0xC300, s14  }
0x43c: {  	[tilespmem:s16+$0x0] =	vst.add.f32.msk $0xffff, v0  }
0x43d: {  	v0 =	vld [tilespmem:s15+$0x1880];
	_ =	sdelay $0x3  }
0x43e: {  	s16 =	sor.u32 $0xC380, s14  }
0x43f: {  	[tilespmem:s16+$0x0] =	vst.add.f32.msk $0xffff, v0  }
0x440: {  	v0 =	vld [tilespmem:s15+$0x1C80];
	_ =	sdelay $0x4  }
0x441: {  	[tilespmem:s14+$0xC400] =	vst.add.f32.msk $0xffff, v0  }
0x442: {  	v0 =	vld [tilespmem:s15+$0x2080];
	_ =	sdelay $0x3  }
0x443: {  	s16 =	sor.u32 $0xE080, s14  }
0x444: {  	[tilespmem:s16+$0x0] =	vst.add.f32.msk $0xffff, v0  }
0x445: {  	v0 =	vld [tilespmem:s15+$0x2480];
	_ =	sdelay $0x3  }
0x446: {  	s16 =	sor.u32 $0xE100, s14  }
0x447: {  	[tilespmem:s16+$0x0] =	vst.add.f32.msk $0xffff, v0  }
0x448: {  	v0 =	vld [tilespmem:s15+$0x2880];
	_ =	sdelay $0x3  }
0x449: {  	s16 =	sor.u32 $0xE180, s14  }
0x44a: {  	[tilespmem:s16+$0x0] =	vst.add.f32.msk $0xffff, v0  }
0x44b: {  	v0 =	vld [tilespmem:s15+$0x2C80];
	_ =	sdelay $0x3  }
0x44c: {  	s16 =	sor.u32 $0xE200, s14  }
0x44d: {  	[tilespmem:s16+$0x0] =	vst.add.f32.msk $0xffff, v0  }
0x44e: {  	v0 =	vld [tilespmem:s15+$0x3080];
	_ =	sdelay $0x3  }
0x44f: {  	s16 =	sor.u32 $0xE280, s14  }
0x450: {  	[tilespmem:s16+$0x0] =	vst.add.f32.msk $0xffff, v0  }
0x451: {  	v0 =	vld [tilespmem:s15+$0x3480];
	_ =	sdelay $0x3  }
0x452: {  	s16 =	sor.u32 $0xE300, s14  }
0x453: {  	[tilespmem:s16+$0x0] =	vst.add.f32.msk $0xffff, v0  }
0x454: {  	v0 =	vld [tilespmem:s15+$0x3880];
	_ =	sdelay $0x3  }
0x455: {  	s16 =	sor.u32 $0xE380, s14  }
0x456: {  	[tilespmem:s16+$0x0] =	vst.add.f32.msk $0xffff, v0  }
0x457: {  	v0 =	vld [tilespmem:s15+$0x3C80];
	_ =	sdelay $0x1  }
.Ltmp6:
0x458: {  	(pc) =	sbr.rel @p0 .LBB2_14-.Ltmp6, $3  }
0x459: {  	_ =	sdelay $0x1  }
0x45a: {  	s12 =	sadd.s32 $0x10, s12;
	[tilespmem:s14+$0xE400] =	vst.add.f32.msk $0xffff, v0  }
0x45b: {  	s13 =	sadd.s32 $0x10, s13;
	v0 =	vld [tilespmem:s12+$0x0]  }
0x45c: {  	s9 =	sadd.s32 $0x80, s9  }
0x45d: {  	s12 =	sand.u32 $0x70, s11;
	s9 =	sand.u32 $0x1C00, s9  }
0x45e: {  	s9 =	sor.u32 s12, s9  }
0x45f: {  	s12 =	sor.u32 $0xC080, s9  }
0x460: {  	s11 =	sand.u32 $0x3F0, s11;
	[tilespmem:s12+$0x0] =	vst.add.f32.msk $0xffff, v0  }
0x461: {  	v0 =	vld [tilespmem:s11+$0x480];
	_ =	sdelay $0x3  }
0x462: {  	s13 =	sor.u32 $0xC100, s9  }
0x463: {  	[tilespmem:s13+$0x0] =	vst.add.f32.msk $0xffff, v0  }
0x464: {  	v0 =	vld [tilespmem:s11+$0x880];
	_ =	sdelay $0x3  }
0x465: {  	s14 =	sor.u32 $0xC180, s9  }
0x466: {  	[tilespmem:s14+$0x0] =	vst.add.f32.msk $0xffff, v0  }
0x467: {  	v0 =	vld [tilespmem:s11+$0xC80];
	_ =	sdelay $0x3  }
0x468: {  	s15 =	sor.u32 $0xC200, s9  }
0x469: {  	[tilespmem:s15+$0x0] =	vst.add.f32.msk $0xffff, v0  }
0x46a: {  	v0 =	vld [tilespmem:s11+$0x1080];
	_ =	sdelay $0x3  }
0x46b: {  	s16 =	sor.u32 $0xC280, s9  }
0x46c: {  	[tilespmem:s16+$0x0] =	vst.add.f32.msk $0xffff, v0  }
0x46d: {  	v0 =	vld [tilespmem:s11+$0x1480];
	_ =	sdelay $0x3  }
0x46e: {  	s17 =	sor.u32 $0xC300, s9  }
0x46f: {  	[tilespmem:s17+$0x0] =	vst.add.f32.msk $0xffff, v0  }
0x470: {  	v0 =	vld [tilespmem:s11+$0x1880];
	_ =	sdelay $0x3  }
0x471: {  	s18 =	sor.u32 $0xC380, s9  }
0x472: {  	[tilespmem:s18+$0x0] =	vst.add.f32.msk $0xffff, v0  }
0x473: {  	v0 =	vld [tilespmem:s11+$0x1C80];
	_ =	sdelay $0x4  }
0x474: {  	[tilespmem:s9+$0xC400] =	vst.add.f32.msk $0xffff, v0  }
0x475: {  	v0 =	vld [tilespmem:s11+$0x2080];
	_ =	sdelay $0x3  }
0x476: {  	s19 =	sor.u32 $0xE080, s9  }
0x477: {  	[tilespmem:s19+$0x0] =	vst.add.f32.msk $0xffff, v0  }
0x478: {  	v0 =	vld [tilespmem:s11+$0x2480];
	_ =	sdelay $0x3  }
0x479: {  	s13 =	sor.u32 $0xE100, s9  }
0x47a: {  	[tilespmem:s13+$0x0] =	vst.add.f32.msk $0xffff, v0  }
0x47b: {  	v0 =	vld [tilespmem:s11+$0x2880];
	_ =	sdelay $0x3  }
0x47c: {  	s14 =	sor.u32 $0xE180, s9  }
0x47d: {  	[tilespmem:s14+$0x0] =	vst.add.f32.msk $0xffff, v0  }
0x47e: {  	v0 =	vld [tilespmem:s11+$0x2C80];
	_ =	sdelay $0x3  }
0x47f: {  	s15 =	sor.u32 $0xE200, s9  }
0x480: {  	[tilespmem:s15+$0x0] =	vst.add.f32.msk $0xffff, v0  }
0x481: {  	v0 =	vld [tilespmem:s11+$0x3080];
	_ =	sdelay $0x3  }
0x482: {  	s16 =	sor.u32 $0xE280, s9  }
0x483: {  	[tilespmem:s16+$0x0] =	vst.add.f32.msk $0xffff, v0  }
0x484: {  	v0 =	vld [tilespmem:s11+$0x3480];
	_ =	sdelay $0x3  }
0x485: {  	s17 =	sor.u32 $0xE300, s9  }
0x486: {  	[tilespmem:s17+$0x0] =	vst.add.f32.msk $0xffff, v0  }
0x487: {  	v0 =	vld [tilespmem:s11+$0x3880];
	_ =	sdelay $0x3  }
0x488: {  	s18 =	sor.u32 $0xE380, s9  }
0x489: {  	[tilespmem:s18+$0x0] =	vst.add.f32.msk $0xffff, v0  }
0x48a: {  	v0 =	vld [tilespmem:s11+$0x3C80];
	_ =	sdelay $0x4  }
0x48b: {  	[tilespmem:s9+$0xE400] =	vst.add.f32.msk $0xffff, v0;
	s9 =	simm.s32 $0x0  }
0x48c: {  	[hbm4b:s26+s9] =	stream.linear.scatter [tilespmem:s31], [sflag:$0x2], $0x4000, $0x38;
	[tilespmem:$0x18080] =	vst v63  }
0x48d: {  	_ =	swait.ge [sflag:s5], $0x4000  }
0x48e: {  	[sflag:s5] =	ssyncset.done $0x0  }
0x48f: {  	[sflag:s5] =	ssyncadd.s32 $0xFFFFC000  }
0x490: {  	_ =	swait.ge [sflag:s5], $0x4000  }
0x491: {  	[sflag:s5] =	ssyncset.done $0x0  }
0x492: {  	s19 =	simm.s32 $0x4080;
	[sflag:s5] =	ssyncadd.s32 $0xFFFFC000  }
0x493: {  	v0 =	vld [tilespmem:s19+$0x0];
	_ =	sdelay $0x1  }
0x494: {  	s12 =	sand.u32 $0x70, s9;
	s13 =	sand.u32 $0x1C00, s9  }
0x495: {  	s11 =	sor.u32 s12, s13  }
0x496: {  	s12 =	sor.u32 $0x10080, s11  }
0x497: {  	[tilespmem:s12+$0x0] =	vst.add.f32.msk $0xffff, v0;
	s12 =	sand.u32 $0x3F0, s9  }
0x498: {  	v0 =	vld [tilespmem:s12+$0x4480];
	_ =	sdelay $0x3  }
0x499: {  	s13 =	sor.u32 $0x10100, s11  }
0x49a: {  	[tilespmem:s13+$0x0] =	vst.add.f32.msk $0xffff, v0  }
0x49b: {  	v0 =	vld [tilespmem:s12+$0x4880];
	_ =	sdelay $0x3  }
0x49c: {  	s14 =	sor.u32 $0x10180, s11  }
0x49d: {  	[tilespmem:s14+$0x0] =	vst.add.f32.msk $0xffff, v0  }
0x49e: {  	v0 =	vld [tilespmem:s12+$0x4C80];
	_ =	sdelay $0x3  }
0x49f: {  	s15 =	sor.u32 $0x10200, s11  }
0x4a0: {  	[tilespmem:s15+$0x0] =	vst.add.f32.msk $0xffff, v0  }
0x4a1: {  	v0 =	vld [tilespmem:s12+$0x5080];
	_ =	sdelay $0x3  }
0x4a2: {  	s16 =	sor.u32 $0x10280, s11  }
0x4a3: {  	[tilespmem:s16+$0x0] =	vst.add.f32.msk $0xffff, v0  }
0x4a4: {  	v0 =	vld [tilespmem:s12+$0x5480];
	_ =	sdelay $0x3  }
0x4a5: {  	s17 =	sor.u32 $0x10300, s11  }
0x4a6: {  	[tilespmem:s17+$0x0] =	vst.add.f32.msk $0xffff, v0  }
0x4a7: {  	v0 =	vld [tilespmem:s12+$0x5880];
	_ =	sdelay $0x3  }
0x4a8: {  	s18 =	sor.u32 $0x10380, s11  }
0x4a9: {  	[tilespmem:s18+$0x0] =	vst.add.f32.msk $0xffff, v0  }
0x4aa: {  	v0 =	vld [tilespmem:s12+$0x5C80];
	_ =	sdelay $0x4  }
0x4ab: {  	[tilespmem:s11+$0x10400] =	vst.add.f32.msk $0xffff, v0  }
0x4ac: {  	v0 =	vld [tilespmem:s12+$0x6080];
	_ =	sdelay $0x3  }
0x4ad: {  	s19 =	sor.u32 $0x12080, s11  }
0x4ae: {  	[tilespmem:s19+$0x0] =	vst.add.f32.msk $0xffff, v0  }
0x4af: {  	v0 =	vld [tilespmem:s12+$0x6480];
	_ =	sdelay $0x3  }
0x4b0: {  	s14 =	sor.u32 $0x12100, s11  }
0x4b1: {  	[tilespmem:s14+$0x0] =	vst.add.f32.msk $0xffff, v0  }
0x4b2: {  	v0 =	vld [tilespmem:s12+$0x6880];
	_ =	sdelay $0x3  }
0x4b3: {  	s15 =	sor.u32 $0x12180, s11  }
0x4b4: {  	[tilespmem:s15+$0x0] =	vst.add.f32.msk $0xffff, v0  }
0x4b5: {  	v0 =	vld [tilespmem:s12+$0x6C80];
	_ =	sdelay $0x3  }
0x4b6: {  	s16 =	sor.u32 $0x12200, s11  }
0x4b7: {  	[tilespmem:s16+$0x0] =	vst.add.f32.msk $0xffff, v0  }
0x4b8: {  	v0 =	vld [tilespmem:s12+$0x7080];
	_ =	sdelay $0x3  }
0x4b9: {  	s17 =	sor.u32 $0x12280, s11  }
0x4ba: {  	[tilespmem:s17+$0x0] =	vst.add.f32.msk $0xffff, v0  }
0x4bb: {  	v0 =	vld [tilespmem:s12+$0x7480];
	_ =	sdelay $0x3  }
0x4bc: {  	s18 =	sor.u32 $0x12300, s11  }
0x4bd: {  	[tilespmem:s18+$0x0] =	vst.add.f32.msk $0xffff, v0  }
0x4be: {  	v0 =	vld [tilespmem:s12+$0x7880];
	_ =	sdelay $0x3  }
0x4bf: {  	s19 =	sor.u32 $0x12380, s11  }
0x4c0: {  	[tilespmem:s19+$0x0] =	vst.add.f32.msk $0xffff, v0  }
0x4c1: {  	v0 =	vld [tilespmem:s12+$0x7C80];
	_ =	sdelay $0x4  }
0x4c2: {  	s12 =	simm.s32 $0x4090;
	[tilespmem:s11+$0x12400] =	vst.add.f32.msk $0xffff, v0  }
0x4c3: {  	s13 =	simm.s32 $0x20;
	s11 =	simm.s32 $0x10;
	v0 =	vld [tilespmem:s12+$0x0]  }
.LBB2_16:
0x4c4: {  	p0 =	sne.s32 s13, $0x3F0;
	s9 =	sadd.s32 $0x80, s9  }
0x4c5: {  	s14 =	sand.u32 $0x70, s11;
	s15 =	sand.u32 $0x1C00, s9  }
0x4c6: {  	s14 =	sor.u32 s14, s15  }
0x4c7: {  	s15 =	sor.u32 $0x10080, s14  }
0x4c8: {  	[tilespmem:s15+$0x0] =	vst.add.f32.msk $0xffff, v0;
	s15 =	sand.u32 $0x3F0, s11;
	s11 =	smov.u32 s13  }
0x4c9: {  	v0 =	vld [tilespmem:s15+$0x4480];
	_ =	sdelay $0x3  }
0x4ca: {  	s16 =	sor.u32 $0x10100, s14  }
0x4cb: {  	[tilespmem:s16+$0x0] =	vst.add.f32.msk $0xffff, v0  }
0x4cc: {  	v0 =	vld [tilespmem:s15+$0x4880];
	_ =	sdelay $0x3  }
0x4cd: {  	s16 =	sor.u32 $0x10180, s14  }
0x4ce: {  	[tilespmem:s16+$0x0] =	vst.add.f32.msk $0xffff, v0  }
0x4cf: {  	v0 =	vld [tilespmem:s15+$0x4C80];
	_ =	sdelay $0x3  }
0x4d0: {  	s16 =	sor.u32 $0x10200, s14  }
0x4d1: {  	[tilespmem:s16+$0x0] =	vst.add.f32.msk $0xffff, v0  }
0x4d2: {  	v0 =	vld [tilespmem:s15+$0x5080];
	_ =	sdelay $0x3  }
0x4d3: {  	s16 =	sor.u32 $0x10280, s14  }
0x4d4: {  	[tilespmem:s16+$0x0] =	vst.add.f32.msk $0xffff, v0  }
0x4d5: {  	v0 =	vld [tilespmem:s15+$0x5480];
	_ =	sdelay $0x3  }
0x4d6: {  	s16 =	sor.u32 $0x10300, s14  }
0x4d7: {  	[tilespmem:s16+$0x0] =	vst.add.f32.msk $0xffff, v0  }
0x4d8: {  	v0 =	vld [tilespmem:s15+$0x5880];
	_ =	sdelay $0x3  }
0x4d9: {  	s16 =	sor.u32 $0x10380, s14  }
0x4da: {  	[tilespmem:s16+$0x0] =	vst.add.f32.msk $0xffff, v0  }
0x4db: {  	v0 =	vld [tilespmem:s15+$0x5C80];
	_ =	sdelay $0x4  }
0x4dc: {  	[tilespmem:s14+$0x10400] =	vst.add.f32.msk $0xffff, v0  }
0x4dd: {  	v0 =	vld [tilespmem:s15+$0x6080];
	_ =	sdelay $0x3  }
0x4de: {  	s16 =	sor.u32 $0x12080, s14  }
0x4df: {  	[tilespmem:s16+$0x0] =	vst.add.f32.msk $0xffff, v0  }
0x4e0: {  	v0 =	vld [tilespmem:s15+$0x6480];
	_ =	sdelay $0x3  }
0x4e1: {  	s16 =	sor.u32 $0x12100, s14  }
0x4e2: {  	[tilespmem:s16+$0x0] =	vst.add.f32.msk $0xffff, v0  }
0x4e3: {  	v0 =	vld [tilespmem:s15+$0x6880];
	_ =	sdelay $0x3  }
0x4e4: {  	s16 =	sor.u32 $0x12180, s14  }
0x4e5: {  	[tilespmem:s16+$0x0] =	vst.add.f32.msk $0xffff, v0  }
0x4e6: {  	v0 =	vld [tilespmem:s15+$0x6C80];
	_ =	sdelay $0x3  }
0x4e7: {  	s16 =	sor.u32 $0x12200, s14  }
0x4e8: {  	[tilespmem:s16+$0x0] =	vst.add.f32.msk $0xffff, v0  }
0x4e9: {  	v0 =	vld [tilespmem:s15+$0x7080];
	_ =	sdelay $0x3  }
0x4ea: {  	s16 =	sor.u32 $0x12280, s14  }
0x4eb: {  	[tilespmem:s16+$0x0] =	vst.add.f32.msk $0xffff, v0  }
0x4ec: {  	v0 =	vld [tilespmem:s15+$0x7480];
	_ =	sdelay $0x3  }
0x4ed: {  	s16 =	sor.u32 $0x12300, s14  }
0x4ee: {  	[tilespmem:s16+$0x0] =	vst.add.f32.msk $0xffff, v0  }
0x4ef: {  	v0 =	vld [tilespmem:s15+$0x7880];
	_ =	sdelay $0x3  }
0x4f0: {  	s16 =	sor.u32 $0x12380, s14  }
0x4f1: {  	[tilespmem:s16+$0x0] =	vst.add.f32.msk $0xffff, v0  }
0x4f2: {  	v0 =	vld [tilespmem:s15+$0x7C80];
	_ =	sdelay $0x1  }
.Ltmp7:
0x4f3: {  	(pc) =	sbr.rel @p0 .LBB2_16-.Ltmp7, $3  }
0x4f4: {  	_ =	sdelay $0x1  }
0x4f5: {  	s12 =	sadd.s32 $0x10, s12;
	[tilespmem:s14+$0x12400] =	vst.add.f32.msk $0xffff, v0  }
0x4f6: {  	s13 =	sadd.s32 $0x10, s13;
	v0 =	vld [tilespmem:s12+$0x0]  }
0x4f7: {  	s9 =	sadd.s32 $0x80, s9  }
0x4f8: {  	s12 =	sand.u32 $0x70, s11;
	s9 =	sand.u32 $0x1C00, s9  }
0x4f9: {  	s9 =	sor.u32 s12, s9  }
0x4fa: {  	s12 =	sor.u32 $0x10080, s9  }
0x4fb: {  	s11 =	sand.u32 $0x3F0, s11;
	[tilespmem:s12+$0x0] =	vst.add.f32.msk $0xffff, v0  }
0x4fc: {  	v0 =	vld [tilespmem:s11+$0x4480];
	_ =	sdelay $0x3  }
0x4fd: {  	s14 =	sor.u32 $0x10100, s9  }
0x4fe: {  	[tilespmem:s14+$0x0] =	vst.add.f32.msk $0xffff, v0  }
0x4ff: {  	v0 =	vld [tilespmem:s11+$0x4880];
	_ =	sdelay $0x3  }
0x500: {  	s15 =	sor.u32 $0x10180, s9  }
0x501: {  	[tilespmem:s15+$0x0] =	vst.add.f32.msk $0xffff, v0  }
0x502: {  	v0 =	vld [tilespmem:s11+$0x4C80];
	_ =	sdelay $0x3  }
0x503: {  	s16 =	sor.u32 $0x10200, s9  }
0x504: {  	[tilespmem:s16+$0x0] =	vst.add.f32.msk $0xffff, v0  }
0x505: {  	v0 =	vld [tilespmem:s11+$0x5080];
	_ =	sdelay $0x3  }
0x506: {  	s17 =	sor.u32 $0x10280, s9  }
0x507: {  	[tilespmem:s17+$0x0] =	vst.add.f32.msk $0xffff, v0  }
0x508: {  	v0 =	vld [tilespmem:s11+$0x5480];
	_ =	sdelay $0x3  }
0x509: {  	s18 =	sor.u32 $0x10300, s9  }
0x50a: {  	[tilespmem:s18+$0x0] =	vst.add.f32.msk $0xffff, v0  }
0x50b: {  	v0 =	vld [tilespmem:s11+$0x5880];
	_ =	sdelay $0x3  }
0x50c: {  	s19 =	sor.u32 $0x10380, s9  }
0x50d: {  	[tilespmem:s19+$0x0] =	vst.add.f32.msk $0xffff, v0  }
0x50e: {  	v0 =	vld [tilespmem:s11+$0x5C80];
	_ =	sdelay $0x4  }
0x50f: {  	[tilespmem:s9+$0x10400] =	vst.add.f32.msk $0xffff, v0  }
0x510: {  	v0 =	vld [tilespmem:s11+$0x6080];
	_ =	sdelay $0x3  }
0x511: {  	s13 =	sor.u32 $0x12080, s9  }
0x512: {  	[tilespmem:s13+$0x0] =	vst.add.f32.msk $0xffff, v0  }
0x513: {  	v0 =	vld [tilespmem:s11+$0x6480];
	_ =	sdelay $0x3  }
0x514: {  	s14 =	sor.u32 $0x12100, s9  }
0x515: {  	[tilespmem:s14+$0x0] =	vst.add.f32.msk $0xffff, v0  }
0x516: {  	v0 =	vld [tilespmem:s11+$0x6880];
	_ =	sdelay $0x3  }
0x517: {  	s15 =	sor.u32 $0x12180, s9  }
0x518: {  	[tilespmem:s15+$0x0] =	vst.add.f32.msk $0xffff, v0  }
0x519: {  	v0 =	vld [tilespmem:s11+$0x6C80];
	_ =	sdelay $0x3  }
0x51a: {  	s16 =	sor.u32 $0x12200, s9  }
0x51b: {  	[tilespmem:s16+$0x0] =	vst.add.f32.msk $0xffff, v0  }
0x51c: {  	v0 =	vld [tilespmem:s11+$0x7080];
	_ =	sdelay $0x3  }
0x51d: {  	s17 =	sor.u32 $0x12280, s9  }
0x51e: {  	[tilespmem:s17+$0x0] =	vst.add.f32.msk $0xffff, v0  }
0x51f: {  	v0 =	vld [tilespmem:s11+$0x7480];
	_ =	sdelay $0x3  }
0x520: {  	s18 =	sor.u32 $0x12300, s9  }
0x521: {  	[tilespmem:s18+$0x0] =	vst.add.f32.msk $0xffff, v0  }
0x522: {  	v0 =	vld [tilespmem:s11+$0x7880];
	_ =	sdelay $0x3  }
0x523: {  	s19 =	sor.u32 $0x12380, s9  }
0x524: {  	[tilespmem:s19+$0x0] =	vst.add.f32.msk $0xffff, v0  }
0x525: {  	v0 =	vld [tilespmem:s11+$0x7C80];
	_ =	sdelay $0x4  }
0x526: {  	[tilespmem:s9+$0x12400] =	vst.add.f32.msk $0xffff, v0  }
0x527: {  	[hbm4b:s28+s4] =	stream.linear.scatter [tilespmem:s3], [sflag:$0x2], $0x4000, $0x38;
	[tilespmem:$0x18080] =	vst v63  }
0x528: {  	_ =	swait.ge [sflag:s6], $0x4000  }
0x529: {  	[sflag:s6] =	ssyncset.done $0x0  }
0x52a: {  	s8 =	sadd.s32 $0x1, s8;
	[sflag:s6] =	ssyncadd.s32 $0xFFFFC000  }
0x52b: {  	p0 =	sne.s32 s8, s25;
	_ =	swait.ge [sflag:s6], $0x4000  }
.Ltmp8:
0x52c: {  	[sflag:s6] =	ssyncset.done $0x0;
	(pc) =	sbr.rel @p0 .LBB2_1-.Ltmp8, $4  }
0x52d: {  	[sflag:s6] =	ssyncadd.s32 $0xFFFFC000  }
0x52e: {  	_ =	swait.ge [sflag:s6], $0x4000  }
0x52f: {  	[sflag:s6] =	ssyncset.done $0x0  }
0x530: {  	[sflag:s6] =	ssyncadd.s32 $0xFFFFC000  }
0x531: {  	_ =	sfence.sel $0x180000  }
0x532: {  	[bflag:$0x0] =	sbarrier.arrive $0xFFFF  }
0x533: {  	_ =	strace $0x90000047  }
0x534: {  	s0 =	stileid.u32;
	[bflag:$0x2] =	sbarrier.arrive $0xFFFF  }
0x535: {  	p0 =	sne.s32 s0, $0x0;
	s0 =	rddreg [dreg:$0x4]  }
0x536: {  	s0 =	sadd.s32 @!p0 $0x100000, s0  }
0x537: {  	[sflag:s0] =	ssyncadd.tile.s32 @!p0 $0x1;
	_ =	shalt  }
.Lfunc_end2:
_tile_overlayer_lowered:
.L_overlay_start_2:
0x538: {  	(tag) =	ssettag $0x2  }
0x539: {  	s0 =	rddreg [dreg:$0x0];
	s2 =	stileid.u32  }
0x53a: {  	s1 =	rddreg [dreg:$0x1];
	p0 =	sne.s32 s2, $0x0  }
0x53b: {  	s3 =	rddreg [dreg:$0x2];
	[bflag:$0x3] =	sbarrier.arrive $0xFFFF;
	s2 =	simm.s32 @!p0 $0x1C03  }
0x53c: {  	[timem:s3], [sflag:s2] =	dma.local @!p0 [hbm:s0], s1  }
0x53d: {  	s0 =	simm.s32 @!p0 $0x3  }
0x53e: {  	_ =	swait.ge @!p0 [sflag:s0], s1  }
0x53f: {  	s1 =	ssub.s32 @!p0 $0x0, s1;
	[sflag:s0] =	ssyncset.done @!p0 $0x0  }
0x540: {  	[sflag:s0] =	ssyncadd.s32 @!p0 s1  }
0x541: {  	[bflag:$0x3] =	sbarrier.arrive $0xFFFF  }
0x542: {  	_ =	shalt  }

</sc_bundles>
